<compile_context>
chip_gen: v7x
topology: tpu7x:2x2x1
jax: 0.10.2.dev20260603
libtpu: 0.0.44.dev20260713+nightly
codegen_flags: <defaults>
</compile_context>

<pallas_src>
import functools

import jax
import jax.numpy as jnp
from jax import lax
from jax.experimental import pallas as pl
from jax.experimental.pallas import tpu as pltpu
from jax.experimental.pallas import tpu_sc as plsc

N = 10000
NP = 10240
E = 320000
D = 128
DO = 64
NC, NS = 2, 16
NW = NC * NS
EPW = E // NW
K = 40
NCH = EPW // K
NBUF = 5
IB = 50
NBLK = NCH // IB
IBK = IB * K
RPT = NP // NS
R = 5000


def _sc_segment_partials(h, srcm, dstm):
    mesh = plsc.VectorSubcoreMesh(core_axis_name="c", subcore_axis_name="s")

    @functools.partial(
        pl.kernel,
        out_type=jax.ShapeDtypeStruct((NC, NP, D), jnp.float32),
        mesh=mesh,
        scratch_types=[
            pltpu.VMEM((2 * IBK,), jnp.int32),
            pltpu.VMEM((2 * IBK,), jnp.int32),
            pltpu.VMEM((NBUF * K, D), jnp.float32),
            pltpu.VMEM_SHARED((NP, D), jnp.float32),
        ] + [pltpu.SemaphoreType.DMA] * (NBUF + 2),
    )
    def k(h_hbm, src_hbm, dst_hbm, out_hbm, src_v, dst_v,
          rows_v, acc, *sems):
        c = lax.axis_index("c")
        s = lax.axis_index("s")
        wid = c * NS + s

        def gather(par, chunk, b):
            return pltpu.async_copy(
                h_hbm.at[src_v.at[pl.ds(par * IBK + chunk * K, K)]],
                rows_v.at[pl.ds(b * K, K)], sems[b])

        def wait_gather(par, chunk, b):
            pltpu.make_async_copy(
                h_hbm.at[src_v.at[pl.ds(par * IBK + chunk * K, K)]],
                rows_v.at[pl.ds(b * K, K)], sems[b]).wait()

        ebase = wid * EPW
        pltpu.sync_copy(src_hbm.at[pl.ds(ebase, IBK)],
                        src_v.at[pl.ds(0, IBK)])
        pltpu.sync_copy(dst_hbm.at[pl.ds(ebase, IBK)],
                        dst_v.at[pl.ds(0, IBK)])
        for b in range(NBUF - 1):
            gather(0, b, b)

        zbase = (NBUF - 1) * K
        def zbody(r, carry):
            for kk in range(D // 16):
                rows_v[zbase + r, pl.ds(kk * 16, 16)] = jnp.zeros(
                    (16,), jnp.float32)
            return carry
        lax.fori_loop(0, K, zbody, 0)
        zsem = sems[NBUF - 1]
        for j in range(RPT // K):
            pltpu.async_copy(rows_v.at[pl.ds(zbase, K)],
                             acc.at[pl.ds(s * RPT + j * K, K)], zsem)
        for j in range(RPT // K):
            pltpu.make_async_copy(rows_v.at[pl.ds(zbase, K)],
                                  acc.at[pl.ds(s * RPT + j * K, K)],
                                  zsem).wait()
        gather(0, NBUF - 1, NBUF - 1)
        plsc.subcore_barrier()

        def blk_body(blk, carry):
            par = lax.rem(blk, 2)
            nxt = 1 - par

            @pl.when(blk + 1 < NBLK)
            def _stage_next():
                pltpu.async_copy(
                    src_hbm.at[pl.ds(ebase + (blk + 1) * IBK, IBK)],
                    src_v.at[pl.ds(nxt * IBK, IBK)], sems[NBUF])
                pltpu.async_copy(
                    dst_hbm.at[pl.ds(ebase + (blk + 1) * IBK, IBK)],
                    dst_v.at[pl.ds(nxt * IBK, IBK)], sems[NBUF + 1])

            def group(gi, carry2):
                for b in range(NBUF):
                    chunk = gi * NBUF + b
                    wait_gather(par, chunk, b)
                    pltpu.sync_copy(rows_v.at[pl.ds(b * K, K)],
                                    acc.at[dst_v.at[pl.ds(par * IBK + chunk * K, K)]],
                        add=True)
                    gather(par, chunk + NBUF, b)
                return carry2
            lax.fori_loop(0, IB // NBUF - 1, group, 0)

            for b in range(NBUF):
                chunk = IB - NBUF + b
                wait_gather(par, chunk, b)
                pltpu.sync_copy(rows_v.at[pl.ds(b * K, K)],
                                acc.at[dst_v.at[pl.ds(par * IBK + chunk * K, K)]],
                        add=True)

                if b == 0:
                    @pl.when(blk + 1 < NBLK)
                    def _wait_stage():
                        pltpu.make_async_copy(
                            src_hbm.at[pl.ds(ebase + (blk + 1) * IBK, IBK)],
                            src_v.at[pl.ds(nxt * IBK, IBK)],
                            sems[NBUF]).wait()
                        pltpu.make_async_copy(
                            dst_hbm.at[pl.ds(ebase + (blk + 1) * IBK, IBK)],
                            dst_v.at[pl.ds(nxt * IBK, IBK)],
                            sems[NBUF + 1]).wait()

                @pl.when(blk + 1 < NBLK)
                def _head_next():
                    gather(nxt, b, b)
            return carry
        lax.fori_loop(0, NBLK, blk_body, 0)
        plsc.subcore_barrier()

        WR = 80
        for j in range(RPT // WR):
            r0 = s * RPT + j * WR
            half = (j % 2) * WR
            if j >= 2:
                pltpu.make_async_copy(
                    rows_v.at[pl.ds(half, WR)],
                    out_hbm.at[c, pl.ds(s * RPT + (j - 2) * WR, WR)],
                    sems[j % 2]).wait()
            pltpu.sync_copy(acc.at[pl.ds(r0, WR)], rows_v.at[pl.ds(half, WR)])
            pltpu.async_copy(rows_v.at[pl.ds(half, WR)],
                             out_hbm.at[c, pl.ds(r0, WR)], sems[j % 2])
        for j in (RPT // WR - 2, RPT // WR - 1):
            half = (j % 2) * WR
            pltpu.make_async_copy(
                rows_v.at[pl.ds(half, WR)],
                out_hbm.at[c, pl.ds(s * RPT + j * WR, WR)],
                sems[j % 2]).wait()

    return k(h, srcm, dstm)


def _tc_root(xin, W_root, b):
    def body(x_ref, w_ref, b_ref, o_ref):
        o_ref[...] = jnp.dot(x_ref[...], w_ref[...],
                             preferred_element_type=jnp.float32) + b_ref[...]

    return pl.pallas_call(
        body,
        grid=(N // R,),
        in_specs=[
            pl.BlockSpec((R, D), lambda i: (i, 0)),
            pl.BlockSpec((D, D), lambda i: (0, 0)),
            pl.BlockSpec((1, D), lambda i: (0, 0)),
        ],
        out_specs=pl.BlockSpec((R, D), lambda i: (i, 0)),
        out_shape=jax.ShapeDtypeStruct((N, D), jnp.float32),
    )(xin, W_root, b)


def _tc_layer(P, xr, W_rel):
    def body(p_ref, xr_ref, wr_ref, o_ref):
        agg = p_ref[0] + p_ref[1]
        acc = jnp.dot(agg, wr_ref[...], preferred_element_type=jnp.float32)
        o_ref[...] = jnp.tanh(acc + xr_ref[...])

    return pl.pallas_call(
        body,
        grid=(N // R,),
        in_specs=[
            pl.BlockSpec((2, R, D), lambda i: (0, i, 0)),
            pl.BlockSpec((R, D), lambda i: (i, 0)),
            pl.BlockSpec((D, D), lambda i: (0, 0)),
        ],
        out_specs=pl.BlockSpec((R, D), lambda i: (i, 0)),
        out_shape=jax.ShapeDtypeStruct((N, D), jnp.float32),
    )(P, xr, W_rel)


def _tc_final(Q, hr, W_rel, W_out, b_out):
    def body(q_ref, hr_ref, wr_ref, wo_ref, bo_ref, o_ref):
        agg = q_ref[0] + q_ref[1]
        acc = jnp.dot(agg, wr_ref[...], preferred_element_type=jnp.float32)
        h2 = jnp.tanh(acc + hr_ref[...])
        o_ref[...] = jnp.dot(h2, wo_ref[...],
                             preferred_element_type=jnp.float32) + bo_ref[...]

    return pl.pallas_call(
        body,
        grid=(N // R,),
        in_specs=[
            pl.BlockSpec((2, R, D), lambda i: (0, i, 0)),
            pl.BlockSpec((R, D), lambda i: (i, 0)),
            pl.BlockSpec((D, D), lambda i: (0, 0)),
            pl.BlockSpec((D, DO), lambda i: (0, 0)),
            pl.BlockSpec((1, DO), lambda i: (0, 0)),
        ],
        out_specs=pl.BlockSpec((R, DO), lambda i: (i, 0)),
        out_shape=jax.ShapeDtypeStruct((N, DO), jnp.float32),
    )(Q, hr, W_rel, W_out, b_out)


def kernel(x, edge_index, batch, W_rel0, b_rel0, W_root0, W_rel1, b_rel1,
           W_root1, W_out, b_out):
    srcm = edge_index[0]
    dstm = edge_index[1]
    xr = _tc_root(x, W_root0, b_rel0.reshape(1, D))
    P = _sc_segment_partials(x, srcm, dstm)
    h = _tc_layer(P, xr, W_rel0)
    hr = _tc_root(h, W_root1, b_rel1.reshape(1, D))
    Q = _sc_segment_partials(h, srcm, dstm)
    return _tc_final(Q, hr, W_rel1, W_out, b_out.reshape(1, DO))

# --- scband reference (transcript-rebuilt; emitter-appended) ---
"""Pipeline reference for scband-gnn-8177617732073 (READ-ONLY COPY).

The authoritative reference and input builder live on the scoring server;
editing this copy changes nothing except your own understanding.
"""

import jax, jax.numpy as jnp
import numpy as np

N_NODES = 10000
N_EDGES = 320000
D_IN = 128
D_HID = 128
D_OUT = 64


def _graph_conv(x, edge_index, W_rel, b_rel, W_root):
    # PyG GraphConv with aggr='add':
    # out_i = W_rel @ (sum_{j in N(i)} x_j) + b_rel + W_root @ x_i
    src = edge_index[0]
    dst = edge_index[1]
    msgs = jnp.take(x, src, axis=0)
    agg = jax.ops.segment_sum(msgs, dst, num_segments=x.shape[0])
    return agg @ W_rel + b_rel + x @ W_root


def setup_inputs(seed: int = 0) -> dict:
    key = jax.random.key(seed)
    ks = jax.random.split(key, 10)
    x = jax.random.normal(ks[0], (N_NODES, D_IN), dtype=jnp.float32)
    edge_index = jax.random.randint(ks[1], (2, N_EDGES), 0, N_NODES, dtype=jnp.int64 if jax.config.jax_enable_x64 else jnp.int32).astype(jnp.int32)
    batch = jnp.zeros((N_NODES,), dtype=jnp.int32)
    s0 = 1.0 / np.sqrt(D_IN)
    s1 = 1.0 / np.sqrt(D_HID)
    W_rel0 = jax.random.uniform(ks[2], (D_IN, D_HID), jnp.float32, -s0, s0)
    b_rel0 = jax.random.uniform(ks[3], (D_HID,), jnp.float32, -s0, s0)
    W_root0 = jax.random.uniform(ks[4], (D_IN, D_HID), jnp.float32, -s0, s0)
    W_rel1 = jax.random.uniform(ks[5], (D_HID, D_HID), jnp.float32, -s1, s1)
    b_rel1 = jax.random.uniform(ks[6], (D_HID,), jnp.float32, -s1, s1)
    W_root1 = jax.random.uniform(ks[7], (D_HID, D_HID), jnp.float32, -s1, s1)
    W_out = jax.random.uniform(ks[8], (D_HID, D_OUT), jnp.float32, -s1, s1)
    b_out = jax.random.uniform(ks[9], (D_OUT,), jnp.float32, -s1, s1)
    return {"x": x, "edge_index": edge_index, "batch": batch,
            "W_rel0": W_rel0, "b_rel0": b_rel0, "W_root0": W_root0,
            "W_rel1": W_rel1, "b_rel1": b_rel1, "W_root1": W_root1,
            "W_out": W_out, "b_out": b_out}


def reference(x, edge_index, batch, W_rel0, b_rel0, W_root0, W_rel1, b_rel1, W_root1, W_out, b_out):
    # Gnn.forward (eval mode: F.dropout is identity). Note: self.layer2 is unused in forward.
    h = _graph_conv(x, edge_index, W_rel0, b_rel0, W_root0)
    h = jnp.tanh(h)
    # dropout(training=False) -> identity
    h = _graph_conv(h, edge_index, W_rel1, b_rel1, W_root1)
    h = jnp.tanh(h)
    out = h @ W_out + b_out
    return out

if __name__ == "__main__":
    import jax
    _d = setup_inputs()
    print(jax.jit(kernel)(*tuple(_d.values())))

</pallas_src>

<mosaic_0001>
#map = affine_map<(d0, d1) -> (0, 0)>
#map1 = affine_map<(d0, d1) -> (0)>
#map2 = affine_map<(d0, d1) -> (0, 0, 0)>
module attributes {stable_mosaic.version = 14 : i64} {
  func.func @k(%arg0: i32, %arg1: i32, %arg2: memref<10000x128xf32, #tpu.memory_space<hbm>>, %arg3: memref<320000xi32, #tpu.memory_space<hbm>>, %arg4: memref<320000xi32, #tpu.memory_space<hbm>>, %arg5: memref<2x10240x128xf32, #tpu.memory_space<hbm>>, %arg6: memref<4000xi32, #tpu.memory_space<vmem>>, %arg7: memref<4000xi32, #tpu.memory_space<vmem>>, %arg8: memref<200x128xf32, #tpu.memory_space<vmem>>, %arg9: memref<10240x128xf32, #tpu.memory_space<vmem_shared>>, %arg10: memref<!tpu.dma_semaphore, #tpu.memory_space<semaphore_mem>>, %arg11: memref<!tpu.dma_semaphore, #tpu.memory_space<semaphore_mem>>, %arg12: memref<!tpu.dma_semaphore, #tpu.memory_space<semaphore_mem>>, %arg13: memref<!tpu.dma_semaphore, #tpu.memory_space<semaphore_mem>>, %arg14: memref<!tpu.dma_semaphore, #tpu.memory_space<semaphore_mem>>, %arg15: memref<!tpu.dma_semaphore, #tpu.memory_space<semaphore_mem>>, %arg16: memref<!tpu.dma_semaphore, #tpu.memory_space<semaphore_mem>>) attributes {dimension_semantics = [#tpu.dimension_semantics<core_parallel>, #tpu.dimension_semantics<subcore_parallel>], iteration_bounds = array<i64: 2, 16>, scalar_prefetch = 0 : i64, scratch_operands = 11 : i64, tpu.core_type = #tpu.core_type<sc_vector_subcore>, window_params = [{transform_indices = #map}, {transform_indices = #map1}, {transform_indices = #map1}, {transform_indices = #map2}]} {
    %mul3A = arith.constant 16 : i32
    %mul3A_0 = arith.muli %arg0, %mul3A : i32
    %add3A = arith.addi %mul3A_0, %arg1 : i32
    %mul3A_1 = arith.constant 10000 : i32
    %mul3A_2 = arith.muli %add3A, %mul3A_1 : i32
    "tpu.region"() ({
      %run_scoped3A = tpu.sem_alloc : memref<!tpu.dma_semaphore, #tpu.memory_space<semaphore_mem>>
      %dma_start3A_757 = arith.constant 0 : i32
      %dma_start3A_758 = tpu.memref_slice %arg6[%dma_start3A_757] : memref<4000xi32, #tpu.memory_space<vmem>> -> memref<2000xi32, #tpu.memory_space<vmem>>
      %dma_start3A_759 = tpu.memref_slice %arg3[%mul3A_2] : memref<320000xi32, #tpu.memory_space<hbm>> -> memref<2000xi32, #tpu.memory_space<hbm>>
      %dma_start3A_760 = arith.constant 0 : i32
      %dma_start3A_761 = tpu.memref_slice %arg6[%dma_start3A_760] : memref<4000xi32, #tpu.memory_space<vmem>> -> memref<2000xi32, #tpu.memory_space<vmem>>
      %dma_start3A_762 = tpu.memref_slice %arg3[%mul3A_2] : memref<320000xi32, #tpu.memory_space<hbm>> -> memref<2000xi32, #tpu.memory_space<hbm>>
      tpu.enqueue_dma source(%dma_start3A_762 : memref<2000xi32, #tpu.memory_space<hbm>>) target(%dma_start3A_761 : memref<2000xi32, #tpu.memory_space<vmem>>) target_semaphore(%run_scoped3A : memref<!tpu.dma_semaphore, #tpu.memory_space<semaphore_mem>>)
      %dma_wait3A_763 = arith.constant 0 : i32
      %dma_wait3A_764 = tpu.memref_slice %arg6[%dma_wait3A_763] : memref<4000xi32, #tpu.memory_space<vmem>> -> memref<2000xi32, #tpu.memory_space<vmem>>
      %dma_wait3A_765 = tpu.memref_slice %arg3[%mul3A_2] : memref<320000xi32, #tpu.memory_space<hbm>> -> memref<2000xi32, #tpu.memory_space<hbm>>
      %dma_wait3A_766 = arith.constant 0 : i32
      %dma_wait3A_767 = tpu.memref_slice %arg6[%dma_wait3A_766] : memref<4000xi32, #tpu.memory_space<vmem>> -> memref<2000xi32, #tpu.memory_space<vmem>>
      %dma_wait3A_768 = tpu.memref_slice %arg3[%mul3A_2] : memref<320000xi32, #tpu.memory_space<hbm>> -> memref<2000xi32, #tpu.memory_space<hbm>>
      tpu.wait_dma2 semaphore(%run_scoped3A : memref<!tpu.dma_semaphore, #tpu.memory_space<semaphore_mem>>) src(%dma_wait3A_768 : memref<2000xi32, #tpu.memory_space<hbm>>) dst(%dma_wait3A_767 : memref<2000xi32, #tpu.memory_space<vmem>>)
      tpu.yield
    }) : () -> ()
    "tpu.region"() ({
      %run_scoped3A = tpu.sem_alloc : memref<!tpu.dma_semaphore, #tpu.memory_space<semaphore_mem>>
      %dma_start3A_757 = arith.constant 0 : i32
      %dma_start3A_758 = tpu.memref_slice %arg7[%dma_start3A_757] : memref<4000xi32, #tpu.memory_space<vmem>> -> memref<2000xi32, #tpu.memory_space<vmem>>
      %dma_start3A_759 = tpu.memref_slice %arg4[%mul3A_2] : memref<320000xi32, #tpu.memory_space<hbm>> -> memref<2000xi32, #tpu.memory_space<hbm>>
      %dma_start3A_760 = arith.constant 0 : i32
      %dma_start3A_761 = tpu.memref_slice %arg7[%dma_start3A_760] : memref<4000xi32, #tpu.memory_space<vmem>> -> memref<2000xi32, #tpu.memory_space<vmem>>
      %dma_start3A_762 = tpu.memref_slice %arg4[%mul3A_2] : memref<320000xi32, #tpu.memory_space<hbm>> -> memref<2000xi32, #tpu.memory_space<hbm>>
      tpu.enqueue_dma source(%dma_start3A_762 : memref<2000xi32, #tpu.memory_space<hbm>>) target(%dma_start3A_761 : memref<2000xi32, #tpu.memory_space<vmem>>) target_semaphore(%run_scoped3A : memref<!tpu.dma_semaphore, #tpu.memory_space<semaphore_mem>>)
      %dma_wait3A_763 = arith.constant 0 : i32
      %dma_wait3A_764 = tpu.memref_slice %arg7[%dma_wait3A_763] : memref<4000xi32, #tpu.memory_space<vmem>> -> memref<2000xi32, #tpu.memory_space<vmem>>
      %dma_wait3A_765 = tpu.memref_slice %arg4[%mul3A_2] : memref<320000xi32, #tpu.memory_space<hbm>> -> memref<2000xi32, #tpu.memory_space<hbm>>
      %dma_wait3A_766 = arith.constant 0 : i32
      %dma_wait3A_767 = tpu.memref_slice %arg7[%dma_wait3A_766] : memref<4000xi32, #tpu.memory_space<vmem>> -> memref<2000xi32, #tpu.memory_space<vmem>>
      %dma_wait3A_768 = tpu.memref_slice %arg4[%mul3A_2] : memref<320000xi32, #tpu.memory_space<hbm>> -> memref<2000xi32, #tpu.memory_space<hbm>>
      tpu.wait_dma2 semaphore(%run_scoped3A : memref<!tpu.dma_semaphore, #tpu.memory_space<semaphore_mem>>) src(%dma_wait3A_768 : memref<2000xi32, #tpu.memory_space<hbm>>) dst(%dma_wait3A_767 : memref<2000xi32, #tpu.memory_space<vmem>>)
      tpu.yield
    }) : () -> ()
    %dma_start3A = arith.constant 0 : i32
    %dma_start3A_3 = arith.constant 0 : i32
    %dma_start3A_4 = tpu.memref_slice %arg8[%dma_start3A, %dma_start3A_3] : memref<200x128xf32, #tpu.memory_space<vmem>> -> memref<40x128xf32, #tpu.memory_space<vmem>>
    %dma_start3A_5 = arith.constant 0 : i32
    %dma_start3A_6 = tpu.memref_slice %arg6[%dma_start3A_5] : memref<4000xi32, #tpu.memory_space<vmem>> -> memref<40xi32, #tpu.memory_space<vmem>>
    %dma_start3A_7 = arith.constant 0 : i32
    %dma_start3A_8 = arith.constant 0 : i32
    %dma_start3A_9 = tpu.memref_slice %arg2[%dma_start3A_7, %dma_start3A_8] : memref<10000x128xf32, #tpu.memory_space<hbm>> -> memref<10000x128xf32, #tpu.memory_space<hbm>>
    tpu.enqueue_indirect_dma source(%dma_start3A_9 : memref<10000x128xf32, #tpu.memory_space<hbm>>) target(%dma_start3A_4 : memref<40x128xf32, #tpu.memory_space<vmem>>) offsets(%dma_start3A_6 : memref<40xi32, #tpu.memory_space<vmem>>) semaphore(%arg10 : memref<!tpu.dma_semaphore, #tpu.memory_space<semaphore_mem>>)
    %dma_start3A_10 = arith.constant 40 : i32
    %dma_start3A_11 = arith.constant 0 : i32
    %dma_start3A_12 = tpu.memref_slice %arg8[%dma_start3A_10, %dma_start3A_11] : memref<200x128xf32, #tpu.memory_space<vmem>> -> memref<40x128xf32, #tpu.memory_space<vmem>>
    %dma_start3A_13 = arith.constant 40 : i32
    %dma_start3A_14 = tpu.memref_slice %arg6[%dma_start3A_13] : memref<4000xi32, #tpu.memory_space<vmem>> -> memref<40xi32, #tpu.memory_space<vmem>>
    %dma_start3A_15 = arith.constant 0 : i32
    %dma_start3A_16 = arith.constant 0 : i32
    %dma_start3A_17 = tpu.memref_slice %arg2[%dma_start3A_15, %dma_start3A_16] : memref<10000x128xf32, #tpu.memory_space<hbm>> -> memref<10000x128xf32, #tpu.memory_space<hbm>>
    tpu.enqueue_indirect_dma source(%dma_start3A_17 : memref<10000x128xf32, #tpu.memory_space<hbm>>) target(%dma_start3A_12 : memref<40x128xf32, #tpu.memory_space<vmem>>) offsets(%dma_start3A_14 : memref<40xi32, #tpu.memory_space<vmem>>) semaphore(%arg11 : memref<!tpu.dma_semaphore, #tpu.memory_space<semaphore_mem>>)
    %dma_start3A_18 = arith.constant 80 : i32
    %dma_start3A_19 = arith.constant 0 : i32
    %dma_start3A_20 = tpu.memref_slice %arg8[%dma_start3A_18, %dma_start3A_19] : memref<200x128xf32, #tpu.memory_space<vmem>> -> memref<40x128xf32, #tpu.memory_space<vmem>>
    %dma_start3A_21 = arith.constant 80 : i32
    %dma_start3A_22 = tpu.memref_slice %arg6[%dma_start3A_21] : memref<4000xi32, #tpu.memory_space<vmem>> -> memref<40xi32, #tpu.memory_space<vmem>>
    %dma_start3A_23 = arith.constant 0 : i32
    %dma_start3A_24 = arith.constant 0 : i32
    %dma_start3A_25 = tpu.memref_slice %arg2[%dma_start3A_23, %dma_start3A_24] : memref<10000x128xf32, #tpu.memory_space<hbm>> -> memref<10000x128xf32, #tpu.memory_space<hbm>>
    tpu.enqueue_indirect_dma source(%dma_start3A_25 : memref<10000x128xf32, #tpu.memory_space<hbm>>) target(%dma_start3A_20 : memref<40x128xf32, #tpu.memory_space<vmem>>) offsets(%dma_start3A_22 : memref<40xi32, #tpu.memory_space<vmem>>) semaphore(%arg12 : memref<!tpu.dma_semaphore, #tpu.memory_space<semaphore_mem>>)
    %dma_start3A_26 = arith.constant 120 : i32
    %dma_start3A_27 = arith.constant 0 : i32
    %dma_start3A_28 = tpu.memref_slice %arg8[%dma_start3A_26, %dma_start3A_27] : memref<200x128xf32, #tpu.memory_space<vmem>> -> memref<40x128xf32, #tpu.memory_space<vmem>>
    %dma_start3A_29 = arith.constant 120 : i32
    %dma_start3A_30 = tpu.memref_slice %arg6[%dma_start3A_29] : memref<4000xi32, #tpu.memory_space<vmem>> -> memref<40xi32, #tpu.memory_space<vmem>>
    %dma_start3A_31 = arith.constant 0 : i32
    %dma_start3A_32 = arith.constant 0 : i32
    %dma_start3A_33 = tpu.memref_slice %arg2[%dma_start3A_31, %dma_start3A_32] : memref<10000x128xf32, #tpu.memory_space<hbm>> -> memref<10000x128xf32, #tpu.memory_space<hbm>>
    tpu.enqueue_indirect_dma source(%dma_start3A_33 : memref<10000x128xf32, #tpu.memory_space<hbm>>) target(%dma_start3A_28 : memref<40x128xf32, #tpu.memory_space<vmem>>) offsets(%dma_start3A_30 : memref<40xi32, #tpu.memory_space<vmem>>) semaphore(%arg13 : memref<!tpu.dma_semaphore, #tpu.memory_space<semaphore_mem>>)
    %scan3A = arith.constant 0 : i32
    %scan3A_34 = arith.constant 0 : i32
    %scan3A_35 = arith.constant 40 : i32
    %scan3A_36 = arith.addi %scan3A_34, %scan3A_35 : i32
    %scan3A_37 = arith.constant 1 : i32
    scf.for %scan3A_757 = %scan3A_34 to %scan3A_36 step %scan3A_37  : i32 {
      %broadcast_in_dim3A = arith.constant 0.000000e+00 : f32
      %broadcast_in_dim3A_758 = vector.broadcast %broadcast_in_dim3A : f32 to vector<16xf32>
      %add3A_759 = arith.constant 160 : i32
      %add3A_760 = arith.addi %add3A_759, %scan3A_757 : i32
      %swap3A = arith.index_cast %add3A_760 : i32 to index
      %swap3A_761 = arith.constant 0 : index
      %swap3A_762 = tpu.vector_load %arg8[%swap3A, %swap3A_761] {strides = array<i32>} : memref<200x128xf32, #tpu.memory_space<vmem>>, vector<1x16xf32>,
      %swap3A_763 = vector.shape_cast %swap3A_762 : vector<1x16xf32> to vector<16xf32>
      %swap3A_764 = vector.shape_cast %broadcast_in_dim3A_758 : vector<16xf32> to vector<1x16xf32>
      tpu.vector_store %arg8[%swap3A, %swap3A_761], %swap3A_764 {strides = array<i32>} : memref<200x128xf32, #tpu.memory_space<vmem>>, vector<1x16xf32>,
      %broadcast_in_dim3A_765 = arith.constant 0.000000e+00 : f32
      %broadcast_in_dim3A_766 = vector.broadcast %broadcast_in_dim3A_765 : f32 to vector<16xf32>
      %add3A_767 = arith.constant 160 : i32
      %add3A_768 = arith.addi %add3A_767, %scan3A_757 : i32
      %swap3A_769 = arith.index_cast %add3A_768 : i32 to index
      %swap3A_770 = arith.constant 16 : index
      %swap3A_771 = tpu.vector_load %arg8[%swap3A_769, %swap3A_770] {strides = array<i32>} : memref<200x128xf32, #tpu.memory_space<vmem>>, vector<1x16xf32>,
      %swap3A_772 = vector.shape_cast %swap3A_771 : vector<1x16xf32> to vector<16xf32>
      %swap3A_773 = vector.shape_cast %broadcast_in_dim3A_766 : vector<16xf32> to vector<1x16xf32>
      tpu.vector_store %arg8[%swap3A_769, %swap3A_770], %swap3A_773 {strides = array<i32>} : memref<200x128xf32, #tpu.memory_space<vmem>>, vector<1x16xf32>,
      %broadcast_in_dim3A_774 = arith.constant 0.000000e+00 : f32
      %broadcast_in_dim3A_775 = vector.broadcast %broadcast_in_dim3A_774 : f32 to vector<16xf32>
      %add3A_776 = arith.constant 160 : i32
      %add3A_777 = arith.addi %add3A_776, %scan3A_757 : i32
      %swap3A_778 = arith.index_cast %add3A_777 : i32 to index
      %swap3A_779 = arith.constant 32 : index
      %swap3A_780 = tpu.vector_load %arg8[%swap3A_778, %swap3A_779] {strides = array<i32>} : memref<200x128xf32, #tpu.memory_space<vmem>>, vector<1x16xf32>,
      %swap3A_781 = vector.shape_cast %swap3A_780 : vector<1x16xf32> to vector<16xf32>
      %swap3A_782 = vector.shape_cast %broadcast_in_dim3A_775 : vector<16xf32> to vector<1x16xf32>
      tpu.vector_store %arg8[%swap3A_778, %swap3A_779], %swap3A_782 {strides = array<i32>} : memref<200x128xf32, #tpu.memory_space<vmem>>, vector<1x16xf32>,
      %broadcast_in_dim3A_783 = arith.constant 0.000000e+00 : f32
      %broadcast_in_dim3A_784 = vector.broadcast %broadcast_in_dim3A_783 : f32 to vector<16xf32>
      %add3A_785 = arith.constant 160 : i32
      %add3A_786 = arith.addi %add3A_785, %scan3A_757 : i32
      %swap3A_787 = arith.index_cast %add3A_786 : i32 to index
      %swap3A_788 = arith.constant 48 : index
      %swap3A_789 = tpu.vector_load %arg8[%swap3A_787, %swap3A_788] {strides = array<i32>} : memref<200x128xf32, #tpu.memory_space<vmem>>, vector<1x16xf32>,
      %swap3A_790 = vector.shape_cast %swap3A_789 : vector<1x16xf32> to vector<16xf32>
      %swap3A_791 = vector.shape_cast %broadcast_in_dim3A_784 : vector<16xf32> to vector<1x16xf32>
      tpu.vector_store %arg8[%swap3A_787, %swap3A_788], %swap3A_791 {strides = array<i32>} : memref<200x128xf32, #tpu.memory_space<vmem>>, vector<1x16xf32>,
      %broadcast_in_dim3A_792 = arith.constant 0.000000e+00 : f32
      %broadcast_in_dim3A_793 = vector.broadcast %broadcast_in_dim3A_792 : f32 to vector<16xf32>
      %add3A_794 = arith.constant 160 : i32
      %add3A_795 = arith.addi %add3A_794, %scan3A_757 : i32
      %swap3A_796 = arith.index_cast %add3A_795 : i32 to index
      %swap3A_797 = arith.constant 64 : index
      %swap3A_798 = tpu.vector_load %arg8[%swap3A_796, %swap3A_797] {strides = array<i32>} : memref<200x128xf32, #tpu.memory_space<vmem>>, vector<1x16xf32>,
      %swap3A_799 = vector.shape_cast %swap3A_798 : vector<1x16xf32> to vector<16xf32>
      %swap3A_800 = vector.shape_cast %broadcast_in_dim3A_793 : vector<16xf32> to vector<1x16xf32>
      tpu.vector_store %arg8[%swap3A_796, %swap3A_797], %swap3A_800 {strides = array<i32>} : memref<200x128xf32, #tpu.memory_space<vmem>>, vector<1x16xf32>,
      %broadcast_in_dim3A_801 = arith.constant 0.000000e+00 : f32
      %broadcast_in_dim3A_802 = vector.broadcast %broadcast_in_dim3A_801 : f32 to vector<16xf32>
      %add3A_803 = arith.constant 160 : i32
      %add3A_804 = arith.addi %add3A_803, %scan3A_757 : i32
      %swap3A_805 = arith.index_cast %add3A_804 : i32 to index
      %swap3A_806 = arith.constant 80 : index
      %swap3A_807 = tpu.vector_load %arg8[%swap3A_805, %swap3A_806] {strides = array<i32>} : memref<200x128xf32, #tpu.memory_space<vmem>>, vector<1x16xf32>,
      %swap3A_808 = vector.shape_cast %swap3A_807 : vector<1x16xf32> to vector<16xf32>
      %swap3A_809 = vector.shape_cast %broadcast_in_dim3A_802 : vector<16xf32> to vector<1x16xf32>
      tpu.vector_store %arg8[%swap3A_805, %swap3A_806], %swap3A_809 {strides = array<i32>} : memref<200x128xf32, #tpu.memory_space<vmem>>, vector<1x16xf32>,
      %broadcast_in_dim3A_810 = arith.constant 0.000000e+00 : f32
      %broadcast_in_dim3A_811 = vector.broadcast %broadcast_in_dim3A_810 : f32 to vector<16xf32>
      %add3A_812 = arith.constant 160 : i32
      %add3A_813 = arith.addi %add3A_812, %scan3A_757 : i32
      %swap3A_814 = arith.index_cast %add3A_813 : i32 to index
      %swap3A_815 = arith.constant 96 : index
      %swap3A_816 = tpu.vector_load %arg8[%swap3A_814, %swap3A_815] {strides = array<i32>} : memref<200x128xf32, #tpu.memory_space<vmem>>, vector<1x16xf32>,
      %swap3A_817 = vector.shape_cast %swap3A_816 : vector<1x16xf32> to vector<16xf32>
      %swap3A_818 = vector.shape_cast %broadcast_in_dim3A_811 : vector<16xf32> to vector<1x16xf32>
      tpu.vector_store %arg8[%swap3A_814, %swap3A_815], %swap3A_818 {strides = array<i32>} : memref<200x128xf32, #tpu.memory_space<vmem>>, vector<1x16xf32>,
      %broadcast_in_dim3A_819 = arith.constant 0.000000e+00 : f32
      %broadcast_in_dim3A_820 = vector.broadcast %broadcast_in_dim3A_819 : f32 to vector<16xf32>
      %add3A_821 = arith.constant 160 : i32
      %add3A_822 = arith.addi %add3A_821, %scan3A_757 : i32
      %swap3A_823 = arith.index_cast %add3A_822 : i32 to index
      %swap3A_824 = arith.constant 112 : index
      %swap3A_825 = tpu.vector_load %arg8[%swap3A_823, %swap3A_824] {strides = array<i32>} : memref<200x128xf32, #tpu.memory_space<vmem>>, vector<1x16xf32>,
      %swap3A_826 = vector.shape_cast %swap3A_825 : vector<1x16xf32> to vector<16xf32>
      %swap3A_827 = vector.shape_cast %broadcast_in_dim3A_820 : vector<16xf32> to vector<1x16xf32>
      tpu.vector_store %arg8[%swap3A_823, %swap3A_824], %swap3A_827 {strides = array<i32>} : memref<200x128xf32, #tpu.memory_space<vmem>>, vector<1x16xf32>,
    }
    %scan3A_38 = arith.constant 40 : i32
    %mul3A_39 = arith.constant 640 : i32
    %mul3A_40 = arith.muli %arg1, %mul3A_39 : i32
    %add3A_41 = arith.constant 0 : i32
    %add3A_42 = arith.addi %mul3A_40, %add3A_41 : i32
    %dma_start3A_43 = arith.constant 160 : i32
    %dma_start3A_44 = arith.constant 0 : i32
    %dma_start3A_45 = tpu.memref_slice %arg8[%dma_start3A_43, %dma_start3A_44] : memref<200x128xf32, #tpu.memory_space<vmem>> -> memref<40x128xf32, #tpu.memory_space<vmem>>
    %dma_start3A_46 = arith.constant 0 : i32
    %dma_start3A_47 = tpu.memref_slice %arg9[%add3A_42, %dma_start3A_46] : memref<10240x128xf32, #tpu.memory_space<vmem_shared>> -> memref<40x128xf32, #tpu.memory_space<vmem_shared>>
    %dma_start3A_48 = arith.constant 0 : i32
    %dma_start3A_49 = tpu.memref_slice %arg9[%add3A_42, %dma_start3A_48] : memref<10240x128xf32, #tpu.memory_space<vmem_shared>> -> memref<40x128xf32, #tpu.memory_space<vmem_shared>>
    %dma_start3A_50 = arith.constant 160 : i32
    %dma_start3A_51 = arith.constant 0 : i32
    %dma_start3A_52 = tpu.memref_slice %arg8[%dma_start3A_50, %dma_start3A_51] : memref<200x128xf32, #tpu.memory_space<vmem>> -> memref<40x128xf32, #tpu.memory_space<vmem>>
    tpu.enqueue_dma source(%dma_start3A_52 : memref<40x128xf32, #tpu.memory_space<vmem>>) target(%dma_start3A_49 : memref<40x128xf32, #tpu.memory_space<vmem_shared>>) target_semaphore(%arg14 : memref<!tpu.dma_semaphore, #tpu.memory_space<semaphore_mem>>)
    %mul3A_53 = arith.constant 640 : i32
    %mul3A_54 = arith.muli %arg1, %mul3A_53 : i32
    %add3A_55 = arith.constant 40 : i32
    %add3A_56 = arith.addi %mul3A_54, %add3A_55 : i32
    %dma_start3A_57 = arith.constant 160 : i32
    %dma_start3A_58 = arith.constant 0 : i32
    %dma_start3A_59 = tpu.memref_slice %arg8[%dma_start3A_57, %dma_start3A_58] : memref<200x128xf32, #tpu.memory_space<vmem>> -> memref<40x128xf32, #tpu.memory_space<vmem>>
    %dma_start3A_60 = arith.constant 0 : i32
    %dma_start3A_61 = tpu.memref_slice %arg9[%add3A_56, %dma_start3A_60] : memref<10240x128xf32, #tpu.memory_space<vmem_shared>> -> memref<40x128xf32, #tpu.memory_space<vmem_shared>>
    %dma_start3A_62 = arith.constant 0 : i32
    %dma_start3A_63 = tpu.memref_slice %arg9[%add3A_56, %dma_start3A_62] : memref<10240x128xf32, #tpu.memory_space<vmem_shared>> -> memref<40x128xf32, #tpu.memory_space<vmem_shared>>
    %dma_start3A_64 = arith.constant 160 : i32
    %dma_start3A_65 = arith.constant 0 : i32
    %dma_start3A_66 = tpu.memref_slice %arg8[%dma_start3A_64, %dma_start3A_65] : memref<200x128xf32, #tpu.memory_space<vmem>> -> memref<40x128xf32, #tpu.memory_space<vmem>>
    tpu.enqueue_dma source(%dma_start3A_66 : memref<40x128xf32, #tpu.memory_space<vmem>>) target(%dma_start3A_63 : memref<40x128xf32, #tpu.memory_space<vmem_shared>>) target_semaphore(%arg14 : memref<!tpu.dma_semaphore, #tpu.memory_space<semaphore_mem>>)
    %mul3A_67 = arith.constant 640 : i32
    %mul3A_68 = arith.muli %arg1, %mul3A_67 : i32
    %add3A_69 = arith.constant 80 : i32
    %add3A_70 = arith.addi %mul3A_68, %add3A_69 : i32
    %dma_start3A_71 = arith.constant 160 : i32
    %dma_start3A_72 = arith.constant 0 : i32
    %dma_start3A_73 = tpu.memref_slice %arg8[%dma_start3A_71, %dma_start3A_72] : memref<200x128xf32, #tpu.memory_space<vmem>> -> memref<40x128xf32, #tpu.memory_space<vmem>>
    %dma_start3A_74 = arith.constant 0 : i32
    %dma_start3A_75 = tpu.memref_slice %arg9[%add3A_70, %dma_start3A_74] : memref<10240x128xf32, #tpu.memory_space<vmem_shared>> -> memref<40x128xf32, #tpu.memory_space<vmem_shared>>
    %dma_start3A_76 = arith.constant 0 : i32
    %dma_start3A_77 = tpu.memref_slice %arg9[%add3A_70, %dma_start3A_76] : memref<10240x128xf32, #tpu.memory_space<vmem_shared>> -> memref<40x128xf32, #tpu.memory_space<vmem_shared>>
    %dma_start3A_78 = arith.constant 160 : i32
    %dma_start3A_79 = arith.constant 0 : i32
    %dma_start3A_80 = tpu.memref_slice %arg8[%dma_start3A_78, %dma_start3A_79] : memref<200x128xf32, #tpu.memory_space<vmem>> -> memref<40x128xf32, #tpu.memory_space<vmem>>
    tpu.enqueue_dma source(%dma_start3A_80 : memref<40x128xf32, #tpu.memory_space<vmem>>) target(%dma_start3A_77 : memref<40x128xf32, #tpu.memory_space<vmem_shared>>) target_semaphore(%arg14 : memref<!tpu.dma_semaphore, #tpu.memory_space<semaphore_mem>>)
    %mul3A_81 = arith.constant 640 : i32
    %mul3A_82 = arith.muli %arg1, %mul3A_81 : i32
    %add3A_83 = arith.constant 120 : i32
    %add3A_84 = arith.addi %mul3A_82, %add3A_83 : i32
    %dma_start3A_85 = arith.constant 160 : i32
    %dma_start3A_86 = arith.constant 0 : i32
    %dma_start3A_87 = tpu.memref_slice %arg8[%dma_start3A_85, %dma_start3A_86] : memref<200x128xf32, #tpu.memory_space<vmem>> -> memref<40x128xf32, #tpu.memory_space<vmem>>
    %dma_start3A_88 = arith.constant 0 : i32
    %dma_start3A_89 = tpu.memref_slice %arg9[%add3A_84, %dma_start3A_88] : memref<10240x128xf32, #tpu.memory_space<vmem_shared>> -> memref<40x128xf32, #tpu.memory_space<vmem_shared>>
    %dma_start3A_90 = arith.constant 0 : i32
    %dma_start3A_91 = tpu.memref_slice %arg9[%add3A_84, %dma_start3A_90] : memref<10240x128xf32, #tpu.memory_space<vmem_shared>> -> memref<40x128xf32, #tpu.memory_space<vmem_shared>>
    %dma_start3A_92 = arith.constant 160 : i32
    %dma_start3A_93 = arith.constant 0 : i32
    %dma_start3A_94 = tpu.memref_slice %arg8[%dma_start3A_92, %dma_start3A_93] : memref<200x128xf32, #tpu.memory_space<vmem>> -> memref<40x128xf32, #tpu.memory_space<vmem>>
    tpu.enqueue_dma source(%dma_start3A_94 : memref<40x128xf32, #tpu.memory_space<vmem>>) target(%dma_start3A_91 : memref<40x128xf32, #tpu.memory_space<vmem_shared>>) target_semaphore(%arg14 : memref<!tpu.dma_semaphore, #tpu.memory_space<semaphore_mem>>)
    %mul3A_95 = arith.constant 640 : i32
    %mul3A_96 = arith.muli %arg1, %mul3A_95 : i32
    %add3A_97 = arith.constant 160 : i32
    %add3A_98 = arith.addi %mul3A_96, %add3A_97 : i32
    %dma_start3A_99 = arith.constant 160 : i32
    %dma_start3A_100 = arith.constant 0 : i32
    %dma_start3A_101 = tpu.memref_slice %arg8[%dma_start3A_99, %dma_start3A_100] : memref<200x128xf32, #tpu.memory_space<vmem>> -> memref<40x128xf32, #tpu.memory_space<vmem>>
    %dma_start3A_102 = arith.constant 0 : i32
    %dma_start3A_103 = tpu.memref_slice %arg9[%add3A_98, %dma_start3A_102] : memref<10240x128xf32, #tpu.memory_space<vmem_shared>> -> memref<40x128xf32, #tpu.memory_space<vmem_shared>>
    %dma_start3A_104 = arith.constant 0 : i32
    %dma_start3A_105 = tpu.memref_slice %arg9[%add3A_98, %dma_start3A_104] : memref<10240x128xf32, #tpu.memory_space<vmem_shared>> -> memref<40x128xf32, #tpu.memory_space<vmem_shared>>
    %dma_start3A_106 = arith.constant 160 : i32
    %dma_start3A_107 = arith.constant 0 : i32
    %dma_start3A_108 = tpu.memref_slice %arg8[%dma_start3A_106, %dma_start3A_107] : memref<200x128xf32, #tpu.memory_space<vmem>> -> memref<40x128xf32, #tpu.memory_space<vmem>>
    tpu.enqueue_dma source(%dma_start3A_108 : memref<40x128xf32, #tpu.memory_space<vmem>>) target(%dma_start3A_105 : memref<40x128xf32, #tpu.memory_space<vmem_shared>>) target_semaphore(%arg14 : memref<!tpu.dma_semaphore, #tpu.memory_space<semaphore_mem>>)
    %mul3A_109 = arith.constant 640 : i32
    %mul3A_110 = arith.muli %arg1, %mul3A_109 : i32
    %add3A_111 = arith.constant 200 : i32
    %add3A_112 = arith.addi %mul3A_110, %add3A_111 : i32
    %dma_start3A_113 = arith.constant 160 : i32
    %dma_start3A_114 = arith.constant 0 : i32
    %dma_start3A_115 = tpu.memref_slice %arg8[%dma_start3A_113, %dma_start3A_114] : memref<200x128xf32, #tpu.memory_space<vmem>> -> memref<40x128xf32, #tpu.memory_space<vmem>>
    %dma_start3A_116 = arith.constant 0 : i32
    %dma_start3A_117 = tpu.memref_slice %arg9[%add3A_112, %dma_start3A_116] : memref<10240x128xf32, #tpu.memory_space<vmem_shared>> -> memref<40x128xf32, #tpu.memory_space<vmem_shared>>
    %dma_start3A_118 = arith.constant 0 : i32
    %dma_start3A_119 = tpu.memref_slice %arg9[%add3A_112, %dma_start3A_118] : memref<10240x128xf32, #tpu.memory_space<vmem_shared>> -> memref<40x128xf32, #tpu.memory_space<vmem_shared>>
    %dma_start3A_120 = arith.constant 160 : i32
    %dma_start3A_121 = arith.constant 0 : i32
    %dma_start3A_122 = tpu.memref_slice %arg8[%dma_start3A_120, %dma_start3A_121] : memref<200x128xf32, #tpu.memory_space<vmem>> -> memref<40x128xf32, #tpu.memory_space<vmem>>
    tpu.enqueue_dma source(%dma_start3A_122 : memref<40x128xf32, #tpu.memory_space<vmem>>) target(%dma_start3A_119 : memref<40x128xf32, #tpu.memory_space<vmem_shared>>) target_semaphore(%arg14 : memref<!tpu.dma_semaphore, #tpu.memory_space<semaphore_mem>>)
    %mul3A_123 = arith.constant 640 : i32
    %mul3A_124 = arith.muli %arg1, %mul3A_123 : i32
    %add3A_125 = arith.constant 240 : i32
    %add3A_126 = arith.addi %mul3A_124, %add3A_125 : i32
    %dma_start3A_127 = arith.constant 160 : i32
    %dma_start3A_128 = arith.constant 0 : i32
    %dma_start3A_129 = tpu.memref_slice %arg8[%dma_start3A_127, %dma_start3A_128] : memref<200x128xf32, #tpu.memory_space<vmem>> -> memref<40x128xf32, #tpu.memory_space<vmem>>
    %dma_start3A_130 = arith.constant 0 : i32
    %dma_start3A_131 = tpu.memref_slice %arg9[%add3A_126, %dma_start3A_130] : memref<10240x128xf32, #tpu.memory_space<vmem_shared>> -> memref<40x128xf32, #tpu.memory_space<vmem_shared>>
    %dma_start3A_132 = arith.constant 0 : i32
    %dma_start3A_133 = tpu.memref_slice %arg9[%add3A_126, %dma_start3A_132] : memref<10240x128xf32, #tpu.memory_space<vmem_shared>> -> memref<40x128xf32, #tpu.memory_space<vmem_shared>>
    %dma_start3A_134 = arith.constant 160 : i32
    %dma_start3A_135 = arith.constant 0 : i32
    %dma_start3A_136 = tpu.memref_slice %arg8[%dma_start3A_134, %dma_start3A_135] : memref<200x128xf32, #tpu.memory_space<vmem>> -> memref<40x128xf32, #tpu.memory_space<vmem>>
    tpu.enqueue_dma source(%dma_start3A_136 : memref<40x128xf32, #tpu.memory_space<vmem>>) target(%dma_start3A_133 : memref<40x128xf32, #tpu.memory_space<vmem_shared>>) target_semaphore(%arg14 : memref<!tpu.dma_semaphore, #tpu.memory_space<semaphore_mem>>)
    %mul3A_137 = arith.constant 640 : i32
    %mul3A_138 = arith.muli %arg1, %mul3A_137 : i32
    %add3A_139 = arith.constant 280 : i32
    %add3A_140 = arith.addi %mul3A_138, %add3A_139 : i32
    %dma_start3A_141 = arith.constant 160 : i32
    %dma_start3A_142 = arith.constant 0 : i32
    %dma_start3A_143 = tpu.memref_slice %arg8[%dma_start3A_141, %dma_start3A_142] : memref<200x128xf32, #tpu.memory_space<vmem>> -> memref<40x128xf32, #tpu.memory_space<vmem>>
    %dma_start3A_144 = arith.constant 0 : i32
    %dma_start3A_145 = tpu.memref_slice %arg9[%add3A_140, %dma_start3A_144] : memref<10240x128xf32, #tpu.memory_space<vmem_shared>> -> memref<40x128xf32, #tpu.memory_space<vmem_shared>>
    %dma_start3A_146 = arith.constant 0 : i32
    %dma_start3A_147 = tpu.memref_slice %arg9[%add3A_140, %dma_start3A_146] : memref<10240x128xf32, #tpu.memory_space<vmem_shared>> -> memref<40x128xf32, #tpu.memory_space<vmem_shared>>
    %dma_start3A_148 = arith.constant 160 : i32
    %dma_start3A_149 = arith.constant 0 : i32
    %dma_start3A_150 = tpu.memref_slice %arg8[%dma_start3A_148, %dma_start3A_149] : memref<200x128xf32, #tpu.memory_space<vmem>> -> memref<40x128xf32, #tpu.memory_space<vmem>>
    tpu.enqueue_dma source(%dma_start3A_150 : memref<40x128xf32, #tpu.memory_space<vmem>>) target(%dma_start3A_147 : memref<40x128xf32, #tpu.memory_space<vmem_shared>>) target_semaphore(%arg14 : memref<!tpu.dma_semaphore, #tpu.memory_space<semaphore_mem>>)
    %mul3A_151 = arith.constant 640 : i32
    %mul3A_152 = arith.muli %arg1, %mul3A_151 : i32
    %add3A_153 = arith.constant 320 : i32
    %add3A_154 = arith.addi %mul3A_152, %add3A_153 : i32
    %dma_start3A_155 = arith.constant 160 : i32
    %dma_start3A_156 = arith.constant 0 : i32
    %dma_start3A_157 = tpu.memref_slice %arg8[%dma_start3A_155, %dma_start3A_156] : memref<200x128xf32, #tpu.memory_space<vmem>> -> memref<40x128xf32, #tpu.memory_space<vmem>>
    %dma_start3A_158 = arith.constant 0 : i32
    %dma_start3A_159 = tpu.memref_slice %arg9[%add3A_154, %dma_start3A_158] : memref<10240x128xf32, #tpu.memory_space<vmem_shared>> -> memref<40x128xf32, #tpu.memory_space<vmem_shared>>
    %dma_start3A_160 = arith.constant 0 : i32
    %dma_start3A_161 = tpu.memref_slice %arg9[%add3A_154, %dma_start3A_160] : memref<10240x128xf32, #tpu.memory_space<vmem_shared>> -> memref<40x128xf32, #tpu.memory_space<vmem_shared>>
    %dma_start3A_162 = arith.constant 160 : i32
    %dma_start3A_163 = arith.constant 0 : i32
    %dma_start3A_164 = tpu.memref_slice %arg8[%dma_start3A_162, %dma_start3A_163] : memref<200x128xf32, #tpu.memory_space<vmem>> -> memref<40x128xf32, #tpu.memory_space<vmem>>
    tpu.enqueue_dma source(%dma_start3A_164 : memref<40x128xf32, #tpu.memory_space<vmem>>) target(%dma_start3A_161 : memref<40x128xf32, #tpu.memory_space<vmem_shared>>) target_semaphore(%arg14 : memref<!tpu.dma_semaphore, #tpu.memory_space<semaphore_mem>>)
    %mul3A_165 = arith.constant 640 : i32
    %mul3A_166 = arith.muli %arg1, %mul3A_165 : i32
    %add3A_167 = arith.constant 360 : i32
    %add3A_168 = arith.addi %mul3A_166, %add3A_167 : i32
    %dma_start3A_169 = arith.constant 160 : i32
    %dma_start3A_170 = arith.constant 0 : i32
    %dma_start3A_171 = tpu.memref_slice %arg8[%dma_start3A_169, %dma_start3A_170] : memref<200x128xf32, #tpu.memory_space<vmem>> -> memref<40x128xf32, #tpu.memory_space<vmem>>
    %dma_start3A_172 = arith.constant 0 : i32
    %dma_start3A_173 = tpu.memref_slice %arg9[%add3A_168, %dma_start3A_172] : memref<10240x128xf32, #tpu.memory_space<vmem_shared>> -> memref<40x128xf32, #tpu.memory_space<vmem_shared>>
    %dma_start3A_174 = arith.constant 0 : i32
    %dma_start3A_175 = tpu.memref_slice %arg9[%add3A_168, %dma_start3A_174] : memref<10240x128xf32, #tpu.memory_space<vmem_shared>> -> memref<40x128xf32, #tpu.memory_space<vmem_shared>>
    %dma_start3A_176 = arith.constant 160 : i32
    %dma_start3A_177 = arith.constant 0 : i32
    %dma_start3A_178 = tpu.memref_slice %arg8[%dma_start3A_176, %dma_start3A_177] : memref<200x128xf32, #tpu.memory_space<vmem>> -> memref<40x128xf32, #tpu.memory_space<vmem>>
    tpu.enqueue_dma source(%dma_start3A_178 : memref<40x128xf32, #tpu.memory_space<vmem>>) target(%dma_start3A_175 : memref<40x128xf32, #tpu.memory_space<vmem_shared>>) target_semaphore(%arg14 : memref<!tpu.dma_semaphore, #tpu.memory_space<semaphore_mem>>)
    %mul3A_179 = arith.constant 640 : i32
    %mul3A_180 = arith.muli %arg1, %mul3A_179 : i32
    %add3A_181 = arith.constant 400 : i32
    %add3A_182 = arith.addi %mul3A_180, %add3A_181 : i32
    %dma_start3A_183 = arith.constant 160 : i32
    %dma_start3A_184 = arith.constant 0 : i32
    %dma_start3A_185 = tpu.memref_slice %arg8[%dma_start3A_183, %dma_start3A_184] : memref<200x128xf32, #tpu.memory_space<vmem>> -> memref<40x128xf32, #tpu.memory_space<vmem>>
    %dma_start3A_186 = arith.constant 0 : i32
    %dma_start3A_187 = tpu.memref_slice %arg9[%add3A_182, %dma_start3A_186] : memref<10240x128xf32, #tpu.memory_space<vmem_shared>> -> memref<40x128xf32, #tpu.memory_space<vmem_shared>>
    %dma_start3A_188 = arith.constant 0 : i32
    %dma_start3A_189 = tpu.memref_slice %arg9[%add3A_182, %dma_start3A_188] : memref<10240x128xf32, #tpu.memory_space<vmem_shared>> -> memref<40x128xf32, #tpu.memory_space<vmem_shared>>
    %dma_start3A_190 = arith.constant 160 : i32
    %dma_start3A_191 = arith.constant 0 : i32
    %dma_start3A_192 = tpu.memref_slice %arg8[%dma_start3A_190, %dma_start3A_191] : memref<200x128xf32, #tpu.memory_space<vmem>> -> memref<40x128xf32, #tpu.memory_space<vmem>>
    tpu.enqueue_dma source(%dma_start3A_192 : memref<40x128xf32, #tpu.memory_space<vmem>>) target(%dma_start3A_189 : memref<40x128xf32, #tpu.memory_space<vmem_shared>>) target_semaphore(%arg14 : memref<!tpu.dma_semaphore, #tpu.memory_space<semaphore_mem>>)
    %mul3A_193 = arith.constant 640 : i32
    %mul3A_194 = arith.muli %arg1, %mul3A_193 : i32
    %add3A_195 = arith.constant 440 : i32
    %add3A_196 = arith.addi %mul3A_194, %add3A_195 : i32
    %dma_start3A_197 = arith.constant 160 : i32
    %dma_start3A_198 = arith.constant 0 : i32
    %dma_start3A_199 = tpu.memref_slice %arg8[%dma_start3A_197, %dma_start3A_198] : memref<200x128xf32, #tpu.memory_space<vmem>> -> memref<40x128xf32, #tpu.memory_space<vmem>>
    %dma_start3A_200 = arith.constant 0 : i32
    %dma_start3A_201 = tpu.memref_slice %arg9[%add3A_196, %dma_start3A_200] : memref<10240x128xf32, #tpu.memory_space<vmem_shared>> -> memref<40x128xf32, #tpu.memory_space<vmem_shared>>
    %dma_start3A_202 = arith.constant 0 : i32
    %dma_start3A_203 = tpu.memref_slice %arg9[%add3A_196, %dma_start3A_202] : memref<10240x128xf32, #tpu.memory_space<vmem_shared>> -> memref<40x128xf32, #tpu.memory_space<vmem_shared>>
    %dma_start3A_204 = arith.constant 160 : i32
    %dma_start3A_205 = arith.constant 0 : i32
    %dma_start3A_206 = tpu.memref_slice %arg8[%dma_start3A_204, %dma_start3A_205] : memref<200x128xf32, #tpu.memory_space<vmem>> -> memref<40x128xf32, #tpu.memory_space<vmem>>
    tpu.enqueue_dma source(%dma_start3A_206 : memref<40x128xf32, #tpu.memory_space<vmem>>) target(%dma_start3A_203 : memref<40x128xf32, #tpu.memory_space<vmem_shared>>) target_semaphore(%arg14 : memref<!tpu.dma_semaphore, #tpu.memory_space<semaphore_mem>>)
    %mul3A_207 = arith.constant 640 : i32
    %mul3A_208 = arith.muli %arg1, %mul3A_207 : i32
    %add3A_209 = arith.constant 480 : i32
    %add3A_210 = arith.addi %mul3A_208, %add3A_209 : i32
    %dma_start3A_211 = arith.constant 160 : i32
    %dma_start3A_212 = arith.constant 0 : i32
    %dma_start3A_213 = tpu.memref_slice %arg8[%dma_start3A_211, %dma_start3A_212] : memref<200x128xf32, #tpu.memory_space<vmem>> -> memref<40x128xf32, #tpu.memory_space<vmem>>
    %dma_start3A_214 = arith.constant 0 : i32
    %dma_start3A_215 = tpu.memref_slice %arg9[%add3A_210, %dma_start3A_214] : memref<10240x128xf32, #tpu.memory_space<vmem_shared>> -> memref<40x128xf32, #tpu.memory_space<vmem_shared>>
    %dma_start3A_216 = arith.constant 0 : i32
    %dma_start3A_217 = tpu.memref_slice %arg9[%add3A_210, %dma_start3A_216] : memref<10240x128xf32, #tpu.memory_space<vmem_shared>> -> memref<40x128xf32, #tpu.memory_space<vmem_shared>>
    %dma_start3A_218 = arith.constant 160 : i32
    %dma_start3A_219 = arith.constant 0 : i32
    %dma_start3A_220 = tpu.memref_slice %arg8[%dma_start3A_218, %dma_start3A_219] : memref<200x128xf32, #tpu.memory_space<vmem>> -> memref<40x128xf32, #tpu.memory_space<vmem>>
    tpu.enqueue_dma source(%dma_start3A_220 : memref<40x128xf32, #tpu.memory_space<vmem>>) target(%dma_start3A_217 : memref<40x128xf32, #tpu.memory_space<vmem_shared>>) target_semaphore(%arg14 : memref<!tpu.dma_semaphore, #tpu.memory_space<semaphore_mem>>)
    %mul3A_221 = arith.constant 640 : i32
    %mul3A_222 = arith.muli %arg1, %mul3A_221 : i32
    %add3A_223 = arith.constant 520 : i32
    %add3A_224 = arith.addi %mul3A_222, %add3A_223 : i32
    %dma_start3A_225 = arith.constant 160 : i32
    %dma_start3A_226 = arith.constant 0 : i32
    %dma_start3A_227 = tpu.memref_slice %arg8[%dma_start3A_225, %dma_start3A_226] : memref<200x128xf32, #tpu.memory_space<vmem>> -> memref<40x128xf32, #tpu.memory_space<vmem>>
    %dma_start3A_228 = arith.constant 0 : i32
    %dma_start3A_229 = tpu.memref_slice %arg9[%add3A_224, %dma_start3A_228] : memref<10240x128xf32, #tpu.memory_space<vmem_shared>> -> memref<40x128xf32, #tpu.memory_space<vmem_shared>>
    %dma_start3A_230 = arith.constant 0 : i32
    %dma_start3A_231 = tpu.memref_slice %arg9[%add3A_224, %dma_start3A_230] : memref<10240x128xf32, #tpu.memory_space<vmem_shared>> -> memref<40x128xf32, #tpu.memory_space<vmem_shared>>
    %dma_start3A_232 = arith.constant 160 : i32
    %dma_start3A_233 = arith.constant 0 : i32
    %dma_start3A_234 = tpu.memref_slice %arg8[%dma_start3A_232, %dma_start3A_233] : memref<200x128xf32, #tpu.memory_space<vmem>> -> memref<40x128xf32, #tpu.memory_space<vmem>>
    tpu.enqueue_dma source(%dma_start3A_234 : memref<40x128xf32, #tpu.memory_space<vmem>>) target(%dma_start3A_231 : memref<40x128xf32, #tpu.memory_space<vmem_shared>>) target_semaphore(%arg14 : memref<!tpu.dma_semaphore, #tpu.memory_space<semaphore_mem>>)
    %mul3A_235 = arith.constant 640 : i32
    %mul3A_236 = arith.muli %arg1, %mul3A_235 : i32
    %add3A_237 = arith.constant 560 : i32
    %add3A_238 = arith.addi %mul3A_236, %add3A_237 : i32
    %dma_start3A_239 = arith.constant 160 : i32
    %dma_start3A_240 = arith.constant 0 : i32
    %dma_start3A_241 = tpu.memref_slice %arg8[%dma_start3A_239, %dma_start3A_240] : memref<200x128xf32, #tpu.memory_space<vmem>> -> memref<40x128xf32, #tpu.memory_space<vmem>>
    %dma_start3A_242 = arith.constant 0 : i32
    %dma_start3A_243 = tpu.memref_slice %arg9[%add3A_238, %dma_start3A_242] : memref<10240x128xf32, #tpu.memory_space<vmem_shared>> -> memref<40x128xf32, #tpu.memory_space<vmem_shared>>
    %dma_start3A_244 = arith.constant 0 : i32
    %dma_start3A_245 = tpu.memref_slice %arg9[%add3A_238, %dma_start3A_244] : memref<10240x128xf32, #tpu.memory_space<vmem_shared>> -> memref<40x128xf32, #tpu.memory_space<vmem_shared>>
    %dma_start3A_246 = arith.constant 160 : i32
    %dma_start3A_247 = arith.constant 0 : i32
    %dma_start3A_248 = tpu.memref_slice %arg8[%dma_start3A_246, %dma_start3A_247] : memref<200x128xf32, #tpu.memory_space<vmem>> -> memref<40x128xf32, #tpu.memory_space<vmem>>
    tpu.enqueue_dma source(%dma_start3A_248 : memref<40x128xf32, #tpu.memory_space<vmem>>) target(%dma_start3A_245 : memref<40x128xf32, #tpu.memory_space<vmem_shared>>) target_semaphore(%arg14 : memref<!tpu.dma_semaphore, #tpu.memory_space<semaphore_mem>>)
    %mul3A_249 = arith.constant 640 : i32
    %mul3A_250 = arith.muli %arg1, %mul3A_249 : i32
    %add3A_251 = arith.constant 600 : i32
    %add3A_252 = arith.addi %mul3A_250, %add3A_251 : i32
    %dma_start3A_253 = arith.constant 160 : i32
    %dma_start3A_254 = arith.constant 0 : i32
    %dma_start3A_255 = tpu.memref_slice %arg8[%dma_start3A_253, %dma_start3A_254] : memref<200x128xf32, #tpu.memory_space<vmem>> -> memref<40x128xf32, #tpu.memory_space<vmem>>
    %dma_start3A_256 = arith.constant 0 : i32
    %dma_start3A_257 = tpu.memref_slice %arg9[%add3A_252, %dma_start3A_256] : memref<10240x128xf32, #tpu.memory_space<vmem_shared>> -> memref<40x128xf32, #tpu.memory_space<vmem_shared>>
    %dma_start3A_258 = arith.constant 0 : i32
    %dma_start3A_259 = tpu.memref_slice %arg9[%add3A_252, %dma_start3A_258] : memref<10240x128xf32, #tpu.memory_space<vmem_shared>> -> memref<40x128xf32, #tpu.memory_space<vmem_shared>>
    %dma_start3A_260 = arith.constant 160 : i32
    %dma_start3A_261 = arith.constant 0 : i32
    %dma_start3A_262 = tpu.memref_slice %arg8[%dma_start3A_260, %dma_start3A_261] : memref<200x128xf32, #tpu.memory_space<vmem>> -> memref<40x128xf32, #tpu.memory_space<vmem>>
    tpu.enqueue_dma source(%dma_start3A_262 : memref<40x128xf32, #tpu.memory_space<vmem>>) target(%dma_start3A_259 : memref<40x128xf32, #tpu.memory_space<vmem_shared>>) target_semaphore(%arg14 : memref<!tpu.dma_semaphore, #tpu.memory_space<semaphore_mem>>)
    %mul3A_263 = arith.constant 640 : i32
    %mul3A_264 = arith.muli %arg1, %mul3A_263 : i32
    %add3A_265 = arith.constant 0 : i32
    %add3A_266 = arith.addi %mul3A_264, %add3A_265 : i32
    %dma_wait3A = arith.constant 160 : i32
    %dma_wait3A_267 = arith.constant 0 : i32
    %dma_wait3A_268 = tpu.memref_slice %arg8[%dma_wait3A, %dma_wait3A_267] : memref<200x128xf32, #tpu.memory_space<vmem>> -> memref<40x128xf32, #tpu.memory_space<vmem>>
    %dma_wait3A_269 = arith.constant 0 : i32
    %dma_wait3A_270 = tpu.memref_slice %arg9[%add3A_266, %dma_wait3A_269] : memref<10240x128xf32, #tpu.memory_space<vmem_shared>> -> memref<40x128xf32, #tpu.memory_space<vmem_shared>>
    %dma_wait3A_271 = arith.constant 0 : i32
    %dma_wait3A_272 = tpu.memref_slice %arg9[%add3A_266, %dma_wait3A_271] : memref<10240x128xf32, #tpu.memory_space<vmem_shared>> -> memref<40x128xf32, #tpu.memory_space<vmem_shared>>
    %dma_wait3A_273 = arith.constant 160 : i32
    %dma_wait3A_274 = arith.constant 0 : i32
    %dma_wait3A_275 = tpu.memref_slice %arg8[%dma_wait3A_273, %dma_wait3A_274] : memref<200x128xf32, #tpu.memory_space<vmem>> -> memref<40x128xf32, #tpu.memory_space<vmem>>
    tpu.wait_dma2 semaphore(%arg14 : memref<!tpu.dma_semaphore, #tpu.memory_space<semaphore_mem>>) src(%dma_wait3A_275 : memref<40x128xf32, #tpu.memory_space<vmem>>) dst(%dma_wait3A_272 : memref<40x128xf32, #tpu.memory_space<vmem_shared>>)
    %mul3A_276 = arith.constant 640 : i32
    %mul3A_277 = arith.muli %arg1, %mul3A_276 : i32
    %add3A_278 = arith.constant 40 : i32
    %add3A_279 = arith.addi %mul3A_277, %add3A_278 : i32
    %dma_wait3A_280 = arith.constant 160 : i32
    %dma_wait3A_281 = arith.constant 0 : i32
    %dma_wait3A_282 = tpu.memref_slice %arg8[%dma_wait3A_280, %dma_wait3A_281] : memref<200x128xf32, #tpu.memory_space<vmem>> -> memref<40x128xf32, #tpu.memory_space<vmem>>
    %dma_wait3A_283 = arith.constant 0 : i32
    %dma_wait3A_284 = tpu.memref_slice %arg9[%add3A_279, %dma_wait3A_283] : memref<10240x128xf32, #tpu.memory_space<vmem_shared>> -> memref<40x128xf32, #tpu.memory_space<vmem_shared>>
    %dma_wait3A_285 = arith.constant 0 : i32
    %dma_wait3A_286 = tpu.memref_slice %arg9[%add3A_279, %dma_wait3A_285] : memref<10240x128xf32, #tpu.memory_space<vmem_shared>> -> memref<40x128xf32, #tpu.memory_space<vmem_shared>>
    %dma_wait3A_287 = arith.constant 160 : i32
    %dma_wait3A_288 = arith.constant 0 : i32
    %dma_wait3A_289 = tpu.memref_slice %arg8[%dma_wait3A_287, %dma_wait3A_288] : memref<200x128xf32, #tpu.memory_space<vmem>> -> memref<40x128xf32, #tpu.memory_space<vmem>>
    tpu.wait_dma2 semaphore(%arg14 : memref<!tpu.dma_semaphore, #tpu.memory_space<semaphore_mem>>) src(%dma_wait3A_289 : memref<40x128xf32, #tpu.memory_space<vmem>>) dst(%dma_wait3A_286 : memref<40x128xf32, #tpu.memory_space<vmem_shared>>)
    %mul3A_290 = arith.constant 640 : i32
    %mul3A_291 = arith.muli %arg1, %mul3A_290 : i32
    %add3A_292 = arith.constant 80 : i32
    %add3A_293 = arith.addi %mul3A_291, %add3A_292 : i32
    %dma_wait3A_294 = arith.constant 160 : i32
    %dma_wait3A_295 = arith.constant 0 : i32
    %dma_wait3A_296 = tpu.memref_slice %arg8[%dma_wait3A_294, %dma_wait3A_295] : memref<200x128xf32, #tpu.memory_space<vmem>> -> memref<40x128xf32, #tpu.memory_space<vmem>>
    %dma_wait3A_297 = arith.constant 0 : i32
    %dma_wait3A_298 = tpu.memref_slice %arg9[%add3A_293, %dma_wait3A_297] : memref<10240x128xf32, #tpu.memory_space<vmem_shared>> -> memref<40x128xf32, #tpu.memory_space<vmem_shared>>
    %dma_wait3A_299 = arith.constant 0 : i32
    %dma_wait3A_300 = tpu.memref_slice %arg9[%add3A_293, %dma_wait3A_299] : memref<10240x128xf32, #tpu.memory_space<vmem_shared>> -> memref<40x128xf32, #tpu.memory_space<vmem_shared>>
    %dma_wait3A_301 = arith.constant 160 : i32
    %dma_wait3A_302 = arith.constant 0 : i32
    %dma_wait3A_303 = tpu.memref_slice %arg8[%dma_wait3A_301, %dma_wait3A_302] : memref<200x128xf32, #tpu.memory_space<vmem>> -> memref<40x128xf32, #tpu.memory_space<vmem>>
    tpu.wait_dma2 semaphore(%arg14 : memref<!tpu.dma_semaphore, #tpu.memory_space<semaphore_mem>>) src(%dma_wait3A_303 : memref<40x128xf32, #tpu.memory_space<vmem>>) dst(%dma_wait3A_300 : memref<40x128xf32, #tpu.memory_space<vmem_shared>>)
    %mul3A_304 = arith.constant 640 : i32
    %mul3A_305 = arith.muli %arg1, %mul3A_304 : i32
    %add3A_306 = arith.constant 120 : i32
    %add3A_307 = arith.addi %mul3A_305, %add3A_306 : i32
    %dma_wait3A_308 = arith.constant 160 : i32
    %dma_wait3A_309 = arith.constant 0 : i32
    %dma_wait3A_310 = tpu.memref_slice %arg8[%dma_wait3A_308, %dma_wait3A_309] : memref<200x128xf32, #tpu.memory_space<vmem>> -> memref<40x128xf32, #tpu.memory_space<vmem>>
    %dma_wait3A_311 = arith.constant 0 : i32
    %dma_wait3A_312 = tpu.memref_slice %arg9[%add3A_307, %dma_wait3A_311] : memref<10240x128xf32, #tpu.memory_space<vmem_shared>> -> memref<40x128xf32, #tpu.memory_space<vmem_shared>>
    %dma_wait3A_313 = arith.constant 0 : i32
    %dma_wait3A_314 = tpu.memref_slice %arg9[%add3A_307, %dma_wait3A_313] : memref<10240x128xf32, #tpu.memory_space<vmem_shared>> -> memref<40x128xf32, #tpu.memory_space<vmem_shared>>
    %dma_wait3A_315 = arith.constant 160 : i32
    %dma_wait3A_316 = arith.constant 0 : i32
    %dma_wait3A_317 = tpu.memref_slice %arg8[%dma_wait3A_315, %dma_wait3A_316] : memref<200x128xf32, #tpu.memory_space<vmem>> -> memref<40x128xf32, #tpu.memory_space<vmem>>
    tpu.wait_dma2 semaphore(%arg14 : memref<!tpu.dma_semaphore, #tpu.memory_space<semaphore_mem>>) src(%dma_wait3A_317 : memref<40x128xf32, #tpu.memory_space<vmem>>) dst(%dma_wait3A_314 : memref<40x128xf32, #tpu.memory_space<vmem_shared>>)
    %mul3A_318 = arith.constant 640 : i32
    %mul3A_319 = arith.muli %arg1, %mul3A_318 : i32
    %add3A_320 = arith.constant 160 : i32
    %add3A_321 = arith.addi %mul3A_319, %add3A_320 : i32
    %dma_wait3A_322 = arith.constant 160 : i32
    %dma_wait3A_323 = arith.constant 0 : i32
    %dma_wait3A_324 = tpu.memref_slice %arg8[%dma_wait3A_322, %dma_wait3A_323] : memref<200x128xf32, #tpu.memory_space<vmem>> -> memref<40x128xf32, #tpu.memory_space<vmem>>
    %dma_wait3A_325 = arith.constant 0 : i32
    %dma_wait3A_326 = tpu.memref_slice %arg9[%add3A_321, %dma_wait3A_325] : memref<10240x128xf32, #tpu.memory_space<vmem_shared>> -> memref<40x128xf32, #tpu.memory_space<vmem_shared>>
    %dma_wait3A_327 = arith.constant 0 : i32
    %dma_wait3A_328 = tpu.memref_slice %arg9[%add3A_321, %dma_wait3A_327] : memref<10240x128xf32, #tpu.memory_space<vmem_shared>> -> memref<40x128xf32, #tpu.memory_space<vmem_shared>>
    %dma_wait3A_329 = arith.constant 160 : i32
    %dma_wait3A_330 = arith.constant 0 : i32
    %dma_wait3A_331 = tpu.memref_slice %arg8[%dma_wait3A_329, %dma_wait3A_330] : memref<200x128xf32, #tpu.memory_space<vmem>> -> memref<40x128xf32, #tpu.memory_space<vmem>>
    tpu.wait_dma2 semaphore(%arg14 : memref<!tpu.dma_semaphore, #tpu.memory_space<semaphore_mem>>) src(%dma_wait3A_331 : memref<40x128xf32, #tpu.memory_space<vmem>>) dst(%dma_wait3A_328 : memref<40x128xf32, #tpu.memory_space<vmem_shared>>)
    %mul3A_332 = arith.constant 640 : i32
    %mul3A_333 = arith.muli %arg1, %mul3A_332 : i32
    %add3A_334 = arith.constant 200 : i32
    %add3A_335 = arith.addi %mul3A_333, %add3A_334 : i32
    %dma_wait3A_336 = arith.constant 160 : i32
    %dma_wait3A_337 = arith.constant 0 : i32
    %dma_wait3A_338 = tpu.memref_slice %arg8[%dma_wait3A_336, %dma_wait3A_337] : memref<200x128xf32, #tpu.memory_space<vmem>> -> memref<40x128xf32, #tpu.memory_space<vmem>>
    %dma_wait3A_339 = arith.constant 0 : i32
    %dma_wait3A_340 = tpu.memref_slice %arg9[%add3A_335, %dma_wait3A_339] : memref<10240x128xf32, #tpu.memory_space<vmem_shared>> -> memref<40x128xf32, #tpu.memory_space<vmem_shared>>
    %dma_wait3A_341 = arith.constant 0 : i32
    %dma_wait3A_342 = tpu.memref_slice %arg9[%add3A_335, %dma_wait3A_341] : memref<10240x128xf32, #tpu.memory_space<vmem_shared>> -> memref<40x128xf32, #tpu.memory_space<vmem_shared>>
    %dma_wait3A_343 = arith.constant 160 : i32
    %dma_wait3A_344 = arith.constant 0 : i32
    %dma_wait3A_345 = tpu.memref_slice %arg8[%dma_wait3A_343, %dma_wait3A_344] : memref<200x128xf32, #tpu.memory_space<vmem>> -> memref<40x128xf32, #tpu.memory_space<vmem>>
    tpu.wait_dma2 semaphore(%arg14 : memref<!tpu.dma_semaphore, #tpu.memory_space<semaphore_mem>>) src(%dma_wait3A_345 : memref<40x128xf32, #tpu.memory_space<vmem>>) dst(%dma_wait3A_342 : memref<40x128xf32, #tpu.memory_space<vmem_shared>>)
    %mul3A_346 = arith.constant 640 : i32
    %mul3A_347 = arith.muli %arg1, %mul3A_346 : i32
    %add3A_348 = arith.constant 240 : i32
    %add3A_349 = arith.addi %mul3A_347, %add3A_348 : i32
    %dma_wait3A_350 = arith.constant 160 : i32
    %dma_wait3A_351 = arith.constant 0 : i32
    %dma_wait3A_352 = tpu.memref_slice %arg8[%dma_wait3A_350, %dma_wait3A_351] : memref<200x128xf32, #tpu.memory_space<vmem>> -> memref<40x128xf32, #tpu.memory_space<vmem>>
    %dma_wait3A_353 = arith.constant 0 : i32
    %dma_wait3A_354 = tpu.memref_slice %arg9[%add3A_349, %dma_wait3A_353] : memref<10240x128xf32, #tpu.memory_space<vmem_shared>> -> memref<40x128xf32, #tpu.memory_space<vmem_shared>>
    %dma_wait3A_355 = arith.constant 0 : i32
    %dma_wait3A_356 = tpu.memref_slice %arg9[%add3A_349, %dma_wait3A_355] : memref<10240x128xf32, #tpu.memory_space<vmem_shared>> -> memref<40x128xf32, #tpu.memory_space<vmem_shared>>
    %dma_wait3A_357 = arith.constant 160 : i32
    %dma_wait3A_358 = arith.constant 0 : i32
    %dma_wait3A_359 = tpu.memref_slice %arg8[%dma_wait3A_357, %dma_wait3A_358] : memref<200x128xf32, #tpu.memory_space<vmem>> -> memref<40x128xf32, #tpu.memory_space<vmem>>
    tpu.wait_dma2 semaphore(%arg14 : memref<!tpu.dma_semaphore, #tpu.memory_space<semaphore_mem>>) src(%dma_wait3A_359 : memref<40x128xf32, #tpu.memory_space<vmem>>) dst(%dma_wait3A_356 : memref<40x128xf32, #tpu.memory_space<vmem_shared>>)
    %mul3A_360 = arith.constant 640 : i32
    %mul3A_361 = arith.muli %arg1, %mul3A_360 : i32
    %add3A_362 = arith.constant 280 : i32
    %add3A_363 = arith.addi %mul3A_361, %add3A_362 : i32
    %dma_wait3A_364 = arith.constant 160 : i32
    %dma_wait3A_365 = arith.constant 0 : i32
    %dma_wait3A_366 = tpu.memref_slice %arg8[%dma_wait3A_364, %dma_wait3A_365] : memref<200x128xf32, #tpu.memory_space<vmem>> -> memref<40x128xf32, #tpu.memory_space<vmem>>
    %dma_wait3A_367 = arith.constant 0 : i32
    %dma_wait3A_368 = tpu.memref_slice %arg9[%add3A_363, %dma_wait3A_367] : memref<10240x128xf32, #tpu.memory_space<vmem_shared>> -> memref<40x128xf32, #tpu.memory_space<vmem_shared>>
    %dma_wait3A_369 = arith.constant 0 : i32
    %dma_wait3A_370 = tpu.memref_slice %arg9[%add3A_363, %dma_wait3A_369] : memref<10240x128xf32, #tpu.memory_space<vmem_shared>> -> memref<40x128xf32, #tpu.memory_space<vmem_shared>>
    %dma_wait3A_371 = arith.constant 160 : i32
    %dma_wait3A_372 = arith.constant 0 : i32
    %dma_wait3A_373 = tpu.memref_slice %arg8[%dma_wait3A_371, %dma_wait3A_372] : memref<200x128xf32, #tpu.memory_space<vmem>> -> memref<40x128xf32, #tpu.memory_space<vmem>>
    tpu.wait_dma2 semaphore(%arg14 : memref<!tpu.dma_semaphore, #tpu.memory_space<semaphore_mem>>) src(%dma_wait3A_373 : memref<40x128xf32, #tpu.memory_space<vmem>>) dst(%dma_wait3A_370 : memref<40x128xf32, #tpu.memory_space<vmem_shared>>)
    %mul3A_374 = arith.constant 640 : i32
    %mul3A_375 = arith.muli %arg1, %mul3A_374 : i32
    %add3A_376 = arith.constant 320 : i32
    %add3A_377 = arith.addi %mul3A_375, %add3A_376 : i32
    %dma_wait3A_378 = arith.constant 160 : i32
    %dma_wait3A_379 = arith.constant 0 : i32
    %dma_wait3A_380 = tpu.memref_slice %arg8[%dma_wait3A_378, %dma_wait3A_379] : memref<200x128xf32, #tpu.memory_space<vmem>> -> memref<40x128xf32, #tpu.memory_space<vmem>>
    %dma_wait3A_381 = arith.constant 0 : i32
    %dma_wait3A_382 = tpu.memref_slice %arg9[%add3A_377, %dma_wait3A_381] : memref<10240x128xf32, #tpu.memory_space<vmem_shared>> -> memref<40x128xf32, #tpu.memory_space<vmem_shared>>
    %dma_wait3A_383 = arith.constant 0 : i32
    %dma_wait3A_384 = tpu.memref_slice %arg9[%add3A_377, %dma_wait3A_383] : memref<10240x128xf32, #tpu.memory_space<vmem_shared>> -> memref<40x128xf32, #tpu.memory_space<vmem_shared>>
    %dma_wait3A_385 = arith.constant 160 : i32
    %dma_wait3A_386 = arith.constant 0 : i32
    %dma_wait3A_387 = tpu.memref_slice %arg8[%dma_wait3A_385, %dma_wait3A_386] : memref<200x128xf32, #tpu.memory_space<vmem>> -> memref<40x128xf32, #tpu.memory_space<vmem>>
    tpu.wait_dma2 semaphore(%arg14 : memref<!tpu.dma_semaphore, #tpu.memory_space<semaphore_mem>>) src(%dma_wait3A_387 : memref<40x128xf32, #tpu.memory_space<vmem>>) dst(%dma_wait3A_384 : memref<40x128xf32, #tpu.memory_space<vmem_shared>>)
    %mul3A_388 = arith.constant 640 : i32
    %mul3A_389 = arith.muli %arg1, %mul3A_388 : i32
    %add3A_390 = arith.constant 360 : i32
    %add3A_391 = arith.addi %mul3A_389, %add3A_390 : i32
    %dma_wait3A_392 = arith.constant 160 : i32
    %dma_wait3A_393 = arith.constant 0 : i32
    %dma_wait3A_394 = tpu.memref_slice %arg8[%dma_wait3A_392, %dma_wait3A_393] : memref<200x128xf32, #tpu.memory_space<vmem>> -> memref<40x128xf32, #tpu.memory_space<vmem>>
    %dma_wait3A_395 = arith.constant 0 : i32
    %dma_wait3A_396 = tpu.memref_slice %arg9[%add3A_391, %dma_wait3A_395] : memref<10240x128xf32, #tpu.memory_space<vmem_shared>> -> memref<40x128xf32, #tpu.memory_space<vmem_shared>>
    %dma_wait3A_397 = arith.constant 0 : i32
    %dma_wait3A_398 = tpu.memref_slice %arg9[%add3A_391, %dma_wait3A_397] : memref<10240x128xf32, #tpu.memory_space<vmem_shared>> -> memref<40x128xf32, #tpu.memory_space<vmem_shared>>
    %dma_wait3A_399 = arith.constant 160 : i32
    %dma_wait3A_400 = arith.constant 0 : i32
    %dma_wait3A_401 = tpu.memref_slice %arg8[%dma_wait3A_399, %dma_wait3A_400] : memref<200x128xf32, #tpu.memory_space<vmem>> -> memref<40x128xf32, #tpu.memory_space<vmem>>
    tpu.wait_dma2 semaphore(%arg14 : memref<!tpu.dma_semaphore, #tpu.memory_space<semaphore_mem>>) src(%dma_wait3A_401 : memref<40x128xf32, #tpu.memory_space<vmem>>) dst(%dma_wait3A_398 : memref<40x128xf32, #tpu.memory_space<vmem_shared>>)
    %mul3A_402 = arith.constant 640 : i32
    %mul3A_403 = arith.muli %arg1, %mul3A_402 : i32
    %add3A_404 = arith.constant 400 : i32
    %add3A_405 = arith.addi %mul3A_403, %add3A_404 : i32
    %dma_wait3A_406 = arith.constant 160 : i32
    %dma_wait3A_407 = arith.constant 0 : i32
    %dma_wait3A_408 = tpu.memref_slice %arg8[%dma_wait3A_406, %dma_wait3A_407] : memref<200x128xf32, #tpu.memory_space<vmem>> -> memref<40x128xf32, #tpu.memory_space<vmem>>
    %dma_wait3A_409 = arith.constant 0 : i32
    %dma_wait3A_410 = tpu.memref_slice %arg9[%add3A_405, %dma_wait3A_409] : memref<10240x128xf32, #tpu.memory_space<vmem_shared>> -> memref<40x128xf32, #tpu.memory_space<vmem_shared>>
    %dma_wait3A_411 = arith.constant 0 : i32
    %dma_wait3A_412 = tpu.memref_slice %arg9[%add3A_405, %dma_wait3A_411] : memref<10240x128xf32, #tpu.memory_space<vmem_shared>> -> memref<40x128xf32, #tpu.memory_space<vmem_shared>>
    %dma_wait3A_413 = arith.constant 160 : i32
    %dma_wait3A_414 = arith.constant 0 : i32
    %dma_wait3A_415 = tpu.memref_slice %arg8[%dma_wait3A_413, %dma_wait3A_414] : memref<200x128xf32, #tpu.memory_space<vmem>> -> memref<40x128xf32, #tpu.memory_space<vmem>>
    tpu.wait_dma2 semaphore(%arg14 : memref<!tpu.dma_semaphore, #tpu.memory_space<semaphore_mem>>) src(%dma_wait3A_415 : memref<40x128xf32, #tpu.memory_space<vmem>>) dst(%dma_wait3A_412 : memref<40x128xf32, #tpu.memory_space<vmem_shared>>)
    %mul3A_416 = arith.constant 640 : i32
    %mul3A_417 = arith.muli %arg1, %mul3A_416 : i32
    %add3A_418 = arith.constant 440 : i32
    %add3A_419 = arith.addi %mul3A_417, %add3A_418 : i32
    %dma_wait3A_420 = arith.constant 160 : i32
    %dma_wait3A_421 = arith.constant 0 : i32
    %dma_wait3A_422 = tpu.memref_slice %arg8[%dma_wait3A_420, %dma_wait3A_421] : memref<200x128xf32, #tpu.memory_space<vmem>> -> memref<40x128xf32, #tpu.memory_space<vmem>>
    %dma_wait3A_423 = arith.constant 0 : i32
    %dma_wait3A_424 = tpu.memref_slice %arg9[%add3A_419, %dma_wait3A_423] : memref<10240x128xf32, #tpu.memory_space<vmem_shared>> -> memref<40x128xf32, #tpu.memory_space<vmem_shared>>
    %dma_wait3A_425 = arith.constant 0 : i32
    %dma_wait3A_426 = tpu.memref_slice %arg9[%add3A_419, %dma_wait3A_425] : memref<10240x128xf32, #tpu.memory_space<vmem_shared>> -> memref<40x128xf32, #tpu.memory_space<vmem_shared>>
    %dma_wait3A_427 = arith.constant 160 : i32
    %dma_wait3A_428 = arith.constant 0 : i32
    %dma_wait3A_429 = tpu.memref_slice %arg8[%dma_wait3A_427, %dma_wait3A_428] : memref<200x128xf32, #tpu.memory_space<vmem>> -> memref<40x128xf32, #tpu.memory_space<vmem>>
    tpu.wait_dma2 semaphore(%arg14 : memref<!tpu.dma_semaphore, #tpu.memory_space<semaphore_mem>>) src(%dma_wait3A_429 : memref<40x128xf32, #tpu.memory_space<vmem>>) dst(%dma_wait3A_426 : memref<40x128xf32, #tpu.memory_space<vmem_shared>>)
    %mul3A_430 = arith.constant 640 : i32
    %mul3A_431 = arith.muli %arg1, %mul3A_430 : i32
    %add3A_432 = arith.constant 480 : i32
    %add3A_433 = arith.addi %mul3A_431, %add3A_432 : i32
    %dma_wait3A_434 = arith.constant 160 : i32
    %dma_wait3A_435 = arith.constant 0 : i32
    %dma_wait3A_436 = tpu.memref_slice %arg8[%dma_wait3A_434, %dma_wait3A_435] : memref<200x128xf32, #tpu.memory_space<vmem>> -> memref<40x128xf32, #tpu.memory_space<vmem>>
    %dma_wait3A_437 = arith.constant 0 : i32
    %dma_wait3A_438 = tpu.memref_slice %arg9[%add3A_433, %dma_wait3A_437] : memref<10240x128xf32, #tpu.memory_space<vmem_shared>> -> memref<40x128xf32, #tpu.memory_space<vmem_shared>>
    %dma_wait3A_439 = arith.constant 0 : i32
    %dma_wait3A_440 = tpu.memref_slice %arg9[%add3A_433, %dma_wait3A_439] : memref<10240x128xf32, #tpu.memory_space<vmem_shared>> -> memref<40x128xf32, #tpu.memory_space<vmem_shared>>
    %dma_wait3A_441 = arith.constant 160 : i32
    %dma_wait3A_442 = arith.constant 0 : i32
    %dma_wait3A_443 = tpu.memref_slice %arg8[%dma_wait3A_441, %dma_wait3A_442] : memref<200x128xf32, #tpu.memory_space<vmem>> -> memref<40x128xf32, #tpu.memory_space<vmem>>
    tpu.wait_dma2 semaphore(%arg14 : memref<!tpu.dma_semaphore, #tpu.memory_space<semaphore_mem>>) src(%dma_wait3A_443 : memref<40x128xf32, #tpu.memory_space<vmem>>) dst(%dma_wait3A_440 : memref<40x128xf32, #tpu.memory_space<vmem_shared>>)
    %mul3A_444 = arith.constant 640 : i32
    %mul3A_445 = arith.muli %arg1, %mul3A_444 : i32
    %add3A_446 = arith.constant 520 : i32
    %add3A_447 = arith.addi %mul3A_445, %add3A_446 : i32
    %dma_wait3A_448 = arith.constant 160 : i32
    %dma_wait3A_449 = arith.constant 0 : i32
    %dma_wait3A_450 = tpu.memref_slice %arg8[%dma_wait3A_448, %dma_wait3A_449] : memref<200x128xf32, #tpu.memory_space<vmem>> -> memref<40x128xf32, #tpu.memory_space<vmem>>
    %dma_wait3A_451 = arith.constant 0 : i32
    %dma_wait3A_452 = tpu.memref_slice %arg9[%add3A_447, %dma_wait3A_451] : memref<10240x128xf32, #tpu.memory_space<vmem_shared>> -> memref<40x128xf32, #tpu.memory_space<vmem_shared>>
    %dma_wait3A_453 = arith.constant 0 : i32
    %dma_wait3A_454 = tpu.memref_slice %arg9[%add3A_447, %dma_wait3A_453] : memref<10240x128xf32, #tpu.memory_space<vmem_shared>> -> memref<40x128xf32, #tpu.memory_space<vmem_shared>>
    %dma_wait3A_455 = arith.constant 160 : i32
    %dma_wait3A_456 = arith.constant 0 : i32
    %dma_wait3A_457 = tpu.memref_slice %arg8[%dma_wait3A_455, %dma_wait3A_456] : memref<200x128xf32, #tpu.memory_space<vmem>> -> memref<40x128xf32, #tpu.memory_space<vmem>>
    tpu.wait_dma2 semaphore(%arg14 : memref<!tpu.dma_semaphore, #tpu.memory_space<semaphore_mem>>) src(%dma_wait3A_457 : memref<40x128xf32, #tpu.memory_space<vmem>>) dst(%dma_wait3A_454 : memref<40x128xf32, #tpu.memory_space<vmem_shared>>)
    %mul3A_458 = arith.constant 640 : i32
    %mul3A_459 = arith.muli %arg1, %mul3A_458 : i32
    %add3A_460 = arith.constant 560 : i32
    %add3A_461 = arith.addi %mul3A_459, %add3A_460 : i32
    %dma_wait3A_462 = arith.constant 160 : i32
    %dma_wait3A_463 = arith.constant 0 : i32
    %dma_wait3A_464 = tpu.memref_slice %arg8[%dma_wait3A_462, %dma_wait3A_463] : memref<200x128xf32, #tpu.memory_space<vmem>> -> memref<40x128xf32, #tpu.memory_space<vmem>>
    %dma_wait3A_465 = arith.constant 0 : i32
    %dma_wait3A_466 = tpu.memref_slice %arg9[%add3A_461, %dma_wait3A_465] : memref<10240x128xf32, #tpu.memory_space<vmem_shared>> -> memref<40x128xf32, #tpu.memory_space<vmem_shared>>
    %dma_wait3A_467 = arith.constant 0 : i32
    %dma_wait3A_468 = tpu.memref_slice %arg9[%add3A_461, %dma_wait3A_467] : memref<10240x128xf32, #tpu.memory_space<vmem_shared>> -> memref<40x128xf32, #tpu.memory_space<vmem_shared>>
    %dma_wait3A_469 = arith.constant 160 : i32
    %dma_wait3A_470 = arith.constant 0 : i32
    %dma_wait3A_471 = tpu.memref_slice %arg8[%dma_wait3A_469, %dma_wait3A_470] : memref<200x128xf32, #tpu.memory_space<vmem>> -> memref<40x128xf32, #tpu.memory_space<vmem>>
    tpu.wait_dma2 semaphore(%arg14 : memref<!tpu.dma_semaphore, #tpu.memory_space<semaphore_mem>>) src(%dma_wait3A_471 : memref<40x128xf32, #tpu.memory_space<vmem>>) dst(%dma_wait3A_468 : memref<40x128xf32, #tpu.memory_space<vmem_shared>>)
    %mul3A_472 = arith.constant 640 : i32
    %mul3A_473 = arith.muli %arg1, %mul3A_472 : i32
    %add3A_474 = arith.constant 600 : i32
    %add3A_475 = arith.addi %mul3A_473, %add3A_474 : i32
    %dma_wait3A_476 = arith.constant 160 : i32
    %dma_wait3A_477 = arith.constant 0 : i32
    %dma_wait3A_478 = tpu.memref_slice %arg8[%dma_wait3A_476, %dma_wait3A_477] : memref<200x128xf32, #tpu.memory_space<vmem>> -> memref<40x128xf32, #tpu.memory_space<vmem>>
    %dma_wait3A_479 = arith.constant 0 : i32
    %dma_wait3A_480 = tpu.memref_slice %arg9[%add3A_475, %dma_wait3A_479] : memref<10240x128xf32, #tpu.memory_space<vmem_shared>> -> memref<40x128xf32, #tpu.memory_space<vmem_shared>>
    %dma_wait3A_481 = arith.constant 0 : i32
    %dma_wait3A_482 = tpu.memref_slice %arg9[%add3A_475, %dma_wait3A_481] : memref<10240x128xf32, #tpu.memory_space<vmem_shared>> -> memref<40x128xf32, #tpu.memory_space<vmem_shared>>
    %dma_wait3A_483 = arith.constant 160 : i32
    %dma_wait3A_484 = arith.constant 0 : i32
    %dma_wait3A_485 = tpu.memref_slice %arg8[%dma_wait3A_483, %dma_wait3A_484] : memref<200x128xf32, #tpu.memory_space<vmem>> -> memref<40x128xf32, #tpu.memory_space<vmem>>
    tpu.wait_dma2 semaphore(%arg14 : memref<!tpu.dma_semaphore, #tpu.memory_space<semaphore_mem>>) src(%dma_wait3A_485 : memref<40x128xf32, #tpu.memory_space<vmem>>) dst(%dma_wait3A_482 : memref<40x128xf32, #tpu.memory_space<vmem_shared>>)
    %dma_start3A_486 = arith.constant 160 : i32
    %dma_start3A_487 = arith.constant 0 : i32
    %dma_start3A_488 = tpu.memref_slice %arg8[%dma_start3A_486, %dma_start3A_487] : memref<200x128xf32, #tpu.memory_space<vmem>> -> memref<40x128xf32, #tpu.memory_space<vmem>>
    %dma_start3A_489 = arith.constant 160 : i32
    %dma_start3A_490 = tpu.memref_slice %arg6[%dma_start3A_489] : memref<4000xi32, #tpu.memory_space<vmem>> -> memref<40xi32, #tpu.memory_space<vmem>>
    %dma_start3A_491 = arith.constant 0 : i32
    %dma_start3A_492 = arith.constant 0 : i32
    %dma_start3A_493 = tpu.memref_slice %arg2[%dma_start3A_491, %dma_start3A_492] : memref<10000x128xf32, #tpu.memory_space<hbm>> -> memref<10000x128xf32, #tpu.memory_space<hbm>>
    tpu.enqueue_indirect_dma source(%dma_start3A_493 : memref<10000x128xf32, #tpu.memory_space<hbm>>) target(%dma_start3A_488 : memref<40x128xf32, #tpu.memory_space<vmem>>) offsets(%dma_start3A_490 : memref<40xi32, #tpu.memory_space<vmem>>) semaphore(%arg14 : memref<!tpu.dma_semaphore, #tpu.memory_space<semaphore_mem>>)
    %barrier3A = arith.constant 0 : index
    tpu.barrier barrier_id(%barrier3A)
    %scan3A_494 = arith.constant 0 : i32
    %scan3A_495 = arith.constant 0 : i32
    %scan3A_496 = arith.constant 5 : i32
    %scan3A_497 = arith.addi %scan3A_495, %scan3A_496 : i32
    %scan3A_498 = arith.constant 1 : i32
    scf.for %scan3A_757 = %scan3A_495 to %scan3A_497 step %scan3A_498  : i32 {
      %rem3A = arith.constant 2 : i32
      %rem3A_758 = arith.remsi %scan3A_757, %rem3A : i32
      %sub3A = arith.constant 1 : i32
      %sub3A_759 = arith.subi %sub3A, %rem3A_758 : i32
      %add3A_760 = arith.constant 1 : i32
      %add3A_761 = arith.addi %scan3A_757, %add3A_760 : i32
      %lt3A = arith.constant 5 : i32
      %lt3A_762 = arith.cmpi slt, %add3A_761, %lt3A : i32
      %convert_element_type3A = arith.extui %lt3A_762 : i1 to i32
      %cond3A = arith.constant 0 : i32
      %cond3A_763 = arith.cmpi ne, %convert_element_type3A, %cond3A : i32
      scf.if %cond3A_763 {
        %add3A_887 = arith.constant 1 : i32
        %add3A_888 = arith.addi %scan3A_757, %add3A_887 : i32
        %mul3A_889 = arith.constant 2000 : i32
        %mul3A_890 = arith.muli %add3A_888, %mul3A_889 : i32
        %add3A_891 = arith.addi %mul3A_2, %mul3A_890 : i32
        %mul3A_892 = arith.constant 2000 : i32
        %mul3A_893 = arith.muli %sub3A_759, %mul3A_892 : i32
        %dma_start3A_894 = tpu.memref_slice %arg6[%mul3A_893] : memref<4000xi32, #tpu.memory_space<vmem>> -> memref<2000xi32, #tpu.memory_space<vmem>>
        %dma_start3A_895 = tpu.memref_slice %arg3[%add3A_891] : memref<320000xi32, #tpu.memory_space<hbm>> -> memref<2000xi32, #tpu.memory_space<hbm>>
        %dma_start3A_896 = tpu.memref_slice %arg6[%mul3A_893] : memref<4000xi32, #tpu.memory_space<vmem>> -> memref<2000xi32, #tpu.memory_space<vmem>>
        %dma_start3A_897 = tpu.memref_slice %arg3[%add3A_891] : memref<320000xi32, #tpu.memory_space<hbm>> -> memref<2000xi32, #tpu.memory_space<hbm>>
        tpu.enqueue_dma source(%dma_start3A_897 : memref<2000xi32, #tpu.memory_space<hbm>>) target(%dma_start3A_896 : memref<2000xi32, #tpu.memory_space<vmem>>) target_semaphore(%arg15 : memref<!tpu.dma_semaphore, #tpu.memory_space<semaphore_mem>>)
        %add3A_898 = arith.constant 1 : i32
        %add3A_899 = arith.addi %scan3A_757, %add3A_898 : i32
        %mul3A_900 = arith.constant 2000 : i32
        %mul3A_901 = arith.muli %add3A_899, %mul3A_900 : i32
        %add3A_902 = arith.addi %mul3A_2, %mul3A_901 : i32
        %mul3A_903 = arith.constant 2000 : i32
        %mul3A_904 = arith.muli %sub3A_759, %mul3A_903 : i32
        %dma_start3A_905 = tpu.memref_slice %arg7[%mul3A_904] : memref<4000xi32, #tpu.memory_space<vmem>> -> memref<2000xi32, #tpu.memory_space<vmem>>
        %dma_start3A_906 = tpu.memref_slice %arg4[%add3A_902] : memref<320000xi32, #tpu.memory_space<hbm>> -> memref<2000xi32, #tpu.memory_space<hbm>>
        %dma_start3A_907 = tpu.memref_slice %arg7[%mul3A_904] : memref<4000xi32, #tpu.memory_space<vmem>> -> memref<2000xi32, #tpu.memory_space<vmem>>
        %dma_start3A_908 = tpu.memref_slice %arg4[%add3A_902] : memref<320000xi32, #tpu.memory_space<hbm>> -> memref<2000xi32, #tpu.memory_space<hbm>>
        tpu.enqueue_dma source(%dma_start3A_908 : memref<2000xi32, #tpu.memory_space<hbm>>) target(%dma_start3A_907 : memref<2000xi32, #tpu.memory_space<vmem>>) target_semaphore(%arg16 : memref<!tpu.dma_semaphore, #tpu.memory_space<semaphore_mem>>)
      } else {
      }
      %scan3A_764 = arith.constant 0 : i32
      %scan3A_765 = arith.constant 0 : i32
      %scan3A_766 = arith.constant 9 : i32
      %scan3A_767 = arith.addi %scan3A_765, %scan3A_766 : i32
      %scan3A_768 = arith.constant 1 : i32
      scf.for %scan3A_887 = %scan3A_765 to %scan3A_767 step %scan3A_768  : i32 {
        %mul3A_888 = arith.constant 5 : i32
        %mul3A_889 = arith.muli %scan3A_887, %mul3A_888 : i32
        %add3A_890 = arith.constant 0 : i32
        %add3A_891 = arith.addi %mul3A_889, %add3A_890 : i32
        %mul3A_892 = arith.constant 2000 : i32
        %mul3A_893 = arith.muli %rem3A_758, %mul3A_892 : i32
        %mul3A_894 = arith.constant 40 : i32
        %mul3A_895 = arith.muli %add3A_891, %mul3A_894 : i32
        %add3A_896 = arith.addi %mul3A_893, %mul3A_895 : i32
        %dma_wait3A_897 = arith.constant 0 : i32
        %dma_wait3A_898 = arith.constant 0 : i32
        %dma_wait3A_899 = tpu.memref_slice %arg8[%dma_wait3A_897, %dma_wait3A_898] : memref<200x128xf32, #tpu.memory_space<vmem>> -> memref<40x128xf32, #tpu.memory_space<vmem>>
        %dma_wait3A_900 = tpu.memref_slice %arg6[%add3A_896] : memref<4000xi32, #tpu.memory_space<vmem>> -> memref<40xi32, #tpu.memory_space<vmem>>
        %dma_wait3A_901 = arith.constant 0 : i32
        %dma_wait3A_902 = arith.constant 0 : i32
        %dma_wait3A_903 = tpu.memref_slice %arg2[%dma_wait3A_901, %dma_wait3A_902] : memref<10000x128xf32, #tpu.memory_space<hbm>> -> memref<10000x128xf32, #tpu.memory_space<hbm>>
        tpu.wait_indirect_dma semaphore(%arg10 : memref<!tpu.dma_semaphore, #tpu.memory_space<semaphore_mem>>) src(%dma_wait3A_903 : memref<10000x128xf32, #tpu.memory_space<hbm>>) dst(%dma_wait3A_899 : memref<40x128xf32, #tpu.memory_space<vmem>>)
        %mul3A_904 = arith.constant 2000 : i32
        %mul3A_905 = arith.muli %rem3A_758, %mul3A_904 : i32
        %mul3A_906 = arith.constant 40 : i32
        %mul3A_907 = arith.muli %add3A_891, %mul3A_906 : i32
        %add3A_908 = arith.addi %mul3A_905, %mul3A_907 : i32
        "tpu.region"() ({
          %run_scoped3A = tpu.sem_alloc : memref<!tpu.dma_semaphore, #tpu.memory_space<semaphore_mem>>
          %dma_start3A_1063 = arith.constant 0 : i32
          %dma_start3A_1064 = arith.constant 0 : i32
          %dma_start3A_1065 = tpu.memref_slice %arg8[%dma_start3A_1063, %dma_start3A_1064] : memref<200x128xf32, #tpu.memory_space<vmem>> -> memref<40x128xf32, #tpu.memory_space<vmem>>
          %dma_start3A_1066 = tpu.memref_slice %arg7[%add3A_908] : memref<4000xi32, #tpu.memory_space<vmem>> -> memref<40xi32, #tpu.memory_space<vmem>>
          %dma_start3A_1067 = arith.constant 0 : i32
          %dma_start3A_1068 = arith.constant 0 : i32
          %dma_start3A_1069 = tpu.memref_slice %arg9[%dma_start3A_1067, %dma_start3A_1068] : memref<10240x128xf32, #tpu.memory_space<vmem_shared>> -> memref<10240x128xf32, #tpu.memory_space<vmem_shared>>
          tpu.enqueue_indirect_dma source(%dma_start3A_1065 : memref<40x128xf32, #tpu.memory_space<vmem>>) target(%dma_start3A_1069 : memref<10240x128xf32, #tpu.memory_space<vmem_shared>>) offsets(%dma_start3A_1066 : memref<40xi32, #tpu.memory_space<vmem>>) semaphore(%run_scoped3A : memref<!tpu.dma_semaphore, #tpu.memory_space<semaphore_mem>>) {add = true}
          %dma_wait3A_1070 = arith.constant 0 : i32
          %dma_wait3A_1071 = arith.constant 0 : i32
          %dma_wait3A_1072 = tpu.memref_slice %arg8[%dma_wait3A_1070, %dma_wait3A_1071] : memref<200x128xf32, #tpu.memory_space<vmem>> -> memref<40x128xf32, #tpu.memory_space<vmem>>
          %dma_wait3A_1073 = tpu.memref_slice %arg7[%add3A_908] : memref<4000xi32, #tpu.memory_space<vmem>> -> memref<40xi32, #tpu.memory_space<vmem>>
          %dma_wait3A_1074 = arith.constant 0 : i32
          %dma_wait3A_1075 = arith.constant 0 : i32
          %dma_wait3A_1076 = tpu.memref_slice %arg9[%dma_wait3A_1074, %dma_wait3A_1075] : memref<10240x128xf32, #tpu.memory_space<vmem_shared>> -> memref<10240x128xf32, #tpu.memory_space<vmem_shared>>
          tpu.wait_indirect_dma semaphore(%run_scoped3A : memref<!tpu.dma_semaphore, #tpu.memory_space<semaphore_mem>>) src(%dma_wait3A_1072 : memref<40x128xf32, #tpu.memory_space<vmem>>) dst(%dma_wait3A_1076 : memref<10240x128xf32, #tpu.memory_space<vmem_shared>>)
          tpu.yield
        }) : () -> ()
        %add3A_909 = arith.constant 5 : i32
        %add3A_910 = arith.addi %add3A_891, %add3A_909 : i32
        %mul3A_911 = arith.constant 2000 : i32
        %mul3A_912 = arith.muli %rem3A_758, %mul3A_911 : i32
        %mul3A_913 = arith.constant 40 : i32
        %mul3A_914 = arith.muli %add3A_910, %mul3A_913 : i32
        %add3A_915 = arith.addi %mul3A_912, %mul3A_914 : i32
        %dma_start3A_916 = arith.constant 0 : i32
        %dma_start3A_917 = arith.constant 0 : i32
        %dma_start3A_918 = tpu.memref_slice %arg8[%dma_start3A_916, %dma_start3A_917] : memref<200x128xf32, #tpu.memory_space<vmem>> -> memref<40x128xf32, #tpu.memory_space<vmem>>
        %dma_start3A_919 = tpu.memref_slice %arg6[%add3A_915] : memref<4000xi32, #tpu.memory_space<vmem>> -> memref<40xi32, #tpu.memory_space<vmem>>
        %dma_start3A_920 = arith.constant 0 : i32
        %dma_start3A_921 = arith.constant 0 : i32
        %dma_start3A_922 = tpu.memref_slice %arg2[%dma_start3A_920, %dma_start3A_921] : memref<10000x128xf32, #tpu.memory_space<hbm>> -> memref<10000x128xf32, #tpu.memory_space<hbm>>
        tpu.enqueue_indirect_dma source(%dma_start3A_922 : memref<10000x128xf32, #tpu.memory_space<hbm>>) target(%dma_start3A_918 : memref<40x128xf32, #tpu.memory_space<vmem>>) offsets(%dma_start3A_919 : memref<40xi32, #tpu.memory_space<vmem>>) semaphore(%arg10 : memref<!tpu.dma_semaphore, #tpu.memory_space<semaphore_mem>>)
        %mul3A_923 = arith.constant 5 : i32
        %mul3A_924 = arith.muli %scan3A_887, %mul3A_923 : i32
        %add3A_925 = arith.constant 1 : i32
        %add3A_926 = arith.addi %mul3A_924, %add3A_925 : i32
        %mul3A_927 = arith.constant 2000 : i32
        %mul3A_928 = arith.muli %rem3A_758, %mul3A_927 : i32
        %mul3A_929 = arith.constant 40 : i32
        %mul3A_930 = arith.muli %add3A_926, %mul3A_929 : i32
        %add3A_931 = arith.addi %mul3A_928, %mul3A_930 : i32
        %dma_wait3A_932 = arith.constant 40 : i32
        %dma_wait3A_933 = arith.constant 0 : i32
        %dma_wait3A_934 = tpu.memref_slice %arg8[%dma_wait3A_932, %dma_wait3A_933] : memref<200x128xf32, #tpu.memory_space<vmem>> -> memref<40x128xf32, #tpu.memory_space<vmem>>
        %dma_wait3A_935 = tpu.memref_slice %arg6[%add3A_931] : memref<4000xi32, #tpu.memory_space<vmem>> -> memref<40xi32, #tpu.memory_space<vmem>>
        %dma_wait3A_936 = arith.constant 0 : i32
        %dma_wait3A_937 = arith.constant 0 : i32
        %dma_wait3A_938 = tpu.memref_slice %arg2[%dma_wait3A_936, %dma_wait3A_937] : memref<10000x128xf32, #tpu.memory_space<hbm>> -> memref<10000x128xf32, #tpu.memory_space<hbm>>
        tpu.wait_indirect_dma semaphore(%arg11 : memref<!tpu.dma_semaphore, #tpu.memory_space<semaphore_mem>>) src(%dma_wait3A_938 : memref<10000x128xf32, #tpu.memory_space<hbm>>) dst(%dma_wait3A_934 : memref<40x128xf32, #tpu.memory_space<vmem>>)
        %mul3A_939 = arith.constant 2000 : i32
        %mul3A_940 = arith.muli %rem3A_758, %mul3A_939 : i32
        %mul3A_941 = arith.constant 40 : i32
        %mul3A_942 = arith.muli %add3A_926, %mul3A_941 : i32
        %add3A_943 = arith.addi %mul3A_940, %mul3A_942 : i32
        "tpu.region"() ({
          %run_scoped3A = tpu.sem_alloc : memref<!tpu.dma_semaphore, #tpu.memory_space<semaphore_mem>>
          %dma_start3A_1063 = arith.constant 40 : i32
          %dma_start3A_1064 = arith.constant 0 : i32
          %dma_start3A_1065 = tpu.memref_slice %arg8[%dma_start3A_1063, %dma_start3A_1064] : memref<200x128xf32, #tpu.memory_space<vmem>> -> memref<40x128xf32, #tpu.memory_space<vmem>>
          %dma_start3A_1066 = tpu.memref_slice %arg7[%add3A_943] : memref<4000xi32, #tpu.memory_space<vmem>> -> memref<40xi32, #tpu.memory_space<vmem>>
          %dma_start3A_1067 = arith.constant 0 : i32
          %dma_start3A_1068 = arith.constant 0 : i32
          %dma_start3A_1069 = tpu.memref_slice %arg9[%dma_start3A_1067, %dma_start3A_1068] : memref<10240x128xf32, #tpu.memory_space<vmem_shared>> -> memref<10240x128xf32, #tpu.memory_space<vmem_shared>>
          tpu.enqueue_indirect_dma source(%dma_start3A_1065 : memref<40x128xf32, #tpu.memory_space<vmem>>) target(%dma_start3A_1069 : memref<10240x128xf32, #tpu.memory_space<vmem_shared>>) offsets(%dma_start3A_1066 : memref<40xi32, #tpu.memory_space<vmem>>) semaphore(%run_scoped3A : memref<!tpu.dma_semaphore, #tpu.memory_space<semaphore_mem>>) {add = true}
          %dma_wait3A_1070 = arith.constant 40 : i32
          %dma_wait3A_1071 = arith.constant 0 : i32
          %dma_wait3A_1072 = tpu.memref_slice %arg8[%dma_wait3A_1070, %dma_wait3A_1071] : memref<200x128xf32, #tpu.memory_space<vmem>> -> memref<40x128xf32, #tpu.memory_space<vmem>>
          %dma_wait3A_1073 = tpu.memref_slice %arg7[%add3A_943] : memref<4000xi32, #tpu.memory_space<vmem>> -> memref<40xi32, #tpu.memory_space<vmem>>
          %dma_wait3A_1074 = arith.constant 0 : i32
          %dma_wait3A_1075 = arith.constant 0 : i32
          %dma_wait3A_1076 = tpu.memref_slice %arg9[%dma_wait3A_1074, %dma_wait3A_1075] : memref<10240x128xf32, #tpu.memory_space<vmem_shared>> -> memref<10240x128xf32, #tpu.memory_space<vmem_shared>>
          tpu.wait_indirect_dma semaphore(%run_scoped3A : memref<!tpu.dma_semaphore, #tpu.memory_space<semaphore_mem>>) src(%dma_wait3A_1072 : memref<40x128xf32, #tpu.memory_space<vmem>>) dst(%dma_wait3A_1076 : memref<10240x128xf32, #tpu.memory_space<vmem_shared>>)
          tpu.yield
        }) : () -> ()
        %add3A_944 = arith.constant 5 : i32
        %add3A_945 = arith.addi %add3A_926, %add3A_944 : i32
        %mul3A_946 = arith.constant 2000 : i32
        %mul3A_947 = arith.muli %rem3A_758, %mul3A_946 : i32
        %mul3A_948 = arith.constant 40 : i32
        %mul3A_949 = arith.muli %add3A_945, %mul3A_948 : i32
        %add3A_950 = arith.addi %mul3A_947, %mul3A_949 : i32
        %dma_start3A_951 = arith.constant 40 : i32
        %dma_start3A_952 = arith.constant 0 : i32
        %dma_start3A_953 = tpu.memref_slice %arg8[%dma_start3A_951, %dma_start3A_952] : memref<200x128xf32, #tpu.memory_space<vmem>> -> memref<40x128xf32, #tpu.memory_space<vmem>>
        %dma_start3A_954 = tpu.memref_slice %arg6[%add3A_950] : memref<4000xi32, #tpu.memory_space<vmem>> -> memref<40xi32, #tpu.memory_space<vmem>>
        %dma_start3A_955 = arith.constant 0 : i32
        %dma_start3A_956 = arith.constant 0 : i32
        %dma_start3A_957 = tpu.memref_slice %arg2[%dma_start3A_955, %dma_start3A_956] : memref<10000x128xf32, #tpu.memory_space<hbm>> -> memref<10000x128xf32, #tpu.memory_space<hbm>>
        tpu.enqueue_indirect_dma source(%dma_start3A_957 : memref<10000x128xf32, #tpu.memory_space<hbm>>) target(%dma_start3A_953 : memref<40x128xf32, #tpu.memory_space<vmem>>) offsets(%dma_start3A_954 : memref<40xi32, #tpu.memory_space<vmem>>) semaphore(%arg11 : memref<!tpu.dma_semaphore, #tpu.memory_space<semaphore_mem>>)
        %mul3A_958 = arith.constant 5 : i32
        %mul3A_959 = arith.muli %scan3A_887, %mul3A_958 : i32
        %add3A_960 = arith.constant 2 : i32
        %add3A_961 = arith.addi %mul3A_959, %add3A_960 : i32
        %mul3A_962 = arith.constant 2000 : i32
        %mul3A_963 = arith.muli %rem3A_758, %mul3A_962 : i32
        %mul3A_964 = arith.constant 40 : i32
        %mul3A_965 = arith.muli %add3A_961, %mul3A_964 : i32
        %add3A_966 = arith.addi %mul3A_963, %mul3A_965 : i32
        %dma_wait3A_967 = arith.constant 80 : i32
        %dma_wait3A_968 = arith.constant 0 : i32
        %dma_wait3A_969 = tpu.memref_slice %arg8[%dma_wait3A_967, %dma_wait3A_968] : memref<200x128xf32, #tpu.memory_space<vmem>> -> memref<40x128xf32, #tpu.memory_space<vmem>>
        %dma_wait3A_970 = tpu.memref_slice %arg6[%add3A_966] : memref<4000xi32, #tpu.memory_space<vmem>> -> memref<40xi32, #tpu.memory_space<vmem>>
        %dma_wait3A_971 = arith.constant 0 : i32
        %dma_wait3A_972 = arith.constant 0 : i32
        %dma_wait3A_973 = tpu.memref_slice %arg2[%dma_wait3A_971, %dma_wait3A_972] : memref<10000x128xf32, #tpu.memory_space<hbm>> -> memref<10000x128xf32, #tpu.memory_space<hbm>>
        tpu.wait_indirect_dma semaphore(%arg12 : memref<!tpu.dma_semaphore, #tpu.memory_space<semaphore_mem>>) src(%dma_wait3A_973 : memref<10000x128xf32, #tpu.memory_space<hbm>>) dst(%dma_wait3A_969 : memref<40x128xf32, #tpu.memory_space<vmem>>)
        %mul3A_974 = arith.constant 2000 : i32
        %mul3A_975 = arith.muli %rem3A_758, %mul3A_974 : i32
        %mul3A_976 = arith.constant 40 : i32
        %mul3A_977 = arith.muli %add3A_961, %mul3A_976 : i32
        %add3A_978 = arith.addi %mul3A_975, %mul3A_977 : i32
        "tpu.region"() ({
          %run_scoped3A = tpu.sem_alloc : memref<!tpu.dma_semaphore, #tpu.memory_space<semaphore_mem>>
          %dma_start3A_1063 = arith.constant 80 : i32
          %dma_start3A_1064 = arith.constant 0 : i32
          %dma_start3A_1065 = tpu.memref_slice %arg8[%dma_start3A_1063, %dma_start3A_1064] : memref<200x128xf32, #tpu.memory_space<vmem>> -> memref<40x128xf32, #tpu.memory_space<vmem>>
          %dma_start3A_1066 = tpu.memref_slice %arg7[%add3A_978] : memref<4000xi32, #tpu.memory_space<vmem>> -> memref<40xi32, #tpu.memory_space<vmem>>
          %dma_start3A_1067 = arith.constant 0 : i32
          %dma_start3A_1068 = arith.constant 0 : i32
          %dma_start3A_1069 = tpu.memref_slice %arg9[%dma_start3A_1067, %dma_start3A_1068] : memref<10240x128xf32, #tpu.memory_space<vmem_shared>> -> memref<10240x128xf32, #tpu.memory_space<vmem_shared>>
          tpu.enqueue_indirect_dma source(%dma_start3A_1065 : memref<40x128xf32, #tpu.memory_space<vmem>>) target(%dma_start3A_1069 : memref<10240x128xf32, #tpu.memory_space<vmem_shared>>) offsets(%dma_start3A_1066 : memref<40xi32, #tpu.memory_space<vmem>>) semaphore(%run_scoped3A : memref<!tpu.dma_semaphore, #tpu.memory_space<semaphore_mem>>) {add = true}
          %dma_wait3A_1070 = arith.constant 80 : i32
          %dma_wait3A_1071 = arith.constant 0 : i32
          %dma_wait3A_1072 = tpu.memref_slice %arg8[%dma_wait3A_1070, %dma_wait3A_1071] : memref<200x128xf32, #tpu.memory_space<vmem>> -> memref<40x128xf32, #tpu.memory_space<vmem>>
          %dma_wait3A_1073 = tpu.memref_slice %arg7[%add3A_978] : memref<4000xi32, #tpu.memory_space<vmem>> -> memref<40xi32, #tpu.memory_space<vmem>>
          %dma_wait3A_1074 = arith.constant 0 : i32
          %dma_wait3A_1075 = arith.constant 0 : i32
          %dma_wait3A_1076 = tpu.memref_slice %arg9[%dma_wait3A_1074, %dma_wait3A_1075] : memref<10240x128xf32, #tpu.memory_space<vmem_shared>> -> memref<10240x128xf32, #tpu.memory_space<vmem_shared>>
          tpu.wait_indirect_dma semaphore(%run_scoped3A : memref<!tpu.dma_semaphore, #tpu.memory_space<semaphore_mem>>) src(%dma_wait3A_1072 : memref<40x128xf32, #tpu.memory_space<vmem>>) dst(%dma_wait3A_1076 : memref<10240x128xf32, #tpu.memory_space<vmem_shared>>)
          tpu.yield
        }) : () -> ()
        %add3A_979 = arith.constant 5 : i32
        %add3A_980 = arith.addi %add3A_961, %add3A_979 : i32
        %mul3A_981 = arith.constant 2000 : i32
        %mul3A_982 = arith.muli %rem3A_758, %mul3A_981 : i32
        %mul3A_983 = arith.constant 40 : i32
        %mul3A_984 = arith.muli %add3A_980, %mul3A_983 : i32
        %add3A_985 = arith.addi %mul3A_982, %mul3A_984 : i32
        %dma_start3A_986 = arith.constant 80 : i32
        %dma_start3A_987 = arith.constant 0 : i32
        %dma_start3A_988 = tpu.memref_slice %arg8[%dma_start3A_986, %dma_start3A_987] : memref<200x128xf32, #tpu.memory_space<vmem>> -> memref<40x128xf32, #tpu.memory_space<vmem>>
        %dma_start3A_989 = tpu.memref_slice %arg6[%add3A_985] : memref<4000xi32, #tpu.memory_space<vmem>> -> memref<40xi32, #tpu.memory_space<vmem>>
        %dma_start3A_990 = arith.constant 0 : i32
        %dma_start3A_991 = arith.constant 0 : i32
        %dma_start3A_992 = tpu.memref_slice %arg2[%dma_start3A_990, %dma_start3A_991] : memref<10000x128xf32, #tpu.memory_space<hbm>> -> memref<10000x128xf32, #tpu.memory_space<hbm>>
        tpu.enqueue_indirect_dma source(%dma_start3A_992 : memref<10000x128xf32, #tpu.memory_space<hbm>>) target(%dma_start3A_988 : memref<40x128xf32, #tpu.memory_space<vmem>>) offsets(%dma_start3A_989 : memref<40xi32, #tpu.memory_space<vmem>>) semaphore(%arg12 : memref<!tpu.dma_semaphore, #tpu.memory_space<semaphore_mem>>)
        %mul3A_993 = arith.constant 5 : i32
        %mul3A_994 = arith.muli %scan3A_887, %mul3A_993 : i32
        %add3A_995 = arith.constant 3 : i32
        %add3A_996 = arith.addi %mul3A_994, %add3A_995 : i32
        %mul3A_997 = arith.constant 2000 : i32
        %mul3A_998 = arith.muli %rem3A_758, %mul3A_997 : i32
        %mul3A_999 = arith.constant 40 : i32
        %mul3A_1000 = arith.muli %add3A_996, %mul3A_999 : i32
        %add3A_1001 = arith.addi %mul3A_998, %mul3A_1000 : i32
        %dma_wait3A_1002 = arith.constant 120 : i32
        %dma_wait3A_1003 = arith.constant 0 : i32
        %dma_wait3A_1004 = tpu.memref_slice %arg8[%dma_wait3A_1002, %dma_wait3A_1003] : memref<200x128xf32, #tpu.memory_space<vmem>> -> memref<40x128xf32, #tpu.memory_space<vmem>>
        %dma_wait3A_1005 = tpu.memref_slice %arg6[%add3A_1001] : memref<4000xi32, #tpu.memory_space<vmem>> -> memref<40xi32, #tpu.memory_space<vmem>>
        %dma_wait3A_1006 = arith.constant 0 : i32
        %dma_wait3A_1007 = arith.constant 0 : i32
        %dma_wait3A_1008 = tpu.memref_slice %arg2[%dma_wait3A_1006, %dma_wait3A_1007] : memref<10000x128xf32, #tpu.memory_space<hbm>> -> memref<10000x128xf32, #tpu.memory_space<hbm>>
        tpu.wait_indirect_dma semaphore(%arg13 : memref<!tpu.dma_semaphore, #tpu.memory_space<semaphore_mem>>) src(%dma_wait3A_1008 : memref<10000x128xf32, #tpu.memory_space<hbm>>) dst(%dma_wait3A_1004 : memref<40x128xf32, #tpu.memory_space<vmem>>)
        %mul3A_1009 = arith.constant 2000 : i32
        %mul3A_1010 = arith.muli %rem3A_758, %mul3A_1009 : i32
        %mul3A_1011 = arith.constant 40 : i32
        %mul3A_1012 = arith.muli %add3A_996, %mul3A_1011 : i32
        %add3A_1013 = arith.addi %mul3A_1010, %mul3A_1012 : i32
        "tpu.region"() ({
          %run_scoped3A = tpu.sem_alloc : memref<!tpu.dma_semaphore, #tpu.memory_space<semaphore_mem>>
          %dma_start3A_1063 = arith.constant 120 : i32
          %dma_start3A_1064 = arith.constant 0 : i32
          %dma_start3A_1065 = tpu.memref_slice %arg8[%dma_start3A_1063, %dma_start3A_1064] : memref<200x128xf32, #tpu.memory_space<vmem>> -> memref<40x128xf32, #tpu.memory_space<vmem>>
          %dma_start3A_1066 = tpu.memref_slice %arg7[%add3A_1013] : memref<4000xi32, #tpu.memory_space<vmem>> -> memref<40xi32, #tpu.memory_space<vmem>>
          %dma_start3A_1067 = arith.constant 0 : i32
          %dma_start3A_1068 = arith.constant 0 : i32
          %dma_start3A_1069 = tpu.memref_slice %arg9[%dma_start3A_1067, %dma_start3A_1068] : memref<10240x128xf32, #tpu.memory_space<vmem_shared>> -> memref<10240x128xf32, #tpu.memory_space<vmem_shared>>
          tpu.enqueue_indirect_dma source(%dma_start3A_1065 : memref<40x128xf32, #tpu.memory_space<vmem>>) target(%dma_start3A_1069 : memref<10240x128xf32, #tpu.memory_space<vmem_shared>>) offsets(%dma_start3A_1066 : memref<40xi32, #tpu.memory_space<vmem>>) semaphore(%run_scoped3A : memref<!tpu.dma_semaphore, #tpu.memory_space<semaphore_mem>>) {add = true}
          %dma_wait3A_1070 = arith.constant 120 : i32
          %dma_wait3A_1071 = arith.constant 0 : i32
          %dma_wait3A_1072 = tpu.memref_slice %arg8[%dma_wait3A_1070, %dma_wait3A_1071] : memref<200x128xf32, #tpu.memory_space<vmem>> -> memref<40x128xf32, #tpu.memory_space<vmem>>
          %dma_wait3A_1073 = tpu.memref_slice %arg7[%add3A_1013] : memref<4000xi32, #tpu.memory_space<vmem>> -> memref<40xi32, #tpu.memory_space<vmem>>
          %dma_wait3A_1074 = arith.constant 0 : i32
          %dma_wait3A_1075 = arith.constant 0 : i32
          %dma_wait3A_1076 = tpu.memref_slice %arg9[%dma_wait3A_1074, %dma_wait3A_1075] : memref<10240x128xf32, #tpu.memory_space<vmem_shared>> -> memref<10240x128xf32, #tpu.memory_space<vmem_shared>>
          tpu.wait_indirect_dma semaphore(%run_scoped3A : memref<!tpu.dma_semaphore, #tpu.memory_space<semaphore_mem>>) src(%dma_wait3A_1072 : memref<40x128xf32, #tpu.memory_space<vmem>>) dst(%dma_wait3A_1076 : memref<10240x128xf32, #tpu.memory_space<vmem_shared>>)
          tpu.yield
        }) : () -> ()
        %add3A_1014 = arith.constant 5 : i32
        %add3A_1015 = arith.addi %add3A_996, %add3A_1014 : i32
        %mul3A_1016 = arith.constant 2000 : i32
        %mul3A_1017 = arith.muli %rem3A_758, %mul3A_1016 : i32
        %mul3A_1018 = arith.constant 40 : i32
        %mul3A_1019 = arith.muli %add3A_1015, %mul3A_1018 : i32
        %add3A_1020 = arith.addi %mul3A_1017, %mul3A_1019 : i32
        %dma_start3A_1021 = arith.constant 120 : i32
        %dma_start3A_1022 = arith.constant 0 : i32
        %dma_start3A_1023 = tpu.memref_slice %arg8[%dma_start3A_1021, %dma_start3A_1022] : memref<200x128xf32, #tpu.memory_space<vmem>> -> memref<40x128xf32, #tpu.memory_space<vmem>>
        %dma_start3A_1024 = tpu.memref_slice %arg6[%add3A_1020] : memref<4000xi32, #tpu.memory_space<vmem>> -> memref<40xi32, #tpu.memory_space<vmem>>
        %dma_start3A_1025 = arith.constant 0 : i32
        %dma_start3A_1026 = arith.constant 0 : i32
        %dma_start3A_1027 = tpu.memref_slice %arg2[%dma_start3A_1025, %dma_start3A_1026] : memref<10000x128xf32, #tpu.memory_space<hbm>> -> memref<10000x128xf32, #tpu.memory_space<hbm>>
        tpu.enqueue_indirect_dma source(%dma_start3A_1027 : memref<10000x128xf32, #tpu.memory_space<hbm>>) target(%dma_start3A_1023 : memref<40x128xf32, #tpu.memory_space<vmem>>) offsets(%dma_start3A_1024 : memref<40xi32, #tpu.memory_space<vmem>>) semaphore(%arg13 : memref<!tpu.dma_semaphore, #tpu.memory_space<semaphore_mem>>)
        %mul3A_1028 = arith.constant 5 : i32
        %mul3A_1029 = arith.muli %scan3A_887, %mul3A_1028 : i32
        %add3A_1030 = arith.constant 4 : i32
        %add3A_1031 = arith.addi %mul3A_1029, %add3A_1030 : i32
        %mul3A_1032 = arith.constant 2000 : i32
        %mul3A_1033 = arith.muli %rem3A_758, %mul3A_1032 : i32
        %mul3A_1034 = arith.constant 40 : i32
        %mul3A_1035 = arith.muli %add3A_1031, %mul3A_1034 : i32
        %add3A_1036 = arith.addi %mul3A_1033, %mul3A_1035 : i32
        %dma_wait3A_1037 = arith.constant 160 : i32
        %dma_wait3A_1038 = arith.constant 0 : i32
        %dma_wait3A_1039 = tpu.memref_slice %arg8[%dma_wait3A_1037, %dma_wait3A_1038] : memref<200x128xf32, #tpu.memory_space<vmem>> -> memref<40x128xf32, #tpu.memory_space<vmem>>
        %dma_wait3A_1040 = tpu.memref_slice %arg6[%add3A_1036] : memref<4000xi32, #tpu.memory_space<vmem>> -> memref<40xi32, #tpu.memory_space<vmem>>
        %dma_wait3A_1041 = arith.constant 0 : i32
        %dma_wait3A_1042 = arith.constant 0 : i32
        %dma_wait3A_1043 = tpu.memref_slice %arg2[%dma_wait3A_1041, %dma_wait3A_1042] : memref<10000x128xf32, #tpu.memory_space<hbm>> -> memref<10000x128xf32, #tpu.memory_space<hbm>>
        tpu.wait_indirect_dma semaphore(%arg14 : memref<!tpu.dma_semaphore, #tpu.memory_space<semaphore_mem>>) src(%dma_wait3A_1043 : memref<10000x128xf32, #tpu.memory_space<hbm>>) dst(%dma_wait3A_1039 : memref<40x128xf32, #tpu.memory_space<vmem>>)
        %mul3A_1044 = arith.constant 2000 : i32
        %mul3A_1045 = arith.muli %rem3A_758, %mul3A_1044 : i32
        %mul3A_1046 = arith.constant 40 : i32
        %mul3A_1047 = arith.muli %add3A_1031, %mul3A_1046 : i32
        %add3A_1048 = arith.addi %mul3A_1045, %mul3A_1047 : i32
        "tpu.region"() ({
          %run_scoped3A = tpu.sem_alloc : memref<!tpu.dma_semaphore, #tpu.memory_space<semaphore_mem>>
          %dma_start3A_1063 = arith.constant 160 : i32
          %dma_start3A_1064 = arith.constant 0 : i32
          %dma_start3A_1065 = tpu.memref_slice %arg8[%dma_start3A_1063, %dma_start3A_1064] : memref<200x128xf32, #tpu.memory_space<vmem>> -> memref<40x128xf32, #tpu.memory_space<vmem>>
          %dma_start3A_1066 = tpu.memref_slice %arg7[%add3A_1048] : memref<4000xi32, #tpu.memory_space<vmem>> -> memref<40xi32, #tpu.memory_space<vmem>>
          %dma_start3A_1067 = arith.constant 0 : i32
          %dma_start3A_1068 = arith.constant 0 : i32
          %dma_start3A_1069 = tpu.memref_slice %arg9[%dma_start3A_1067, %dma_start3A_1068] : memref<10240x128xf32, #tpu.memory_space<vmem_shared>> -> memref<10240x128xf32, #tpu.memory_space<vmem_shared>>
          tpu.enqueue_indirect_dma source(%dma_start3A_1065 : memref<40x128xf32, #tpu.memory_space<vmem>>) target(%dma_start3A_1069 : memref<10240x128xf32, #tpu.memory_space<vmem_shared>>) offsets(%dma_start3A_1066 : memref<40xi32, #tpu.memory_space<vmem>>) semaphore(%run_scoped3A : memref<!tpu.dma_semaphore, #tpu.memory_space<semaphore_mem>>) {add = true}
          %dma_wait3A_1070 = arith.constant 160 : i32
          %dma_wait3A_1071 = arith.constant 0 : i32
          %dma_wait3A_1072 = tpu.memref_slice %arg8[%dma_wait3A_1070, %dma_wait3A_1071] : memref<200x128xf32, #tpu.memory_space<vmem>> -> memref<40x128xf32, #tpu.memory_space<vmem>>
          %dma_wait3A_1073 = tpu.memref_slice %arg7[%add3A_1048] : memref<4000xi32, #tpu.memory_space<vmem>> -> memref<40xi32, #tpu.memory_space<vmem>>
          %dma_wait3A_1074 = arith.constant 0 : i32
          %dma_wait3A_1075 = arith.constant 0 : i32
          %dma_wait3A_1076 = tpu.memref_slice %arg9[%dma_wait3A_1074, %dma_wait3A_1075] : memref<10240x128xf32, #tpu.memory_space<vmem_shared>> -> memref<10240x128xf32, #tpu.memory_space<vmem_shared>>
          tpu.wait_indirect_dma semaphore(%run_scoped3A : memref<!tpu.dma_semaphore, #tpu.memory_space<semaphore_mem>>) src(%dma_wait3A_1072 : memref<40x128xf32, #tpu.memory_space<vmem>>) dst(%dma_wait3A_1076 : memref<10240x128xf32, #tpu.memory_space<vmem_shared>>)
          tpu.yield
        }) : () -> ()
        %add3A_1049 = arith.constant 5 : i32
        %add3A_1050 = arith.addi %add3A_1031, %add3A_1049 : i32
        %mul3A_1051 = arith.constant 2000 : i32
        %mul3A_1052 = arith.muli %rem3A_758, %mul3A_1051 : i32
        %mul3A_1053 = arith.constant 40 : i32
        %mul3A_1054 = arith.muli %add3A_1050, %mul3A_1053 : i32
        %add3A_1055 = arith.addi %mul3A_1052, %mul3A_1054 : i32
        %dma_start3A_1056 = arith.constant 160 : i32
        %dma_start3A_1057 = arith.constant 0 : i32
        %dma_start3A_1058 = tpu.memref_slice %arg8[%dma_start3A_1056, %dma_start3A_1057] : memref<200x128xf32, #tpu.memory_space<vmem>> -> memref<40x128xf32, #tpu.memory_space<vmem>>
        %dma_start3A_1059 = tpu.memref_slice %arg6[%add3A_1055] : memref<4000xi32, #tpu.memory_space<vmem>> -> memref<40xi32, #tpu.memory_space<vmem>>
        %dma_start3A_1060 = arith.constant 0 : i32
        %dma_start3A_1061 = arith.constant 0 : i32
        %dma_start3A_1062 = tpu.memref_slice %arg2[%dma_start3A_1060, %dma_start3A_1061] : memref<10000x128xf32, #tpu.memory_space<hbm>> -> memref<10000x128xf32, #tpu.memory_space<hbm>>
        tpu.enqueue_indirect_dma source(%dma_start3A_1062 : memref<10000x128xf32, #tpu.memory_space<hbm>>) target(%dma_start3A_1058 : memref<40x128xf32, #tpu.memory_space<vmem>>) offsets(%dma_start3A_1059 : memref<40xi32, #tpu.memory_space<vmem>>) semaphore(%arg14 : memref<!tpu.dma_semaphore, #tpu.memory_space<semaphore_mem>>)
      }
      %scan3A_769 = arith.constant 9 : i32
      %mul3A_770 = arith.constant 2000 : i32
      %mul3A_771 = arith.muli %rem3A_758, %mul3A_770 : i32
      %add3A_772 = arith.constant 1800 : i32
      %add3A_773 = arith.addi %mul3A_771, %add3A_772 : i32
      %dma_wait3A_774 = arith.constant 0 : i32
      %dma_wait3A_775 = arith.constant 0 : i32
      %dma_wait3A_776 = tpu.memref_slice %arg8[%dma_wait3A_774, %dma_wait3A_775] : memref<200x128xf32, #tpu.memory_space<vmem>> -> memref<40x128xf32, #tpu.memory_space<vmem>>
      %dma_wait3A_777 = tpu.memref_slice %arg6[%add3A_773] : memref<4000xi32, #tpu.memory_space<vmem>> -> memref<40xi32, #tpu.memory_space<vmem>>
      %dma_wait3A_778 = arith.constant 0 : i32
      %dma_wait3A_779 = arith.constant 0 : i32
      %dma_wait3A_780 = tpu.memref_slice %arg2[%dma_wait3A_778, %dma_wait3A_779] : memref<10000x128xf32, #tpu.memory_space<hbm>> -> memref<10000x128xf32, #tpu.memory_space<hbm>>
      tpu.wait_indirect_dma semaphore(%arg10 : memref<!tpu.dma_semaphore, #tpu.memory_space<semaphore_mem>>) src(%dma_wait3A_780 : memref<10000x128xf32, #tpu.memory_space<hbm>>) dst(%dma_wait3A_776 : memref<40x128xf32, #tpu.memory_space<vmem>>)
      %mul3A_781 = arith.constant 2000 : i32
      %mul3A_782 = arith.muli %rem3A_758, %mul3A_781 : i32
      %add3A_783 = arith.constant 1800 : i32
      %add3A_784 = arith.addi %mul3A_782, %add3A_783 : i32
      "tpu.region"() ({
        %run_scoped3A = tpu.sem_alloc : memref<!tpu.dma_semaphore, #tpu.memory_space<semaphore_mem>>
        %dma_start3A_887 = arith.constant 0 : i32
        %dma_start3A_888 = arith.constant 0 : i32
        %dma_start3A_889 = tpu.memref_slice %arg8[%dma_start3A_887, %dma_start3A_888] : memref<200x128xf32, #tpu.memory_space<vmem>> -> memref<40x128xf32, #tpu.memory_space<vmem>>
        %dma_start3A_890 = tpu.memref_slice %arg7[%add3A_784] : memref<4000xi32, #tpu.memory_space<vmem>> -> memref<40xi32, #tpu.memory_space<vmem>>
        %dma_start3A_891 = arith.constant 0 : i32
        %dma_start3A_892 = arith.constant 0 : i32
        %dma_start3A_893 = tpu.memref_slice %arg9[%dma_start3A_891, %dma_start3A_892] : memref<10240x128xf32, #tpu.memory_space<vmem_shared>> -> memref<10240x128xf32, #tpu.memory_space<vmem_shared>>
        tpu.enqueue_indirect_dma source(%dma_start3A_889 : memref<40x128xf32, #tpu.memory_space<vmem>>) target(%dma_start3A_893 : memref<10240x128xf32, #tpu.memory_space<vmem_shared>>) offsets(%dma_start3A_890 : memref<40xi32, #tpu.memory_space<vmem>>) semaphore(%run_scoped3A : memref<!tpu.dma_semaphore, #tpu.memory_space<semaphore_mem>>) {add = true}
        %dma_wait3A_894 = arith.constant 0 : i32
        %dma_wait3A_895 = arith.constant 0 : i32
        %dma_wait3A_896 = tpu.memref_slice %arg8[%dma_wait3A_894, %dma_wait3A_895] : memref<200x128xf32, #tpu.memory_space<vmem>> -> memref<40x128xf32, #tpu.memory_space<vmem>>
        %dma_wait3A_897 = tpu.memref_slice %arg7[%add3A_784] : memref<4000xi32, #tpu.memory_space<vmem>> -> memref<40xi32, #tpu.memory_space<vmem>>
        %dma_wait3A_898 = arith.constant 0 : i32
        %dma_wait3A_899 = arith.constant 0 : i32
        %dma_wait3A_900 = tpu.memref_slice %arg9[%dma_wait3A_898, %dma_wait3A_899] : memref<10240x128xf32, #tpu.memory_space<vmem_shared>> -> memref<10240x128xf32, #tpu.memory_space<vmem_shared>>
        tpu.wait_indirect_dma semaphore(%run_scoped3A : memref<!tpu.dma_semaphore, #tpu.memory_space<semaphore_mem>>) src(%dma_wait3A_896 : memref<40x128xf32, #tpu.memory_space<vmem>>) dst(%dma_wait3A_900 : memref<10240x128xf32, #tpu.memory_space<vmem_shared>>)
        tpu.yield
      }) : () -> ()
      %add3A_785 = arith.constant 1 : i32
      %add3A_786 = arith.addi %scan3A_757, %add3A_785 : i32
      %lt3A_787 = arith.constant 5 : i32
      %lt3A_788 = arith.cmpi slt, %add3A_786, %lt3A_787 : i32
      %convert_element_type3A_789 = arith.extui %lt3A_788 : i1 to i32
      %cond3A_790 = arith.constant 0 : i32
      %cond3A_791 = arith.cmpi ne, %convert_element_type3A_789, %cond3A_790 : i32
      scf.if %cond3A_791 {
        %add3A_887 = arith.constant 1 : i32
        %add3A_888 = arith.addi %scan3A_757, %add3A_887 : i32
        %mul3A_889 = arith.constant 2000 : i32
        %mul3A_890 = arith.muli %add3A_888, %mul3A_889 : i32
        %add3A_891 = arith.addi %mul3A_2, %mul3A_890 : i32
        %mul3A_892 = arith.constant 2000 : i32
        %mul3A_893 = arith.muli %sub3A_759, %mul3A_892 : i32
        %dma_wait3A_894 = tpu.memref_slice %arg6[%mul3A_893] : memref<4000xi32, #tpu.memory_space<vmem>> -> memref<2000xi32, #tpu.memory_space<vmem>>
        %dma_wait3A_895 = tpu.memref_slice %arg3[%add3A_891] : memref<320000xi32, #tpu.memory_space<hbm>> -> memref<2000xi32, #tpu.memory_space<hbm>>
        %dma_wait3A_896 = tpu.memref_slice %arg6[%mul3A_893] : memref<4000xi32, #tpu.memory_space<vmem>> -> memref<2000xi32, #tpu.memory_space<vmem>>
        %dma_wait3A_897 = tpu.memref_slice %arg3[%add3A_891] : memref<320000xi32, #tpu.memory_space<hbm>> -> memref<2000xi32, #tpu.memory_space<hbm>>
        tpu.wait_dma2 semaphore(%arg15 : memref<!tpu.dma_semaphore, #tpu.memory_space<semaphore_mem>>) src(%dma_wait3A_897 : memref<2000xi32, #tpu.memory_space<hbm>>) dst(%dma_wait3A_896 : memref<2000xi32, #tpu.memory_space<vmem>>)
        %add3A_898 = arith.constant 1 : i32
        %add3A_899 = arith.addi %scan3A_757, %add3A_898 : i32
        %mul3A_900 = arith.constant 2000 : i32
        %mul3A_901 = arith.muli %add3A_899, %mul3A_900 : i32
        %add3A_902 = arith.addi %mul3A_2, %mul3A_901 : i32
        %mul3A_903 = arith.constant 2000 : i32
        %mul3A_904 = arith.muli %sub3A_759, %mul3A_903 : i32
        %dma_wait3A_905 = tpu.memref_slice %arg7[%mul3A_904] : memref<4000xi32, #tpu.memory_space<vmem>> -> memref<2000xi32, #tpu.memory_space<vmem>>
        %dma_wait3A_906 = tpu.memref_slice %arg4[%add3A_902] : memref<320000xi32, #tpu.memory_space<hbm>> -> memref<2000xi32, #tpu.memory_space<hbm>>
        %dma_wait3A_907 = tpu.memref_slice %arg7[%mul3A_904] : memref<4000xi32, #tpu.memory_space<vmem>> -> memref<2000xi32, #tpu.memory_space<vmem>>
        %dma_wait3A_908 = tpu.memref_slice %arg4[%add3A_902] : memref<320000xi32, #tpu.memory_space<hbm>> -> memref<2000xi32, #tpu.memory_space<hbm>>
        tpu.wait_dma2 semaphore(%arg16 : memref<!tpu.dma_semaphore, #tpu.memory_space<semaphore_mem>>) src(%dma_wait3A_908 : memref<2000xi32, #tpu.memory_space<hbm>>) dst(%dma_wait3A_907 : memref<2000xi32, #tpu.memory_space<vmem>>)
      } else {
      }
      %add3A_792 = arith.constant 1 : i32
      %add3A_793 = arith.addi %scan3A_757, %add3A_792 : i32
      %lt3A_794 = arith.constant 5 : i32
      %lt3A_795 = arith.cmpi slt, %add3A_793, %lt3A_794 : i32
      %convert_element_type3A_796 = arith.extui %lt3A_795 : i1 to i32
      %cond3A_797 = arith.constant 0 : i32
      %cond3A_798 = arith.cmpi ne, %convert_element_type3A_796, %cond3A_797 : i32
      scf.if %cond3A_798 {
        %mul3A_887 = arith.constant 2000 : i32
        %mul3A_888 = arith.muli %sub3A_759, %mul3A_887 : i32
        %add3A_889 = arith.constant 0 : i32
        %add3A_890 = arith.addi %mul3A_888, %add3A_889 : i32
        %dma_start3A_891 = arith.constant 0 : i32
        %dma_start3A_892 = arith.constant 0 : i32
        %dma_start3A_893 = tpu.memref_slice %arg8[%dma_start3A_891, %dma_start3A_892] : memref<200x128xf32, #tpu.memory_space<vmem>> -> memref<40x128xf32, #tpu.memory_space<vmem>>
        %dma_start3A_894 = tpu.memref_slice %arg6[%add3A_890] : memref<4000xi32, #tpu.memory_space<vmem>> -> memref<40xi32, #tpu.memory_space<vmem>>
        %dma_start3A_895 = arith.constant 0 : i32
        %dma_start3A_896 = arith.constant 0 : i32
        %dma_start3A_897 = tpu.memref_slice %arg2[%dma_start3A_895, %dma_start3A_896] : memref<10000x128xf32, #tpu.memory_space<hbm>> -> memref<10000x128xf32, #tpu.memory_space<hbm>>
        tpu.enqueue_indirect_dma source(%dma_start3A_897 : memref<10000x128xf32, #tpu.memory_space<hbm>>) target(%dma_start3A_893 : memref<40x128xf32, #tpu.memory_space<vmem>>) offsets(%dma_start3A_894 : memref<40xi32, #tpu.memory_space<vmem>>) semaphore(%arg10 : memref<!tpu.dma_semaphore, #tpu.memory_space<semaphore_mem>>)
      } else {
      }
      %mul3A_799 = arith.constant 2000 : i32
      %mul3A_800 = arith.muli %rem3A_758, %mul3A_799 : i32
      %add3A_801 = arith.constant 1840 : i32
      %add3A_802 = arith.addi %mul3A_800, %add3A_801 : i32
      %dma_wait3A_803 = arith.constant 40 : i32
      %dma_wait3A_804 = arith.constant 0 : i32
      %dma_wait3A_805 = tpu.memref_slice %arg8[%dma_wait3A_803, %dma_wait3A_804] : memref<200x128xf32, #tpu.memory_space<vmem>> -> memref<40x128xf32, #tpu.memory_space<vmem>>
      %dma_wait3A_806 = tpu.memref_slice %arg6[%add3A_802] : memref<4000xi32, #tpu.memory_space<vmem>> -> memref<40xi32, #tpu.memory_space<vmem>>
      %dma_wait3A_807 = arith.constant 0 : i32
      %dma_wait3A_808 = arith.constant 0 : i32
      %dma_wait3A_809 = tpu.memref_slice %arg2[%dma_wait3A_807, %dma_wait3A_808] : memref<10000x128xf32, #tpu.memory_space<hbm>> -> memref<10000x128xf32, #tpu.memory_space<hbm>>
      tpu.wait_indirect_dma semaphore(%arg11 : memref<!tpu.dma_semaphore, #tpu.memory_space<semaphore_mem>>) src(%dma_wait3A_809 : memref<10000x128xf32, #tpu.memory_space<hbm>>) dst(%dma_wait3A_805 : memref<40x128xf32, #tpu.memory_space<vmem>>)
      %mul3A_810 = arith.constant 2000 : i32
      %mul3A_811 = arith.muli %rem3A_758, %mul3A_810 : i32
      %add3A_812 = arith.constant 1840 : i32
      %add3A_813 = arith.addi %mul3A_811, %add3A_812 : i32
      "tpu.region"() ({
        %run_scoped3A = tpu.sem_alloc : memref<!tpu.dma_semaphore, #tpu.memory_space<semaphore_mem>>
        %dma_start3A_887 = arith.constant 40 : i32
        %dma_start3A_888 = arith.constant 0 : i32
        %dma_start3A_889 = tpu.memref_slice %arg8[%dma_start3A_887, %dma_start3A_888] : memref<200x128xf32, #tpu.memory_space<vmem>> -> memref<40x128xf32, #tpu.memory_space<vmem>>
        %dma_start3A_890 = tpu.memref_slice %arg7[%add3A_813] : memref<4000xi32, #tpu.memory_space<vmem>> -> memref<40xi32, #tpu.memory_space<vmem>>
        %dma_start3A_891 = arith.constant 0 : i32
        %dma_start3A_892 = arith.constant 0 : i32
        %dma_start3A_893 = tpu.memref_slice %arg9[%dma_start3A_891, %dma_start3A_892] : memref<10240x128xf32, #tpu.memory_space<vmem_shared>> -> memref<10240x128xf32, #tpu.memory_space<vmem_shared>>
        tpu.enqueue_indirect_dma source(%dma_start3A_889 : memref<40x128xf32, #tpu.memory_space<vmem>>) target(%dma_start3A_893 : memref<10240x128xf32, #tpu.memory_space<vmem_shared>>) offsets(%dma_start3A_890 : memref<40xi32, #tpu.memory_space<vmem>>) semaphore(%run_scoped3A : memref<!tpu.dma_semaphore, #tpu.memory_space<semaphore_mem>>) {add = true}
        %dma_wait3A_894 = arith.constant 40 : i32
        %dma_wait3A_895 = arith.constant 0 : i32
        %dma_wait3A_896 = tpu.memref_slice %arg8[%dma_wait3A_894, %dma_wait3A_895] : memref<200x128xf32, #tpu.memory_space<vmem>> -> memref<40x128xf32, #tpu.memory_space<vmem>>
        %dma_wait3A_897 = tpu.memref_slice %arg7[%add3A_813] : memref<4000xi32, #tpu.memory_space<vmem>> -> memref<40xi32, #tpu.memory_space<vmem>>
        %dma_wait3A_898 = arith.constant 0 : i32
        %dma_wait3A_899 = arith.constant 0 : i32
        %dma_wait3A_900 = tpu.memref_slice %arg9[%dma_wait3A_898, %dma_wait3A_899] : memref<10240x128xf32, #tpu.memory_space<vmem_shared>> -> memref<10240x128xf32, #tpu.memory_space<vmem_shared>>
        tpu.wait_indirect_dma semaphore(%run_scoped3A : memref<!tpu.dma_semaphore, #tpu.memory_space<semaphore_mem>>) src(%dma_wait3A_896 : memref<40x128xf32, #tpu.memory_space<vmem>>) dst(%dma_wait3A_900 : memref<10240x128xf32, #tpu.memory_space<vmem_shared>>)
        tpu.yield
      }) : () -> ()
      %add3A_814 = arith.constant 1 : i32
      %add3A_815 = arith.addi %scan3A_757, %add3A_814 : i32
      %lt3A_816 = arith.constant 5 : i32
      %lt3A_817 = arith.cmpi slt, %add3A_815, %lt3A_816 : i32
      %convert_element_type3A_818 = arith.extui %lt3A_817 : i1 to i32
      %cond3A_819 = arith.constant 0 : i32
      %cond3A_820 = arith.cmpi ne, %convert_element_type3A_818, %cond3A_819 : i32
      scf.if %cond3A_820 {
        %mul3A_887 = arith.constant 2000 : i32
        %mul3A_888 = arith.muli %sub3A_759, %mul3A_887 : i32
        %add3A_889 = arith.constant 40 : i32
        %add3A_890 = arith.addi %mul3A_888, %add3A_889 : i32
        %dma_start3A_891 = arith.constant 40 : i32
        %dma_start3A_892 = arith.constant 0 : i32
        %dma_start3A_893 = tpu.memref_slice %arg8[%dma_start3A_891, %dma_start3A_892] : memref<200x128xf32, #tpu.memory_space<vmem>> -> memref<40x128xf32, #tpu.memory_space<vmem>>
        %dma_start3A_894 = tpu.memref_slice %arg6[%add3A_890] : memref<4000xi32, #tpu.memory_space<vmem>> -> memref<40xi32, #tpu.memory_space<vmem>>
        %dma_start3A_895 = arith.constant 0 : i32
        %dma_start3A_896 = arith.constant 0 : i32
        %dma_start3A_897 = tpu.memref_slice %arg2[%dma_start3A_895, %dma_start3A_896] : memref<10000x128xf32, #tpu.memory_space<hbm>> -> memref<10000x128xf32, #tpu.memory_space<hbm>>
        tpu.enqueue_indirect_dma source(%dma_start3A_897 : memref<10000x128xf32, #tpu.memory_space<hbm>>) target(%dma_start3A_893 : memref<40x128xf32, #tpu.memory_space<vmem>>) offsets(%dma_start3A_894 : memref<40xi32, #tpu.memory_space<vmem>>) semaphore(%arg11 : memref<!tpu.dma_semaphore, #tpu.memory_space<semaphore_mem>>)
      } else {
      }
      %mul3A_821 = arith.constant 2000 : i32
      %mul3A_822 = arith.muli %rem3A_758, %mul3A_821 : i32
      %add3A_823 = arith.constant 1880 : i32
      %add3A_824 = arith.addi %mul3A_822, %add3A_823 : i32
      %dma_wait3A_825 = arith.constant 80 : i32
      %dma_wait3A_826 = arith.constant 0 : i32
      %dma_wait3A_827 = tpu.memref_slice %arg8[%dma_wait3A_825, %dma_wait3A_826] : memref<200x128xf32, #tpu.memory_space<vmem>> -> memref<40x128xf32, #tpu.memory_space<vmem>>
      %dma_wait3A_828 = tpu.memref_slice %arg6[%add3A_824] : memref<4000xi32, #tpu.memory_space<vmem>> -> memref<40xi32, #tpu.memory_space<vmem>>
      %dma_wait3A_829 = arith.constant 0 : i32
      %dma_wait3A_830 = arith.constant 0 : i32
      %dma_wait3A_831 = tpu.memref_slice %arg2[%dma_wait3A_829, %dma_wait3A_830] : memref<10000x128xf32, #tpu.memory_space<hbm>> -> memref<10000x128xf32, #tpu.memory_space<hbm>>
      tpu.wait_indirect_dma semaphore(%arg12 : memref<!tpu.dma_semaphore, #tpu.memory_space<semaphore_mem>>) src(%dma_wait3A_831 : memref<10000x128xf32, #tpu.memory_space<hbm>>) dst(%dma_wait3A_827 : memref<40x128xf32, #tpu.memory_space<vmem>>)
      %mul3A_832 = arith.constant 2000 : i32
      %mul3A_833 = arith.muli %rem3A_758, %mul3A_832 : i32
      %add3A_834 = arith.constant 1880 : i32
      %add3A_835 = arith.addi %mul3A_833, %add3A_834 : i32
      "tpu.region"() ({
        %run_scoped3A = tpu.sem_alloc : memref<!tpu.dma_semaphore, #tpu.memory_space<semaphore_mem>>
        %dma_start3A_887 = arith.constant 80 : i32
        %dma_start3A_888 = arith.constant 0 : i32
        %dma_start3A_889 = tpu.memref_slice %arg8[%dma_start3A_887, %dma_start3A_888] : memref<200x128xf32, #tpu.memory_space<vmem>> -> memref<40x128xf32, #tpu.memory_space<vmem>>
        %dma_start3A_890 = tpu.memref_slice %arg7[%add3A_835] : memref<4000xi32, #tpu.memory_space<vmem>> -> memref<40xi32, #tpu.memory_space<vmem>>
        %dma_start3A_891 = arith.constant 0 : i32
        %dma_start3A_892 = arith.constant 0 : i32
        %dma_start3A_893 = tpu.memref_slice %arg9[%dma_start3A_891, %dma_start3A_892] : memref<10240x128xf32, #tpu.memory_space<vmem_shared>> -> memref<10240x128xf32, #tpu.memory_space<vmem_shared>>
        tpu.enqueue_indirect_dma source(%dma_start3A_889 : memref<40x128xf32, #tpu.memory_space<vmem>>) target(%dma_start3A_893 : memref<10240x128xf32, #tpu.memory_space<vmem_shared>>) offsets(%dma_start3A_890 : memref<40xi32, #tpu.memory_space<vmem>>) semaphore(%run_scoped3A : memref<!tpu.dma_semaphore, #tpu.memory_space<semaphore_mem>>) {add = true}
        %dma_wait3A_894 = arith.constant 80 : i32
        %dma_wait3A_895 = arith.constant 0 : i32
        %dma_wait3A_896 = tpu.memref_slice %arg8[%dma_wait3A_894, %dma_wait3A_895] : memref<200x128xf32, #tpu.memory_space<vmem>> -> memref<40x128xf32, #tpu.memory_space<vmem>>
        %dma_wait3A_897 = tpu.memref_slice %arg7[%add3A_835] : memref<4000xi32, #tpu.memory_space<vmem>> -> memref<40xi32, #tpu.memory_space<vmem>>
        %dma_wait3A_898 = arith.constant 0 : i32
        %dma_wait3A_899 = arith.constant 0 : i32
        %dma_wait3A_900 = tpu.memref_slice %arg9[%dma_wait3A_898, %dma_wait3A_899] : memref<10240x128xf32, #tpu.memory_space<vmem_shared>> -> memref<10240x128xf32, #tpu.memory_space<vmem_shared>>
        tpu.wait_indirect_dma semaphore(%run_scoped3A : memref<!tpu.dma_semaphore, #tpu.memory_space<semaphore_mem>>) src(%dma_wait3A_896 : memref<40x128xf32, #tpu.memory_space<vmem>>) dst(%dma_wait3A_900 : memref<10240x128xf32, #tpu.memory_space<vmem_shared>>)
        tpu.yield
      }) : () -> ()
      %add3A_836 = arith.constant 1 : i32
      %add3A_837 = arith.addi %scan3A_757, %add3A_836 : i32
      %lt3A_838 = arith.constant 5 : i32
      %lt3A_839 = arith.cmpi slt, %add3A_837, %lt3A_838 : i32
      %convert_element_type3A_840 = arith.extui %lt3A_839 : i1 to i32
      %cond3A_841 = arith.constant 0 : i32
      %cond3A_842 = arith.cmpi ne, %convert_element_type3A_840, %cond3A_841 : i32
      scf.if %cond3A_842 {
        %mul3A_887 = arith.constant 2000 : i32
        %mul3A_888 = arith.muli %sub3A_759, %mul3A_887 : i32
        %add3A_889 = arith.constant 80 : i32
        %add3A_890 = arith.addi %mul3A_888, %add3A_889 : i32
        %dma_start3A_891 = arith.constant 80 : i32
        %dma_start3A_892 = arith.constant 0 : i32
        %dma_start3A_893 = tpu.memref_slice %arg8[%dma_start3A_891, %dma_start3A_892] : memref<200x128xf32, #tpu.memory_space<vmem>> -> memref<40x128xf32, #tpu.memory_space<vmem>>
        %dma_start3A_894 = tpu.memref_slice %arg6[%add3A_890] : memref<4000xi32, #tpu.memory_space<vmem>> -> memref<40xi32, #tpu.memory_space<vmem>>
        %dma_start3A_895 = arith.constant 0 : i32
        %dma_start3A_896 = arith.constant 0 : i32
        %dma_start3A_897 = tpu.memref_slice %arg2[%dma_start3A_895, %dma_start3A_896] : memref<10000x128xf32, #tpu.memory_space<hbm>> -> memref<10000x128xf32, #tpu.memory_space<hbm>>
        tpu.enqueue_indirect_dma source(%dma_start3A_897 : memref<10000x128xf32, #tpu.memory_space<hbm>>) target(%dma_start3A_893 : memref<40x128xf32, #tpu.memory_space<vmem>>) offsets(%dma_start3A_894 : memref<40xi32, #tpu.memory_space<vmem>>) semaphore(%arg12 : memref<!tpu.dma_semaphore, #tpu.memory_space<semaphore_mem>>)
      } else {
      }
      %mul3A_843 = arith.constant 2000 : i32
      %mul3A_844 = arith.muli %rem3A_758, %mul3A_843 : i32
      %add3A_845 = arith.constant 1920 : i32
      %add3A_846 = arith.addi %mul3A_844, %add3A_845 : i32
      %dma_wait3A_847 = arith.constant 120 : i32
      %dma_wait3A_848 = arith.constant 0 : i32
      %dma_wait3A_849 = tpu.memref_slice %arg8[%dma_wait3A_847, %dma_wait3A_848] : memref<200x128xf32, #tpu.memory_space<vmem>> -> memref<40x128xf32, #tpu.memory_space<vmem>>
      %dma_wait3A_850 = tpu.memref_slice %arg6[%add3A_846] : memref<4000xi32, #tpu.memory_space<vmem>> -> memref<40xi32, #tpu.memory_space<vmem>>
      %dma_wait3A_851 = arith.constant 0 : i32
      %dma_wait3A_852 = arith.constant 0 : i32
      %dma_wait3A_853 = tpu.memref_slice %arg2[%dma_wait3A_851, %dma_wait3A_852] : memref<10000x128xf32, #tpu.memory_space<hbm>> -> memref<10000x128xf32, #tpu.memory_space<hbm>>
      tpu.wait_indirect_dma semaphore(%arg13 : memref<!tpu.dma_semaphore, #tpu.memory_space<semaphore_mem>>) src(%dma_wait3A_853 : memref<10000x128xf32, #tpu.memory_space<hbm>>) dst(%dma_wait3A_849 : memref<40x128xf32, #tpu.memory_space<vmem>>)
      %mul3A_854 = arith.constant 2000 : i32
      %mul3A_855 = arith.muli %rem3A_758, %mul3A_854 : i32
      %add3A_856 = arith.constant 1920 : i32
      %add3A_857 = arith.addi %mul3A_855, %add3A_856 : i32
      "tpu.region"() ({
        %run_scoped3A = tpu.sem_alloc : memref<!tpu.dma_semaphore, #tpu.memory_space<semaphore_mem>>
        %dma_start3A_887 = arith.constant 120 : i32
        %dma_start3A_888 = arith.constant 0 : i32
        %dma_start3A_889 = tpu.memref_slice %arg8[%dma_start3A_887, %dma_start3A_888] : memref<200x128xf32, #tpu.memory_space<vmem>> -> memref<40x128xf32, #tpu.memory_space<vmem>>
        %dma_start3A_890 = tpu.memref_slice %arg7[%add3A_857] : memref<4000xi32, #tpu.memory_space<vmem>> -> memref<40xi32, #tpu.memory_space<vmem>>
        %dma_start3A_891 = arith.constant 0 : i32
        %dma_start3A_892 = arith.constant 0 : i32
        %dma_start3A_893 = tpu.memref_slice %arg9[%dma_start3A_891, %dma_start3A_892] : memref<10240x128xf32, #tpu.memory_space<vmem_shared>> -> memref<10240x128xf32, #tpu.memory_space<vmem_shared>>
        tpu.enqueue_indirect_dma source(%dma_start3A_889 : memref<40x128xf32, #tpu.memory_space<vmem>>) target(%dma_start3A_893 : memref<10240x128xf32, #tpu.memory_space<vmem_shared>>) offsets(%dma_start3A_890 : memref<40xi32, #tpu.memory_space<vmem>>) semaphore(%run_scoped3A : memref<!tpu.dma_semaphore, #tpu.memory_space<semaphore_mem>>) {add = true}
        %dma_wait3A_894 = arith.constant 120 : i32
        %dma_wait3A_895 = arith.constant 0 : i32
        %dma_wait3A_896 = tpu.memref_slice %arg8[%dma_wait3A_894, %dma_wait3A_895] : memref<200x128xf32, #tpu.memory_space<vmem>> -> memref<40x128xf32, #tpu.memory_space<vmem>>
        %dma_wait3A_897 = tpu.memref_slice %arg7[%add3A_857] : memref<4000xi32, #tpu.memory_space<vmem>> -> memref<40xi32, #tpu.memory_space<vmem>>
        %dma_wait3A_898 = arith.constant 0 : i32
        %dma_wait3A_899 = arith.constant 0 : i32
        %dma_wait3A_900 = tpu.memref_slice %arg9[%dma_wait3A_898, %dma_wait3A_899] : memref<10240x128xf32, #tpu.memory_space<vmem_shared>> -> memref<10240x128xf32, #tpu.memory_space<vmem_shared>>
        tpu.wait_indirect_dma semaphore(%run_scoped3A : memref<!tpu.dma_semaphore, #tpu.memory_space<semaphore_mem>>) src(%dma_wait3A_896 : memref<40x128xf32, #tpu.memory_space<vmem>>) dst(%dma_wait3A_900 : memref<10240x128xf32, #tpu.memory_space<vmem_shared>>)
        tpu.yield
      }) : () -> ()
      %add3A_858 = arith.constant 1 : i32
      %add3A_859 = arith.addi %scan3A_757, %add3A_858 : i32
      %lt3A_860 = arith.constant 5 : i32
      %lt3A_861 = arith.cmpi slt, %add3A_859, %lt3A_860 : i32
      %convert_element_type3A_862 = arith.extui %lt3A_861 : i1 to i32
      %cond3A_863 = arith.constant 0 : i32
      %cond3A_864 = arith.cmpi ne, %convert_element_type3A_862, %cond3A_863 : i32
      scf.if %cond3A_864 {
        %mul3A_887 = arith.constant 2000 : i32
        %mul3A_888 = arith.muli %sub3A_759, %mul3A_887 : i32
        %add3A_889 = arith.constant 120 : i32
        %add3A_890 = arith.addi %mul3A_888, %add3A_889 : i32
        %dma_start3A_891 = arith.constant 120 : i32
        %dma_start3A_892 = arith.constant 0 : i32
        %dma_start3A_893 = tpu.memref_slice %arg8[%dma_start3A_891, %dma_start3A_892] : memref<200x128xf32, #tpu.memory_space<vmem>> -> memref<40x128xf32, #tpu.memory_space<vmem>>
        %dma_start3A_894 = tpu.memref_slice %arg6[%add3A_890] : memref<4000xi32, #tpu.memory_space<vmem>> -> memref<40xi32, #tpu.memory_space<vmem>>
        %dma_start3A_895 = arith.constant 0 : i32
        %dma_start3A_896 = arith.constant 0 : i32
        %dma_start3A_897 = tpu.memref_slice %arg2[%dma_start3A_895, %dma_start3A_896] : memref<10000x128xf32, #tpu.memory_space<hbm>> -> memref<10000x128xf32, #tpu.memory_space<hbm>>
        tpu.enqueue_indirect_dma source(%dma_start3A_897 : memref<10000x128xf32, #tpu.memory_space<hbm>>) target(%dma_start3A_893 : memref<40x128xf32, #tpu.memory_space<vmem>>) offsets(%dma_start3A_894 : memref<40xi32, #tpu.memory_space<vmem>>) semaphore(%arg13 : memref<!tpu.dma_semaphore, #tpu.memory_space<semaphore_mem>>)
      } else {
      }
      %mul3A_865 = arith.constant 2000 : i32
      %mul3A_866 = arith.muli %rem3A_758, %mul3A_865 : i32
      %add3A_867 = arith.constant 1960 : i32
      %add3A_868 = arith.addi %mul3A_866, %add3A_867 : i32
      %dma_wait3A_869 = arith.constant 160 : i32
      %dma_wait3A_870 = arith.constant 0 : i32
      %dma_wait3A_871 = tpu.memref_slice %arg8[%dma_wait3A_869, %dma_wait3A_870] : memref<200x128xf32, #tpu.memory_space<vmem>> -> memref<40x128xf32, #tpu.memory_space<vmem>>
      %dma_wait3A_872 = tpu.memref_slice %arg6[%add3A_868] : memref<4000xi32, #tpu.memory_space<vmem>> -> memref<40xi32, #tpu.memory_space<vmem>>
      %dma_wait3A_873 = arith.constant 0 : i32
      %dma_wait3A_874 = arith.constant 0 : i32
      %dma_wait3A_875 = tpu.memref_slice %arg2[%dma_wait3A_873, %dma_wait3A_874] : memref<10000x128xf32, #tpu.memory_space<hbm>> -> memref<10000x128xf32, #tpu.memory_space<hbm>>
      tpu.wait_indirect_dma semaphore(%arg14 : memref<!tpu.dma_semaphore, #tpu.memory_space<semaphore_mem>>) src(%dma_wait3A_875 : memref<10000x128xf32, #tpu.memory_space<hbm>>) dst(%dma_wait3A_871 : memref<40x128xf32, #tpu.memory_space<vmem>>)
      %mul3A_876 = arith.constant 2000 : i32
      %mul3A_877 = arith.muli %rem3A_758, %mul3A_876 : i32
      %add3A_878 = arith.constant 1960 : i32
      %add3A_879 = arith.addi %mul3A_877, %add3A_878 : i32
      "tpu.region"() ({
        %run_scoped3A = tpu.sem_alloc : memref<!tpu.dma_semaphore, #tpu.memory_space<semaphore_mem>>
        %dma_start3A_887 = arith.constant 160 : i32
        %dma_start3A_888 = arith.constant 0 : i32
        %dma_start3A_889 = tpu.memref_slice %arg8[%dma_start3A_887, %dma_start3A_888] : memref<200x128xf32, #tpu.memory_space<vmem>> -> memref<40x128xf32, #tpu.memory_space<vmem>>
        %dma_start3A_890 = tpu.memref_slice %arg7[%add3A_879] : memref<4000xi32, #tpu.memory_space<vmem>> -> memref<40xi32, #tpu.memory_space<vmem>>
        %dma_start3A_891 = arith.constant 0 : i32
        %dma_start3A_892 = arith.constant 0 : i32
        %dma_start3A_893 = tpu.memref_slice %arg9[%dma_start3A_891, %dma_start3A_892] : memref<10240x128xf32, #tpu.memory_space<vmem_shared>> -> memref<10240x128xf32, #tpu.memory_space<vmem_shared>>
        tpu.enqueue_indirect_dma source(%dma_start3A_889 : memref<40x128xf32, #tpu.memory_space<vmem>>) target(%dma_start3A_893 : memref<10240x128xf32, #tpu.memory_space<vmem_shared>>) offsets(%dma_start3A_890 : memref<40xi32, #tpu.memory_space<vmem>>) semaphore(%run_scoped3A : memref<!tpu.dma_semaphore, #tpu.memory_space<semaphore_mem>>) {add = true}
        %dma_wait3A_894 = arith.constant 160 : i32
        %dma_wait3A_895 = arith.constant 0 : i32
        %dma_wait3A_896 = tpu.memref_slice %arg8[%dma_wait3A_894, %dma_wait3A_895] : memref<200x128xf32, #tpu.memory_space<vmem>> -> memref<40x128xf32, #tpu.memory_space<vmem>>
        %dma_wait3A_897 = tpu.memref_slice %arg7[%add3A_879] : memref<4000xi32, #tpu.memory_space<vmem>> -> memref<40xi32, #tpu.memory_space<vmem>>
        %dma_wait3A_898 = arith.constant 0 : i32
        %dma_wait3A_899 = arith.constant 0 : i32
        %dma_wait3A_900 = tpu.memref_slice %arg9[%dma_wait3A_898, %dma_wait3A_899] : memref<10240x128xf32, #tpu.memory_space<vmem_shared>> -> memref<10240x128xf32, #tpu.memory_space<vmem_shared>>
        tpu.wait_indirect_dma semaphore(%run_scoped3A : memref<!tpu.dma_semaphore, #tpu.memory_space<semaphore_mem>>) src(%dma_wait3A_896 : memref<40x128xf32, #tpu.memory_space<vmem>>) dst(%dma_wait3A_900 : memref<10240x128xf32, #tpu.memory_space<vmem_shared>>)
        tpu.yield
      }) : () -> ()
      %add3A_880 = arith.constant 1 : i32
      %add3A_881 = arith.addi %scan3A_757, %add3A_880 : i32
      %lt3A_882 = arith.constant 5 : i32
      %lt3A_883 = arith.cmpi slt, %add3A_881, %lt3A_882 : i32
      %convert_element_type3A_884 = arith.extui %lt3A_883 : i1 to i32
      %cond3A_885 = arith.constant 0 : i32
      %cond3A_886 = arith.cmpi ne, %convert_element_type3A_884, %cond3A_885 : i32
      scf.if %cond3A_886 {
        %mul3A_887 = arith.constant 2000 : i32
        %mul3A_888 = arith.muli %sub3A_759, %mul3A_887 : i32
        %add3A_889 = arith.constant 160 : i32
        %add3A_890 = arith.addi %mul3A_888, %add3A_889 : i32
        %dma_start3A_891 = arith.constant 160 : i32
        %dma_start3A_892 = arith.constant 0 : i32
        %dma_start3A_893 = tpu.memref_slice %arg8[%dma_start3A_891, %dma_start3A_892] : memref<200x128xf32, #tpu.memory_space<vmem>> -> memref<40x128xf32, #tpu.memory_space<vmem>>
        %dma_start3A_894 = tpu.memref_slice %arg6[%add3A_890] : memref<4000xi32, #tpu.memory_space<vmem>> -> memref<40xi32, #tpu.memory_space<vmem>>
        %dma_start3A_895 = arith.constant 0 : i32
        %dma_start3A_896 = arith.constant 0 : i32
        %dma_start3A_897 = tpu.memref_slice %arg2[%dma_start3A_895, %dma_start3A_896] : memref<10000x128xf32, #tpu.memory_space<hbm>> -> memref<10000x128xf32, #tpu.memory_space<hbm>>
        tpu.enqueue_indirect_dma source(%dma_start3A_897 : memref<10000x128xf32, #tpu.memory_space<hbm>>) target(%dma_start3A_893 : memref<40x128xf32, #tpu.memory_space<vmem>>) offsets(%dma_start3A_894 : memref<40xi32, #tpu.memory_space<vmem>>) semaphore(%arg14 : memref<!tpu.dma_semaphore, #tpu.memory_space<semaphore_mem>>)
      } else {
      }
    }
    %scan3A_499 = arith.constant 5 : i32
    %barrier3A_500 = arith.constant 0 : index
    tpu.barrier barrier_id(%barrier3A_500)
    %mul3A_501 = arith.constant 640 : i32
    %mul3A_502 = arith.muli %arg1, %mul3A_501 : i32
    %add3A_503 = arith.constant 0 : i32
    %add3A_504 = arith.addi %mul3A_502, %add3A_503 : i32
    "tpu.region"() ({
      %run_scoped3A = tpu.sem_alloc : memref<!tpu.dma_semaphore, #tpu.memory_space<semaphore_mem>>
      %dma_start3A_757 = arith.constant 0 : i32
      %dma_start3A_758 = arith.constant 0 : i32
      %dma_start3A_759 = tpu.memref_slice %arg8[%dma_start3A_757, %dma_start3A_758] : memref<200x128xf32, #tpu.memory_space<vmem>> -> memref<80x128xf32, #tpu.memory_space<vmem>>
      %dma_start3A_760 = arith.constant 0 : i32
      %dma_start3A_761 = tpu.memref_slice %arg9[%add3A_504, %dma_start3A_760] : memref<10240x128xf32, #tpu.memory_space<vmem_shared>> -> memref<80x128xf32, #tpu.memory_space<vmem_shared>>
      %dma_start3A_762 = arith.constant 0 : i32
      %dma_start3A_763 = arith.constant 0 : i32
      %dma_start3A_764 = tpu.memref_slice %arg8[%dma_start3A_762, %dma_start3A_763] : memref<200x128xf32, #tpu.memory_space<vmem>> -> memref<80x128xf32, #tpu.memory_space<vmem>>
      %dma_start3A_765 = arith.constant 0 : i32
      %dma_start3A_766 = tpu.memref_slice %arg9[%add3A_504, %dma_start3A_765] : memref<10240x128xf32, #tpu.memory_space<vmem_shared>> -> memref<80x128xf32, #tpu.memory_space<vmem_shared>>
      tpu.enqueue_dma source(%dma_start3A_766 : memref<80x128xf32, #tpu.memory_space<vmem_shared>>) target(%dma_start3A_764 : memref<80x128xf32, #tpu.memory_space<vmem>>) target_semaphore(%run_scoped3A : memref<!tpu.dma_semaphore, #tpu.memory_space<semaphore_mem>>)
      %dma_wait3A_767 = arith.constant 0 : i32
      %dma_wait3A_768 = arith.constant 0 : i32
      %dma_wait3A_769 = tpu.memref_slice %arg8[%dma_wait3A_767, %dma_wait3A_768] : memref<200x128xf32, #tpu.memory_space<vmem>> -> memref<80x128xf32, #tpu.memory_space<vmem>>
      %dma_wait3A_770 = arith.constant 0 : i32
      %dma_wait3A_771 = tpu.memref_slice %arg9[%add3A_504, %dma_wait3A_770] : memref<10240x128xf32, #tpu.memory_space<vmem_shared>> -> memref<80x128xf32, #tpu.memory_space<vmem_shared>>
      %dma_wait3A_772 = arith.constant 0 : i32
      %dma_wait3A_773 = arith.constant 0 : i32
      %dma_wait3A_774 = tpu.memref_slice %arg8[%dma_wait3A_772, %dma_wait3A_773] : memref<200x128xf32, #tpu.memory_space<vmem>> -> memref<80x128xf32, #tpu.memory_space<vmem>>
      %dma_wait3A_775 = arith.constant 0 : i32
      %dma_wait3A_776 = tpu.memref_slice %arg9[%add3A_504, %dma_wait3A_775] : memref<10240x128xf32, #tpu.memory_space<vmem_shared>> -> memref<80x128xf32, #tpu.memory_space<vmem_shared>>
      tpu.wait_dma2 semaphore(%run_scoped3A : memref<!tpu.dma_semaphore, #tpu.memory_space<semaphore_mem>>) src(%dma_wait3A_776 : memref<80x128xf32, #tpu.memory_space<vmem_shared>>) dst(%dma_wait3A_774 : memref<80x128xf32, #tpu.memory_space<vmem>>)
      tpu.yield
    }) : () -> ()
    %dma_start3A_505 = arith.constant 0 : i32
    %dma_start3A_506 = arith.constant 0 : i32
    %dma_start3A_507 = tpu.memref_slice %arg8[%dma_start3A_505, %dma_start3A_506] : memref<200x128xf32, #tpu.memory_space<vmem>> -> memref<80x128xf32, #tpu.memory_space<vmem>>
    %dma_start3A_508 = arith.constant 0 : i32
    %dma_start3A_509 = tpu.memref_slice %arg5[%arg0, %add3A_504, %dma_start3A_508] : memref<2x10240x128xf32, #tpu.memory_space<hbm>> -> memref<1x80x128xf32, #tpu.memory_space<hbm>>
    %dma_start3A_510 = tpu.memref_squeeze %dma_start3A_509 : memref<1x80x128xf32, #tpu.memory_space<hbm>> -> memref<80x128xf32, #tpu.memory_space<hbm>>
    %dma_start3A_511 = arith.constant 0 : i32
    %dma_start3A_512 = tpu.memref_slice %arg5[%arg0, %add3A_504, %dma_start3A_511] : memref<2x10240x128xf32, #tpu.memory_space<hbm>> -> memref<1x80x128xf32, #tpu.memory_space<hbm>>
    %dma_start3A_513 = tpu.memref_squeeze %dma_start3A_512 : memref<1x80x128xf32, #tpu.memory_space<hbm>> -> memref<80x128xf32, #tpu.memory_space<hbm>>
    %dma_start3A_514 = arith.constant 0 : i32
    %dma_start3A_515 = arith.constant 0 : i32
    %dma_start3A_516 = tpu.memref_slice %arg8[%dma_start3A_514, %dma_start3A_515] : memref<200x128xf32, #tpu.memory_space<vmem>> -> memref<80x128xf32, #tpu.memory_space<vmem>>
    tpu.enqueue_dma source(%dma_start3A_516 : memref<80x128xf32, #tpu.memory_space<vmem>>) target(%dma_start3A_513 : memref<80x128xf32, #tpu.memory_space<hbm>>) target_semaphore(%arg10 : memref<!tpu.dma_semaphore, #tpu.memory_space<semaphore_mem>>)
    %mul3A_517 = arith.constant 640 : i32
    %mul3A_518 = arith.muli %arg1, %mul3A_517 : i32
    %add3A_519 = arith.constant 80 : i32
    %add3A_520 = arith.addi %mul3A_518, %add3A_519 : i32
    "tpu.region"() ({
      %run_scoped3A = tpu.sem_alloc : memref<!tpu.dma_semaphore, #tpu.memory_space<semaphore_mem>>
      %dma_start3A_757 = arith.constant 80 : i32
      %dma_start3A_758 = arith.constant 0 : i32
      %dma_start3A_759 = tpu.memref_slice %arg8[%dma_start3A_757, %dma_start3A_758] : memref<200x128xf32, #tpu.memory_space<vmem>> -> memref<80x128xf32, #tpu.memory_space<vmem>>
      %dma_start3A_760 = arith.constant 0 : i32
      %dma_start3A_761 = tpu.memref_slice %arg9[%add3A_520, %dma_start3A_760] : memref<10240x128xf32, #tpu.memory_space<vmem_shared>> -> memref<80x128xf32, #tpu.memory_space<vmem_shared>>
      %dma_start3A_762 = arith.constant 80 : i32
      %dma_start3A_763 = arith.constant 0 : i32
      %dma_start3A_764 = tpu.memref_slice %arg8[%dma_start3A_762, %dma_start3A_763] : memref<200x128xf32, #tpu.memory_space<vmem>> -> memref<80x128xf32, #tpu.memory_space<vmem>>
      %dma_start3A_765 = arith.constant 0 : i32
      %dma_start3A_766 = tpu.memref_slice %arg9[%add3A_520, %dma_start3A_765] : memref<10240x128xf32, #tpu.memory_space<vmem_shared>> -> memref<80x128xf32, #tpu.memory_space<vmem_shared>>
      tpu.enqueue_dma source(%dma_start3A_766 : memref<80x128xf32, #tpu.memory_space<vmem_shared>>) target(%dma_start3A_764 : memref<80x128xf32, #tpu.memory_space<vmem>>) target_semaphore(%run_scoped3A : memref<!tpu.dma_semaphore, #tpu.memory_space<semaphore_mem>>)
      %dma_wait3A_767 = arith.constant 80 : i32
      %dma_wait3A_768 = arith.constant 0 : i32
      %dma_wait3A_769 = tpu.memref_slice %arg8[%dma_wait3A_767, %dma_wait3A_768] : memref<200x128xf32, #tpu.memory_space<vmem>> -> memref<80x128xf32, #tpu.memory_space<vmem>>
      %dma_wait3A_770 = arith.constant 0 : i32
      %dma_wait3A_771 = tpu.memref_slice %arg9[%add3A_520, %dma_wait3A_770] : memref<10240x128xf32, #tpu.memory_space<vmem_shared>> -> memref<80x128xf32, #tpu.memory_space<vmem_shared>>
      %dma_wait3A_772 = arith.constant 80 : i32
      %dma_wait3A_773 = arith.constant 0 : i32
      %dma_wait3A_774 = tpu.memref_slice %arg8[%dma_wait3A_772, %dma_wait3A_773] : memref<200x128xf32, #tpu.memory_space<vmem>> -> memref<80x128xf32, #tpu.memory_space<vmem>>
      %dma_wait3A_775 = arith.constant 0 : i32
      %dma_wait3A_776 = tpu.memref_slice %arg9[%add3A_520, %dma_wait3A_775] : memref<10240x128xf32, #tpu.memory_space<vmem_shared>> -> memref<80x128xf32, #tpu.memory_space<vmem_shared>>
      tpu.wait_dma2 semaphore(%run_scoped3A : memref<!tpu.dma_semaphore, #tpu.memory_space<semaphore_mem>>) src(%dma_wait3A_776 : memref<80x128xf32, #tpu.memory_space<vmem_shared>>) dst(%dma_wait3A_774 : memref<80x128xf32, #tpu.memory_space<vmem>>)
      tpu.yield
    }) : () -> ()
    %dma_start3A_521 = arith.constant 80 : i32
    %dma_start3A_522 = arith.constant 0 : i32
    %dma_start3A_523 = tpu.memref_slice %arg8[%dma_start3A_521, %dma_start3A_522] : memref<200x128xf32, #tpu.memory_space<vmem>> -> memref<80x128xf32, #tpu.memory_space<vmem>>
    %dma_start3A_524 = arith.constant 0 : i32
    %dma_start3A_525 = tpu.memref_slice %arg5[%arg0, %add3A_520, %dma_start3A_524] : memref<2x10240x128xf32, #tpu.memory_space<hbm>> -> memref<1x80x128xf32, #tpu.memory_space<hbm>>
    %dma_start3A_526 = tpu.memref_squeeze %dma_start3A_525 : memref<1x80x128xf32, #tpu.memory_space<hbm>> -> memref<80x128xf32, #tpu.memory_space<hbm>>
    %dma_start3A_527 = arith.constant 0 : i32
    %dma_start3A_528 = tpu.memref_slice %arg5[%arg0, %add3A_520, %dma_start3A_527] : memref<2x10240x128xf32, #tpu.memory_space<hbm>> -> memref<1x80x128xf32, #tpu.memory_space<hbm>>
    %dma_start3A_529 = tpu.memref_squeeze %dma_start3A_528 : memref<1x80x128xf32, #tpu.memory_space<hbm>> -> memref<80x128xf32, #tpu.memory_space<hbm>>
    %dma_start3A_530 = arith.constant 80 : i32
    %dma_start3A_531 = arith.constant 0 : i32
    %dma_start3A_532 = tpu.memref_slice %arg8[%dma_start3A_530, %dma_start3A_531] : memref<200x128xf32, #tpu.memory_space<vmem>> -> memref<80x128xf32, #tpu.memory_space<vmem>>
    tpu.enqueue_dma source(%dma_start3A_532 : memref<80x128xf32, #tpu.memory_space<vmem>>) target(%dma_start3A_529 : memref<80x128xf32, #tpu.memory_space<hbm>>) target_semaphore(%arg11 : memref<!tpu.dma_semaphore, #tpu.memory_space<semaphore_mem>>)
    %mul3A_533 = arith.constant 640 : i32
    %mul3A_534 = arith.muli %arg1, %mul3A_533 : i32
    %add3A_535 = arith.constant 160 : i32
    %add3A_536 = arith.addi %mul3A_534, %add3A_535 : i32
    %mul3A_537 = arith.constant 640 : i32
    %mul3A_538 = arith.muli %arg1, %mul3A_537 : i32
    %add3A_539 = arith.constant 0 : i32
    %add3A_540 = arith.addi %mul3A_538, %add3A_539 : i32
    %dma_wait3A_541 = arith.constant 0 : i32
    %dma_wait3A_542 = arith.constant 0 : i32
    %dma_wait3A_543 = tpu.memref_slice %arg8[%dma_wait3A_541, %dma_wait3A_542] : memref<200x128xf32, #tpu.memory_space<vmem>> -> memref<80x128xf32, #tpu.memory_space<vmem>>
    %dma_wait3A_544 = arith.constant 0 : i32
    %dma_wait3A_545 = tpu.memref_slice %arg5[%arg0, %add3A_540, %dma_wait3A_544] : memref<2x10240x128xf32, #tpu.memory_space<hbm>> -> memref<1x80x128xf32, #tpu.memory_space<hbm>>
    %dma_wait3A_546 = tpu.memref_squeeze %dma_wait3A_545 : memref<1x80x128xf32, #tpu.memory_space<hbm>> -> memref<80x128xf32, #tpu.memory_space<hbm>>
    %dma_wait3A_547 = arith.constant 0 : i32
    %dma_wait3A_548 = tpu.memref_slice %arg5[%arg0, %add3A_540, %dma_wait3A_547] : memref<2x10240x128xf32, #tpu.memory_space<hbm>> -> memref<1x80x128xf32, #tpu.memory_space<hbm>>
    %dma_wait3A_549 = tpu.memref_squeeze %dma_wait3A_548 : memref<1x80x128xf32, #tpu.memory_space<hbm>> -> memref<80x128xf32, #tpu.memory_space<hbm>>
    %dma_wait3A_550 = arith.constant 0 : i32
    %dma_wait3A_551 = arith.constant 0 : i32
    %dma_wait3A_552 = tpu.memref_slice %arg8[%dma_wait3A_550, %dma_wait3A_551] : memref<200x128xf32, #tpu.memory_space<vmem>> -> memref<80x128xf32, #tpu.memory_space<vmem>>
    tpu.wait_dma2 semaphore(%arg10 : memref<!tpu.dma_semaphore, #tpu.memory_space<semaphore_mem>>) src(%dma_wait3A_552 : memref<80x128xf32, #tpu.memory_space<vmem>>) dst(%dma_wait3A_549 : memref<80x128xf32, #tpu.memory_space<hbm>>)
    "tpu.region"() ({
      %run_scoped3A = tpu.sem_alloc : memref<!tpu.dma_semaphore, #tpu.memory_space<semaphore_mem>>
      %dma_start3A_757 = arith.constant 0 : i32
      %dma_start3A_758 = arith.constant 0 : i32
      %dma_start3A_759 = tpu.memref_slice %arg8[%dma_start3A_757, %dma_start3A_758] : memref<200x128xf32, #tpu.memory_space<vmem>> -> memref<80x128xf32, #tpu.memory_space<vmem>>
      %dma_start3A_760 = arith.constant 0 : i32
      %dma_start3A_761 = tpu.memref_slice %arg9[%add3A_536, %dma_start3A_760] : memref<10240x128xf32, #tpu.memory_space<vmem_shared>> -> memref<80x128xf32, #tpu.memory_space<vmem_shared>>
      %dma_start3A_762 = arith.constant 0 : i32
      %dma_start3A_763 = arith.constant 0 : i32
      %dma_start3A_764 = tpu.memref_slice %arg8[%dma_start3A_762, %dma_start3A_763] : memref<200x128xf32, #tpu.memory_space<vmem>> -> memref<80x128xf32, #tpu.memory_space<vmem>>
      %dma_start3A_765 = arith.constant 0 : i32
      %dma_start3A_766 = tpu.memref_slice %arg9[%add3A_536, %dma_start3A_765] : memref<10240x128xf32, #tpu.memory_space<vmem_shared>> -> memref<80x128xf32, #tpu.memory_space<vmem_shared>>
      tpu.enqueue_dma source(%dma_start3A_766 : memref<80x128xf32, #tpu.memory_space<vmem_shared>>) target(%dma_start3A_764 : memref<80x128xf32, #tpu.memory_space<vmem>>) target_semaphore(%run_scoped3A : memref<!tpu.dma_semaphore, #tpu.memory_space<semaphore_mem>>)
      %dma_wait3A_767 = arith.constant 0 : i32
      %dma_wait3A_768 = arith.constant 0 : i32
      %dma_wait3A_769 = tpu.memref_slice %arg8[%dma_wait3A_767, %dma_wait3A_768] : memref<200x128xf32, #tpu.memory_space<vmem>> -> memref<80x128xf32, #tpu.memory_space<vmem>>
      %dma_wait3A_770 = arith.constant 0 : i32
      %dma_wait3A_771 = tpu.memref_slice %arg9[%add3A_536, %dma_wait3A_770] : memref<10240x128xf32, #tpu.memory_space<vmem_shared>> -> memref<80x128xf32, #tpu.memory_space<vmem_shared>>
      %dma_wait3A_772 = arith.constant 0 : i32
      %dma_wait3A_773 = arith.constant 0 : i32
      %dma_wait3A_774 = tpu.memref_slice %arg8[%dma_wait3A_772, %dma_wait3A_773] : memref<200x128xf32, #tpu.memory_space<vmem>> -> memref<80x128xf32, #tpu.memory_space<vmem>>
      %dma_wait3A_775 = arith.constant 0 : i32
      %dma_wait3A_776 = tpu.memref_slice %arg9[%add3A_536, %dma_wait3A_775] : memref<10240x128xf32, #tpu.memory_space<vmem_shared>> -> memref<80x128xf32, #tpu.memory_space<vmem_shared>>
      tpu.wait_dma2 semaphore(%run_scoped3A : memref<!tpu.dma_semaphore, #tpu.memory_space<semaphore_mem>>) src(%dma_wait3A_776 : memref<80x128xf32, #tpu.memory_space<vmem_shared>>) dst(%dma_wait3A_774 : memref<80x128xf32, #tpu.memory_space<vmem>>)
      tpu.yield
    }) : () -> ()
    %dma_start3A_553 = arith.constant 0 : i32
    %dma_start3A_554 = arith.constant 0 : i32
    %dma_start3A_555 = tpu.memref_slice %arg8[%dma_start3A_553, %dma_start3A_554] : memref<200x128xf32, #tpu.memory_space<vmem>> -> memref<80x128xf32, #tpu.memory_space<vmem>>
    %dma_start3A_556 = arith.constant 0 : i32
    %dma_start3A_557 = tpu.memref_slice %arg5[%arg0, %add3A_536, %dma_start3A_556] : memref<2x10240x128xf32, #tpu.memory_space<hbm>> -> memref<1x80x128xf32, #tpu.memory_space<hbm>>
    %dma_start3A_558 = tpu.memref_squeeze %dma_start3A_557 : memref<1x80x128xf32, #tpu.memory_space<hbm>> -> memref<80x128xf32, #tpu.memory_space<hbm>>
    %dma_start3A_559 = arith.constant 0 : i32
    %dma_start3A_560 = tpu.memref_slice %arg5[%arg0, %add3A_536, %dma_start3A_559] : memref<2x10240x128xf32, #tpu.memory_space<hbm>> -> memref<1x80x128xf32, #tpu.memory_space<hbm>>
    %dma_start3A_561 = tpu.memref_squeeze %dma_start3A_560 : memref<1x80x128xf32, #tpu.memory_space<hbm>> -> memref<80x128xf32, #tpu.memory_space<hbm>>
    %dma_start3A_562 = arith.constant 0 : i32
    %dma_start3A_563 = arith.constant 0 : i32
    %dma_start3A_564 = tpu.memref_slice %arg8[%dma_start3A_562, %dma_start3A_563] : memref<200x128xf32, #tpu.memory_space<vmem>> -> memref<80x128xf32, #tpu.memory_space<vmem>>
    tpu.enqueue_dma source(%dma_start3A_564 : memref<80x128xf32, #tpu.memory_space<vmem>>) target(%dma_start3A_561 : memref<80x128xf32, #tpu.memory_space<hbm>>) target_semaphore(%arg10 : memref<!tpu.dma_semaphore, #tpu.memory_space<semaphore_mem>>)
    %mul3A_565 = arith.constant 640 : i32
    %mul3A_566 = arith.muli %arg1, %mul3A_565 : i32
    %add3A_567 = arith.constant 240 : i32
    %add3A_568 = arith.addi %mul3A_566, %add3A_567 : i32
    %mul3A_569 = arith.constant 640 : i32
    %mul3A_570 = arith.muli %arg1, %mul3A_569 : i32
    %add3A_571 = arith.constant 80 : i32
    %add3A_572 = arith.addi %mul3A_570, %add3A_571 : i32
    %dma_wait3A_573 = arith.constant 80 : i32
    %dma_wait3A_574 = arith.constant 0 : i32
    %dma_wait3A_575 = tpu.memref_slice %arg8[%dma_wait3A_573, %dma_wait3A_574] : memref<200x128xf32, #tpu.memory_space<vmem>> -> memref<80x128xf32, #tpu.memory_space<vmem>>
    %dma_wait3A_576 = arith.constant 0 : i32
    %dma_wait3A_577 = tpu.memref_slice %arg5[%arg0, %add3A_572, %dma_wait3A_576] : memref<2x10240x128xf32, #tpu.memory_space<hbm>> -> memref<1x80x128xf32, #tpu.memory_space<hbm>>
    %dma_wait3A_578 = tpu.memref_squeeze %dma_wait3A_577 : memref<1x80x128xf32, #tpu.memory_space<hbm>> -> memref<80x128xf32, #tpu.memory_space<hbm>>
    %dma_wait3A_579 = arith.constant 0 : i32
    %dma_wait3A_580 = tpu.memref_slice %arg5[%arg0, %add3A_572, %dma_wait3A_579] : memref<2x10240x128xf32, #tpu.memory_space<hbm>> -> memref<1x80x128xf32, #tpu.memory_space<hbm>>
    %dma_wait3A_581 = tpu.memref_squeeze %dma_wait3A_580 : memref<1x80x128xf32, #tpu.memory_space<hbm>> -> memref<80x128xf32, #tpu.memory_space<hbm>>
    %dma_wait3A_582 = arith.constant 80 : i32
    %dma_wait3A_583 = arith.constant 0 : i32
    %dma_wait3A_584 = tpu.memref_slice %arg8[%dma_wait3A_582, %dma_wait3A_583] : memref<200x128xf32, #tpu.memory_space<vmem>> -> memref<80x128xf32, #tpu.memory_space<vmem>>
    tpu.wait_dma2 semaphore(%arg11 : memref<!tpu.dma_semaphore, #tpu.memory_space<semaphore_mem>>) src(%dma_wait3A_584 : memref<80x128xf32, #tpu.memory_space<vmem>>) dst(%dma_wait3A_581 : memref<80x128xf32, #tpu.memory_space<hbm>>)
    "tpu.region"() ({
      %run_scoped3A = tpu.sem_alloc : memref<!tpu.dma_semaphore, #tpu.memory_space<semaphore_mem>>
      %dma_start3A_757 = arith.constant 80 : i32
      %dma_start3A_758 = arith.constant 0 : i32
      %dma_start3A_759 = tpu.memref_slice %arg8[%dma_start3A_757, %dma_start3A_758] : memref<200x128xf32, #tpu.memory_space<vmem>> -> memref<80x128xf32, #tpu.memory_space<vmem>>
      %dma_start3A_760 = arith.constant 0 : i32
      %dma_start3A_761 = tpu.memref_slice %arg9[%add3A_568, %dma_start3A_760] : memref<10240x128xf32, #tpu.memory_space<vmem_shared>> -> memref<80x128xf32, #tpu.memory_space<vmem_shared>>
      %dma_start3A_762 = arith.constant 80 : i32
      %dma_start3A_763 = arith.constant 0 : i32
      %dma_start3A_764 = tpu.memref_slice %arg8[%dma_start3A_762, %dma_start3A_763] : memref<200x128xf32, #tpu.memory_space<vmem>> -> memref<80x128xf32, #tpu.memory_space<vmem>>
      %dma_start3A_765 = arith.constant 0 : i32
      %dma_start3A_766 = tpu.memref_slice %arg9[%add3A_568, %dma_start3A_765] : memref<10240x128xf32, #tpu.memory_space<vmem_shared>> -> memref<80x128xf32, #tpu.memory_space<vmem_shared>>
      tpu.enqueue_dma source(%dma_start3A_766 : memref<80x128xf32, #tpu.memory_space<vmem_shared>>) target(%dma_start3A_764 : memref<80x128xf32, #tpu.memory_space<vmem>>) target_semaphore(%run_scoped3A : memref<!tpu.dma_semaphore, #tpu.memory_space<semaphore_mem>>)
      %dma_wait3A_767 = arith.constant 80 : i32
      %dma_wait3A_768 = arith.constant 0 : i32
      %dma_wait3A_769 = tpu.memref_slice %arg8[%dma_wait3A_767, %dma_wait3A_768] : memref<200x128xf32, #tpu.memory_space<vmem>> -> memref<80x128xf32, #tpu.memory_space<vmem>>
      %dma_wait3A_770 = arith.constant 0 : i32
      %dma_wait3A_771 = tpu.memref_slice %arg9[%add3A_568, %dma_wait3A_770] : memref<10240x128xf32, #tpu.memory_space<vmem_shared>> -> memref<80x128xf32, #tpu.memory_space<vmem_shared>>
      %dma_wait3A_772 = arith.constant 80 : i32
      %dma_wait3A_773 = arith.constant 0 : i32
      %dma_wait3A_774 = tpu.memref_slice %arg8[%dma_wait3A_772, %dma_wait3A_773] : memref<200x128xf32, #tpu.memory_space<vmem>> -> memref<80x128xf32, #tpu.memory_space<vmem>>
      %dma_wait3A_775 = arith.constant 0 : i32
      %dma_wait3A_776 = tpu.memref_slice %arg9[%add3A_568, %dma_wait3A_775] : memref<10240x128xf32, #tpu.memory_space<vmem_shared>> -> memref<80x128xf32, #tpu.memory_space<vmem_shared>>
      tpu.wait_dma2 semaphore(%run_scoped3A : memref<!tpu.dma_semaphore, #tpu.memory_space<semaphore_mem>>) src(%dma_wait3A_776 : memref<80x128xf32, #tpu.memory_space<vmem_shared>>) dst(%dma_wait3A_774 : memref<80x128xf32, #tpu.memory_space<vmem>>)
      tpu.yield
    }) : () -> ()
    %dma_start3A_585 = arith.constant 80 : i32
    %dma_start3A_586 = arith.constant 0 : i32
    %dma_start3A_587 = tpu.memref_slice %arg8[%dma_start3A_585, %dma_start3A_586] : memref<200x128xf32, #tpu.memory_space<vmem>> -> memref<80x128xf32, #tpu.memory_space<vmem>>
    %dma_start3A_588 = arith.constant 0 : i32
    %dma_start3A_589 = tpu.memref_slice %arg5[%arg0, %add3A_568, %dma_start3A_588] : memref<2x10240x128xf32, #tpu.memory_space<hbm>> -> memref<1x80x128xf32, #tpu.memory_space<hbm>>
    %dma_start3A_590 = tpu.memref_squeeze %dma_start3A_589 : memref<1x80x128xf32, #tpu.memory_space<hbm>> -> memref<80x128xf32, #tpu.memory_space<hbm>>
    %dma_start3A_591 = arith.constant 0 : i32
    %dma_start3A_592 = tpu.memref_slice %arg5[%arg0, %add3A_568, %dma_start3A_591] : memref<2x10240x128xf32, #tpu.memory_space<hbm>> -> memref<1x80x128xf32, #tpu.memory_space<hbm>>
    %dma_start3A_593 = tpu.memref_squeeze %dma_start3A_592 : memref<1x80x128xf32, #tpu.memory_space<hbm>> -> memref<80x128xf32, #tpu.memory_space<hbm>>
    %dma_start3A_594 = arith.constant 80 : i32
    %dma_start3A_595 = arith.constant 0 : i32
    %dma_start3A_596 = tpu.memref_slice %arg8[%dma_start3A_594, %dma_start3A_595] : memref<200x128xf32, #tpu.memory_space<vmem>> -> memref<80x128xf32, #tpu.memory_space<vmem>>
    tpu.enqueue_dma source(%dma_start3A_596 : memref<80x128xf32, #tpu.memory_space<vmem>>) target(%dma_start3A_593 : memref<80x128xf32, #tpu.memory_space<hbm>>) target_semaphore(%arg11 : memref<!tpu.dma_semaphore, #tpu.memory_space<semaphore_mem>>)
    %mul3A_597 = arith.constant 640 : i32
    %mul3A_598 = arith.muli %arg1, %mul3A_597 : i32
    %add3A_599 = arith.constant 320 : i32
    %add3A_600 = arith.addi %mul3A_598, %add3A_599 : i32
    %mul3A_601 = arith.constant 640 : i32
    %mul3A_602 = arith.muli %arg1, %mul3A_601 : i32
    %add3A_603 = arith.constant 160 : i32
    %add3A_604 = arith.addi %mul3A_602, %add3A_603 : i32
    %dma_wait3A_605 = arith.constant 0 : i32
    %dma_wait3A_606 = arith.constant 0 : i32
    %dma_wait3A_607 = tpu.memref_slice %arg8[%dma_wait3A_605, %dma_wait3A_606] : memref<200x128xf32, #tpu.memory_space<vmem>> -> memref<80x128xf32, #tpu.memory_space<vmem>>
    %dma_wait3A_608 = arith.constant 0 : i32
    %dma_wait3A_609 = tpu.memref_slice %arg5[%arg0, %add3A_604, %dma_wait3A_608] : memref<2x10240x128xf32, #tpu.memory_space<hbm>> -> memref<1x80x128xf32, #tpu.memory_space<hbm>>
    %dma_wait3A_610 = tpu.memref_squeeze %dma_wait3A_609 : memref<1x80x128xf32, #tpu.memory_space<hbm>> -> memref<80x128xf32, #tpu.memory_space<hbm>>
    %dma_wait3A_611 = arith.constant 0 : i32
    %dma_wait3A_612 = tpu.memref_slice %arg5[%arg0, %add3A_604, %dma_wait3A_611] : memref<2x10240x128xf32, #tpu.memory_space<hbm>> -> memref<1x80x128xf32, #tpu.memory_space<hbm>>
    %dma_wait3A_613 = tpu.memref_squeeze %dma_wait3A_612 : memref<1x80x128xf32, #tpu.memory_space<hbm>> -> memref<80x128xf32, #tpu.memory_space<hbm>>
    %dma_wait3A_614 = arith.constant 0 : i32
    %dma_wait3A_615 = arith.constant 0 : i32
    %dma_wait3A_616 = tpu.memref_slice %arg8[%dma_wait3A_614, %dma_wait3A_615] : memref<200x128xf32, #tpu.memory_space<vmem>> -> memref<80x128xf32, #tpu.memory_space<vmem>>
    tpu.wait_dma2 semaphore(%arg10 : memref<!tpu.dma_semaphore, #tpu.memory_space<semaphore_mem>>) src(%dma_wait3A_616 : memref<80x128xf32, #tpu.memory_space<vmem>>) dst(%dma_wait3A_613 : memref<80x128xf32, #tpu.memory_space<hbm>>)
    "tpu.region"() ({
      %run_scoped3A = tpu.sem_alloc : memref<!tpu.dma_semaphore, #tpu.memory_space<semaphore_mem>>
      %dma_start3A_757 = arith.constant 0 : i32
      %dma_start3A_758 = arith.constant 0 : i32
      %dma_start3A_759 = tpu.memref_slice %arg8[%dma_start3A_757, %dma_start3A_758] : memref<200x128xf32, #tpu.memory_space<vmem>> -> memref<80x128xf32, #tpu.memory_space<vmem>>
      %dma_start3A_760 = arith.constant 0 : i32
      %dma_start3A_761 = tpu.memref_slice %arg9[%add3A_600, %dma_start3A_760] : memref<10240x128xf32, #tpu.memory_space<vmem_shared>> -> memref<80x128xf32, #tpu.memory_space<vmem_shared>>
      %dma_start3A_762 = arith.constant 0 : i32
      %dma_start3A_763 = arith.constant 0 : i32
      %dma_start3A_764 = tpu.memref_slice %arg8[%dma_start3A_762, %dma_start3A_763] : memref<200x128xf32, #tpu.memory_space<vmem>> -> memref<80x128xf32, #tpu.memory_space<vmem>>
      %dma_start3A_765 = arith.constant 0 : i32
      %dma_start3A_766 = tpu.memref_slice %arg9[%add3A_600, %dma_start3A_765] : memref<10240x128xf32, #tpu.memory_space<vmem_shared>> -> memref<80x128xf32, #tpu.memory_space<vmem_shared>>
      tpu.enqueue_dma source(%dma_start3A_766 : memref<80x128xf32, #tpu.memory_space<vmem_shared>>) target(%dma_start3A_764 : memref<80x128xf32, #tpu.memory_space<vmem>>) target_semaphore(%run_scoped3A : memref<!tpu.dma_semaphore, #tpu.memory_space<semaphore_mem>>)
      %dma_wait3A_767 = arith.constant 0 : i32
      %dma_wait3A_768 = arith.constant 0 : i32
      %dma_wait3A_769 = tpu.memref_slice %arg8[%dma_wait3A_767, %dma_wait3A_768] : memref<200x128xf32, #tpu.memory_space<vmem>> -> memref<80x128xf32, #tpu.memory_space<vmem>>
      %dma_wait3A_770 = arith.constant 0 : i32
      %dma_wait3A_771 = tpu.memref_slice %arg9[%add3A_600, %dma_wait3A_770] : memref<10240x128xf32, #tpu.memory_space<vmem_shared>> -> memref<80x128xf32, #tpu.memory_space<vmem_shared>>
      %dma_wait3A_772 = arith.constant 0 : i32
      %dma_wait3A_773 = arith.constant 0 : i32
      %dma_wait3A_774 = tpu.memref_slice %arg8[%dma_wait3A_772, %dma_wait3A_773] : memref<200x128xf32, #tpu.memory_space<vmem>> -> memref<80x128xf32, #tpu.memory_space<vmem>>
      %dma_wait3A_775 = arith.constant 0 : i32
      %dma_wait3A_776 = tpu.memref_slice %arg9[%add3A_600, %dma_wait3A_775] : memref<10240x128xf32, #tpu.memory_space<vmem_shared>> -> memref<80x128xf32, #tpu.memory_space<vmem_shared>>
      tpu.wait_dma2 semaphore(%run_scoped3A : memref<!tpu.dma_semaphore, #tpu.memory_space<semaphore_mem>>) src(%dma_wait3A_776 : memref<80x128xf32, #tpu.memory_space<vmem_shared>>) dst(%dma_wait3A_774 : memref<80x128xf32, #tpu.memory_space<vmem>>)
      tpu.yield
    }) : () -> ()
    %dma_start3A_617 = arith.constant 0 : i32
    %dma_start3A_618 = arith.constant 0 : i32
    %dma_start3A_619 = tpu.memref_slice %arg8[%dma_start3A_617, %dma_start3A_618] : memref<200x128xf32, #tpu.memory_space<vmem>> -> memref<80x128xf32, #tpu.memory_space<vmem>>
    %dma_start3A_620 = arith.constant 0 : i32
    %dma_start3A_621 = tpu.memref_slice %arg5[%arg0, %add3A_600, %dma_start3A_620] : memref<2x10240x128xf32, #tpu.memory_space<hbm>> -> memref<1x80x128xf32, #tpu.memory_space<hbm>>
    %dma_start3A_622 = tpu.memref_squeeze %dma_start3A_621 : memref<1x80x128xf32, #tpu.memory_space<hbm>> -> memref<80x128xf32, #tpu.memory_space<hbm>>
    %dma_start3A_623 = arith.constant 0 : i32
    %dma_start3A_624 = tpu.memref_slice %arg5[%arg0, %add3A_600, %dma_start3A_623] : memref<2x10240x128xf32, #tpu.memory_space<hbm>> -> memref<1x80x128xf32, #tpu.memory_space<hbm>>
    %dma_start3A_625 = tpu.memref_squeeze %dma_start3A_624 : memref<1x80x128xf32, #tpu.memory_space<hbm>> -> memref<80x128xf32, #tpu.memory_space<hbm>>
    %dma_start3A_626 = arith.constant 0 : i32
    %dma_start3A_627 = arith.constant 0 : i32
    %dma_start3A_628 = tpu.memref_slice %arg8[%dma_start3A_626, %dma_start3A_627] : memref<200x128xf32, #tpu.memory_space<vmem>> -> memref<80x128xf32, #tpu.memory_space<vmem>>
    tpu.enqueue_dma source(%dma_start3A_628 : memref<80x128xf32, #tpu.memory_space<vmem>>) target(%dma_start3A_625 : memref<80x128xf32, #tpu.memory_space<hbm>>) target_semaphore(%arg10 : memref<!tpu.dma_semaphore, #tpu.memory_space<semaphore_mem>>)
    %mul3A_629 = arith.constant 640 : i32
    %mul3A_630 = arith.muli %arg1, %mul3A_629 : i32
    %add3A_631 = arith.constant 400 : i32
    %add3A_632 = arith.addi %mul3A_630, %add3A_631 : i32
    %mul3A_633 = arith.constant 640 : i32
    %mul3A_634 = arith.muli %arg1, %mul3A_633 : i32
    %add3A_635 = arith.constant 240 : i32
    %add3A_636 = arith.addi %mul3A_634, %add3A_635 : i32
    %dma_wait3A_637 = arith.constant 80 : i32
    %dma_wait3A_638 = arith.constant 0 : i32
    %dma_wait3A_639 = tpu.memref_slice %arg8[%dma_wait3A_637, %dma_wait3A_638] : memref<200x128xf32, #tpu.memory_space<vmem>> -> memref<80x128xf32, #tpu.memory_space<vmem>>
    %dma_wait3A_640 = arith.constant 0 : i32
    %dma_wait3A_641 = tpu.memref_slice %arg5[%arg0, %add3A_636, %dma_wait3A_640] : memref<2x10240x128xf32, #tpu.memory_space<hbm>> -> memref<1x80x128xf32, #tpu.memory_space<hbm>>
    %dma_wait3A_642 = tpu.memref_squeeze %dma_wait3A_641 : memref<1x80x128xf32, #tpu.memory_space<hbm>> -> memref<80x128xf32, #tpu.memory_space<hbm>>
    %dma_wait3A_643 = arith.constant 0 : i32
    %dma_wait3A_644 = tpu.memref_slice %arg5[%arg0, %add3A_636, %dma_wait3A_643] : memref<2x10240x128xf32, #tpu.memory_space<hbm>> -> memref<1x80x128xf32, #tpu.memory_space<hbm>>
    %dma_wait3A_645 = tpu.memref_squeeze %dma_wait3A_644 : memref<1x80x128xf32, #tpu.memory_space<hbm>> -> memref<80x128xf32, #tpu.memory_space<hbm>>
    %dma_wait3A_646 = arith.constant 80 : i32
    %dma_wait3A_647 = arith.constant 0 : i32
    %dma_wait3A_648 = tpu.memref_slice %arg8[%dma_wait3A_646, %dma_wait3A_647] : memref<200x128xf32, #tpu.memory_space<vmem>> -> memref<80x128xf32, #tpu.memory_space<vmem>>
    tpu.wait_dma2 semaphore(%arg11 : memref<!tpu.dma_semaphore, #tpu.memory_space<semaphore_mem>>) src(%dma_wait3A_648 : memref<80x128xf32, #tpu.memory_space<vmem>>) dst(%dma_wait3A_645 : memref<80x128xf32, #tpu.memory_space<hbm>>)
    "tpu.region"() ({
      %run_scoped3A = tpu.sem_alloc : memref<!tpu.dma_semaphore, #tpu.memory_space<semaphore_mem>>
      %dma_start3A_757 = arith.constant 80 : i32
      %dma_start3A_758 = arith.constant 0 : i32
      %dma_start3A_759 = tpu.memref_slice %arg8[%dma_start3A_757, %dma_start3A_758] : memref<200x128xf32, #tpu.memory_space<vmem>> -> memref<80x128xf32, #tpu.memory_space<vmem>>
      %dma_start3A_760 = arith.constant 0 : i32
      %dma_start3A_761 = tpu.memref_slice %arg9[%add3A_632, %dma_start3A_760] : memref<10240x128xf32, #tpu.memory_space<vmem_shared>> -> memref<80x128xf32, #tpu.memory_space<vmem_shared>>
      %dma_start3A_762 = arith.constant 80 : i32
      %dma_start3A_763 = arith.constant 0 : i32
      %dma_start3A_764 = tpu.memref_slice %arg8[%dma_start3A_762, %dma_start3A_763] : memref<200x128xf32, #tpu.memory_space<vmem>> -> memref<80x128xf32, #tpu.memory_space<vmem>>
      %dma_start3A_765 = arith.constant 0 : i32
      %dma_start3A_766 = tpu.memref_slice %arg9[%add3A_632, %dma_start3A_765] : memref<10240x128xf32, #tpu.memory_space<vmem_shared>> -> memref<80x128xf32, #tpu.memory_space<vmem_shared>>
      tpu.enqueue_dma source(%dma_start3A_766 : memref<80x128xf32, #tpu.memory_space<vmem_shared>>) target(%dma_start3A_764 : memref<80x128xf32, #tpu.memory_space<vmem>>) target_semaphore(%run_scoped3A : memref<!tpu.dma_semaphore, #tpu.memory_space<semaphore_mem>>)
      %dma_wait3A_767 = arith.constant 80 : i32
      %dma_wait3A_768 = arith.constant 0 : i32
      %dma_wait3A_769 = tpu.memref_slice %arg8[%dma_wait3A_767, %dma_wait3A_768] : memref<200x128xf32, #tpu.memory_space<vmem>> -> memref<80x128xf32, #tpu.memory_space<vmem>>
      %dma_wait3A_770 = arith.constant 0 : i32
      %dma_wait3A_771 = tpu.memref_slice %arg9[%add3A_632, %dma_wait3A_770] : memref<10240x128xf32, #tpu.memory_space<vmem_shared>> -> memref<80x128xf32, #tpu.memory_space<vmem_shared>>
      %dma_wait3A_772 = arith.constant 80 : i32
      %dma_wait3A_773 = arith.constant 0 : i32
      %dma_wait3A_774 = tpu.memref_slice %arg8[%dma_wait3A_772, %dma_wait3A_773] : memref<200x128xf32, #tpu.memory_space<vmem>> -> memref<80x128xf32, #tpu.memory_space<vmem>>
      %dma_wait3A_775 = arith.constant 0 : i32
      %dma_wait3A_776 = tpu.memref_slice %arg9[%add3A_632, %dma_wait3A_775] : memref<10240x128xf32, #tpu.memory_space<vmem_shared>> -> memref<80x128xf32, #tpu.memory_space<vmem_shared>>
      tpu.wait_dma2 semaphore(%run_scoped3A : memref<!tpu.dma_semaphore, #tpu.memory_space<semaphore_mem>>) src(%dma_wait3A_776 : memref<80x128xf32, #tpu.memory_space<vmem_shared>>) dst(%dma_wait3A_774 : memref<80x128xf32, #tpu.memory_space<vmem>>)
      tpu.yield
    }) : () -> ()
    %dma_start3A_649 = arith.constant 80 : i32
    %dma_start3A_650 = arith.constant 0 : i32
    %dma_start3A_651 = tpu.memref_slice %arg8[%dma_start3A_649, %dma_start3A_650] : memref<200x128xf32, #tpu.memory_space<vmem>> -> memref<80x128xf32, #tpu.memory_space<vmem>>
    %dma_start3A_652 = arith.constant 0 : i32
    %dma_start3A_653 = tpu.memref_slice %arg5[%arg0, %add3A_632, %dma_start3A_652] : memref<2x10240x128xf32, #tpu.memory_space<hbm>> -> memref<1x80x128xf32, #tpu.memory_space<hbm>>
    %dma_start3A_654 = tpu.memref_squeeze %dma_start3A_653 : memref<1x80x128xf32, #tpu.memory_space<hbm>> -> memref<80x128xf32, #tpu.memory_space<hbm>>
    %dma_start3A_655 = arith.constant 0 : i32
    %dma_start3A_656 = tpu.memref_slice %arg5[%arg0, %add3A_632, %dma_start3A_655] : memref<2x10240x128xf32, #tpu.memory_space<hbm>> -> memref<1x80x128xf32, #tpu.memory_space<hbm>>
    %dma_start3A_657 = tpu.memref_squeeze %dma_start3A_656 : memref<1x80x128xf32, #tpu.memory_space<hbm>> -> memref<80x128xf32, #tpu.memory_space<hbm>>
    %dma_start3A_658 = arith.constant 80 : i32
    %dma_start3A_659 = arith.constant 0 : i32
    %dma_start3A_660 = tpu.memref_slice %arg8[%dma_start3A_658, %dma_start3A_659] : memref<200x128xf32, #tpu.memory_space<vmem>> -> memref<80x128xf32, #tpu.memory_space<vmem>>
    tpu.enqueue_dma source(%dma_start3A_660 : memref<80x128xf32, #tpu.memory_space<vmem>>) target(%dma_start3A_657 : memref<80x128xf32, #tpu.memory_space<hbm>>) target_semaphore(%arg11 : memref<!tpu.dma_semaphore, #tpu.memory_space<semaphore_mem>>)
    %mul3A_661 = arith.constant 640 : i32
    %mul3A_662 = arith.muli %arg1, %mul3A_661 : i32
    %add3A_663 = arith.constant 480 : i32
    %add3A_664 = arith.addi %mul3A_662, %add3A_663 : i32
    %mul3A_665 = arith.constant 640 : i32
    %mul3A_666 = arith.muli %arg1, %mul3A_665 : i32
    %add3A_667 = arith.constant 320 : i32
    %add3A_668 = arith.addi %mul3A_666, %add3A_667 : i32
    %dma_wait3A_669 = arith.constant 0 : i32
    %dma_wait3A_670 = arith.constant 0 : i32
    %dma_wait3A_671 = tpu.memref_slice %arg8[%dma_wait3A_669, %dma_wait3A_670] : memref<200x128xf32, #tpu.memory_space<vmem>> -> memref<80x128xf32, #tpu.memory_space<vmem>>
    %dma_wait3A_672 = arith.constant 0 : i32
    %dma_wait3A_673 = tpu.memref_slice %arg5[%arg0, %add3A_668, %dma_wait3A_672] : memref<2x10240x128xf32, #tpu.memory_space<hbm>> -> memref<1x80x128xf32, #tpu.memory_space<hbm>>
    %dma_wait3A_674 = tpu.memref_squeeze %dma_wait3A_673 : memref<1x80x128xf32, #tpu.memory_space<hbm>> -> memref<80x128xf32, #tpu.memory_space<hbm>>
    %dma_wait3A_675 = arith.constant 0 : i32
    %dma_wait3A_676 = tpu.memref_slice %arg5[%arg0, %add3A_668, %dma_wait3A_675] : memref<2x10240x128xf32, #tpu.memory_space<hbm>> -> memref<1x80x128xf32, #tpu.memory_space<hbm>>
    %dma_wait3A_677 = tpu.memref_squeeze %dma_wait3A_676 : memref<1x80x128xf32, #tpu.memory_space<hbm>> -> memref<80x128xf32, #tpu.memory_space<hbm>>
    %dma_wait3A_678 = arith.constant 0 : i32
    %dma_wait3A_679 = arith.constant 0 : i32
    %dma_wait3A_680 = tpu.memref_slice %arg8[%dma_wait3A_678, %dma_wait3A_679] : memref<200x128xf32, #tpu.memory_space<vmem>> -> memref<80x128xf32, #tpu.memory_space<vmem>>
    tpu.wait_dma2 semaphore(%arg10 : memref<!tpu.dma_semaphore, #tpu.memory_space<semaphore_mem>>) src(%dma_wait3A_680 : memref<80x128xf32, #tpu.memory_space<vmem>>) dst(%dma_wait3A_677 : memref<80x128xf32, #tpu.memory_space<hbm>>)
    "tpu.region"() ({
      %run_scoped3A = tpu.sem_alloc : memref<!tpu.dma_semaphore, #tpu.memory_space<semaphore_mem>>
      %dma_start3A_757 = arith.constant 0 : i32
      %dma_start3A_758 = arith.constant 0 : i32
      %dma_start3A_759 = tpu.memref_slice %arg8[%dma_start3A_757, %dma_start3A_758] : memref<200x128xf32, #tpu.memory_space<vmem>> -> memref<80x128xf32, #tpu.memory_space<vmem>>
      %dma_start3A_760 = arith.constant 0 : i32
      %dma_start3A_761 = tpu.memref_slice %arg9[%add3A_664, %dma_start3A_760] : memref<10240x128xf32, #tpu.memory_space<vmem_shared>> -> memref<80x128xf32, #tpu.memory_space<vmem_shared>>
      %dma_start3A_762 = arith.constant 0 : i32
      %dma_start3A_763 = arith.constant 0 : i32
      %dma_start3A_764 = tpu.memref_slice %arg8[%dma_start3A_762, %dma_start3A_763] : memref<200x128xf32, #tpu.memory_space<vmem>> -> memref<80x128xf32, #tpu.memory_space<vmem>>
      %dma_start3A_765 = arith.constant 0 : i32
      %dma_start3A_766 = tpu.memref_slice %arg9[%add3A_664, %dma_start3A_765] : memref<10240x128xf32, #tpu.memory_space<vmem_shared>> -> memref<80x128xf32, #tpu.memory_space<vmem_shared>>
      tpu.enqueue_dma source(%dma_start3A_766 : memref<80x128xf32, #tpu.memory_space<vmem_shared>>) target(%dma_start3A_764 : memref<80x128xf32, #tpu.memory_space<vmem>>) target_semaphore(%run_scoped3A : memref<!tpu.dma_semaphore, #tpu.memory_space<semaphore_mem>>)
      %dma_wait3A_767 = arith.constant 0 : i32
      %dma_wait3A_768 = arith.constant 0 : i32
      %dma_wait3A_769 = tpu.memref_slice %arg8[%dma_wait3A_767, %dma_wait3A_768] : memref<200x128xf32, #tpu.memory_space<vmem>> -> memref<80x128xf32, #tpu.memory_space<vmem>>
      %dma_wait3A_770 = arith.constant 0 : i32
      %dma_wait3A_771 = tpu.memref_slice %arg9[%add3A_664, %dma_wait3A_770] : memref<10240x128xf32, #tpu.memory_space<vmem_shared>> -> memref<80x128xf32, #tpu.memory_space<vmem_shared>>
      %dma_wait3A_772 = arith.constant 0 : i32
      %dma_wait3A_773 = arith.constant 0 : i32
      %dma_wait3A_774 = tpu.memref_slice %arg8[%dma_wait3A_772, %dma_wait3A_773] : memref<200x128xf32, #tpu.memory_space<vmem>> -> memref<80x128xf32, #tpu.memory_space<vmem>>
      %dma_wait3A_775 = arith.constant 0 : i32
      %dma_wait3A_776 = tpu.memref_slice %arg9[%add3A_664, %dma_wait3A_775] : memref<10240x128xf32, #tpu.memory_space<vmem_shared>> -> memref<80x128xf32, #tpu.memory_space<vmem_shared>>
      tpu.wait_dma2 semaphore(%run_scoped3A : memref<!tpu.dma_semaphore, #tpu.memory_space<semaphore_mem>>) src(%dma_wait3A_776 : memref<80x128xf32, #tpu.memory_space<vmem_shared>>) dst(%dma_wait3A_774 : memref<80x128xf32, #tpu.memory_space<vmem>>)
      tpu.yield
    }) : () -> ()
    %dma_start3A_681 = arith.constant 0 : i32
    %dma_start3A_682 = arith.constant 0 : i32
    %dma_start3A_683 = tpu.memref_slice %arg8[%dma_start3A_681, %dma_start3A_682] : memref<200x128xf32, #tpu.memory_space<vmem>> -> memref<80x128xf32, #tpu.memory_space<vmem>>
    %dma_start3A_684 = arith.constant 0 : i32
    %dma_start3A_685 = tpu.memref_slice %arg5[%arg0, %add3A_664, %dma_start3A_684] : memref<2x10240x128xf32, #tpu.memory_space<hbm>> -> memref<1x80x128xf32, #tpu.memory_space<hbm>>
    %dma_start3A_686 = tpu.memref_squeeze %dma_start3A_685 : memref<1x80x128xf32, #tpu.memory_space<hbm>> -> memref<80x128xf32, #tpu.memory_space<hbm>>
    %dma_start3A_687 = arith.constant 0 : i32
    %dma_start3A_688 = tpu.memref_slice %arg5[%arg0, %add3A_664, %dma_start3A_687] : memref<2x10240x128xf32, #tpu.memory_space<hbm>> -> memref<1x80x128xf32, #tpu.memory_space<hbm>>
    %dma_start3A_689 = tpu.memref_squeeze %dma_start3A_688 : memref<1x80x128xf32, #tpu.memory_space<hbm>> -> memref<80x128xf32, #tpu.memory_space<hbm>>
    %dma_start3A_690 = arith.constant 0 : i32
    %dma_start3A_691 = arith.constant 0 : i32
    %dma_start3A_692 = tpu.memref_slice %arg8[%dma_start3A_690, %dma_start3A_691] : memref<200x128xf32, #tpu.memory_space<vmem>> -> memref<80x128xf32, #tpu.memory_space<vmem>>
    tpu.enqueue_dma source(%dma_start3A_692 : memref<80x128xf32, #tpu.memory_space<vmem>>) target(%dma_start3A_689 : memref<80x128xf32, #tpu.memory_space<hbm>>) target_semaphore(%arg10 : memref<!tpu.dma_semaphore, #tpu.memory_space<semaphore_mem>>)
    %mul3A_693 = arith.constant 640 : i32
    %mul3A_694 = arith.muli %arg1, %mul3A_693 : i32
    %add3A_695 = arith.constant 560 : i32
    %add3A_696 = arith.addi %mul3A_694, %add3A_695 : i32
    %mul3A_697 = arith.constant 640 : i32
    %mul3A_698 = arith.muli %arg1, %mul3A_697 : i32
    %add3A_699 = arith.constant 400 : i32
    %add3A_700 = arith.addi %mul3A_698, %add3A_699 : i32
    %dma_wait3A_701 = arith.constant 80 : i32
    %dma_wait3A_702 = arith.constant 0 : i32
    %dma_wait3A_703 = tpu.memref_slice %arg8[%dma_wait3A_701, %dma_wait3A_702] : memref<200x128xf32, #tpu.memory_space<vmem>> -> memref<80x128xf32, #tpu.memory_space<vmem>>
    %dma_wait3A_704 = arith.constant 0 : i32
    %dma_wait3A_705 = tpu.memref_slice %arg5[%arg0, %add3A_700, %dma_wait3A_704] : memref<2x10240x128xf32, #tpu.memory_space<hbm>> -> memref<1x80x128xf32, #tpu.memory_space<hbm>>
    %dma_wait3A_706 = tpu.memref_squeeze %dma_wait3A_705 : memref<1x80x128xf32, #tpu.memory_space<hbm>> -> memref<80x128xf32, #tpu.memory_space<hbm>>
    %dma_wait3A_707 = arith.constant 0 : i32
    %dma_wait3A_708 = tpu.memref_slice %arg5[%arg0, %add3A_700, %dma_wait3A_707] : memref<2x10240x128xf32, #tpu.memory_space<hbm>> -> memref<1x80x128xf32, #tpu.memory_space<hbm>>
    %dma_wait3A_709 = tpu.memref_squeeze %dma_wait3A_708 : memref<1x80x128xf32, #tpu.memory_space<hbm>> -> memref<80x128xf32, #tpu.memory_space<hbm>>
    %dma_wait3A_710 = arith.constant 80 : i32
    %dma_wait3A_711 = arith.constant 0 : i32
    %dma_wait3A_712 = tpu.memref_slice %arg8[%dma_wait3A_710, %dma_wait3A_711] : memref<200x128xf32, #tpu.memory_space<vmem>> -> memref<80x128xf32, #tpu.memory_space<vmem>>
    tpu.wait_dma2 semaphore(%arg11 : memref<!tpu.dma_semaphore, #tpu.memory_space<semaphore_mem>>) src(%dma_wait3A_712 : memref<80x128xf32, #tpu.memory_space<vmem>>) dst(%dma_wait3A_709 : memref<80x128xf32, #tpu.memory_space<hbm>>)
    "tpu.region"() ({
      %run_scoped3A = tpu.sem_alloc : memref<!tpu.dma_semaphore, #tpu.memory_space<semaphore_mem>>
      %dma_start3A_757 = arith.constant 80 : i32
      %dma_start3A_758 = arith.constant 0 : i32
      %dma_start3A_759 = tpu.memref_slice %arg8[%dma_start3A_757, %dma_start3A_758] : memref<200x128xf32, #tpu.memory_space<vmem>> -> memref<80x128xf32, #tpu.memory_space<vmem>>
      %dma_start3A_760 = arith.constant 0 : i32
      %dma_start3A_761 = tpu.memref_slice %arg9[%add3A_696, %dma_start3A_760] : memref<10240x128xf32, #tpu.memory_space<vmem_shared>> -> memref<80x128xf32, #tpu.memory_space<vmem_shared>>
      %dma_start3A_762 = arith.constant 80 : i32
      %dma_start3A_763 = arith.constant 0 : i32
      %dma_start3A_764 = tpu.memref_slice %arg8[%dma_start3A_762, %dma_start3A_763] : memref<200x128xf32, #tpu.memory_space<vmem>> -> memref<80x128xf32, #tpu.memory_space<vmem>>
      %dma_start3A_765 = arith.constant 0 : i32
      %dma_start3A_766 = tpu.memref_slice %arg9[%add3A_696, %dma_start3A_765] : memref<10240x128xf32, #tpu.memory_space<vmem_shared>> -> memref<80x128xf32, #tpu.memory_space<vmem_shared>>
      tpu.enqueue_dma source(%dma_start3A_766 : memref<80x128xf32, #tpu.memory_space<vmem_shared>>) target(%dma_start3A_764 : memref<80x128xf32, #tpu.memory_space<vmem>>) target_semaphore(%run_scoped3A : memref<!tpu.dma_semaphore, #tpu.memory_space<semaphore_mem>>)
      %dma_wait3A_767 = arith.constant 80 : i32
      %dma_wait3A_768 = arith.constant 0 : i32
      %dma_wait3A_769 = tpu.memref_slice %arg8[%dma_wait3A_767, %dma_wait3A_768] : memref<200x128xf32, #tpu.memory_space<vmem>> -> memref<80x128xf32, #tpu.memory_space<vmem>>
      %dma_wait3A_770 = arith.constant 0 : i32
      %dma_wait3A_771 = tpu.memref_slice %arg9[%add3A_696, %dma_wait3A_770] : memref<10240x128xf32, #tpu.memory_space<vmem_shared>> -> memref<80x128xf32, #tpu.memory_space<vmem_shared>>
      %dma_wait3A_772 = arith.constant 80 : i32
      %dma_wait3A_773 = arith.constant 0 : i32
      %dma_wait3A_774 = tpu.memref_slice %arg8[%dma_wait3A_772, %dma_wait3A_773] : memref<200x128xf32, #tpu.memory_space<vmem>> -> memref<80x128xf32, #tpu.memory_space<vmem>>
      %dma_wait3A_775 = arith.constant 0 : i32
      %dma_wait3A_776 = tpu.memref_slice %arg9[%add3A_696, %dma_wait3A_775] : memref<10240x128xf32, #tpu.memory_space<vmem_shared>> -> memref<80x128xf32, #tpu.memory_space<vmem_shared>>
      tpu.wait_dma2 semaphore(%run_scoped3A : memref<!tpu.dma_semaphore, #tpu.memory_space<semaphore_mem>>) src(%dma_wait3A_776 : memref<80x128xf32, #tpu.memory_space<vmem_shared>>) dst(%dma_wait3A_774 : memref<80x128xf32, #tpu.memory_space<vmem>>)
      tpu.yield
    }) : () -> ()
    %dma_start3A_713 = arith.constant 80 : i32
    %dma_start3A_714 = arith.constant 0 : i32
    %dma_start3A_715 = tpu.memref_slice %arg8[%dma_start3A_713, %dma_start3A_714] : memref<200x128xf32, #tpu.memory_space<vmem>> -> memref<80x128xf32, #tpu.memory_space<vmem>>
    %dma_start3A_716 = arith.constant 0 : i32
    %dma_start3A_717 = tpu.memref_slice %arg5[%arg0, %add3A_696, %dma_start3A_716] : memref<2x10240x128xf32, #tpu.memory_space<hbm>> -> memref<1x80x128xf32, #tpu.memory_space<hbm>>
    %dma_start3A_718 = tpu.memref_squeeze %dma_start3A_717 : memref<1x80x128xf32, #tpu.memory_space<hbm>> -> memref<80x128xf32, #tpu.memory_space<hbm>>
    %dma_start3A_719 = arith.constant 0 : i32
    %dma_start3A_720 = tpu.memref_slice %arg5[%arg0, %add3A_696, %dma_start3A_719] : memref<2x10240x128xf32, #tpu.memory_space<hbm>> -> memref<1x80x128xf32, #tpu.memory_space<hbm>>
    %dma_start3A_721 = tpu.memref_squeeze %dma_start3A_720 : memref<1x80x128xf32, #tpu.memory_space<hbm>> -> memref<80x128xf32, #tpu.memory_space<hbm>>
    %dma_start3A_722 = arith.constant 80 : i32
    %dma_start3A_723 = arith.constant 0 : i32
    %dma_start3A_724 = tpu.memref_slice %arg8[%dma_start3A_722, %dma_start3A_723] : memref<200x128xf32, #tpu.memory_space<vmem>> -> memref<80x128xf32, #tpu.memory_space<vmem>>
    tpu.enqueue_dma source(%dma_start3A_724 : memref<80x128xf32, #tpu.memory_space<vmem>>) target(%dma_start3A_721 : memref<80x128xf32, #tpu.memory_space<hbm>>) target_semaphore(%arg11 : memref<!tpu.dma_semaphore, #tpu.memory_space<semaphore_mem>>)
    %mul3A_725 = arith.constant 640 : i32
    %mul3A_726 = arith.muli %arg1, %mul3A_725 : i32
    %add3A_727 = arith.constant 480 : i32
    %add3A_728 = arith.addi %mul3A_726, %add3A_727 : i32
    %dma_wait3A_729 = arith.constant 0 : i32
    %dma_wait3A_730 = arith.constant 0 : i32
    %dma_wait3A_731 = tpu.memref_slice %arg8[%dma_wait3A_729, %dma_wait3A_730] : memref<200x128xf32, #tpu.memory_space<vmem>> -> memref<80x128xf32, #tpu.memory_space<vmem>>
    %dma_wait3A_732 = arith.constant 0 : i32
    %dma_wait3A_733 = tpu.memref_slice %arg5[%arg0, %add3A_728, %dma_wait3A_732] : memref<2x10240x128xf32, #tpu.memory_space<hbm>> -> memref<1x80x128xf32, #tpu.memory_space<hbm>>
    %dma_wait3A_734 = tpu.memref_squeeze %dma_wait3A_733 : memref<1x80x128xf32, #tpu.memory_space<hbm>> -> memref<80x128xf32, #tpu.memory_space<hbm>>
    %dma_wait3A_735 = arith.constant 0 : i32
    %dma_wait3A_736 = tpu.memref_slice %arg5[%arg0, %add3A_728, %dma_wait3A_735] : memref<2x10240x128xf32, #tpu.memory_space<hbm>> -> memref<1x80x128xf32, #tpu.memory_space<hbm>>
    %dma_wait3A_737 = tpu.memref_squeeze %dma_wait3A_736 : memref<1x80x128xf32, #tpu.memory_space<hbm>> -> memref<80x128xf32, #tpu.memory_space<hbm>>
    %dma_wait3A_738 = arith.constant 0 : i32
    %dma_wait3A_739 = arith.constant 0 : i32
    %dma_wait3A_740 = tpu.memref_slice %arg8[%dma_wait3A_738, %dma_wait3A_739] : memref<200x128xf32, #tpu.memory_space<vmem>> -> memref<80x128xf32, #tpu.memory_space<vmem>>
    tpu.wait_dma2 semaphore(%arg10 : memref<!tpu.dma_semaphore, #tpu.memory_space<semaphore_mem>>) src(%dma_wait3A_740 : memref<80x128xf32, #tpu.memory_space<vmem>>) dst(%dma_wait3A_737 : memref<80x128xf32, #tpu.memory_space<hbm>>)
    %mul3A_741 = arith.constant 640 : i32
    %mul3A_742 = arith.muli %arg1, %mul3A_741 : i32
    %add3A_743 = arith.constant 560 : i32
    %add3A_744 = arith.addi %mul3A_742, %add3A_743 : i32
    %dma_wait3A_745 = arith.constant 80 : i32
    %dma_wait3A_746 = arith.constant 0 : i32
    %dma_wait3A_747 = tpu.memref_slice %arg8[%dma_wait3A_745, %dma_wait3A_746] : memref<200x128xf32, #tpu.memory_space<vmem>> -> memref<80x128xf32, #tpu.memory_space<vmem>>
    %dma_wait3A_748 = arith.constant 0 : i32
    %dma_wait3A_749 = tpu.memref_slice %arg5[%arg0, %add3A_744, %dma_wait3A_748] : memref<2x10240x128xf32, #tpu.memory_space<hbm>> -> memref<1x80x128xf32, #tpu.memory_space<hbm>>
    %dma_wait3A_750 = tpu.memref_squeeze %dma_wait3A_749 : memref<1x80x128xf32, #tpu.memory_space<hbm>> -> memref<80x128xf32, #tpu.memory_space<hbm>>
    %dma_wait3A_751 = arith.constant 0 : i32
    %dma_wait3A_752 = tpu.memref_slice %arg5[%arg0, %add3A_744, %dma_wait3A_751] : memref<2x10240x128xf32, #tpu.memory_space<hbm>> -> memref<1x80x128xf32, #tpu.memory_space<hbm>>
    %dma_wait3A_753 = tpu.memref_squeeze %dma_wait3A_752 : memref<1x80x128xf32, #tpu.memory_space<hbm>> -> memref<80x128xf32, #tpu.memory_space<hbm>>
    %dma_wait3A_754 = arith.constant 80 : i32
    %dma_wait3A_755 = arith.constant 0 : i32
    %dma_wait3A_756 = tpu.memref_slice %arg8[%dma_wait3A_754, %dma_wait3A_755] : memref<200x128xf32, #tpu.memory_space<vmem>> -> memref<80x128xf32, #tpu.memory_space<vmem>>
    tpu.wait_dma2 semaphore(%arg11 : memref<!tpu.dma_semaphore, #tpu.memory_space<semaphore_mem>>) src(%dma_wait3A_756 : memref<80x128xf32, #tpu.memory_space<vmem>>) dst(%dma_wait3A_753 : memref<80x128xf32, #tpu.memory_space<hbm>>)
    return
  }
}

#map = affine_map<(d0, d1) -> (0, 0)>
#map1 = affine_map<(d0, d1) -> (0)>
#map2 = affine_map<(d0, d1) -> (0, 0, 0)>
module attributes {stable_mosaic.version = 14 : i64} {
  func.func @k(%arg0: i32, %arg1: i32, %arg2: memref<10000x128xf32, #tpu.memory_space<hbm>>, %arg3: memref<320000xi32, #tpu.memory_space<hbm>>, %arg4: memref<320000xi32, #tpu.memory_space<hbm>>, %arg5: memref<2x10240x128xf32, #tpu.memory_space<hbm>>, %arg6: memref<4000xi32, #tpu.memory_space<vmem>>, %arg7: memref<4000xi32, #tpu.memory_space<vmem>>, %arg8: memref<200x128xf32, #tpu.memory_space<vmem>>, %arg9: memref<10240x128xf32, #tpu.memory_space<vmem_shared>>, %arg10: memref<!tpu.dma_semaphore, #tpu.memory_space<semaphore_mem>>, %arg11: memref<!tpu.dma_semaphore, #tpu.memory_space<semaphore_mem>>, %arg12: memref<!tpu.dma_semaphore, #tpu.memory_space<semaphore_mem>>, %arg13: memref<!tpu.dma_semaphore, #tpu.memory_space<semaphore_mem>>, %arg14: memref<!tpu.dma_semaphore, #tpu.memory_space<semaphore_mem>>, %arg15: memref<!tpu.dma_semaphore, #tpu.memory_space<semaphore_mem>>, %arg16: memref<!tpu.dma_semaphore, #tpu.memory_space<semaphore_mem>>) attributes {dimension_semantics = [#tpu.dimension_semantics<core_parallel>, #tpu.dimension_semantics<subcore_parallel>], iteration_bounds = array<i64: 2, 16>, scalar_prefetch = 0 : i64, scratch_operands = 11 : i64, tpu.core_type = #tpu.core_type<sc_vector_subcore>, window_params = [{transform_indices = #map}, {transform_indices = #map1}, {transform_indices = #map1}, {transform_indices = #map2}]} {
    %mul3A = arith.constant 16 : i32
    %mul3A_0 = arith.muli %arg0, %mul3A : i32
    %add3A = arith.addi %mul3A_0, %arg1 : i32
    %mul3A_1 = arith.constant 10000 : i32
    %mul3A_2 = arith.muli %add3A, %mul3A_1 : i32
    "tpu.region"() ({
      %run_scoped3A = tpu.sem_alloc : memref<!tpu.dma_semaphore, #tpu.memory_space<semaphore_mem>>
      %dma_start3A_757 = arith.constant 0 : i32
      %dma_start3A_758 = tpu.memref_slice %arg6[%dma_start3A_757] : memref<4000xi32, #tpu.memory_space<vmem>> -> memref<2000xi32, #tpu.memory_space<vmem>>
      %dma_start3A_759 = tpu.memref_slice %arg3[%mul3A_2] : memref<320000xi32, #tpu.memory_space<hbm>> -> memref<2000xi32, #tpu.memory_space<hbm>>
      %dma_start3A_760 = arith.constant 0 : i32
      %dma_start3A_761 = tpu.memref_slice %arg6[%dma_start3A_760] : memref<4000xi32, #tpu.memory_space<vmem>> -> memref<2000xi32, #tpu.memory_space<vmem>>
      %dma_start3A_762 = tpu.memref_slice %arg3[%mul3A_2] : memref<320000xi32, #tpu.memory_space<hbm>> -> memref<2000xi32, #tpu.memory_space<hbm>>
      tpu.enqueue_dma source(%dma_start3A_762 : memref<2000xi32, #tpu.memory_space<hbm>>) target(%dma_start3A_761 : memref<2000xi32, #tpu.memory_space<vmem>>) target_semaphore(%run_scoped3A : memref<!tpu.dma_semaphore, #tpu.memory_space<semaphore_mem>>)
      %dma_wait3A_763 = arith.constant 0 : i32
      %dma_wait3A_764 = tpu.memref_slice %arg6[%dma_wait3A_763] : memref<4000xi32, #tpu.memory_space<vmem>> -> memref<2000xi32, #tpu.memory_space<vmem>>
      %dma_wait3A_765 = tpu.memref_slice %arg3[%mul3A_2] : memref<320000xi32, #tpu.memory_space<hbm>> -> memref<2000xi32, #tpu.memory_space<hbm>>
      %dma_wait3A_766 = arith.constant 0 : i32
      %dma_wait3A_767 = tpu.memref_slice %arg6[%dma_wait3A_766] : memref<4000xi32, #tpu.memory_space<vmem>> -> memref<2000xi32, #tpu.memory_space<vmem>>
      %dma_wait3A_768 = tpu.memref_slice %arg3[%mul3A_2] : memref<320000xi32, #tpu.memory_space<hbm>> -> memref<2000xi32, #tpu.memory_space<hbm>>
      tpu.wait_dma2 semaphore(%run_scoped3A : memref<!tpu.dma_semaphore, #tpu.memory_space<semaphore_mem>>) src(%dma_wait3A_768 : memref<2000xi32, #tpu.memory_space<hbm>>) dst(%dma_wait3A_767 : memref<2000xi32, #tpu.memory_space<vmem>>)
      tpu.yield
    }) : () -> ()
    "tpu.region"() ({
      %run_scoped3A = tpu.sem_alloc : memref<!tpu.dma_semaphore, #tpu.memory_space<semaphore_mem>>
      %dma_start3A_757 = arith.constant 0 : i32
      %dma_start3A_758 = tpu.memref_slice %arg7[%dma_start3A_757] : memref<4000xi32, #tpu.memory_space<vmem>> -> memref<2000xi32, #tpu.memory_space<vmem>>
      %dma_start3A_759 = tpu.memref_slice %arg4[%mul3A_2] : memref<320000xi32, #tpu.memory_space<hbm>> -> memref<2000xi32, #tpu.memory_space<hbm>>
      %dma_start3A_760 = arith.constant 0 : i32
      %dma_start3A_761 = tpu.memref_slice %arg7[%dma_start3A_760] : memref<4000xi32, #tpu.memory_space<vmem>> -> memref<2000xi32, #tpu.memory_space<vmem>>
      %dma_start3A_762 = tpu.memref_slice %arg4[%mul3A_2] : memref<320000xi32, #tpu.memory_space<hbm>> -> memref<2000xi32, #tpu.memory_space<hbm>>
      tpu.enqueue_dma source(%dma_start3A_762 : memref<2000xi32, #tpu.memory_space<hbm>>) target(%dma_start3A_761 : memref<2000xi32, #tpu.memory_space<vmem>>) target_semaphore(%run_scoped3A : memref<!tpu.dma_semaphore, #tpu.memory_space<semaphore_mem>>)
      %dma_wait3A_763 = arith.constant 0 : i32
      %dma_wait3A_764 = tpu.memref_slice %arg7[%dma_wait3A_763] : memref<4000xi32, #tpu.memory_space<vmem>> -> memref<2000xi32, #tpu.memory_space<vmem>>
      %dma_wait3A_765 = tpu.memref_slice %arg4[%mul3A_2] : memref<320000xi32, #tpu.memory_space<hbm>> -> memref<2000xi32, #tpu.memory_space<hbm>>
      %dma_wait3A_766 = arith.constant 0 : i32
      %dma_wait3A_767 = tpu.memref_slice %arg7[%dma_wait3A_766] : memref<4000xi32, #tpu.memory_space<vmem>> -> memref<2000xi32, #tpu.memory_space<vmem>>
      %dma_wait3A_768 = tpu.memref_slice %arg4[%mul3A_2] : memref<320000xi32, #tpu.memory_space<hbm>> -> memref<2000xi32, #tpu.memory_space<hbm>>
      tpu.wait_dma2 semaphore(%run_scoped3A : memref<!tpu.dma_semaphore, #tpu.memory_space<semaphore_mem>>) src(%dma_wait3A_768 : memref<2000xi32, #tpu.memory_space<hbm>>) dst(%dma_wait3A_767 : memref<2000xi32, #tpu.memory_space<vmem>>)
      tpu.yield
    }) : () -> ()
    %dma_start3A = arith.constant 0 : i32
    %dma_start3A_3 = arith.constant 0 : i32
    %dma_start3A_4 = tpu.memref_slice %arg8[%dma_start3A, %dma_start3A_3] : memref<200x128xf32, #tpu.memory_space<vmem>> -> memref<40x128xf32, #tpu.memory_space<vmem>>
    %dma_start3A_5 = arith.constant 0 : i32
    %dma_start3A_6 = tpu.memref_slice %arg6[%dma_start3A_5] : memref<4000xi32, #tpu.memory_space<vmem>> -> memref<40xi32, #tpu.memory_space<vmem>>
    %dma_start3A_7 = arith.constant 0 : i32
    %dma_start3A_8 = arith.constant 0 : i32
    %dma_start3A_9 = tpu.memref_slice %arg2[%dma_start3A_7, %dma_start3A_8] : memref<10000x128xf32, #tpu.memory_space<hbm>> -> memref<10000x128xf32, #tpu.memory_space<hbm>>
    tpu.enqueue_indirect_dma source(%dma_start3A_9 : memref<10000x128xf32, #tpu.memory_space<hbm>>) target(%dma_start3A_4 : memref<40x128xf32, #tpu.memory_space<vmem>>) offsets(%dma_start3A_6 : memref<40xi32, #tpu.memory_space<vmem>>) semaphore(%arg10 : memref<!tpu.dma_semaphore, #tpu.memory_space<semaphore_mem>>)
    %dma_start3A_10 = arith.constant 40 : i32
    %dma_start3A_11 = arith.constant 0 : i32
    %dma_start3A_12 = tpu.memref_slice %arg8[%dma_start3A_10, %dma_start3A_11] : memref<200x128xf32, #tpu.memory_space<vmem>> -> memref<40x128xf32, #tpu.memory_space<vmem>>
    %dma_start3A_13 = arith.constant 40 : i32
    %dma_start3A_14 = tpu.memref_slice %arg6[%dma_start3A_13] : memref<4000xi32, #tpu.memory_space<vmem>> -> memref<40xi32, #tpu.memory_space<vmem>>
    %dma_start3A_15 = arith.constant 0 : i32
    %dma_start3A_16 = arith.constant 0 : i32
    %dma_start3A_17 = tpu.memref_slice %arg2[%dma_start3A_15, %dma_start3A_16] : memref<10000x128xf32, #tpu.memory_space<hbm>> -> memref<10000x128xf32, #tpu.memory_space<hbm>>
    tpu.enqueue_indirect_dma source(%dma_start3A_17 : memref<10000x128xf32, #tpu.memory_space<hbm>>) target(%dma_start3A_12 : memref<40x128xf32, #tpu.memory_space<vmem>>) offsets(%dma_start3A_14 : memref<40xi32, #tpu.memory_space<vmem>>) semaphore(%arg11 : memref<!tpu.dma_semaphore, #tpu.memory_space<semaphore_mem>>)
    %dma_start3A_18 = arith.constant 80 : i32
    %dma_start3A_19 = arith.constant 0 : i32
    %dma_start3A_20 = tpu.memref_slice %arg8[%dma_start3A_18, %dma_start3A_19] : memref<200x128xf32, #tpu.memory_space<vmem>> -> memref<40x128xf32, #tpu.memory_space<vmem>>
    %dma_start3A_21 = arith.constant 80 : i32
    %dma_start3A_22 = tpu.memref_slice %arg6[%dma_start3A_21] : memref<4000xi32, #tpu.memory_space<vmem>> -> memref<40xi32, #tpu.memory_space<vmem>>
    %dma_start3A_23 = arith.constant 0 : i32
    %dma_start3A_24 = arith.constant 0 : i32
    %dma_start3A_25 = tpu.memref_slice %arg2[%dma_start3A_23, %dma_start3A_24] : memref<10000x128xf32, #tpu.memory_space<hbm>> -> memref<10000x128xf32, #tpu.memory_space<hbm>>
    tpu.enqueue_indirect_dma source(%dma_start3A_25 : memref<10000x128xf32, #tpu.memory_space<hbm>>) target(%dma_start3A_20 : memref<40x128xf32, #tpu.memory_space<vmem>>) offsets(%dma_start3A_22 : memref<40xi32, #tpu.memory_space<vmem>>) semaphore(%arg12 : memref<!tpu.dma_semaphore, #tpu.memory_space<semaphore_mem>>)
    %dma_start3A_26 = arith.constant 120 : i32
    %dma_start3A_27 = arith.constant 0 : i32
    %dma_start3A_28 = tpu.memref_slice %arg8[%dma_start3A_26, %dma_start3A_27] : memref<200x128xf32, #tpu.memory_space<vmem>> -> memref<40x128xf32, #tpu.memory_space<vmem>>
    %dma_start3A_29 = arith.constant 120 : i32
    %dma_start3A_30 = tpu.memref_slice %arg6[%dma_start3A_29] : memref<4000xi32, #tpu.memory_space<vmem>> -> memref<40xi32, #tpu.memory_space<vmem>>
    %dma_start3A_31 = arith.constant 0 : i32
    %dma_start3A_32 = arith.constant 0 : i32
    %dma_start3A_33 = tpu.memref_slice %arg2[%dma_start3A_31, %dma_start3A_32] : memref<10000x128xf32, #tpu.memory_space<hbm>> -> memref<10000x128xf32, #tpu.memory_space<hbm>>
    tpu.enqueue_indirect_dma source(%dma_start3A_33 : memref<10000x128xf32, #tpu.memory_space<hbm>>) target(%dma_start3A_28 : memref<40x128xf32, #tpu.memory_space<vmem>>) offsets(%dma_start3A_30 : memref<40xi32, #tpu.memory_space<vmem>>) semaphore(%arg13 : memref<!tpu.dma_semaphore, #tpu.memory_space<semaphore_mem>>)
    %scan3A = arith.constant 0 : i32
    %scan3A_34 = arith.constant 0 : i32
    %scan3A_35 = arith.constant 40 : i32
    %scan3A_36 = arith.addi %scan3A_34, %scan3A_35 : i32
    %scan3A_37 = arith.constant 1 : i32
    scf.for %scan3A_757 = %scan3A_34 to %scan3A_36 step %scan3A_37  : i32 {
      %broadcast_in_dim3A = arith.constant 0.000000e+00 : f32
      %broadcast_in_dim3A_758 = vector.broadcast %broadcast_in_dim3A : f32 to vector<16xf32>
      %add3A_759 = arith.constant 160 : i32
      %add3A_760 = arith.addi %add3A_759, %scan3A_757 : i32
      %swap3A = arith.index_cast %add3A_760 : i32 to index
      %swap3A_761 = arith.constant 0 : index
      %swap3A_762 = tpu.vector_load %arg8[%swap3A, %swap3A_761] {strides = array<i32>} : memref<200x128xf32, #tpu.memory_space<vmem>>, vector<1x16xf32>,
      %swap3A_763 = vector.shape_cast %swap3A_762 : vector<1x16xf32> to vector<16xf32>
      %swap3A_764 = vector.shape_cast %broadcast_in_dim3A_758 : vector<16xf32> to vector<1x16xf32>
      tpu.vector_store %arg8[%swap3A, %swap3A_761], %swap3A_764 {strides = array<i32>} : memref<200x128xf32, #tpu.memory_space<vmem>>, vector<1x16xf32>,
      %broadcast_in_dim3A_765 = arith.constant 0.000000e+00 : f32
      %broadcast_in_dim3A_766 = vector.broadcast %broadcast_in_dim3A_765 : f32 to vector<16xf32>
      %add3A_767 = arith.constant 160 : i32
      %add3A_768 = arith.addi %add3A_767, %scan3A_757 : i32
      %swap3A_769 = arith.index_cast %add3A_768 : i32 to index
      %swap3A_770 = arith.constant 16 : index
      %swap3A_771 = tpu.vector_load %arg8[%swap3A_769, %swap3A_770] {strides = array<i32>} : memref<200x128xf32, #tpu.memory_space<vmem>>, vector<1x16xf32>,
      %swap3A_772 = vector.shape_cast %swap3A_771 : vector<1x16xf32> to vector<16xf32>
      %swap3A_773 = vector.shape_cast %broadcast_in_dim3A_766 : vector<16xf32> to vector<1x16xf32>
      tpu.vector_store %arg8[%swap3A_769, %swap3A_770], %swap3A_773 {strides = array<i32>} : memref<200x128xf32, #tpu.memory_space<vmem>>, vector<1x16xf32>,
      %broadcast_in_dim3A_774 = arith.constant 0.000000e+00 : f32
      %broadcast_in_dim3A_775 = vector.broadcast %broadcast_in_dim3A_774 : f32 to vector<16xf32>
      %add3A_776 = arith.constant 160 : i32
      %add3A_777 = arith.addi %add3A_776, %scan3A_757 : i32
      %swap3A_778 = arith.index_cast %add3A_777 : i32 to index
      %swap3A_779 = arith.constant 32 : index
      %swap3A_780 = tpu.vector_load %arg8[%swap3A_778, %swap3A_779] {strides = array<i32>} : memref<200x128xf32, #tpu.memory_space<vmem>>, vector<1x16xf32>,
      %swap3A_781 = vector.shape_cast %swap3A_780 : vector<1x16xf32> to vector<16xf32>
      %swap3A_782 = vector.shape_cast %broadcast_in_dim3A_775 : vector<16xf32> to vector<1x16xf32>
      tpu.vector_store %arg8[%swap3A_778, %swap3A_779], %swap3A_782 {strides = array<i32>} : memref<200x128xf32, #tpu.memory_space<vmem>>, vector<1x16xf32>,
      %broadcast_in_dim3A_783 = arith.constant 0.000000e+00 : f32
      %broadcast_in_dim3A_784 = vector.broadcast %broadcast_in_dim3A_783 : f32 to vector<16xf32>
      %add3A_785 = arith.constant 160 : i32
      %add3A_786 = arith.addi %add3A_785, %scan3A_757 : i32
      %swap3A_787 = arith.index_cast %add3A_786 : i32 to index
      %swap3A_788 = arith.constant 48 : index
      %swap3A_789 = tpu.vector_load %arg8[%swap3A_787, %swap3A_788] {strides = array<i32>} : memref<200x128xf32, #tpu.memory_space<vmem>>, vector<1x16xf32>,
      %swap3A_790 = vector.shape_cast %swap3A_789 : vector<1x16xf32> to vector<16xf32>
      %swap3A_791 = vector.shape_cast %broadcast_in_dim3A_784 : vector<16xf32> to vector<1x16xf32>
      tpu.vector_store %arg8[%swap3A_787, %swap3A_788], %swap3A_791 {strides = array<i32>} : memref<200x128xf32, #tpu.memory_space<vmem>>, vector<1x16xf32>,
      %broadcast_in_dim3A_792 = arith.constant 0.000000e+00 : f32
      %broadcast_in_dim3A_793 = vector.broadcast %broadcast_in_dim3A_792 : f32 to vector<16xf32>
      %add3A_794 = arith.constant 160 : i32
      %add3A_795 = arith.addi %add3A_794, %scan3A_757 : i32
      %swap3A_796 = arith.index_cast %add3A_795 : i32 to index
      %swap3A_797 = arith.constant 64 : index
      %swap3A_798 = tpu.vector_load %arg8[%swap3A_796, %swap3A_797] {strides = array<i32>} : memref<200x128xf32, #tpu.memory_space<vmem>>, vector<1x16xf32>,
      %swap3A_799 = vector.shape_cast %swap3A_798 : vector<1x16xf32> to vector<16xf32>
      %swap3A_800 = vector.shape_cast %broadcast_in_dim3A_793 : vector<16xf32> to vector<1x16xf32>
      tpu.vector_store %arg8[%swap3A_796, %swap3A_797], %swap3A_800 {strides = array<i32>} : memref<200x128xf32, #tpu.memory_space<vmem>>, vector<1x16xf32>,
      %broadcast_in_dim3A_801 = arith.constant 0.000000e+00 : f32
      %broadcast_in_dim3A_802 = vector.broadcast %broadcast_in_dim3A_801 : f32 to vector<16xf32>
      %add3A_803 = arith.constant 160 : i32
      %add3A_804 = arith.addi %add3A_803, %scan3A_757 : i32
      %swap3A_805 = arith.index_cast %add3A_804 : i32 to index
      %swap3A_806 = arith.constant 80 : index
      %swap3A_807 = tpu.vector_load %arg8[%swap3A_805, %swap3A_806] {strides = array<i32>} : memref<200x128xf32, #tpu.memory_space<vmem>>, vector<1x16xf32>,
      %swap3A_808 = vector.shape_cast %swap3A_807 : vector<1x16xf32> to vector<16xf32>
      %swap3A_809 = vector.shape_cast %broadcast_in_dim3A_802 : vector<16xf32> to vector<1x16xf32>
      tpu.vector_store %arg8[%swap3A_805, %swap3A_806], %swap3A_809 {strides = array<i32>} : memref<200x128xf32, #tpu.memory_space<vmem>>, vector<1x16xf32>,
      %broadcast_in_dim3A_810 = arith.constant 0.000000e+00 : f32
      %broadcast_in_dim3A_811 = vector.broadcast %broadcast_in_dim3A_810 : f32 to vector<16xf32>
      %add3A_812 = arith.constant 160 : i32
      %add3A_813 = arith.addi %add3A_812, %scan3A_757 : i32
      %swap3A_814 = arith.index_cast %add3A_813 : i32 to index
      %swap3A_815 = arith.constant 96 : index
      %swap3A_816 = tpu.vector_load %arg8[%swap3A_814, %swap3A_815] {strides = array<i32>} : memref<200x128xf32, #tpu.memory_space<vmem>>, vector<1x16xf32>,
      %swap3A_817 = vector.shape_cast %swap3A_816 : vector<1x16xf32> to vector<16xf32>
      %swap3A_818 = vector.shape_cast %broadcast_in_dim3A_811 : vector<16xf32> to vector<1x16xf32>
      tpu.vector_store %arg8[%swap3A_814, %swap3A_815], %swap3A_818 {strides = array<i32>} : memref<200x128xf32, #tpu.memory_space<vmem>>, vector<1x16xf32>,
      %broadcast_in_dim3A_819 = arith.constant 0.000000e+00 : f32
      %broadcast_in_dim3A_820 = vector.broadcast %broadcast_in_dim3A_819 : f32 to vector<16xf32>
      %add3A_821 = arith.constant 160 : i32
      %add3A_822 = arith.addi %add3A_821, %scan3A_757 : i32
      %swap3A_823 = arith.index_cast %add3A_822 : i32 to index
      %swap3A_824 = arith.constant 112 : index
      %swap3A_825 = tpu.vector_load %arg8[%swap3A_823, %swap3A_824] {strides = array<i32>} : memref<200x128xf32, #tpu.memory_space<vmem>>, vector<1x16xf32>,
      %swap3A_826 = vector.shape_cast %swap3A_825 : vector<1x16xf32> to vector<16xf32>
      %swap3A_827 = vector.shape_cast %broadcast_in_dim3A_820 : vector<16xf32> to vector<1x16xf32>
      tpu.vector_store %arg8[%swap3A_823, %swap3A_824], %swap3A_827 {strides = array<i32>} : memref<200x128xf32, #tpu.memory_space<vmem>>, vector<1x16xf32>,
    }
    %scan3A_38 = arith.constant 40 : i32
    %mul3A_39 = arith.constant 640 : i32
    %mul3A_40 = arith.muli %arg1, %mul3A_39 : i32
    %add3A_41 = arith.constant 0 : i32
    %add3A_42 = arith.addi %mul3A_40, %add3A_41 : i32
    %dma_start3A_43 = arith.constant 160 : i32
    %dma_start3A_44 = arith.constant 0 : i32
    %dma_start3A_45 = tpu.memref_slice %arg8[%dma_start3A_43, %dma_start3A_44] : memref<200x128xf32, #tpu.memory_space<vmem>> -> memref<40x128xf32, #tpu.memory_space<vmem>>
    %dma_start3A_46 = arith.constant 0 : i32
    %dma_start3A_47 = tpu.memref_slice %arg9[%add3A_42, %dma_start3A_46] : memref<10240x128xf32, #tpu.memory_space<vmem_shared>> -> memref<40x128xf32, #tpu.memory_space<vmem_shared>>
    %dma_start3A_48 = arith.constant 0 : i32
    %dma_start3A_49 = tpu.memref_slice %arg9[%add3A_42, %dma_start3A_48] : memref<10240x128xf32, #tpu.memory_space<vmem_shared>> -> memref<40x128xf32, #tpu.memory_space<vmem_shared>>
    %dma_start3A_50 = arith.constant 160 : i32
    %dma_start3A_51 = arith.constant 0 : i32
    %dma_start3A_52 = tpu.memref_slice %arg8[%dma_start3A_50, %dma_start3A_51] : memref<200x128xf32, #tpu.memory_space<vmem>> -> memref<40x128xf32, #tpu.memory_space<vmem>>
    tpu.enqueue_dma source(%dma_start3A_52 : memref<40x128xf32, #tpu.memory_space<vmem>>) target(%dma_start3A_49 : memref<40x128xf32, #tpu.memory_space<vmem_shared>>) target_semaphore(%arg14 : memref<!tpu.dma_semaphore, #tpu.memory_space<semaphore_mem>>)
    %mul3A_53 = arith.constant 640 : i32
    %mul3A_54 = arith.muli %arg1, %mul3A_53 : i32
    %add3A_55 = arith.constant 40 : i32
    %add3A_56 = arith.addi %mul3A_54, %add3A_55 : i32
    %dma_start3A_57 = arith.constant 160 : i32
    %dma_start3A_58 = arith.constant 0 : i32
    %dma_start3A_59 = tpu.memref_slice %arg8[%dma_start3A_57, %dma_start3A_58] : memref<200x128xf32, #tpu.memory_space<vmem>> -> memref<40x128xf32, #tpu.memory_space<vmem>>
    %dma_start3A_60 = arith.constant 0 : i32
    %dma_start3A_61 = tpu.memref_slice %arg9[%add3A_56, %dma_start3A_60] : memref<10240x128xf32, #tpu.memory_space<vmem_shared>> -> memref<40x128xf32, #tpu.memory_space<vmem_shared>>
    %dma_start3A_62 = arith.constant 0 : i32
    %dma_start3A_63 = tpu.memref_slice %arg9[%add3A_56, %dma_start3A_62] : memref<10240x128xf32, #tpu.memory_space<vmem_shared>> -> memref<40x128xf32, #tpu.memory_space<vmem_shared>>
    %dma_start3A_64 = arith.constant 160 : i32
    %dma_start3A_65 = arith.constant 0 : i32
    %dma_start3A_66 = tpu.memref_slice %arg8[%dma_start3A_64, %dma_start3A_65] : memref<200x128xf32, #tpu.memory_space<vmem>> -> memref<40x128xf32, #tpu.memory_space<vmem>>
    tpu.enqueue_dma source(%dma_start3A_66 : memref<40x128xf32, #tpu.memory_space<vmem>>) target(%dma_start3A_63 : memref<40x128xf32, #tpu.memory_space<vmem_shared>>) target_semaphore(%arg14 : memref<!tpu.dma_semaphore, #tpu.memory_space<semaphore_mem>>)
    %mul3A_67 = arith.constant 640 : i32
    %mul3A_68 = arith.muli %arg1, %mul3A_67 : i32
    %add3A_69 = arith.constant 80 : i32
    %add3A_70 = arith.addi %mul3A_68, %add3A_69 : i32
    %dma_start3A_71 = arith.constant 160 : i32
    %dma_start3A_72 = arith.constant 0 : i32
    %dma_start3A_73 = tpu.memref_slice %arg8[%dma_start3A_71, %dma_start3A_72] : memref<200x128xf32, #tpu.memory_space<vmem>> -> memref<40x128xf32, #tpu.memory_space<vmem>>
    %dma_start3A_74 = arith.constant 0 : i32
    %dma_start3A_75 = tpu.memref_slice %arg9[%add3A_70, %dma_start3A_74] : memref<10240x128xf32, #tpu.memory_space<vmem_shared>> -> memref<40x128xf32, #tpu.memory_space<vmem_shared>>
    %dma_start3A_76 = arith.constant 0 : i32
    %dma_start3A_77 = tpu.memref_slice %arg9[%add3A_70, %dma_start3A_76] : memref<10240x128xf32, #tpu.memory_space<vmem_shared>> -> memref<40x128xf32, #tpu.memory_space<vmem_shared>>
    %dma_start3A_78 = arith.constant 160 : i32
    %dma_start3A_79 = arith.constant 0 : i32
    %dma_start3A_80 = tpu.memref_slice %arg8[%dma_start3A_78, %dma_start3A_79] : memref<200x128xf32, #tpu.memory_space<vmem>> -> memref<40x128xf32, #tpu.memory_space<vmem>>
    tpu.enqueue_dma source(%dma_start3A_80 : memref<40x128xf32, #tpu.memory_space<vmem>>) target(%dma_start3A_77 : memref<40x128xf32, #tpu.memory_space<vmem_shared>>) target_semaphore(%arg14 : memref<!tpu.dma_semaphore, #tpu.memory_space<semaphore_mem>>)
    %mul3A_81 = arith.constant 640 : i32
    %mul3A_82 = arith.muli %arg1, %mul3A_81 : i32
    %add3A_83 = arith.constant 120 : i32
    %add3A_84 = arith.addi %mul3A_82, %add3A_83 : i32
    %dma_start3A_85 = arith.constant 160 : i32
    %dma_start3A_86 = arith.constant 0 : i32
    %dma_start3A_87 = tpu.memref_slice %arg8[%dma_start3A_85, %dma_start3A_86] : memref<200x128xf32, #tpu.memory_space<vmem>> -> memref<40x128xf32, #tpu.memory_space<vmem>>
    %dma_start3A_88 = arith.constant 0 : i32
    %dma_start3A_89 = tpu.memref_slice %arg9[%add3A_84, %dma_start3A_88] : memref<10240x128xf32, #tpu.memory_space<vmem_shared>> -> memref<40x128xf32, #tpu.memory_space<vmem_shared>>
    %dma_start3A_90 = arith.constant 0 : i32
    %dma_start3A_91 = tpu.memref_slice %arg9[%add3A_84, %dma_start3A_90] : memref<10240x128xf32, #tpu.memory_space<vmem_shared>> -> memref<40x128xf32, #tpu.memory_space<vmem_shared>>
    %dma_start3A_92 = arith.constant 160 : i32
    %dma_start3A_93 = arith.constant 0 : i32
    %dma_start3A_94 = tpu.memref_slice %arg8[%dma_start3A_92, %dma_start3A_93] : memref<200x128xf32, #tpu.memory_space<vmem>> -> memref<40x128xf32, #tpu.memory_space<vmem>>
    tpu.enqueue_dma source(%dma_start3A_94 : memref<40x128xf32, #tpu.memory_space<vmem>>) target(%dma_start3A_91 : memref<40x128xf32, #tpu.memory_space<vmem_shared>>) target_semaphore(%arg14 : memref<!tpu.dma_semaphore, #tpu.memory_space<semaphore_mem>>)
    %mul3A_95 = arith.constant 640 : i32
    %mul3A_96 = arith.muli %arg1, %mul3A_95 : i32
    %add3A_97 = arith.constant 160 : i32
    %add3A_98 = arith.addi %mul3A_96, %add3A_97 : i32
    %dma_start3A_99 = arith.constant 160 : i32
    %dma_start3A_100 = arith.constant 0 : i32
    %dma_start3A_101 = tpu.memref_slice %arg8[%dma_start3A_99, %dma_start3A_100] : memref<200x128xf32, #tpu.memory_space<vmem>> -> memref<40x128xf32, #tpu.memory_space<vmem>>
    %dma_start3A_102 = arith.constant 0 : i32
    %dma_start3A_103 = tpu.memref_slice %arg9[%add3A_98, %dma_start3A_102] : memref<10240x128xf32, #tpu.memory_space<vmem_shared>> -> memref<40x128xf32, #tpu.memory_space<vmem_shared>>
    %dma_start3A_104 = arith.constant 0 : i32
    %dma_start3A_105 = tpu.memref_slice %arg9[%add3A_98, %dma_start3A_104] : memref<10240x128xf32, #tpu.memory_space<vmem_shared>> -> memref<40x128xf32, #tpu.memory_space<vmem_shared>>
    %dma_start3A_106 = arith.constant 160 : i32
    %dma_start3A_107 = arith.constant 0 : i32
    %dma_start3A_108 = tpu.memref_slice %arg8[%dma_start3A_106, %dma_start3A_107] : memref<200x128xf32, #tpu.memory_space<vmem>> -> memref<40x128xf32, #tpu.memory_space<vmem>>
    tpu.enqueue_dma source(%dma_start3A_108 : memref<40x128xf32, #tpu.memory_space<vmem>>) target(%dma_start3A_105 : memref<40x128xf32, #tpu.memory_space<vmem_shared>>) target_semaphore(%arg14 : memref<!tpu.dma_semaphore, #tpu.memory_space<semaphore_mem>>)
    %mul3A_109 = arith.constant 640 : i32
    %mul3A_110 = arith.muli %arg1, %mul3A_109 : i32
    %add3A_111 = arith.constant 200 : i32
    %add3A_112 = arith.addi %mul3A_110, %add3A_111 : i32
    %dma_start3A_113 = arith.constant 160 : i32
    %dma_start3A_114 = arith.constant 0 : i32
    %dma_start3A_115 = tpu.memref_slice %arg8[%dma_start3A_113, %dma_start3A_114] : memref<200x128xf32, #tpu.memory_space<vmem>> -> memref<40x128xf32, #tpu.memory_space<vmem>>
    %dma_start3A_116 = arith.constant 0 : i32
    %dma_start3A_117 = tpu.memref_slice %arg9[%add3A_112, %dma_start3A_116] : memref<10240x128xf32, #tpu.memory_space<vmem_shared>> -> memref<40x128xf32, #tpu.memory_space<vmem_shared>>
    %dma_start3A_118 = arith.constant 0 : i32
    %dma_start3A_119 = tpu.memref_slice %arg9[%add3A_112, %dma_start3A_118] : memref<10240x128xf32, #tpu.memory_space<vmem_shared>> -> memref<40x128xf32, #tpu.memory_space<vmem_shared>>
    %dma_start3A_120 = arith.constant 160 : i32
    %dma_start3A_121 = arith.constant 0 : i32
    %dma_start3A_122 = tpu.memref_slice %arg8[%dma_start3A_120, %dma_start3A_121] : memref<200x128xf32, #tpu.memory_space<vmem>> -> memref<40x128xf32, #tpu.memory_space<vmem>>
    tpu.enqueue_dma source(%dma_start3A_122 : memref<40x128xf32, #tpu.memory_space<vmem>>) target(%dma_start3A_119 : memref<40x128xf32, #tpu.memory_space<vmem_shared>>) target_semaphore(%arg14 : memref<!tpu.dma_semaphore, #tpu.memory_space<semaphore_mem>>)
    %mul3A_123 = arith.constant 640 : i32
    %mul3A_124 = arith.muli %arg1, %mul3A_123 : i32
    %add3A_125 = arith.constant 240 : i32
    %add3A_126 = arith.addi %mul3A_124, %add3A_125 : i32
    %dma_start3A_127 = arith.constant 160 : i32
    %dma_start3A_128 = arith.constant 0 : i32
    %dma_start3A_129 = tpu.memref_slice %arg8[%dma_start3A_127, %dma_start3A_128] : memref<200x128xf32, #tpu.memory_space<vmem>> -> memref<40x128xf32, #tpu.memory_space<vmem>>
    %dma_start3A_130 = arith.constant 0 : i32
    %dma_start3A_131 = tpu.memref_slice %arg9[%add3A_126, %dma_start3A_130] : memref<10240x128xf32, #tpu.memory_space<vmem_shared>> -> memref<40x128xf32, #tpu.memory_space<vmem_shared>>
    %dma_start3A_132 = arith.constant 0 : i32
    %dma_start3A_133 = tpu.memref_slice %arg9[%add3A_126, %dma_start3A_132] : memref<10240x128xf32, #tpu.memory_space<vmem_shared>> -> memref<40x128xf32, #tpu.memory_space<vmem_shared>>
    %dma_start3A_134 = arith.constant 160 : i32
    %dma_start3A_135 = arith.constant 0 : i32
    %dma_start3A_136 = tpu.memref_slice %arg8[%dma_start3A_134, %dma_start3A_135] : memref<200x128xf32, #tpu.memory_space<vmem>> -> memref<40x128xf32, #tpu.memory_space<vmem>>
    tpu.enqueue_dma source(%dma_start3A_136 : memref<40x128xf32, #tpu.memory_space<vmem>>) target(%dma_start3A_133 : memref<40x128xf32, #tpu.memory_space<vmem_shared>>) target_semaphore(%arg14 : memref<!tpu.dma_semaphore, #tpu.memory_space<semaphore_mem>>)
    %mul3A_137 = arith.constant 640 : i32
    %mul3A_138 = arith.muli %arg1, %mul3A_137 : i32
    %add3A_139 = arith.constant 280 : i32
    %add3A_140 = arith.addi %mul3A_138, %add3A_139 : i32
    %dma_start3A_141 = arith.constant 160 : i32
    %dma_start3A_142 = arith.constant 0 : i32
    %dma_start3A_143 = tpu.memref_slice %arg8[%dma_start3A_141, %dma_start3A_142] : memref<200x128xf32, #tpu.memory_space<vmem>> -> memref<40x128xf32, #tpu.memory_space<vmem>>
    %dma_start3A_144 = arith.constant 0 : i32
    %dma_start3A_145 = tpu.memref_slice %arg9[%add3A_140, %dma_start3A_144] : memref<10240x128xf32, #tpu.memory_space<vmem_shared>> -> memref<40x128xf32, #tpu.memory_space<vmem_shared>>
    %dma_start3A_146 = arith.constant 0 : i32
    %dma_start3A_147 = tpu.memref_slice %arg9[%add3A_140, %dma_start3A_146] : memref<10240x128xf32, #tpu.memory_space<vmem_shared>> -> memref<40x128xf32, #tpu.memory_space<vmem_shared>>
    %dma_start3A_148 = arith.constant 160 : i32
    %dma_start3A_149 = arith.constant 0 : i32
    %dma_start3A_150 = tpu.memref_slice %arg8[%dma_start3A_148, %dma_start3A_149] : memref<200x128xf32, #tpu.memory_space<vmem>> -> memref<40x128xf32, #tpu.memory_space<vmem>>
    tpu.enqueue_dma source(%dma_start3A_150 : memref<40x128xf32, #tpu.memory_space<vmem>>) target(%dma_start3A_147 : memref<40x128xf32, #tpu.memory_space<vmem_shared>>) target_semaphore(%arg14 : memref<!tpu.dma_semaphore, #tpu.memory_space<semaphore_mem>>)
    %mul3A_151 = arith.constant 640 : i32
    %mul3A_152 = arith.muli %arg1, %mul3A_151 : i32
    %add3A_153 = arith.constant 320 : i32
    %add3A_154 = arith.addi %mul3A_152, %add3A_153 : i32
    %dma_start3A_155 = arith.constant 160 : i32
    %dma_start3A_156 = arith.constant 0 : i32
    %dma_start3A_157 = tpu.memref_slice %arg8[%dma_start3A_155, %dma_start3A_156] : memref<200x128xf32, #tpu.memory_space<vmem>> -> memref<40x128xf32, #tpu.memory_space<vmem>>
    %dma_start3A_158 = arith.constant 0 : i32
    %dma_start3A_159 = tpu.memref_slice %arg9[%add3A_154, %dma_start3A_158] : memref<10240x128xf32, #tpu.memory_space<vmem_shared>> -> memref<40x128xf32, #tpu.memory_space<vmem_shared>>
    %dma_start3A_160 = arith.constant 0 : i32
    %dma_start3A_161 = tpu.memref_slice %arg9[%add3A_154, %dma_start3A_160] : memref<10240x128xf32, #tpu.memory_space<vmem_shared>> -> memref<40x128xf32, #tpu.memory_space<vmem_shared>>
    %dma_start3A_162 = arith.constant 160 : i32
    %dma_start3A_163 = arith.constant 0 : i32
    %dma_start3A_164 = tpu.memref_slice %arg8[%dma_start3A_162, %dma_start3A_163] : memref<200x128xf32, #tpu.memory_space<vmem>> -> memref<40x128xf32, #tpu.memory_space<vmem>>
    tpu.enqueue_dma source(%dma_start3A_164 : memref<40x128xf32, #tpu.memory_space<vmem>>) target(%dma_start3A_161 : memref<40x128xf32, #tpu.memory_space<vmem_shared>>) target_semaphore(%arg14 : memref<!tpu.dma_semaphore, #tpu.memory_space<semaphore_mem>>)
    %mul3A_165 = arith.constant 640 : i32
    %mul3A_166 = arith.muli %arg1, %mul3A_165 : i32
    %add3A_167 = arith.constant 360 : i32
    %add3A_168 = arith.addi %mul3A_166, %add3A_167 : i32
    %dma_start3A_169 = arith.constant 160 : i32
    %dma_start3A_170 = arith.constant 0 : i32
    %dma_start3A_171 = tpu.memref_slice %arg8[%dma_start3A_169, %dma_start3A_170] : memref<200x128xf32, #tpu.memory_space<vmem>> -> memref<40x128xf32, #tpu.memory_space<vmem>>
    %dma_start3A_172 = arith.constant 0 : i32
    %dma_start3A_173 = tpu.memref_slice %arg9[%add3A_168, %dma_start3A_172] : memref<10240x128xf32, #tpu.memory_space<vmem_shared>> -> memref<40x128xf32, #tpu.memory_space<vmem_shared>>
    %dma_start3A_174 = arith.constant 0 : i32
    %dma_start3A_175 = tpu.memref_slice %arg9[%add3A_168, %dma_start3A_174] : memref<10240x128xf32, #tpu.memory_space<vmem_shared>> -> memref<40x128xf32, #tpu.memory_space<vmem_shared>>
    %dma_start3A_176 = arith.constant 160 : i32
    %dma_start3A_177 = arith.constant 0 : i32
    %dma_start3A_178 = tpu.memref_slice %arg8[%dma_start3A_176, %dma_start3A_177] : memref<200x128xf32, #tpu.memory_space<vmem>> -> memref<40x128xf32, #tpu.memory_space<vmem>>
    tpu.enqueue_dma source(%dma_start3A_178 : memref<40x128xf32, #tpu.memory_space<vmem>>) target(%dma_start3A_175 : memref<40x128xf32, #tpu.memory_space<vmem_shared>>) target_semaphore(%arg14 : memref<!tpu.dma_semaphore, #tpu.memory_space<semaphore_mem>>)
    %mul3A_179 = arith.constant 640 : i32
    %mul3A_180 = arith.muli %arg1, %mul3A_179 : i32
    %add3A_181 = arith.constant 400 : i32
    %add3A_182 = arith.addi %mul3A_180, %add3A_181 : i32
    %dma_start3A_183 = arith.constant 160 : i32
    %dma_start3A_184 = arith.constant 0 : i32
    %dma_start3A_185 = tpu.memref_slice %arg8[%dma_start3A_183, %dma_start3A_184] : memref<200x128xf32, #tpu.memory_space<vmem>> -> memref<40x128xf32, #tpu.memory_space<vmem>>
    %dma_start3A_186 = arith.constant 0 : i32
    %dma_start3A_187 = tpu.memref_slice %arg9[%add3A_182, %dma_start3A_186] : memref<10240x128xf32, #tpu.memory_space<vmem_shared>> -> memref<40x128xf32, #tpu.memory_space<vmem_shared>>
    %dma_start3A_188 = arith.constant 0 : i32
    %dma_start3A_189 = tpu.memref_slice %arg9[%add3A_182, %dma_start3A_188] : memref<10240x128xf32, #tpu.memory_space<vmem_shared>> -> memref<40x128xf32, #tpu.memory_space<vmem_shared>>
    %dma_start3A_190 = arith.constant 160 : i32
    %dma_start3A_191 = arith.constant 0 : i32
    %dma_start3A_192 = tpu.memref_slice %arg8[%dma_start3A_190, %dma_start3A_191] : memref<200x128xf32, #tpu.memory_space<vmem>> -> memref<40x128xf32, #tpu.memory_space<vmem>>
    tpu.enqueue_dma source(%dma_start3A_192 : memref<40x128xf32, #tpu.memory_space<vmem>>) target(%dma_start3A_189 : memref<40x128xf32, #tpu.memory_space<vmem_shared>>) target_semaphore(%arg14 : memref<!tpu.dma_semaphore, #tpu.memory_space<semaphore_mem>>)
    %mul3A_193 = arith.constant 640 : i32
    %mul3A_194 = arith.muli %arg1, %mul3A_193 : i32
    %add3A_195 = arith.constant 440 : i32
    %add3A_196 = arith.addi %mul3A_194, %add3A_195 : i32
    %dma_start3A_197 = arith.constant 160 : i32
    %dma_start3A_198 = arith.constant 0 : i32
    %dma_start3A_199 = tpu.memref_slice %arg8[%dma_start3A_197, %dma_start3A_198] : memref<200x128xf32, #tpu.memory_space<vmem>> -> memref<40x128xf32, #tpu.memory_space<vmem>>
    %dma_start3A_200 = arith.constant 0 : i32
    %dma_start3A_201 = tpu.memref_slice %arg9[%add3A_196, %dma_start3A_200] : memref<10240x128xf32, #tpu.memory_space<vmem_shared>> -> memref<40x128xf32, #tpu.memory_space<vmem_shared>>
    %dma_start3A_202 = arith.constant 0 : i32
    %dma_start3A_203 = tpu.memref_slice %arg9[%add3A_196, %dma_start3A_202] : memref<10240x128xf32, #tpu.memory_space<vmem_shared>> -> memref<40x128xf32, #tpu.memory_space<vmem_shared>>
    %dma_start3A_204 = arith.constant 160 : i32
    %dma_start3A_205 = arith.constant 0 : i32
    %dma_start3A_206 = tpu.memref_slice %arg8[%dma_start3A_204, %dma_start3A_205] : memref<200x128xf32, #tpu.memory_space<vmem>> -> memref<40x128xf32, #tpu.memory_space<vmem>>
    tpu.enqueue_dma source(%dma_start3A_206 : memref<40x128xf32, #tpu.memory_space<vmem>>) target(%dma_start3A_203 : memref<40x128xf32, #tpu.memory_space<vmem_shared>>) target_semaphore(%arg14 : memref<!tpu.dma_semaphore, #tpu.memory_space<semaphore_mem>>)
    %mul3A_207 = arith.constant 640 : i32
    %mul3A_208 = arith.muli %arg1, %mul3A_207 : i32
    %add3A_209 = arith.constant 480 : i32
    %add3A_210 = arith.addi %mul3A_208, %add3A_209 : i32
    %dma_start3A_211 = arith.constant 160 : i32
    %dma_start3A_212 = arith.constant 0 : i32
    %dma_start3A_213 = tpu.memref_slice %arg8[%dma_start3A_211, %dma_start3A_212] : memref<200x128xf32, #tpu.memory_space<vmem>> -> memref<40x128xf32, #tpu.memory_space<vmem>>
    %dma_start3A_214 = arith.constant 0 : i32
    %dma_start3A_215 = tpu.memref_slice %arg9[%add3A_210, %dma_start3A_214] : memref<10240x128xf32, #tpu.memory_space<vmem_shared>> -> memref<40x128xf32, #tpu.memory_space<vmem_shared>>
    %dma_start3A_216 = arith.constant 0 : i32
    %dma_start3A_217 = tpu.memref_slice %arg9[%add3A_210, %dma_start3A_216] : memref<10240x128xf32, #tpu.memory_space<vmem_shared>> -> memref<40x128xf32, #tpu.memory_space<vmem_shared>>
    %dma_start3A_218 = arith.constant 160 : i32
    %dma_start3A_219 = arith.constant 0 : i32
    %dma_start3A_220 = tpu.memref_slice %arg8[%dma_start3A_218, %dma_start3A_219] : memref<200x128xf32, #tpu.memory_space<vmem>> -> memref<40x128xf32, #tpu.memory_space<vmem>>
    tpu.enqueue_dma source(%dma_start3A_220 : memref<40x128xf32, #tpu.memory_space<vmem>>) target(%dma_start3A_217 : memref<40x128xf32, #tpu.memory_space<vmem_shared>>) target_semaphore(%arg14 : memref<!tpu.dma_semaphore, #tpu.memory_space<semaphore_mem>>)
    %mul3A_221 = arith.constant 640 : i32
    %mul3A_222 = arith.muli %arg1, %mul3A_221 : i32
    %add3A_223 = arith.constant 520 : i32
    %add3A_224 = arith.addi %mul3A_222, %add3A_223 : i32
    %dma_start3A_225 = arith.constant 160 : i32
    %dma_start3A_226 = arith.constant 0 : i32
    %dma_start3A_227 = tpu.memref_slice %arg8[%dma_start3A_225, %dma_start3A_226] : memref<200x128xf32, #tpu.memory_space<vmem>> -> memref<40x128xf32, #tpu.memory_space<vmem>>
    %dma_start3A_228 = arith.constant 0 : i32
    %dma_start3A_229 = tpu.memref_slice %arg9[%add3A_224, %dma_start3A_228] : memref<10240x128xf32, #tpu.memory_space<vmem_shared>> -> memref<40x128xf32, #tpu.memory_space<vmem_shared>>
    %dma_start3A_230 = arith.constant 0 : i32
    %dma_start3A_231 = tpu.memref_slice %arg9[%add3A_224, %dma_start3A_230] : memref<10240x128xf32, #tpu.memory_space<vmem_shared>> -> memref<40x128xf32, #tpu.memory_space<vmem_shared>>
    %dma_start3A_232 = arith.constant 160 : i32
    %dma_start3A_233 = arith.constant 0 : i32
    %dma_start3A_234 = tpu.memref_slice %arg8[%dma_start3A_232, %dma_start3A_233] : memref<200x128xf32, #tpu.memory_space<vmem>> -> memref<40x128xf32, #tpu.memory_space<vmem>>
    tpu.enqueue_dma source(%dma_start3A_234 : memref<40x128xf32, #tpu.memory_space<vmem>>) target(%dma_start3A_231 : memref<40x128xf32, #tpu.memory_space<vmem_shared>>) target_semaphore(%arg14 : memref<!tpu.dma_semaphore, #tpu.memory_space<semaphore_mem>>)
    %mul3A_235 = arith.constant 640 : i32
    %mul3A_236 = arith.muli %arg1, %mul3A_235 : i32
    %add3A_237 = arith.constant 560 : i32
    %add3A_238 = arith.addi %mul3A_236, %add3A_237 : i32
    %dma_start3A_239 = arith.constant 160 : i32
    %dma_start3A_240 = arith.constant 0 : i32
    %dma_start3A_241 = tpu.memref_slice %arg8[%dma_start3A_239, %dma_start3A_240] : memref<200x128xf32, #tpu.memory_space<vmem>> -> memref<40x128xf32, #tpu.memory_space<vmem>>
    %dma_start3A_242 = arith.constant 0 : i32
    %dma_start3A_243 = tpu.memref_slice %arg9[%add3A_238, %dma_start3A_242] : memref<10240x128xf32, #tpu.memory_space<vmem_shared>> -> memref<40x128xf32, #tpu.memory_space<vmem_shared>>
    %dma_start3A_244 = arith.constant 0 : i32
    %dma_start3A_245 = tpu.memref_slice %arg9[%add3A_238, %dma_start3A_244] : memref<10240x128xf32, #tpu.memory_space<vmem_shared>> -> memref<40x128xf32, #tpu.memory_space<vmem_shared>>
    %dma_start3A_246 = arith.constant 160 : i32
    %dma_start3A_247 = arith.constant 0 : i32
    %dma_start3A_248 = tpu.memref_slice %arg8[%dma_start3A_246, %dma_start3A_247] : memref<200x128xf32, #tpu.memory_space<vmem>> -> memref<40x128xf32, #tpu.memory_space<vmem>>
    tpu.enqueue_dma source(%dma_start3A_248 : memref<40x128xf32, #tpu.memory_space<vmem>>) target(%dma_start3A_245 : memref<40x128xf32, #tpu.memory_space<vmem_shared>>) target_semaphore(%arg14 : memref<!tpu.dma_semaphore, #tpu.memory_space<semaphore_mem>>)
    %mul3A_249 = arith.constant 640 : i32
    %mul3A_250 = arith.muli %arg1, %mul3A_249 : i32
    %add3A_251 = arith.constant 600 : i32
    %add3A_252 = arith.addi %mul3A_250, %add3A_251 : i32
    %dma_start3A_253 = arith.constant 160 : i32
    %dma_start3A_254 = arith.constant 0 : i32
    %dma_start3A_255 = tpu.memref_slice %arg8[%dma_start3A_253, %dma_start3A_254] : memref<200x128xf32, #tpu.memory_space<vmem>> -> memref<40x128xf32, #tpu.memory_space<vmem>>
    %dma_start3A_256 = arith.constant 0 : i32
    %dma_start3A_257 = tpu.memref_slice %arg9[%add3A_252, %dma_start3A_256] : memref<10240x128xf32, #tpu.memory_space<vmem_shared>> -> memref<40x128xf32, #tpu.memory_space<vmem_shared>>
    %dma_start3A_258 = arith.constant 0 : i32
    %dma_start3A_259 = tpu.memref_slice %arg9[%add3A_252, %dma_start3A_258] : memref<10240x128xf32, #tpu.memory_space<vmem_shared>> -> memref<40x128xf32, #tpu.memory_space<vmem_shared>>
    %dma_start3A_260 = arith.constant 160 : i32
    %dma_start3A_261 = arith.constant 0 : i32
    %dma_start3A_262 = tpu.memref_slice %arg8[%dma_start3A_260, %dma_start3A_261] : memref<200x128xf32, #tpu.memory_space<vmem>> -> memref<40x128xf32, #tpu.memory_space<vmem>>
    tpu.enqueue_dma source(%dma_start3A_262 : memref<40x128xf32, #tpu.memory_space<vmem>>) target(%dma_start3A_259 : memref<40x128xf32, #tpu.memory_space<vmem_shared>>) target_semaphore(%arg14 : memref<!tpu.dma_semaphore, #tpu.memory_space<semaphore_mem>>)
    %mul3A_263 = arith.constant 640 : i32
    %mul3A_264 = arith.muli %arg1, %mul3A_263 : i32
    %add3A_265 = arith.constant 0 : i32
    %add3A_266 = arith.addi %mul3A_264, %add3A_265 : i32
    %dma_wait3A = arith.constant 160 : i32
    %dma_wait3A_267 = arith.constant 0 : i32
    %dma_wait3A_268 = tpu.memref_slice %arg8[%dma_wait3A, %dma_wait3A_267] : memref<200x128xf32, #tpu.memory_space<vmem>> -> memref<40x128xf32, #tpu.memory_space<vmem>>
    %dma_wait3A_269 = arith.constant 0 : i32
    %dma_wait3A_270 = tpu.memref_slice %arg9[%add3A_266, %dma_wait3A_269] : memref<10240x128xf32, #tpu.memory_space<vmem_shared>> -> memref<40x128xf32, #tpu.memory_space<vmem_shared>>
    %dma_wait3A_271 = arith.constant 0 : i32
    %dma_wait3A_272 = tpu.memref_slice %arg9[%add3A_266, %dma_wait3A_271] : memref<10240x128xf32, #tpu.memory_space<vmem_shared>> -> memref<40x128xf32, #tpu.memory_space<vmem_shared>>
    %dma_wait3A_273 = arith.constant 160 : i32
    %dma_wait3A_274 = arith.constant 0 : i32
    %dma_wait3A_275 = tpu.memref_slice %arg8[%dma_wait3A_273, %dma_wait3A_274] : memref<200x128xf32, #tpu.memory_space<vmem>> -> memref<40x128xf32, #tpu.memory_space<vmem>>
    tpu.wait_dma2 semaphore(%arg14 : memref<!tpu.dma_semaphore, #tpu.memory_space<semaphore_mem>>) src(%dma_wait3A_275 : memref<40x128xf32, #tpu.memory_space<vmem>>) dst(%dma_wait3A_272 : memref<40x128xf32, #tpu.memory_space<vmem_shared>>)
    %mul3A_276 = arith.constant 640 : i32
    %mul3A_277 = arith.muli %arg1, %mul3A_276 : i32
    %add3A_278 = arith.constant 40 : i32
    %add3A_279 = arith.addi %mul3A_277, %add3A_278 : i32
    %dma_wait3A_280 = arith.constant 160 : i32
    %dma_wait3A_281 = arith.constant 0 : i32
    %dma_wait3A_282 = tpu.memref_slice %arg8[%dma_wait3A_280, %dma_wait3A_281] : memref<200x128xf32, #tpu.memory_space<vmem>> -> memref<40x128xf32, #tpu.memory_space<vmem>>
    %dma_wait3A_283 = arith.constant 0 : i32
    %dma_wait3A_284 = tpu.memref_slice %arg9[%add3A_279, %dma_wait3A_283] : memref<10240x128xf32, #tpu.memory_space<vmem_shared>> -> memref<40x128xf32, #tpu.memory_space<vmem_shared>>
    %dma_wait3A_285 = arith.constant 0 : i32
    %dma_wait3A_286 = tpu.memref_slice %arg9[%add3A_279, %dma_wait3A_285] : memref<10240x128xf32, #tpu.memory_space<vmem_shared>> -> memref<40x128xf32, #tpu.memory_space<vmem_shared>>
    %dma_wait3A_287 = arith.constant 160 : i32
    %dma_wait3A_288 = arith.constant 0 : i32
    %dma_wait3A_289 = tpu.memref_slice %arg8[%dma_wait3A_287, %dma_wait3A_288] : memref<200x128xf32, #tpu.memory_space<vmem>> -> memref<40x128xf32, #tpu.memory_space<vmem>>
    tpu.wait_dma2 semaphore(%arg14 : memref<!tpu.dma_semaphore, #tpu.memory_space<semaphore_mem>>) src(%dma_wait3A_289 : memref<40x128xf32, #tpu.memory_space<vmem>>) dst(%dma_wait3A_286 : memref<40x128xf32, #tpu.memory_space<vmem_shared>>)
    %mul3A_290 = arith.constant 640 : i32
    %mul3A_291 = arith.muli %arg1, %mul3A_290 : i32
    %add3A_292 = arith.constant 80 : i32
    %add3A_293 = arith.addi %mul3A_291, %add3A_292 : i32
    %dma_wait3A_294 = arith.constant 160 : i32
    %dma_wait3A_295 = arith.constant 0 : i32
    %dma_wait3A_296 = tpu.memref_slice %arg8[%dma_wait3A_294, %dma_wait3A_295] : memref<200x128xf32, #tpu.memory_space<vmem>> -> memref<40x128xf32, #tpu.memory_space<vmem>>
    %dma_wait3A_297 = arith.constant 0 : i32
    %dma_wait3A_298 = tpu.memref_slice %arg9[%add3A_293, %dma_wait3A_297] : memref<10240x128xf32, #tpu.memory_space<vmem_shared>> -> memref<40x128xf32, #tpu.memory_space<vmem_shared>>
    %dma_wait3A_299 = arith.constant 0 : i32
    %dma_wait3A_300 = tpu.memref_slice %arg9[%add3A_293, %dma_wait3A_299] : memref<10240x128xf32, #tpu.memory_space<vmem_shared>> -> memref<40x128xf32, #tpu.memory_space<vmem_shared>>
    %dma_wait3A_301 = arith.constant 160 : i32
    %dma_wait3A_302 = arith.constant 0 : i32
    %dma_wait3A_303 = tpu.memref_slice %arg8[%dma_wait3A_301, %dma_wait3A_302] : memref<200x128xf32, #tpu.memory_space<vmem>> -> memref<40x128xf32, #tpu.memory_space<vmem>>
    tpu.wait_dma2 semaphore(%arg14 : memref<!tpu.dma_semaphore, #tpu.memory_space<semaphore_mem>>) src(%dma_wait3A_303 : memref<40x128xf32, #tpu.memory_space<vmem>>) dst(%dma_wait3A_300 : memref<40x128xf32, #tpu.memory_space<vmem_shared>>)
    %mul3A_304 = arith.constant 640 : i32
    %mul3A_305 = arith.muli %arg1, %mul3A_304 : i32
    %add3A_306 = arith.constant 120 : i32
    %add3A_307 = arith.addi %mul3A_305, %add3A_306 : i32
    %dma_wait3A_308 = arith.constant 160 : i32
    %dma_wait3A_309 = arith.constant 0 : i32
    %dma_wait3A_310 = tpu.memref_slice %arg8[%dma_wait3A_308, %dma_wait3A_309] : memref<200x128xf32, #tpu.memory_space<vmem>> -> memref<40x128xf32, #tpu.memory_space<vmem>>
    %dma_wait3A_311 = arith.constant 0 : i32
    %dma_wait3A_312 = tpu.memref_slice %arg9[%add3A_307, %dma_wait3A_311] : memref<10240x128xf32, #tpu.memory_space<vmem_shared>> -> memref<40x128xf32, #tpu.memory_space<vmem_shared>>
    %dma_wait3A_313 = arith.constant 0 : i32
    %dma_wait3A_314 = tpu.memref_slice %arg9[%add3A_307, %dma_wait3A_313] : memref<10240x128xf32, #tpu.memory_space<vmem_shared>> -> memref<40x128xf32, #tpu.memory_space<vmem_shared>>
    %dma_wait3A_315 = arith.constant 160 : i32
    %dma_wait3A_316 = arith.constant 0 : i32
    %dma_wait3A_317 = tpu.memref_slice %arg8[%dma_wait3A_315, %dma_wait3A_316] : memref<200x128xf32, #tpu.memory_space<vmem>> -> memref<40x128xf32, #tpu.memory_space<vmem>>
    tpu.wait_dma2 semaphore(%arg14 : memref<!tpu.dma_semaphore, #tpu.memory_space<semaphore_mem>>) src(%dma_wait3A_317 : memref<40x128xf32, #tpu.memory_space<vmem>>) dst(%dma_wait3A_314 : memref<40x128xf32, #tpu.memory_space<vmem_shared>>)
    %mul3A_318 = arith.constant 640 : i32
    %mul3A_319 = arith.muli %arg1, %mul3A_318 : i32
    %add3A_320 = arith.constant 160 : i32
    %add3A_321 = arith.addi %mul3A_319, %add3A_320 : i32
    %dma_wait3A_322 = arith.constant 160 : i32
    %dma_wait3A_323 = arith.constant 0 : i32
    %dma_wait3A_324 = tpu.memref_slice %arg8[%dma_wait3A_322, %dma_wait3A_323] : memref<200x128xf32, #tpu.memory_space<vmem>> -> memref<40x128xf32, #tpu.memory_space<vmem>>
    %dma_wait3A_325 = arith.constant 0 : i32
    %dma_wait3A_326 = tpu.memref_slice %arg9[%add3A_321, %dma_wait3A_325] : memref<10240x128xf32, #tpu.memory_space<vmem_shared>> -> memref<40x128xf32, #tpu.memory_space<vmem_shared>>
    %dma_wait3A_327 = arith.constant 0 : i32
    %dma_wait3A_328 = tpu.memref_slice %arg9[%add3A_321, %dma_wait3A_327] : memref<10240x128xf32, #tpu.memory_space<vmem_shared>> -> memref<40x128xf32, #tpu.memory_space<vmem_shared>>
    %dma_wait3A_329 = arith.constant 160 : i32
    %dma_wait3A_330 = arith.constant 0 : i32
    %dma_wait3A_331 = tpu.memref_slice %arg8[%dma_wait3A_329, %dma_wait3A_330] : memref<200x128xf32, #tpu.memory_space<vmem>> -> memref<40x128xf32, #tpu.memory_space<vmem>>
    tpu.wait_dma2 semaphore(%arg14 : memref<!tpu.dma_semaphore, #tpu.memory_space<semaphore_mem>>) src(%dma_wait3A_331 : memref<40x128xf32, #tpu.memory_space<vmem>>) dst(%dma_wait3A_328 : memref<40x128xf32, #tpu.memory_space<vmem_shared>>)
    %mul3A_332 = arith.constant 640 : i32
    %mul3A_333 = arith.muli %arg1, %mul3A_332 : i32
    %add3A_334 = arith.constant 200 : i32
    %add3A_335 = arith.addi %mul3A_333, %add3A_334 : i32
    %dma_wait3A_336 = arith.constant 160 : i32
    %dma_wait3A_337 = arith.constant 0 : i32
    %dma_wait3A_338 = tpu.memref_slice %arg8[%dma_wait3A_336, %dma_wait3A_337] : memref<200x128xf32, #tpu.memory_space<vmem>> -> memref<40x128xf32, #tpu.memory_space<vmem>>
    %dma_wait3A_339 = arith.constant 0 : i32
    %dma_wait3A_340 = tpu.memref_slice %arg9[%add3A_335, %dma_wait3A_339] : memref<10240x128xf32, #tpu.memory_space<vmem_shared>> -> memref<40x128xf32, #tpu.memory_space<vmem_shared>>
    %dma_wait3A_341 = arith.constant 0 : i32
    %dma_wait3A_342 = tpu.memref_slice %arg9[%add3A_335, %dma_wait3A_341] : memref<10240x128xf32, #tpu.memory_space<vmem_shared>> -> memref<40x128xf32, #tpu.memory_space<vmem_shared>>
    %dma_wait3A_343 = arith.constant 160 : i32
    %dma_wait3A_344 = arith.constant 0 : i32
    %dma_wait3A_345 = tpu.memref_slice %arg8[%dma_wait3A_343, %dma_wait3A_344] : memref<200x128xf32, #tpu.memory_space<vmem>> -> memref<40x128xf32, #tpu.memory_space<vmem>>
    tpu.wait_dma2 semaphore(%arg14 : memref<!tpu.dma_semaphore, #tpu.memory_space<semaphore_mem>>) src(%dma_wait3A_345 : memref<40x128xf32, #tpu.memory_space<vmem>>) dst(%dma_wait3A_342 : memref<40x128xf32, #tpu.memory_space<vmem_shared>>)
    %mul3A_346 = arith.constant 640 : i32
    %mul3A_347 = arith.muli %arg1, %mul3A_346 : i32
    %add3A_348 = arith.constant 240 : i32
    %add3A_349 = arith.addi %mul3A_347, %add3A_348 : i32
    %dma_wait3A_350 = arith.constant 160 : i32
    %dma_wait3A_351 = arith.constant 0 : i32
    %dma_wait3A_352 = tpu.memref_slice %arg8[%dma_wait3A_350, %dma_wait3A_351] : memref<200x128xf32, #tpu.memory_space<vmem>> -> memref<40x128xf32, #tpu.memory_space<vmem>>
    %dma_wait3A_353 = arith.constant 0 : i32
    %dma_wait3A_354 = tpu.memref_slice %arg9[%add3A_349, %dma_wait3A_353] : memref<10240x128xf32, #tpu.memory_space<vmem_shared>> -> memref<40x128xf32, #tpu.memory_space<vmem_shared>>
    %dma_wait3A_355 = arith.constant 0 : i32
    %dma_wait3A_356 = tpu.memref_slice %arg9[%add3A_349, %dma_wait3A_355] : memref<10240x128xf32, #tpu.memory_space<vmem_shared>> -> memref<40x128xf32, #tpu.memory_space<vmem_shared>>
    %dma_wait3A_357 = arith.constant 160 : i32
    %dma_wait3A_358 = arith.constant 0 : i32
    %dma_wait3A_359 = tpu.memref_slice %arg8[%dma_wait3A_357, %dma_wait3A_358] : memref<200x128xf32, #tpu.memory_space<vmem>> -> memref<40x128xf32, #tpu.memory_space<vmem>>
    tpu.wait_dma2 semaphore(%arg14 : memref<!tpu.dma_semaphore, #tpu.memory_space<semaphore_mem>>) src(%dma_wait3A_359 : memref<40x128xf32, #tpu.memory_space<vmem>>) dst(%dma_wait3A_356 : memref<40x128xf32, #tpu.memory_space<vmem_shared>>)
    %mul3A_360 = arith.constant 640 : i32
    %mul3A_361 = arith.muli %arg1, %mul3A_360 : i32
    %add3A_362 = arith.constant 280 : i32
    %add3A_363 = arith.addi %mul3A_361, %add3A_362 : i32
    %dma_wait3A_364 = arith.constant 160 : i32
    %dma_wait3A_365 = arith.constant 0 : i32
    %dma_wait3A_366 = tpu.memref_slice %arg8[%dma_wait3A_364, %dma_wait3A_365] : memref<200x128xf32, #tpu.memory_space<vmem>> -> memref<40x128xf32, #tpu.memory_space<vmem>>
    %dma_wait3A_367 = arith.constant 0 : i32
    %dma_wait3A_368 = tpu.memref_slice %arg9[%add3A_363, %dma_wait3A_367] : memref<10240x128xf32, #tpu.memory_space<vmem_shared>> -> memref<40x128xf32, #tpu.memory_space<vmem_shared>>
    %dma_wait3A_369 = arith.constant 0 : i32
    %dma_wait3A_370 = tpu.memref_slice %arg9[%add3A_363, %dma_wait3A_369] : memref<10240x128xf32, #tpu.memory_space<vmem_shared>> -> memref<40x128xf32, #tpu.memory_space<vmem_shared>>
    %dma_wait3A_371 = arith.constant 160 : i32
    %dma_wait3A_372 = arith.constant 0 : i32
    %dma_wait3A_373 = tpu.memref_slice %arg8[%dma_wait3A_371, %dma_wait3A_372] : memref<200x128xf32, #tpu.memory_space<vmem>> -> memref<40x128xf32, #tpu.memory_space<vmem>>
    tpu.wait_dma2 semaphore(%arg14 : memref<!tpu.dma_semaphore, #tpu.memory_space<semaphore_mem>>) src(%dma_wait3A_373 : memref<40x128xf32, #tpu.memory_space<vmem>>) dst(%dma_wait3A_370 : memref<40x128xf32, #tpu.memory_space<vmem_shared>>)
    %mul3A_374 = arith.constant 640 : i32
    %mul3A_375 = arith.muli %arg1, %mul3A_374 : i32
    %add3A_376 = arith.constant 320 : i32
    %add3A_377 = arith.addi %mul3A_375, %add3A_376 : i32
    %dma_wait3A_378 = arith.constant 160 : i32
    %dma_wait3A_379 = arith.constant 0 : i32
    %dma_wait3A_380 = tpu.memref_slice %arg8[%dma_wait3A_378, %dma_wait3A_379] : memref<200x128xf32, #tpu.memory_space<vmem>> -> memref<40x128xf32, #tpu.memory_space<vmem>>
    %dma_wait3A_381 = arith.constant 0 : i32
    %dma_wait3A_382 = tpu.memref_slice %arg9[%add3A_377, %dma_wait3A_381] : memref<10240x128xf32, #tpu.memory_space<vmem_shared>> -> memref<40x128xf32, #tpu.memory_space<vmem_shared>>
    %dma_wait3A_383 = arith.constant 0 : i32
    %dma_wait3A_384 = tpu.memref_slice %arg9[%add3A_377, %dma_wait3A_383] : memref<10240x128xf32, #tpu.memory_space<vmem_shared>> -> memref<40x128xf32, #tpu.memory_space<vmem_shared>>
    %dma_wait3A_385 = arith.constant 160 : i32
    %dma_wait3A_386 = arith.constant 0 : i32
    %dma_wait3A_387 = tpu.memref_slice %arg8[%dma_wait3A_385, %dma_wait3A_386] : memref<200x128xf32, #tpu.memory_space<vmem>> -> memref<40x128xf32, #tpu.memory_space<vmem>>
    tpu.wait_dma2 semaphore(%arg14 : memref<!tpu.dma_semaphore, #tpu.memory_space<semaphore_mem>>) src(%dma_wait3A_387 : memref<40x128xf32, #tpu.memory_space<vmem>>) dst(%dma_wait3A_384 : memref<40x128xf32, #tpu.memory_space<vmem_shared>>)
    %mul3A_388 = arith.constant 640 : i32
    %mul3A_389 = arith.muli %arg1, %mul3A_388 : i32
    %add3A_390 = arith.constant 360 : i32
    %add3A_391 = arith.addi %mul3A_389, %add3A_390 : i32
    %dma_wait3A_392 = arith.constant 160 : i32
    %dma_wait3A_393 = arith.constant 0 : i32
    %dma_wait3A_394 = tpu.memref_slice %arg8[%dma_wait3A_392, %dma_wait3A_393] : memref<200x128xf32, #tpu.memory_space<vmem>> -> memref<40x128xf32, #tpu.memory_space<vmem>>
    %dma_wait3A_395 = arith.constant 0 : i32
    %dma_wait3A_396 = tpu.memref_slice %arg9[%add3A_391, %dma_wait3A_395] : memref<10240x128xf32, #tpu.memory_space<vmem_shared>> -> memref<40x128xf32, #tpu.memory_space<vmem_shared>>
    %dma_wait3A_397 = arith.constant 0 : i32
    %dma_wait3A_398 = tpu.memref_slice %arg9[%add3A_391, %dma_wait3A_397] : memref<10240x128xf32, #tpu.memory_space<vmem_shared>> -> memref<40x128xf32, #tpu.memory_space<vmem_shared>>
    %dma_wait3A_399 = arith.constant 160 : i32
    %dma_wait3A_400 = arith.constant 0 : i32
    %dma_wait3A_401 = tpu.memref_slice %arg8[%dma_wait3A_399, %dma_wait3A_400] : memref<200x128xf32, #tpu.memory_space<vmem>> -> memref<40x128xf32, #tpu.memory_space<vmem>>
    tpu.wait_dma2 semaphore(%arg14 : memref<!tpu.dma_semaphore, #tpu.memory_space<semaphore_mem>>) src(%dma_wait3A_401 : memref<40x128xf32, #tpu.memory_space<vmem>>) dst(%dma_wait3A_398 : memref<40x128xf32, #tpu.memory_space<vmem_shared>>)
    %mul3A_402 = arith.constant 640 : i32
    %mul3A_403 = arith.muli %arg1, %mul3A_402 : i32
    %add3A_404 = arith.constant 400 : i32
    %add3A_405 = arith.addi %mul3A_403, %add3A_404 : i32
    %dma_wait3A_406 = arith.constant 160 : i32
    %dma_wait3A_407 = arith.constant 0 : i32
    %dma_wait3A_408 = tpu.memref_slice %arg8[%dma_wait3A_406, %dma_wait3A_407] : memref<200x128xf32, #tpu.memory_space<vmem>> -> memref<40x128xf32, #tpu.memory_space<vmem>>
    %dma_wait3A_409 = arith.constant 0 : i32
    %dma_wait3A_410 = tpu.memref_slice %arg9[%add3A_405, %dma_wait3A_409] : memref<10240x128xf32, #tpu.memory_space<vmem_shared>> -> memref<40x128xf32, #tpu.memory_space<vmem_shared>>
    %dma_wait3A_411 = arith.constant 0 : i32
    %dma_wait3A_412 = tpu.memref_slice %arg9[%add3A_405, %dma_wait3A_411] : memref<10240x128xf32, #tpu.memory_space<vmem_shared>> -> memref<40x128xf32, #tpu.memory_space<vmem_shared>>
    %dma_wait3A_413 = arith.constant 160 : i32
    %dma_wait3A_414 = arith.constant 0 : i32
    %dma_wait3A_415 = tpu.memref_slice %arg8[%dma_wait3A_413, %dma_wait3A_414] : memref<200x128xf32, #tpu.memory_space<vmem>> -> memref<40x128xf32, #tpu.memory_space<vmem>>
    tpu.wait_dma2 semaphore(%arg14 : memref<!tpu.dma_semaphore, #tpu.memory_space<semaphore_mem>>) src(%dma_wait3A_415 : memref<40x128xf32, #tpu.memory_space<vmem>>) dst(%dma_wait3A_412 : memref<40x128xf32, #tpu.memory_space<vmem_shared>>)
    %mul3A_416 = arith.constant 640 : i32
    %mul3A_417 = arith.muli %arg1, %mul3A_416 : i32
    %add3A_418 = arith.constant 440 : i32
    %add3A_419 = arith.addi %mul3A_417, %add3A_418 : i32
    %dma_wait3A_420 = arith.constant 160 : i32
    %dma_wait3A_421 = arith.constant 0 : i32
    %dma_wait3A_422 = tpu.memref_slice %arg8[%dma_wait3A_420, %dma_wait3A_421] : memref<200x128xf32, #tpu.memory_space<vmem>> -> memref<40x128xf32, #tpu.memory_space<vmem>>
    %dma_wait3A_423 = arith.constant 0 : i32
    %dma_wait3A_424 = tpu.memref_slice %arg9[%add3A_419, %dma_wait3A_423] : memref<10240x128xf32, #tpu.memory_space<vmem_shared>> -> memref<40x128xf32, #tpu.memory_space<vmem_shared>>
    %dma_wait3A_425 = arith.constant 0 : i32
    %dma_wait3A_426 = tpu.memref_slice %arg9[%add3A_419, %dma_wait3A_425] : memref<10240x128xf32, #tpu.memory_space<vmem_shared>> -> memref<40x128xf32, #tpu.memory_space<vmem_shared>>
    %dma_wait3A_427 = arith.constant 160 : i32
    %dma_wait3A_428 = arith.constant 0 : i32
    %dma_wait3A_429 = tpu.memref_slice %arg8[%dma_wait3A_427, %dma_wait3A_428] : memref<200x128xf32, #tpu.memory_space<vmem>> -> memref<40x128xf32, #tpu.memory_space<vmem>>
    tpu.wait_dma2 semaphore(%arg14 : memref<!tpu.dma_semaphore, #tpu.memory_space<semaphore_mem>>) src(%dma_wait3A_429 : memref<40x128xf32, #tpu.memory_space<vmem>>) dst(%dma_wait3A_426 : memref<40x128xf32, #tpu.memory_space<vmem_shared>>)
    %mul3A_430 = arith.constant 640 : i32
    %mul3A_431 = arith.muli %arg1, %mul3A_430 : i32
    %add3A_432 = arith.constant 480 : i32
    %add3A_433 = arith.addi %mul3A_431, %add3A_432 : i32
    %dma_wait3A_434 = arith.constant 160 : i32
    %dma_wait3A_435 = arith.constant 0 : i32
    %dma_wait3A_436 = tpu.memref_slice %arg8[%dma_wait3A_434, %dma_wait3A_435] : memref<200x128xf32, #tpu.memory_space<vmem>> -> memref<40x128xf32, #tpu.memory_space<vmem>>
    %dma_wait3A_437 = arith.constant 0 : i32
    %dma_wait3A_438 = tpu.memref_slice %arg9[%add3A_433, %dma_wait3A_437] : memref<10240x128xf32, #tpu.memory_space<vmem_shared>> -> memref<40x128xf32, #tpu.memory_space<vmem_shared>>
    %dma_wait3A_439 = arith.constant 0 : i32
    %dma_wait3A_440 = tpu.memref_slice %arg9[%add3A_433, %dma_wait3A_439] : memref<10240x128xf32, #tpu.memory_space<vmem_shared>> -> memref<40x128xf32, #tpu.memory_space<vmem_shared>>
    %dma_wait3A_441 = arith.constant 160 : i32
    %dma_wait3A_442 = arith.constant 0 : i32
    %dma_wait3A_443 = tpu.memref_slice %arg8[%dma_wait3A_441, %dma_wait3A_442] : memref<200x128xf32, #tpu.memory_space<vmem>> -> memref<40x128xf32, #tpu.memory_space<vmem>>
    tpu.wait_dma2 semaphore(%arg14 : memref<!tpu.dma_semaphore, #tpu.memory_space<semaphore_mem>>) src(%dma_wait3A_443 : memref<40x128xf32, #tpu.memory_space<vmem>>) dst(%dma_wait3A_440 : memref<40x128xf32, #tpu.memory_space<vmem_shared>>)
    %mul3A_444 = arith.constant 640 : i32
    %mul3A_445 = arith.muli %arg1, %mul3A_444 : i32
    %add3A_446 = arith.constant 520 : i32
    %add3A_447 = arith.addi %mul3A_445, %add3A_446 : i32
    %dma_wait3A_448 = arith.constant 160 : i32
    %dma_wait3A_449 = arith.constant 0 : i32
    %dma_wait3A_450 = tpu.memref_slice %arg8[%dma_wait3A_448, %dma_wait3A_449] : memref<200x128xf32, #tpu.memory_space<vmem>> -> memref<40x128xf32, #tpu.memory_space<vmem>>
    %dma_wait3A_451 = arith.constant 0 : i32
    %dma_wait3A_452 = tpu.memref_slice %arg9[%add3A_447, %dma_wait3A_451] : memref<10240x128xf32, #tpu.memory_space<vmem_shared>> -> memref<40x128xf32, #tpu.memory_space<vmem_shared>>
    %dma_wait3A_453 = arith.constant 0 : i32
    %dma_wait3A_454 = tpu.memref_slice %arg9[%add3A_447, %dma_wait3A_453] : memref<10240x128xf32, #tpu.memory_space<vmem_shared>> -> memref<40x128xf32, #tpu.memory_space<vmem_shared>>
    %dma_wait3A_455 = arith.constant 160 : i32
    %dma_wait3A_456 = arith.constant 0 : i32
    %dma_wait3A_457 = tpu.memref_slice %arg8[%dma_wait3A_455, %dma_wait3A_456] : memref<200x128xf32, #tpu.memory_space<vmem>> -> memref<40x128xf32, #tpu.memory_space<vmem>>
    tpu.wait_dma2 semaphore(%arg14 : memref<!tpu.dma_semaphore, #tpu.memory_space<semaphore_mem>>) src(%dma_wait3A_457 : memref<40x128xf32, #tpu.memory_space<vmem>>) dst(%dma_wait3A_454 : memref<40x128xf32, #tpu.memory_space<vmem_shared>>)
    %mul3A_458 = arith.constant 640 : i32
    %mul3A_459 = arith.muli %arg1, %mul3A_458 : i32
    %add3A_460 = arith.constant 560 : i32
    %add3A_461 = arith.addi %mul3A_459, %add3A_460 : i32
    %dma_wait3A_462 = arith.constant 160 : i32
    %dma_wait3A_463 = arith.constant 0 : i32
    %dma_wait3A_464 = tpu.memref_slice %arg8[%dma_wait3A_462, %dma_wait3A_463] : memref<200x128xf32, #tpu.memory_space<vmem>> -> memref<40x128xf32, #tpu.memory_space<vmem>>
    %dma_wait3A_465 = arith.constant 0 : i32
    %dma_wait3A_466 = tpu.memref_slice %arg9[%add3A_461, %dma_wait3A_465] : memref<10240x128xf32, #tpu.memory_space<vmem_shared>> -> memref<40x128xf32, #tpu.memory_space<vmem_shared>>
    %dma_wait3A_467 = arith.constant 0 : i32
    %dma_wait3A_468 = tpu.memref_slice %arg9[%add3A_461, %dma_wait3A_467] : memref<10240x128xf32, #tpu.memory_space<vmem_shared>> -> memref<40x128xf32, #tpu.memory_space<vmem_shared>>
    %dma_wait3A_469 = arith.constant 160 : i32
    %dma_wait3A_470 = arith.constant 0 : i32
    %dma_wait3A_471 = tpu.memref_slice %arg8[%dma_wait3A_469, %dma_wait3A_470] : memref<200x128xf32, #tpu.memory_space<vmem>> -> memref<40x128xf32, #tpu.memory_space<vmem>>
    tpu.wait_dma2 semaphore(%arg14 : memref<!tpu.dma_semaphore, #tpu.memory_space<semaphore_mem>>) src(%dma_wait3A_471 : memref<40x128xf32, #tpu.memory_space<vmem>>) dst(%dma_wait3A_468 : memref<40x128xf32, #tpu.memory_space<vmem_shared>>)
    %mul3A_472 = arith.constant 640 : i32
    %mul3A_473 = arith.muli %arg1, %mul3A_472 : i32
    %add3A_474 = arith.constant 600 : i32
    %add3A_475 = arith.addi %mul3A_473, %add3A_474 : i32
    %dma_wait3A_476 = arith.constant 160 : i32
    %dma_wait3A_477 = arith.constant 0 : i32
    %dma_wait3A_478 = tpu.memref_slice %arg8[%dma_wait3A_476, %dma_wait3A_477] : memref<200x128xf32, #tpu.memory_space<vmem>> -> memref<40x128xf32, #tpu.memory_space<vmem>>
    %dma_wait3A_479 = arith.constant 0 : i32
    %dma_wait3A_480 = tpu.memref_slice %arg9[%add3A_475, %dma_wait3A_479] : memref<10240x128xf32, #tpu.memory_space<vmem_shared>> -> memref<40x128xf32, #tpu.memory_space<vmem_shared>>
    %dma_wait3A_481 = arith.constant 0 : i32
    %dma_wait3A_482 = tpu.memref_slice %arg9[%add3A_475, %dma_wait3A_481] : memref<10240x128xf32, #tpu.memory_space<vmem_shared>> -> memref<40x128xf32, #tpu.memory_space<vmem_shared>>
    %dma_wait3A_483 = arith.constant 160 : i32
    %dma_wait3A_484 = arith.constant 0 : i32
    %dma_wait3A_485 = tpu.memref_slice %arg8[%dma_wait3A_483, %dma_wait3A_484] : memref<200x128xf32, #tpu.memory_space<vmem>> -> memref<40x128xf32, #tpu.memory_space<vmem>>
    tpu.wait_dma2 semaphore(%arg14 : memref<!tpu.dma_semaphore, #tpu.memory_space<semaphore_mem>>) src(%dma_wait3A_485 : memref<40x128xf32, #tpu.memory_space<vmem>>) dst(%dma_wait3A_482 : memref<40x128xf32, #tpu.memory_space<vmem_shared>>)
    %dma_start3A_486 = arith.constant 160 : i32
    %dma_start3A_487 = arith.constant 0 : i32
    %dma_start3A_488 = tpu.memref_slice %arg8[%dma_start3A_486, %dma_start3A_487] : memref<200x128xf32, #tpu.memory_space<vmem>> -> memref<40x128xf32, #tpu.memory_space<vmem>>
    %dma_start3A_489 = arith.constant 160 : i32
    %dma_start3A_490 = tpu.memref_slice %arg6[%dma_start3A_489] : memref<4000xi32, #tpu.memory_space<vmem>> -> memref<40xi32, #tpu.memory_space<vmem>>
    %dma_start3A_491 = arith.constant 0 : i32
    %dma_start3A_492 = arith.constant 0 : i32
    %dma_start3A_493 = tpu.memref_slice %arg2[%dma_start3A_491, %dma_start3A_492] : memref<10000x128xf32, #tpu.memory_space<hbm>> -> memref<10000x128xf32, #tpu.memory_space<hbm>>
    tpu.enqueue_indirect_dma source(%dma_start3A_493 : memref<10000x128xf32, #tpu.memory_space<hbm>>) target(%dma_start3A_488 : memref<40x128xf32, #tpu.memory_space<vmem>>) offsets(%dma_start3A_490 : memref<40xi32, #tpu.memory_space<vmem>>) semaphore(%arg14 : memref<!tpu.dma_semaphore, #tpu.memory_space<semaphore_mem>>)
    %barrier3A = arith.constant 0 : index
    tpu.barrier barrier_id(%barrier3A)
    %scan3A_494 = arith.constant 0 : i32
    %scan3A_495 = arith.constant 0 : i32
    %scan3A_496 = arith.constant 5 : i32
    %scan3A_497 = arith.addi %scan3A_495, %scan3A_496 : i32
    %scan3A_498 = arith.constant 1 : i32
    scf.for %scan3A_757 = %scan3A_495 to %scan3A_497 step %scan3A_498  : i32 {
      %rem3A = arith.constant 2 : i32
      %rem3A_758 = arith.remsi %scan3A_757, %rem3A : i32
      %sub3A = arith.constant 1 : i32
      %sub3A_759 = arith.subi %sub3A, %rem3A_758 : i32
      %add3A_760 = arith.constant 1 : i32
      %add3A_761 = arith.addi %scan3A_757, %add3A_760 : i32
      %lt3A = arith.constant 5 : i32
      %lt3A_762 = arith.cmpi slt, %add3A_761, %lt3A : i32
      %convert_element_type3A = arith.extui %lt3A_762 : i1 to i32
      %cond3A = arith.constant 0 : i32
      %cond3A_763 = arith.cmpi ne, %convert_element_type3A, %cond3A : i32
      scf.if %cond3A_763 {
        %add3A_887 = arith.constant 1 : i32
        %add3A_888 = arith.addi %scan3A_757, %add3A_887 : i32
        %mul3A_889 = arith.constant 2000 : i32
        %mul3A_890 = arith.muli %add3A_888, %mul3A_889 : i32
        %add3A_891 = arith.addi %mul3A_2, %mul3A_890 : i32
        %mul3A_892 = arith.constant 2000 : i32
        %mul3A_893 = arith.muli %sub3A_759, %mul3A_892 : i32
        %dma_start3A_894 = tpu.memref_slice %arg6[%mul3A_893] : memref<4000xi32, #tpu.memory_space<vmem>> -> memref<2000xi32, #tpu.memory_space<vmem>>
        %dma_start3A_895 = tpu.memref_slice %arg3[%add3A_891] : memref<320000xi32, #tpu.memory_space<hbm>> -> memref<2000xi32, #tpu.memory_space<hbm>>
        %dma_start3A_896 = tpu.memref_slice %arg6[%mul3A_893] : memref<4000xi32, #tpu.memory_space<vmem>> -> memref<2000xi32, #tpu.memory_space<vmem>>
        %dma_start3A_897 = tpu.memref_slice %arg3[%add3A_891] : memref<320000xi32, #tpu.memory_space<hbm>> -> memref<2000xi32, #tpu.memory_space<hbm>>
        tpu.enqueue_dma source(%dma_start3A_897 : memref<2000xi32, #tpu.memory_space<hbm>>) target(%dma_start3A_896 : memref<2000xi32, #tpu.memory_space<vmem>>) target_semaphore(%arg15 : memref<!tpu.dma_semaphore, #tpu.memory_space<semaphore_mem>>)
        %add3A_898 = arith.constant 1 : i32
        %add3A_899 = arith.addi %scan3A_757, %add3A_898 : i32
        %mul3A_900 = arith.constant 2000 : i32
        %mul3A_901 = arith.muli %add3A_899, %mul3A_900 : i32
        %add3A_902 = arith.addi %mul3A_2, %mul3A_901 : i32
        %mul3A_903 = arith.constant 2000 : i32
        %mul3A_904 = arith.muli %sub3A_759, %mul3A_903 : i32
        %dma_start3A_905 = tpu.memref_slice %arg7[%mul3A_904] : memref<4000xi32, #tpu.memory_space<vmem>> -> memref<2000xi32, #tpu.memory_space<vmem>>
        %dma_start3A_906 = tpu.memref_slice %arg4[%add3A_902] : memref<320000xi32, #tpu.memory_space<hbm>> -> memref<2000xi32, #tpu.memory_space<hbm>>
        %dma_start3A_907 = tpu.memref_slice %arg7[%mul3A_904] : memref<4000xi32, #tpu.memory_space<vmem>> -> memref<2000xi32, #tpu.memory_space<vmem>>
        %dma_start3A_908 = tpu.memref_slice %arg4[%add3A_902] : memref<320000xi32, #tpu.memory_space<hbm>> -> memref<2000xi32, #tpu.memory_space<hbm>>
        tpu.enqueue_dma source(%dma_start3A_908 : memref<2000xi32, #tpu.memory_space<hbm>>) target(%dma_start3A_907 : memref<2000xi32, #tpu.memory_space<vmem>>) target_semaphore(%arg16 : memref<!tpu.dma_semaphore, #tpu.memory_space<semaphore_mem>>)
      } else {
      }
      %scan3A_764 = arith.constant 0 : i32
      %scan3A_765 = arith.constant 0 : i32
      %scan3A_766 = arith.constant 9 : i32
      %scan3A_767 = arith.addi %scan3A_765, %scan3A_766 : i32
      %scan3A_768 = arith.constant 1 : i32
      scf.for %scan3A_887 = %scan3A_765 to %scan3A_767 step %scan3A_768  : i32 {
        %mul3A_888 = arith.constant 5 : i32
        %mul3A_889 = arith.muli %scan3A_887, %mul3A_888 : i32
        %add3A_890 = arith.constant 0 : i32
        %add3A_891 = arith.addi %mul3A_889, %add3A_890 : i32
        %mul3A_892 = arith.constant 2000 : i32
        %mul3A_893 = arith.muli %rem3A_758, %mul3A_892 : i32
        %mul3A_894 = arith.constant 40 : i32
        %mul3A_895 = arith.muli %add3A_891, %mul3A_894 : i32
        %add3A_896 = arith.addi %mul3A_893, %mul3A_895 : i32
        %dma_wait3A_897 = arith.constant 0 : i32
        %dma_wait3A_898 = arith.constant 0 : i32
        %dma_wait3A_899 = tpu.memref_slice %arg8[%dma_wait3A_897, %dma_wait3A_898] : memref<200x128xf32, #tpu.memory_space<vmem>> -> memref<40x128xf32, #tpu.memory_space<vmem>>
        %dma_wait3A_900 = tpu.memref_slice %arg6[%add3A_896] : memref<4000xi32, #tpu.memory_space<vmem>> -> memref<40xi32, #tpu.memory_space<vmem>>
        %dma_wait3A_901 = arith.constant 0 : i32
        %dma_wait3A_902 = arith.constant 0 : i32
        %dma_wait3A_903 = tpu.memref_slice %arg2[%dma_wait3A_901, %dma_wait3A_902] : memref<10000x128xf32, #tpu.memory_space<hbm>> -> memref<10000x128xf32, #tpu.memory_space<hbm>>
        tpu.wait_indirect_dma semaphore(%arg10 : memref<!tpu.dma_semaphore, #tpu.memory_space<semaphore_mem>>) src(%dma_wait3A_903 : memref<10000x128xf32, #tpu.memory_space<hbm>>) dst(%dma_wait3A_899 : memref<40x128xf32, #tpu.memory_space<vmem>>)
        %mul3A_904 = arith.constant 2000 : i32
        %mul3A_905 = arith.muli %rem3A_758, %mul3A_904 : i32
        %mul3A_906 = arith.constant 40 : i32
        %mul3A_907 = arith.muli %add3A_891, %mul3A_906 : i32
        %add3A_908 = arith.addi %mul3A_905, %mul3A_907 : i32
        "tpu.region"() ({
          %run_scoped3A = tpu.sem_alloc : memref<!tpu.dma_semaphore, #tpu.memory_space<semaphore_mem>>
          %dma_start3A_1063 = arith.constant 0 : i32
          %dma_start3A_1064 = arith.constant 0 : i32
          %dma_start3A_1065 = tpu.memref_slice %arg8[%dma_start3A_1063, %dma_start3A_1064] : memref<200x128xf32, #tpu.memory_space<vmem>> -> memref<40x128xf32, #tpu.memory_space<vmem>>
          %dma_start3A_1066 = tpu.memref_slice %arg7[%add3A_908] : memref<4000xi32, #tpu.memory_space<vmem>> -> memref<40xi32, #tpu.memory_space<vmem>>
          %dma_start3A_1067 = arith.constant 0 : i32
          %dma_start3A_1068 = arith.constant 0 : i32
          %dma_start3A_1069 = tpu.memref_slice %arg9[%dma_start3A_1067, %dma_start3A_1068] : memref<10240x128xf32, #tpu.memory_space<vmem_shared>> -> memref<10240x128xf32, #tpu.memory_space<vmem_shared>>
          tpu.enqueue_indirect_dma source(%dma_start3A_1065 : memref<40x128xf32, #tpu.memory_space<vmem>>) target(%dma_start3A_1069 : memref<10240x128xf32, #tpu.memory_space<vmem_shared>>) offsets(%dma_start3A_1066 : memref<40xi32, #tpu.memory_space<vmem>>) semaphore(%run_scoped3A : memref<!tpu.dma_semaphore, #tpu.memory_space<semaphore_mem>>) {add = true}
          %dma_wait3A_1070 = arith.constant 0 : i32
          %dma_wait3A_1071 = arith.constant 0 : i32
          %dma_wait3A_1072 = tpu.memref_slice %arg8[%dma_wait3A_1070, %dma_wait3A_1071] : memref<200x128xf32, #tpu.memory_space<vmem>> -> memref<40x128xf32, #tpu.memory_space<vmem>>
          %dma_wait3A_1073 = tpu.memref_slice %arg7[%add3A_908] : memref<4000xi32, #tpu.memory_space<vmem>> -> memref<40xi32, #tpu.memory_space<vmem>>
          %dma_wait3A_1074 = arith.constant 0 : i32
          %dma_wait3A_1075 = arith.constant 0 : i32
          %dma_wait3A_1076 = tpu.memref_slice %arg9[%dma_wait3A_1074, %dma_wait3A_1075] : memref<10240x128xf32, #tpu.memory_space<vmem_shared>> -> memref<10240x128xf32, #tpu.memory_space<vmem_shared>>
          tpu.wait_indirect_dma semaphore(%run_scoped3A : memref<!tpu.dma_semaphore, #tpu.memory_space<semaphore_mem>>) src(%dma_wait3A_1072 : memref<40x128xf32, #tpu.memory_space<vmem>>) dst(%dma_wait3A_1076 : memref<10240x128xf32, #tpu.memory_space<vmem_shared>>)
          tpu.yield
        }) : () -> ()
        %add3A_909 = arith.constant 5 : i32
        %add3A_910 = arith.addi %add3A_891, %add3A_909 : i32
        %mul3A_911 = arith.constant 2000 : i32
        %mul3A_912 = arith.muli %rem3A_758, %mul3A_911 : i32
        %mul3A_913 = arith.constant 40 : i32
        %mul3A_914 = arith.muli %add3A_910, %mul3A_913 : i32
        %add3A_915 = arith.addi %mul3A_912, %mul3A_914 : i32
        %dma_start3A_916 = arith.constant 0 : i32
        %dma_start3A_917 = arith.constant 0 : i32
        %dma_start3A_918 = tpu.memref_slice %arg8[%dma_start3A_916, %dma_start3A_917] : memref<200x128xf32, #tpu.memory_space<vmem>> -> memref<40x128xf32, #tpu.memory_space<vmem>>
        %dma_start3A_919 = tpu.memref_slice %arg6[%add3A_915] : memref<4000xi32, #tpu.memory_space<vmem>> -> memref<40xi32, #tpu.memory_space<vmem>>
        %dma_start3A_920 = arith.constant 0 : i32
        %dma_start3A_921 = arith.constant 0 : i32
        %dma_start3A_922 = tpu.memref_slice %arg2[%dma_start3A_920, %dma_start3A_921] : memref<10000x128xf32, #tpu.memory_space<hbm>> -> memref<10000x128xf32, #tpu.memory_space<hbm>>
        tpu.enqueue_indirect_dma source(%dma_start3A_922 : memref<10000x128xf32, #tpu.memory_space<hbm>>) target(%dma_start3A_918 : memref<40x128xf32, #tpu.memory_space<vmem>>) offsets(%dma_start3A_919 : memref<40xi32, #tpu.memory_space<vmem>>) semaphore(%arg10 : memref<!tpu.dma_semaphore, #tpu.memory_space<semaphore_mem>>)
        %mul3A_923 = arith.constant 5 : i32
        %mul3A_924 = arith.muli %scan3A_887, %mul3A_923 : i32
        %add3A_925 = arith.constant 1 : i32
        %add3A_926 = arith.addi %mul3A_924, %add3A_925 : i32
        %mul3A_927 = arith.constant 2000 : i32
        %mul3A_928 = arith.muli %rem3A_758, %mul3A_927 : i32
        %mul3A_929 = arith.constant 40 : i32
        %mul3A_930 = arith.muli %add3A_926, %mul3A_929 : i32
        %add3A_931 = arith.addi %mul3A_928, %mul3A_930 : i32
        %dma_wait3A_932 = arith.constant 40 : i32
        %dma_wait3A_933 = arith.constant 0 : i32
        %dma_wait3A_934 = tpu.memref_slice %arg8[%dma_wait3A_932, %dma_wait3A_933] : memref<200x128xf32, #tpu.memory_space<vmem>> -> memref<40x128xf32, #tpu.memory_space<vmem>>
        %dma_wait3A_935 = tpu.memref_slice %arg6[%add3A_931] : memref<4000xi32, #tpu.memory_space<vmem>> -> memref<40xi32, #tpu.memory_space<vmem>>
        %dma_wait3A_936 = arith.constant 0 : i32
        %dma_wait3A_937 = arith.constant 0 : i32
        %dma_wait3A_938 = tpu.memref_slice %arg2[%dma_wait3A_936, %dma_wait3A_937] : memref<10000x128xf32, #tpu.memory_space<hbm>> -> memref<10000x128xf32, #tpu.memory_space<hbm>>
        tpu.wait_indirect_dma semaphore(%arg11 : memref<!tpu.dma_semaphore, #tpu.memory_space<semaphore_mem>>) src(%dma_wait3A_938 : memref<10000x128xf32, #tpu.memory_space<hbm>>) dst(%dma_wait3A_934 : memref<40x128xf32, #tpu.memory_space<vmem>>)
        %mul3A_939 = arith.constant 2000 : i32
        %mul3A_940 = arith.muli %rem3A_758, %mul3A_939 : i32
        %mul3A_941 = arith.constant 40 : i32
        %mul3A_942 = arith.muli %add3A_926, %mul3A_941 : i32
        %add3A_943 = arith.addi %mul3A_940, %mul3A_942 : i32
        "tpu.region"() ({
          %run_scoped3A = tpu.sem_alloc : memref<!tpu.dma_semaphore, #tpu.memory_space<semaphore_mem>>
          %dma_start3A_1063 = arith.constant 40 : i32
          %dma_start3A_1064 = arith.constant 0 : i32
          %dma_start3A_1065 = tpu.memref_slice %arg8[%dma_start3A_1063, %dma_start3A_1064] : memref<200x128xf32, #tpu.memory_space<vmem>> -> memref<40x128xf32, #tpu.memory_space<vmem>>
          %dma_start3A_1066 = tpu.memref_slice %arg7[%add3A_943] : memref<4000xi32, #tpu.memory_space<vmem>> -> memref<40xi32, #tpu.memory_space<vmem>>
          %dma_start3A_1067 = arith.constant 0 : i32
          %dma_start3A_1068 = arith.constant 0 : i32
          %dma_start3A_1069 = tpu.memref_slice %arg9[%dma_start3A_1067, %dma_start3A_1068] : memref<10240x128xf32, #tpu.memory_space<vmem_shared>> -> memref<10240x128xf32, #tpu.memory_space<vmem_shared>>
          tpu.enqueue_indirect_dma source(%dma_start3A_1065 : memref<40x128xf32, #tpu.memory_space<vmem>>) target(%dma_start3A_1069 : memref<10240x128xf32, #tpu.memory_space<vmem_shared>>) offsets(%dma_start3A_1066 : memref<40xi32, #tpu.memory_space<vmem>>) semaphore(%run_scoped3A : memref<!tpu.dma_semaphore, #tpu.memory_space<semaphore_mem>>) {add = true}
          %dma_wait3A_1070 = arith.constant 40 : i32
          %dma_wait3A_1071 = arith.constant 0 : i32
          %dma_wait3A_1072 = tpu.memref_slice %arg8[%dma_wait3A_1070, %dma_wait3A_1071] : memref<200x128xf32, #tpu.memory_space<vmem>> -> memref<40x128xf32, #tpu.memory_space<vmem>>
          %dma_wait3A_1073 = tpu.memref_slice %arg7[%add3A_943] : memref<4000xi32, #tpu.memory_space<vmem>> -> memref<40xi32, #tpu.memory_space<vmem>>
          %dma_wait3A_1074 = arith.constant 0 : i32
          %dma_wait3A_1075 = arith.constant 0 : i32
          %dma_wait3A_1076 = tpu.memref_slice %arg9[%dma_wait3A_1074, %dma_wait3A_1075] : memref<10240x128xf32, #tpu.memory_space<vmem_shared>> -> memref<10240x128xf32, #tpu.memory_space<vmem_shared>>
          tpu.wait_indirect_dma semaphore(%run_scoped3A : memref<!tpu.dma_semaphore, #tpu.memory_space<semaphore_mem>>) src(%dma_wait3A_1072 : memref<40x128xf32, #tpu.memory_space<vmem>>) dst(%dma_wait3A_1076 : memref<10240x128xf32, #tpu.memory_space<vmem_shared>>)
          tpu.yield
        }) : () -> ()
        %add3A_944 = arith.constant 5 : i32
        %add3A_945 = arith.addi %add3A_926, %add3A_944 : i32
        %mul3A_946 = arith.constant 2000 : i32
        %mul3A_947 = arith.muli %rem3A_758, %mul3A_946 : i32
        %mul3A_948 = arith.constant 40 : i32
        %mul3A_949 = arith.muli %add3A_945, %mul3A_948 : i32
        %add3A_950 = arith.addi %mul3A_947, %mul3A_949 : i32
        %dma_start3A_951 = arith.constant 40 : i32
        %dma_start3A_952 = arith.constant 0 : i32
        %dma_start3A_953 = tpu.memref_slice %arg8[%dma_start3A_951, %dma_start3A_952] : memref<200x128xf32, #tpu.memory_space<vmem>> -> memref<40x128xf32, #tpu.memory_space<vmem>>
        %dma_start3A_954 = tpu.memref_slice %arg6[%add3A_950] : memref<4000xi32, #tpu.memory_space<vmem>> -> memref<40xi32, #tpu.memory_space<vmem>>
        %dma_start3A_955 = arith.constant 0 : i32
        %dma_start3A_956 = arith.constant 0 : i32
        %dma_start3A_957 = tpu.memref_slice %arg2[%dma_start3A_955, %dma_start3A_956] : memref<10000x128xf32, #tpu.memory_space<hbm>> -> memref<10000x128xf32, #tpu.memory_space<hbm>>
        tpu.enqueue_indirect_dma source(%dma_start3A_957 : memref<10000x128xf32, #tpu.memory_space<hbm>>) target(%dma_start3A_953 : memref<40x128xf32, #tpu.memory_space<vmem>>) offsets(%dma_start3A_954 : memref<40xi32, #tpu.memory_space<vmem>>) semaphore(%arg11 : memref<!tpu.dma_semaphore, #tpu.memory_space<semaphore_mem>>)
        %mul3A_958 = arith.constant 5 : i32
        %mul3A_959 = arith.muli %scan3A_887, %mul3A_958 : i32
        %add3A_960 = arith.constant 2 : i32
        %add3A_961 = arith.addi %mul3A_959, %add3A_960 : i32
        %mul3A_962 = arith.constant 2000 : i32
        %mul3A_963 = arith.muli %rem3A_758, %mul3A_962 : i32
        %mul3A_964 = arith.constant 40 : i32
        %mul3A_965 = arith.muli %add3A_961, %mul3A_964 : i32
        %add3A_966 = arith.addi %mul3A_963, %mul3A_965 : i32
        %dma_wait3A_967 = arith.constant 80 : i32
        %dma_wait3A_968 = arith.constant 0 : i32
        %dma_wait3A_969 = tpu.memref_slice %arg8[%dma_wait3A_967, %dma_wait3A_968] : memref<200x128xf32, #tpu.memory_space<vmem>> -> memref<40x128xf32, #tpu.memory_space<vmem>>
        %dma_wait3A_970 = tpu.memref_slice %arg6[%add3A_966] : memref<4000xi32, #tpu.memory_space<vmem>> -> memref<40xi32, #tpu.memory_space<vmem>>
        %dma_wait3A_971 = arith.constant 0 : i32
        %dma_wait3A_972 = arith.constant 0 : i32
        %dma_wait3A_973 = tpu.memref_slice %arg2[%dma_wait3A_971, %dma_wait3A_972] : memref<10000x128xf32, #tpu.memory_space<hbm>> -> memref<10000x128xf32, #tpu.memory_space<hbm>>
        tpu.wait_indirect_dma semaphore(%arg12 : memref<!tpu.dma_semaphore, #tpu.memory_space<semaphore_mem>>) src(%dma_wait3A_973 : memref<10000x128xf32, #tpu.memory_space<hbm>>) dst(%dma_wait3A_969 : memref<40x128xf32, #tpu.memory_space<vmem>>)
        %mul3A_974 = arith.constant 2000 : i32
        %mul3A_975 = arith.muli %rem3A_758, %mul3A_974 : i32
        %mul3A_976 = arith.constant 40 : i32
        %mul3A_977 = arith.muli %add3A_961, %mul3A_976 : i32
        %add3A_978 = arith.addi %mul3A_975, %mul3A_977 : i32
        "tpu.region"() ({
          %run_scoped3A = tpu.sem_alloc : memref<!tpu.dma_semaphore, #tpu.memory_space<semaphore_mem>>
          %dma_start3A_1063 = arith.constant 80 : i32
          %dma_start3A_1064 = arith.constant 0 : i32
          %dma_start3A_1065 = tpu.memref_slice %arg8[%dma_start3A_1063, %dma_start3A_1064] : memref<200x128xf32, #tpu.memory_space<vmem>> -> memref<40x128xf32, #tpu.memory_space<vmem>>
          %dma_start3A_1066 = tpu.memref_slice %arg7[%add3A_978] : memref<4000xi32, #tpu.memory_space<vmem>> -> memref<40xi32, #tpu.memory_space<vmem>>
          %dma_start3A_1067 = arith.constant 0 : i32
          %dma_start3A_1068 = arith.constant 0 : i32
          %dma_start3A_1069 = tpu.memref_slice %arg9[%dma_start3A_1067, %dma_start3A_1068] : memref<10240x128xf32, #tpu.memory_space<vmem_shared>> -> memref<10240x128xf32, #tpu.memory_space<vmem_shared>>
          tpu.enqueue_indirect_dma source(%dma_start3A_1065 : memref<40x128xf32, #tpu.memory_space<vmem>>) target(%dma_start3A_1069 : memref<10240x128xf32, #tpu.memory_space<vmem_shared>>) offsets(%dma_start3A_1066 : memref<40xi32, #tpu.memory_space<vmem>>) semaphore(%run_scoped3A : memref<!tpu.dma_semaphore, #tpu.memory_space<semaphore_mem>>) {add = true}
          %dma_wait3A_1070 = arith.constant 80 : i32
          %dma_wait3A_1071 = arith.constant 0 : i32
          %dma_wait3A_1072 = tpu.memref_slice %arg8[%dma_wait3A_1070, %dma_wait3A_1071] : memref<200x128xf32, #tpu.memory_space<vmem>> -> memref<40x128xf32, #tpu.memory_space<vmem>>
          %dma_wait3A_1073 = tpu.memref_slice %arg7[%add3A_978] : memref<4000xi32, #tpu.memory_space<vmem>> -> memref<40xi32, #tpu.memory_space<vmem>>
          %dma_wait3A_1074 = arith.constant 0 : i32
          %dma_wait3A_1075 = arith.constant 0 : i32
          %dma_wait3A_1076 = tpu.memref_slice %arg9[%dma_wait3A_1074, %dma_wait3A_1075] : memref<10240x128xf32, #tpu.memory_space<vmem_shared>> -> memref<10240x128xf32, #tpu.memory_space<vmem_shared>>
          tpu.wait_indirect_dma semaphore(%run_scoped3A : memref<!tpu.dma_semaphore, #tpu.memory_space<semaphore_mem>>) src(%dma_wait3A_1072 : memref<40x128xf32, #tpu.memory_space<vmem>>) dst(%dma_wait3A_1076 : memref<10240x128xf32, #tpu.memory_space<vmem_shared>>)
          tpu.yield
        }) : () -> ()
        %add3A_979 = arith.constant 5 : i32
        %add3A_980 = arith.addi %add3A_961, %add3A_979 : i32
        %mul3A_981 = arith.constant 2000 : i32
        %mul3A_982 = arith.muli %rem3A_758, %mul3A_981 : i32
        %mul3A_983 = arith.constant 40 : i32
        %mul3A_984 = arith.muli %add3A_980, %mul3A_983 : i32
        %add3A_985 = arith.addi %mul3A_982, %mul3A_984 : i32
        %dma_start3A_986 = arith.constant 80 : i32
        %dma_start3A_987 = arith.constant 0 : i32
        %dma_start3A_988 = tpu.memref_slice %arg8[%dma_start3A_986, %dma_start3A_987] : memref<200x128xf32, #tpu.memory_space<vmem>> -> memref<40x128xf32, #tpu.memory_space<vmem>>
        %dma_start3A_989 = tpu.memref_slice %arg6[%add3A_985] : memref<4000xi32, #tpu.memory_space<vmem>> -> memref<40xi32, #tpu.memory_space<vmem>>
        %dma_start3A_990 = arith.constant 0 : i32
        %dma_start3A_991 = arith.constant 0 : i32
        %dma_start3A_992 = tpu.memref_slice %arg2[%dma_start3A_990, %dma_start3A_991] : memref<10000x128xf32, #tpu.memory_space<hbm>> -> memref<10000x128xf32, #tpu.memory_space<hbm>>
        tpu.enqueue_indirect_dma source(%dma_start3A_992 : memref<10000x128xf32, #tpu.memory_space<hbm>>) target(%dma_start3A_988 : memref<40x128xf32, #tpu.memory_space<vmem>>) offsets(%dma_start3A_989 : memref<40xi32, #tpu.memory_space<vmem>>) semaphore(%arg12 : memref<!tpu.dma_semaphore, #tpu.memory_space<semaphore_mem>>)
        %mul3A_993 = arith.constant 5 : i32
        %mul3A_994 = arith.muli %scan3A_887, %mul3A_993 : i32
        %add3A_995 = arith.constant 3 : i32
        %add3A_996 = arith.addi %mul3A_994, %add3A_995 : i32
        %mul3A_997 = arith.constant 2000 : i32
        %mul3A_998 = arith.muli %rem3A_758, %mul3A_997 : i32
        %mul3A_999 = arith.constant 40 : i32
        %mul3A_1000 = arith.muli %add3A_996, %mul3A_999 : i32
        %add3A_1001 = arith.addi %mul3A_998, %mul3A_1000 : i32
        %dma_wait3A_1002 = arith.constant 120 : i32
        %dma_wait3A_1003 = arith.constant 0 : i32
        %dma_wait3A_1004 = tpu.memref_slice %arg8[%dma_wait3A_1002, %dma_wait3A_1003] : memref<200x128xf32, #tpu.memory_space<vmem>> -> memref<40x128xf32, #tpu.memory_space<vmem>>
        %dma_wait3A_1005 = tpu.memref_slice %arg6[%add3A_1001] : memref<4000xi32, #tpu.memory_space<vmem>> -> memref<40xi32, #tpu.memory_space<vmem>>
        %dma_wait3A_1006 = arith.constant 0 : i32
        %dma_wait3A_1007 = arith.constant 0 : i32
        %dma_wait3A_1008 = tpu.memref_slice %arg2[%dma_wait3A_1006, %dma_wait3A_1007] : memref<10000x128xf32, #tpu.memory_space<hbm>> -> memref<10000x128xf32, #tpu.memory_space<hbm>>
        tpu.wait_indirect_dma semaphore(%arg13 : memref<!tpu.dma_semaphore, #tpu.memory_space<semaphore_mem>>) src(%dma_wait3A_1008 : memref<10000x128xf32, #tpu.memory_space<hbm>>) dst(%dma_wait3A_1004 : memref<40x128xf32, #tpu.memory_space<vmem>>)
        %mul3A_1009 = arith.constant 2000 : i32
        %mul3A_1010 = arith.muli %rem3A_758, %mul3A_1009 : i32
        %mul3A_1011 = arith.constant 40 : i32
        %mul3A_1012 = arith.muli %add3A_996, %mul3A_1011 : i32
        %add3A_1013 = arith.addi %mul3A_1010, %mul3A_1012 : i32
        "tpu.region"() ({
          %run_scoped3A = tpu.sem_alloc : memref<!tpu.dma_semaphore, #tpu.memory_space<semaphore_mem>>
          %dma_start3A_1063 = arith.constant 120 : i32
          %dma_start3A_1064 = arith.constant 0 : i32
          %dma_start3A_1065 = tpu.memref_slice %arg8[%dma_start3A_1063, %dma_start3A_1064] : memref<200x128xf32, #tpu.memory_space<vmem>> -> memref<40x128xf32, #tpu.memory_space<vmem>>
          %dma_start3A_1066 = tpu.memref_slice %arg7[%add3A_1013] : memref<4000xi32, #tpu.memory_space<vmem>> -> memref<40xi32, #tpu.memory_space<vmem>>
          %dma_start3A_1067 = arith.constant 0 : i32
          %dma_start3A_1068 = arith.constant 0 : i32
          %dma_start3A_1069 = tpu.memref_slice %arg9[%dma_start3A_1067, %dma_start3A_1068] : memref<10240x128xf32, #tpu.memory_space<vmem_shared>> -> memref<10240x128xf32, #tpu.memory_space<vmem_shared>>
          tpu.enqueue_indirect_dma source(%dma_start3A_1065 : memref<40x128xf32, #tpu.memory_space<vmem>>) target(%dma_start3A_1069 : memref<10240x128xf32, #tpu.memory_space<vmem_shared>>) offsets(%dma_start3A_1066 : memref<40xi32, #tpu.memory_space<vmem>>) semaphore(%run_scoped3A : memref<!tpu.dma_semaphore, #tpu.memory_space<semaphore_mem>>) {add = true}
          %dma_wait3A_1070 = arith.constant 120 : i32
          %dma_wait3A_1071 = arith.constant 0 : i32
          %dma_wait3A_1072 = tpu.memref_slice %arg8[%dma_wait3A_1070, %dma_wait3A_1071] : memref<200x128xf32, #tpu.memory_space<vmem>> -> memref<40x128xf32, #tpu.memory_space<vmem>>
          %dma_wait3A_1073 = tpu.memref_slice %arg7[%add3A_1013] : memref<4000xi32, #tpu.memory_space<vmem>> -> memref<40xi32, #tpu.memory_space<vmem>>
          %dma_wait3A_1074 = arith.constant 0 : i32
          %dma_wait3A_1075 = arith.constant 0 : i32
          %dma_wait3A_1076 = tpu.memref_slice %arg9[%dma_wait3A_1074, %dma_wait3A_1075] : memref<10240x128xf32, #tpu.memory_space<vmem_shared>> -> memref<10240x128xf32, #tpu.memory_space<vmem_shared>>
          tpu.wait_indirect_dma semaphore(%run_scoped3A : memref<!tpu.dma_semaphore, #tpu.memory_space<semaphore_mem>>) src(%dma_wait3A_1072 : memref<40x128xf32, #tpu.memory_space<vmem>>) dst(%dma_wait3A_1076 : memref<10240x128xf32, #tpu.memory_space<vmem_shared>>)
          tpu.yield
        }) : () -> ()
        %add3A_1014 = arith.constant 5 : i32
        %add3A_1015 = arith.addi %add3A_996, %add3A_1014 : i32
        %mul3A_1016 = arith.constant 2000 : i32
        %mul3A_1017 = arith.muli %rem3A_758, %mul3A_1016 : i32
        %mul3A_1018 = arith.constant 40 : i32
        %mul3A_1019 = arith.muli %add3A_1015, %mul3A_1018 : i32
        %add3A_1020 = arith.addi %mul3A_1017, %mul3A_1019 : i32
        %dma_start3A_1021 = arith.constant 120 : i32
        %dma_start3A_1022 = arith.constant 0 : i32
        %dma_start3A_1023 = tpu.memref_slice %arg8[%dma_start3A_1021, %dma_start3A_1022] : memref<200x128xf32, #tpu.memory_space<vmem>> -> memref<40x128xf32, #tpu.memory_space<vmem>>
        %dma_start3A_1024 = tpu.memref_slice %arg6[%add3A_1020] : memref<4000xi32, #tpu.memory_space<vmem>> -> memref<40xi32, #tpu.memory_space<vmem>>
        %dma_start3A_1025 = arith.constant 0 : i32
        %dma_start3A_1026 = arith.constant 0 : i32
        %dma_start3A_1027 = tpu.memref_slice %arg2[%dma_start3A_1025, %dma_start3A_1026] : memref<10000x128xf32, #tpu.memory_space<hbm>> -> memref<10000x128xf32, #tpu.memory_space<hbm>>
        tpu.enqueue_indirect_dma source(%dma_start3A_1027 : memref<10000x128xf32, #tpu.memory_space<hbm>>) target(%dma_start3A_1023 : memref<40x128xf32, #tpu.memory_space<vmem>>) offsets(%dma_start3A_1024 : memref<40xi32, #tpu.memory_space<vmem>>) semaphore(%arg13 : memref<!tpu.dma_semaphore, #tpu.memory_space<semaphore_mem>>)
        %mul3A_1028 = arith.constant 5 : i32
        %mul3A_1029 = arith.muli %scan3A_887, %mul3A_1028 : i32
        %add3A_1030 = arith.constant 4 : i32
        %add3A_1031 = arith.addi %mul3A_1029, %add3A_1030 : i32
        %mul3A_1032 = arith.constant 2000 : i32
        %mul3A_1033 = arith.muli %rem3A_758, %mul3A_1032 : i32
        %mul3A_1034 = arith.constant 40 : i32
        %mul3A_1035 = arith.muli %add3A_1031, %mul3A_1034 : i32
        %add3A_1036 = arith.addi %mul3A_1033, %mul3A_1035 : i32
        %dma_wait3A_1037 = arith.constant 160 : i32
        %dma_wait3A_1038 = arith.constant 0 : i32
        %dma_wait3A_1039 = tpu.memref_slice %arg8[%dma_wait3A_1037, %dma_wait3A_1038] : memref<200x128xf32, #tpu.memory_space<vmem>> -> memref<40x128xf32, #tpu.memory_space<vmem>>
        %dma_wait3A_1040 = tpu.memref_slice %arg6[%add3A_1036] : memref<4000xi32, #tpu.memory_space<vmem>> -> memref<40xi32, #tpu.memory_space<vmem>>
        %dma_wait3A_1041 = arith.constant 0 : i32
        %dma_wait3A_1042 = arith.constant 0 : i32
        %dma_wait3A_1043 = tpu.memref_slice %arg2[%dma_wait3A_1041, %dma_wait3A_1042] : memref<10000x128xf32, #tpu.memory_space<hbm>> -> memref<10000x128xf32, #tpu.memory_space<hbm>>
        tpu.wait_indirect_dma semaphore(%arg14 : memref<!tpu.dma_semaphore, #tpu.memory_space<semaphore_mem>>) src(%dma_wait3A_1043 : memref<10000x128xf32, #tpu.memory_space<hbm>>) dst(%dma_wait3A_1039 : memref<40x128xf32, #tpu.memory_space<vmem>>)
        %mul3A_1044 = arith.constant 2000 : i32
        %mul3A_1045 = arith.muli %rem3A_758, %mul3A_1044 : i32
        %mul3A_1046 = arith.constant 40 : i32
        %mul3A_1047 = arith.muli %add3A_1031, %mul3A_1046 : i32
        %add3A_1048 = arith.addi %mul3A_1045, %mul3A_1047 : i32
        "tpu.region"() ({
          %run_scoped3A = tpu.sem_alloc : memref<!tpu.dma_semaphore, #tpu.memory_space<semaphore_mem>>
          %dma_start3A_1063 = arith.constant 160 : i32
          %dma_start3A_1064 = arith.constant 0 : i32
          %dma_start3A_1065 = tpu.memref_slice %arg8[%dma_start3A_1063, %dma_start3A_1064] : memref<200x128xf32, #tpu.memory_space<vmem>> -> memref<40x128xf32, #tpu.memory_space<vmem>>
          %dma_start3A_1066 = tpu.memref_slice %arg7[%add3A_1048] : memref<4000xi32, #tpu.memory_space<vmem>> -> memref<40xi32, #tpu.memory_space<vmem>>
          %dma_start3A_1067 = arith.constant 0 : i32
          %dma_start3A_1068 = arith.constant 0 : i32
          %dma_start3A_1069 = tpu.memref_slice %arg9[%dma_start3A_1067, %dma_start3A_1068] : memref<10240x128xf32, #tpu.memory_space<vmem_shared>> -> memref<10240x128xf32, #tpu.memory_space<vmem_shared>>
          tpu.enqueue_indirect_dma source(%dma_start3A_1065 : memref<40x128xf32, #tpu.memory_space<vmem>>) target(%dma_start3A_1069 : memref<10240x128xf32, #tpu.memory_space<vmem_shared>>) offsets(%dma_start3A_1066 : memref<40xi32, #tpu.memory_space<vmem>>) semaphore(%run_scoped3A : memref<!tpu.dma_semaphore, #tpu.memory_space<semaphore_mem>>) {add = true}
          %dma_wait3A_1070 = arith.constant 160 : i32
          %dma_wait3A_1071 = arith.constant 0 : i32
          %dma_wait3A_1072 = tpu.memref_slice %arg8[%dma_wait3A_1070, %dma_wait3A_1071] : memref<200x128xf32, #tpu.memory_space<vmem>> -> memref<40x128xf32, #tpu.memory_space<vmem>>
          %dma_wait3A_1073 = tpu.memref_slice %arg7[%add3A_1048] : memref<4000xi32, #tpu.memory_space<vmem>> -> memref<40xi32, #tpu.memory_space<vmem>>
          %dma_wait3A_1074 = arith.constant 0 : i32
          %dma_wait3A_1075 = arith.constant 0 : i32
          %dma_wait3A_1076 = tpu.memref_slice %arg9[%dma_wait3A_1074, %dma_wait3A_1075] : memref<10240x128xf32, #tpu.memory_space<vmem_shared>> -> memref<10240x128xf32, #tpu.memory_space<vmem_shared>>
          tpu.wait_indirect_dma semaphore(%run_scoped3A : memref<!tpu.dma_semaphore, #tpu.memory_space<semaphore_mem>>) src(%dma_wait3A_1072 : memref<40x128xf32, #tpu.memory_space<vmem>>) dst(%dma_wait3A_1076 : memref<10240x128xf32, #tpu.memory_space<vmem_shared>>)
          tpu.yield
        }) : () -> ()
        %add3A_1049 = arith.constant 5 : i32
        %add3A_1050 = arith.addi %add3A_1031, %add3A_1049 : i32
        %mul3A_1051 = arith.constant 2000 : i32
        %mul3A_1052 = arith.muli %rem3A_758, %mul3A_1051 : i32
        %mul3A_1053 = arith.constant 40 : i32
        %mul3A_1054 = arith.muli %add3A_1050, %mul3A_1053 : i32
        %add3A_1055 = arith.addi %mul3A_1052, %mul3A_1054 : i32
        %dma_start3A_1056 = arith.constant 160 : i32
        %dma_start3A_1057 = arith.constant 0 : i32
        %dma_start3A_1058 = tpu.memref_slice %arg8[%dma_start3A_1056, %dma_start3A_1057] : memref<200x128xf32, #tpu.memory_space<vmem>> -> memref<40x128xf32, #tpu.memory_space<vmem>>
        %dma_start3A_1059 = tpu.memref_slice %arg6[%add3A_1055] : memref<4000xi32, #tpu.memory_space<vmem>> -> memref<40xi32, #tpu.memory_space<vmem>>
        %dma_start3A_1060 = arith.constant 0 : i32
        %dma_start3A_1061 = arith.constant 0 : i32
        %dma_start3A_1062 = tpu.memref_slice %arg2[%dma_start3A_1060, %dma_start3A_1061] : memref<10000x128xf32, #tpu.memory_space<hbm>> -> memref<10000x128xf32, #tpu.memory_space<hbm>>
        tpu.enqueue_indirect_dma source(%dma_start3A_1062 : memref<10000x128xf32, #tpu.memory_space<hbm>>) target(%dma_start3A_1058 : memref<40x128xf32, #tpu.memory_space<vmem>>) offsets(%dma_start3A_1059 : memref<40xi32, #tpu.memory_space<vmem>>) semaphore(%arg14 : memref<!tpu.dma_semaphore, #tpu.memory_space<semaphore_mem>>)
      }
      %scan3A_769 = arith.constant 9 : i32
      %mul3A_770 = arith.constant 2000 : i32
      %mul3A_771 = arith.muli %rem3A_758, %mul3A_770 : i32
      %add3A_772 = arith.constant 1800 : i32
      %add3A_773 = arith.addi %mul3A_771, %add3A_772 : i32
      %dma_wait3A_774 = arith.constant 0 : i32
      %dma_wait3A_775 = arith.constant 0 : i32
      %dma_wait3A_776 = tpu.memref_slice %arg8[%dma_wait3A_774, %dma_wait3A_775] : memref<200x128xf32, #tpu.memory_space<vmem>> -> memref<40x128xf32, #tpu.memory_space<vmem>>
      %dma_wait3A_777 = tpu.memref_slice %arg6[%add3A_773] : memref<4000xi32, #tpu.memory_space<vmem>> -> memref<40xi32, #tpu.memory_space<vmem>>
      %dma_wait3A_778 = arith.constant 0 : i32
      %dma_wait3A_779 = arith.constant 0 : i32
      %dma_wait3A_780 = tpu.memref_slice %arg2[%dma_wait3A_778, %dma_wait3A_779] : memref<10000x128xf32, #tpu.memory_space<hbm>> -> memref<10000x128xf32, #tpu.memory_space<hbm>>
      tpu.wait_indirect_dma semaphore(%arg10 : memref<!tpu.dma_semaphore, #tpu.memory_space<semaphore_mem>>) src(%dma_wait3A_780 : memref<10000x128xf32, #tpu.memory_space<hbm>>) dst(%dma_wait3A_776 : memref<40x128xf32, #tpu.memory_space<vmem>>)
      %mul3A_781 = arith.constant 2000 : i32
      %mul3A_782 = arith.muli %rem3A_758, %mul3A_781 : i32
      %add3A_783 = arith.constant 1800 : i32
      %add3A_784 = arith.addi %mul3A_782, %add3A_783 : i32
      "tpu.region"() ({
        %run_scoped3A = tpu.sem_alloc : memref<!tpu.dma_semaphore, #tpu.memory_space<semaphore_mem>>
        %dma_start3A_887 = arith.constant 0 : i32
        %dma_start3A_888 = arith.constant 0 : i32
        %dma_start3A_889 = tpu.memref_slice %arg8[%dma_start3A_887, %dma_start3A_888] : memref<200x128xf32, #tpu.memory_space<vmem>> -> memref<40x128xf32, #tpu.memory_space<vmem>>
        %dma_start3A_890 = tpu.memref_slice %arg7[%add3A_784] : memref<4000xi32, #tpu.memory_space<vmem>> -> memref<40xi32, #tpu.memory_space<vmem>>
        %dma_start3A_891 = arith.constant 0 : i32
        %dma_start3A_892 = arith.constant 0 : i32
        %dma_start3A_893 = tpu.memref_slice %arg9[%dma_start3A_891, %dma_start3A_892] : memref<10240x128xf32, #tpu.memory_space<vmem_shared>> -> memref<10240x128xf32, #tpu.memory_space<vmem_shared>>
        tpu.enqueue_indirect_dma source(%dma_start3A_889 : memref<40x128xf32, #tpu.memory_space<vmem>>) target(%dma_start3A_893 : memref<10240x128xf32, #tpu.memory_space<vmem_shared>>) offsets(%dma_start3A_890 : memref<40xi32, #tpu.memory_space<vmem>>) semaphore(%run_scoped3A : memref<!tpu.dma_semaphore, #tpu.memory_space<semaphore_mem>>) {add = true}
        %dma_wait3A_894 = arith.constant 0 : i32
        %dma_wait3A_895 = arith.constant 0 : i32
        %dma_wait3A_896 = tpu.memref_slice %arg8[%dma_wait3A_894, %dma_wait3A_895] : memref<200x128xf32, #tpu.memory_space<vmem>> -> memref<40x128xf32, #tpu.memory_space<vmem>>
        %dma_wait3A_897 = tpu.memref_slice %arg7[%add3A_784] : memref<4000xi32, #tpu.memory_space<vmem>> -> memref<40xi32, #tpu.memory_space<vmem>>
        %dma_wait3A_898 = arith.constant 0 : i32
        %dma_wait3A_899 = arith.constant 0 : i32
        %dma_wait3A_900 = tpu.memref_slice %arg9[%dma_wait3A_898, %dma_wait3A_899] : memref<10240x128xf32, #tpu.memory_space<vmem_shared>> -> memref<10240x128xf32, #tpu.memory_space<vmem_shared>>
        tpu.wait_indirect_dma semaphore(%run_scoped3A : memref<!tpu.dma_semaphore, #tpu.memory_space<semaphore_mem>>) src(%dma_wait3A_896 : memref<40x128xf32, #tpu.memory_space<vmem>>) dst(%dma_wait3A_900 : memref<10240x128xf32, #tpu.memory_space<vmem_shared>>)
        tpu.yield
      }) : () -> ()
      %add3A_785 = arith.constant 1 : i32
      %add3A_786 = arith.addi %scan3A_757, %add3A_785 : i32
      %lt3A_787 = arith.constant 5 : i32
      %lt3A_788 = arith.cmpi slt, %add3A_786, %lt3A_787 : i32
      %convert_element_type3A_789 = arith.extui %lt3A_788 : i1 to i32
      %cond3A_790 = arith.constant 0 : i32
      %cond3A_791 = arith.cmpi ne, %convert_element_type3A_789, %cond3A_790 : i32
      scf.if %cond3A_791 {
        %add3A_887 = arith.constant 1 : i32
        %add3A_888 = arith.addi %scan3A_757, %add3A_887 : i32
        %mul3A_889 = arith.constant 2000 : i32
        %mul3A_890 = arith.muli %add3A_888, %mul3A_889 : i32
        %add3A_891 = arith.addi %mul3A_2, %mul3A_890 : i32
        %mul3A_892 = arith.constant 2000 : i32
        %mul3A_893 = arith.muli %sub3A_759, %mul3A_892 : i32
        %dma_wait3A_894 = tpu.memref_slice %arg6[%mul3A_893] : memref<4000xi32, #tpu.memory_space<vmem>> -> memref<2000xi32, #tpu.memory_space<vmem>>
        %dma_wait3A_895 = tpu.memref_slice %arg3[%add3A_891] : memref<320000xi32, #tpu.memory_space<hbm>> -> memref<2000xi32, #tpu.memory_space<hbm>>
        %dma_wait3A_896 = tpu.memref_slice %arg6[%mul3A_893] : memref<4000xi32, #tpu.memory_space<vmem>> -> memref<2000xi32, #tpu.memory_space<vmem>>
        %dma_wait3A_897 = tpu.memref_slice %arg3[%add3A_891] : memref<320000xi32, #tpu.memory_space<hbm>> -> memref<2000xi32, #tpu.memory_space<hbm>>
        tpu.wait_dma2 semaphore(%arg15 : memref<!tpu.dma_semaphore, #tpu.memory_space<semaphore_mem>>) src(%dma_wait3A_897 : memref<2000xi32, #tpu.memory_space<hbm>>) dst(%dma_wait3A_896 : memref<2000xi32, #tpu.memory_space<vmem>>)
        %add3A_898 = arith.constant 1 : i32
        %add3A_899 = arith.addi %scan3A_757, %add3A_898 : i32
        %mul3A_900 = arith.constant 2000 : i32
        %mul3A_901 = arith.muli %add3A_899, %mul3A_900 : i32
        %add3A_902 = arith.addi %mul3A_2, %mul3A_901 : i32
        %mul3A_903 = arith.constant 2000 : i32
        %mul3A_904 = arith.muli %sub3A_759, %mul3A_903 : i32
        %dma_wait3A_905 = tpu.memref_slice %arg7[%mul3A_904] : memref<4000xi32, #tpu.memory_space<vmem>> -> memref<2000xi32, #tpu.memory_space<vmem>>
        %dma_wait3A_906 = tpu.memref_slice %arg4[%add3A_902] : memref<320000xi32, #tpu.memory_space<hbm>> -> memref<2000xi32, #tpu.memory_space<hbm>>
        %dma_wait3A_907 = tpu.memref_slice %arg7[%mul3A_904] : memref<4000xi32, #tpu.memory_space<vmem>> -> memref<2000xi32, #tpu.memory_space<vmem>>
        %dma_wait3A_908 = tpu.memref_slice %arg4[%add3A_902] : memref<320000xi32, #tpu.memory_space<hbm>> -> memref<2000xi32, #tpu.memory_space<hbm>>
        tpu.wait_dma2 semaphore(%arg16 : memref<!tpu.dma_semaphore, #tpu.memory_space<semaphore_mem>>) src(%dma_wait3A_908 : memref<2000xi32, #tpu.memory_space<hbm>>) dst(%dma_wait3A_907 : memref<2000xi32, #tpu.memory_space<vmem>>)
      } else {
      }
      %add3A_792 = arith.constant 1 : i32
      %add3A_793 = arith.addi %scan3A_757, %add3A_792 : i32
      %lt3A_794 = arith.constant 5 : i32
      %lt3A_795 = arith.cmpi slt, %add3A_793, %lt3A_794 : i32
      %convert_element_type3A_796 = arith.extui %lt3A_795 : i1 to i32
      %cond3A_797 = arith.constant 0 : i32
      %cond3A_798 = arith.cmpi ne, %convert_element_type3A_796, %cond3A_797 : i32
      scf.if %cond3A_798 {
        %mul3A_887 = arith.constant 2000 : i32
        %mul3A_888 = arith.muli %sub3A_759, %mul3A_887 : i32
        %add3A_889 = arith.constant 0 : i32
        %add3A_890 = arith.addi %mul3A_888, %add3A_889 : i32
        %dma_start3A_891 = arith.constant 0 : i32
        %dma_start3A_892 = arith.constant 0 : i32
        %dma_start3A_893 = tpu.memref_slice %arg8[%dma_start3A_891, %dma_start3A_892] : memref<200x128xf32, #tpu.memory_space<vmem>> -> memref<40x128xf32, #tpu.memory_space<vmem>>
        %dma_start3A_894 = tpu.memref_slice %arg6[%add3A_890] : memref<4000xi32, #tpu.memory_space<vmem>> -> memref<40xi32, #tpu.memory_space<vmem>>
        %dma_start3A_895 = arith.constant 0 : i32
        %dma_start3A_896 = arith.constant 0 : i32
        %dma_start3A_897 = tpu.memref_slice %arg2[%dma_start3A_895, %dma_start3A_896] : memref<10000x128xf32, #tpu.memory_space<hbm>> -> memref<10000x128xf32, #tpu.memory_space<hbm>>
        tpu.enqueue_indirect_dma source(%dma_start3A_897 : memref<10000x128xf32, #tpu.memory_space<hbm>>) target(%dma_start3A_893 : memref<40x128xf32, #tpu.memory_space<vmem>>) offsets(%dma_start3A_894 : memref<40xi32, #tpu.memory_space<vmem>>) semaphore(%arg10 : memref<!tpu.dma_semaphore, #tpu.memory_space<semaphore_mem>>)
      } else {
      }
      %mul3A_799 = arith.constant 2000 : i32
      %mul3A_800 = arith.muli %rem3A_758, %mul3A_799 : i32
      %add3A_801 = arith.constant 1840 : i32
      %add3A_802 = arith.addi %mul3A_800, %add3A_801 : i32
      %dma_wait3A_803 = arith.constant 40 : i32
      %dma_wait3A_804 = arith.constant 0 : i32
      %dma_wait3A_805 = tpu.memref_slice %arg8[%dma_wait3A_803, %dma_wait3A_804] : memref<200x128xf32, #tpu.memory_space<vmem>> -> memref<40x128xf32, #tpu.memory_space<vmem>>
      %dma_wait3A_806 = tpu.memref_slice %arg6[%add3A_802] : memref<4000xi32, #tpu.memory_space<vmem>> -> memref<40xi32, #tpu.memory_space<vmem>>
      %dma_wait3A_807 = arith.constant 0 : i32
      %dma_wait3A_808 = arith.constant 0 : i32
      %dma_wait3A_809 = tpu.memref_slice %arg2[%dma_wait3A_807, %dma_wait3A_808] : memref<10000x128xf32, #tpu.memory_space<hbm>> -> memref<10000x128xf32, #tpu.memory_space<hbm>>
      tpu.wait_indirect_dma semaphore(%arg11 : memref<!tpu.dma_semaphore, #tpu.memory_space<semaphore_mem>>) src(%dma_wait3A_809 : memref<10000x128xf32, #tpu.memory_space<hbm>>) dst(%dma_wait3A_805 : memref<40x128xf32, #tpu.memory_space<vmem>>)
      %mul3A_810 = arith.constant 2000 : i32
      %mul3A_811 = arith.muli %rem3A_758, %mul3A_810 : i32
      %add3A_812 = arith.constant 1840 : i32
      %add3A_813 = arith.addi %mul3A_811, %add3A_812 : i32
      "tpu.region"() ({
        %run_scoped3A = tpu.sem_alloc : memref<!tpu.dma_semaphore, #tpu.memory_space<semaphore_mem>>
        %dma_start3A_887 = arith.constant 40 : i32
        %dma_start3A_888 = arith.constant 0 : i32
        %dma_start3A_889 = tpu.memref_slice %arg8[%dma_start3A_887, %dma_start3A_888] : memref<200x128xf32, #tpu.memory_space<vmem>> -> memref<40x128xf32, #tpu.memory_space<vmem>>
        %dma_start3A_890 = tpu.memref_slice %arg7[%add3A_813] : memref<4000xi32, #tpu.memory_space<vmem>> -> memref<40xi32, #tpu.memory_space<vmem>>
        %dma_start3A_891 = arith.constant 0 : i32
        %dma_start3A_892 = arith.constant 0 : i32
        %dma_start3A_893 = tpu.memref_slice %arg9[%dma_start3A_891, %dma_start3A_892] : memref<10240x128xf32, #tpu.memory_space<vmem_shared>> -> memref<10240x128xf32, #tpu.memory_space<vmem_shared>>
        tpu.enqueue_indirect_dma source(%dma_start3A_889 : memref<40x128xf32, #tpu.memory_space<vmem>>) target(%dma_start3A_893 : memref<10240x128xf32, #tpu.memory_space<vmem_shared>>) offsets(%dma_start3A_890 : memref<40xi32, #tpu.memory_space<vmem>>) semaphore(%run_scoped3A : memref<!tpu.dma_semaphore, #tpu.memory_space<semaphore_mem>>) {add = true}
        %dma_wait3A_894 = arith.constant 40 : i32
        %dma_wait3A_895 = arith.constant 0 : i32
        %dma_wait3A_896 = tpu.memref_slice %arg8[%dma_wait3A_894, %dma_wait3A_895] : memref<200x128xf32, #tpu.memory_space<vmem>> -> memref<40x128xf32, #tpu.memory_space<vmem>>
        %dma_wait3A_897 = tpu.memref_slice %arg7[%add3A_813] : memref<4000xi32, #tpu.memory_space<vmem>> -> memref<40xi32, #tpu.memory_space<vmem>>
        %dma_wait3A_898 = arith.constant 0 : i32
        %dma_wait3A_899 = arith.constant 0 : i32
        %dma_wait3A_900 = tpu.memref_slice %arg9[%dma_wait3A_898, %dma_wait3A_899] : memref<10240x128xf32, #tpu.memory_space<vmem_shared>> -> memref<10240x128xf32, #tpu.memory_space<vmem_shared>>
        tpu.wait_indirect_dma semaphore(%run_scoped3A : memref<!tpu.dma_semaphore, #tpu.memory_space<semaphore_mem>>) src(%dma_wait3A_896 : memref<40x128xf32, #tpu.memory_space<vmem>>) dst(%dma_wait3A_900 : memref<10240x128xf32, #tpu.memory_space<vmem_shared>>)
        tpu.yield
      }) : () -> ()
      %add3A_814 = arith.constant 1 : i32
      %add3A_815 = arith.addi %scan3A_757, %add3A_814 : i32
      %lt3A_816 = arith.constant 5 : i32
      %lt3A_817 = arith.cmpi slt, %add3A_815, %lt3A_816 : i32
      %convert_element_type3A_818 = arith.extui %lt3A_817 : i1 to i32
      %cond3A_819 = arith.constant 0 : i32
      %cond3A_820 = arith.cmpi ne, %convert_element_type3A_818, %cond3A_819 : i32
      scf.if %cond3A_820 {
        %mul3A_887 = arith.constant 2000 : i32
        %mul3A_888 = arith.muli %sub3A_759, %mul3A_887 : i32
        %add3A_889 = arith.constant 40 : i32
        %add3A_890 = arith.addi %mul3A_888, %add3A_889 : i32
        %dma_start3A_891 = arith.constant 40 : i32
        %dma_start3A_892 = arith.constant 0 : i32
        %dma_start3A_893 = tpu.memref_slice %arg8[%dma_start3A_891, %dma_start3A_892] : memref<200x128xf32, #tpu.memory_space<vmem>> -> memref<40x128xf32, #tpu.memory_space<vmem>>
        %dma_start3A_894 = tpu.memref_slice %arg6[%add3A_890] : memref<4000xi32, #tpu.memory_space<vmem>> -> memref<40xi32, #tpu.memory_space<vmem>>
        %dma_start3A_895 = arith.constant 0 : i32
        %dma_start3A_896 = arith.constant 0 : i32
        %dma_start3A_897 = tpu.memref_slice %arg2[%dma_start3A_895, %dma_start3A_896] : memref<10000x128xf32, #tpu.memory_space<hbm>> -> memref<10000x128xf32, #tpu.memory_space<hbm>>
        tpu.enqueue_indirect_dma source(%dma_start3A_897 : memref<10000x128xf32, #tpu.memory_space<hbm>>) target(%dma_start3A_893 : memref<40x128xf32, #tpu.memory_space<vmem>>) offsets(%dma_start3A_894 : memref<40xi32, #tpu.memory_space<vmem>>) semaphore(%arg11 : memref<!tpu.dma_semaphore, #tpu.memory_space<semaphore_mem>>)
      } else {
      }
      %mul3A_821 = arith.constant 2000 : i32
      %mul3A_822 = arith.muli %rem3A_758, %mul3A_821 : i32
      %add3A_823 = arith.constant 1880 : i32
      %add3A_824 = arith.addi %mul3A_822, %add3A_823 : i32
      %dma_wait3A_825 = arith.constant 80 : i32
      %dma_wait3A_826 = arith.constant 0 : i32
      %dma_wait3A_827 = tpu.memref_slice %arg8[%dma_wait3A_825, %dma_wait3A_826] : memref<200x128xf32, #tpu.memory_space<vmem>> -> memref<40x128xf32, #tpu.memory_space<vmem>>
      %dma_wait3A_828 = tpu.memref_slice %arg6[%add3A_824] : memref<4000xi32, #tpu.memory_space<vmem>> -> memref<40xi32, #tpu.memory_space<vmem>>
      %dma_wait3A_829 = arith.constant 0 : i32
      %dma_wait3A_830 = arith.constant 0 : i32
      %dma_wait3A_831 = tpu.memref_slice %arg2[%dma_wait3A_829, %dma_wait3A_830] : memref<10000x128xf32, #tpu.memory_space<hbm>> -> memref<10000x128xf32, #tpu.memory_space<hbm>>
      tpu.wait_indirect_dma semaphore(%arg12 : memref<!tpu.dma_semaphore, #tpu.memory_space<semaphore_mem>>) src(%dma_wait3A_831 : memref<10000x128xf32, #tpu.memory_space<hbm>>) dst(%dma_wait3A_827 : memref<40x128xf32, #tpu.memory_space<vmem>>)
      %mul3A_832 = arith.constant 2000 : i32
      %mul3A_833 = arith.muli %rem3A_758, %mul3A_832 : i32
      %add3A_834 = arith.constant 1880 : i32
      %add3A_835 = arith.addi %mul3A_833, %add3A_834 : i32
      "tpu.region"() ({
        %run_scoped3A = tpu.sem_alloc : memref<!tpu.dma_semaphore, #tpu.memory_space<semaphore_mem>>
        %dma_start3A_887 = arith.constant 80 : i32
        %dma_start3A_888 = arith.constant 0 : i32
        %dma_start3A_889 = tpu.memref_slice %arg8[%dma_start3A_887, %dma_start3A_888] : memref<200x128xf32, #tpu.memory_space<vmem>> -> memref<40x128xf32, #tpu.memory_space<vmem>>
        %dma_start3A_890 = tpu.memref_slice %arg7[%add3A_835] : memref<4000xi32, #tpu.memory_space<vmem>> -> memref<40xi32, #tpu.memory_space<vmem>>
        %dma_start3A_891 = arith.constant 0 : i32
        %dma_start3A_892 = arith.constant 0 : i32
        %dma_start3A_893 = tpu.memref_slice %arg9[%dma_start3A_891, %dma_start3A_892] : memref<10240x128xf32, #tpu.memory_space<vmem_shared>> -> memref<10240x128xf32, #tpu.memory_space<vmem_shared>>
        tpu.enqueue_indirect_dma source(%dma_start3A_889 : memref<40x128xf32, #tpu.memory_space<vmem>>) target(%dma_start3A_893 : memref<10240x128xf32, #tpu.memory_space<vmem_shared>>) offsets(%dma_start3A_890 : memref<40xi32, #tpu.memory_space<vmem>>) semaphore(%run_scoped3A : memref<!tpu.dma_semaphore, #tpu.memory_space<semaphore_mem>>) {add = true}
        %dma_wait3A_894 = arith.constant 80 : i32
        %dma_wait3A_895 = arith.constant 0 : i32
        %dma_wait3A_896 = tpu.memref_slice %arg8[%dma_wait3A_894, %dma_wait3A_895] : memref<200x128xf32, #tpu.memory_space<vmem>> -> memref<40x128xf32, #tpu.memory_space<vmem>>
        %dma_wait3A_897 = tpu.memref_slice %arg7[%add3A_835] : memref<4000xi32, #tpu.memory_space<vmem>> -> memref<40xi32, #tpu.memory_space<vmem>>
        %dma_wait3A_898 = arith.constant 0 : i32
        %dma_wait3A_899 = arith.constant 0 : i32
        %dma_wait3A_900 = tpu.memref_slice %arg9[%dma_wait3A_898, %dma_wait3A_899] : memref<10240x128xf32, #tpu.memory_space<vmem_shared>> -> memref<10240x128xf32, #tpu.memory_space<vmem_shared>>
        tpu.wait_indirect_dma semaphore(%run_scoped3A : memref<!tpu.dma_semaphore, #tpu.memory_space<semaphore_mem>>) src(%dma_wait3A_896 : memref<40x128xf32, #tpu.memory_space<vmem>>) dst(%dma_wait3A_900 : memref<10240x128xf32, #tpu.memory_space<vmem_shared>>)
        tpu.yield
      }) : () -> ()
      %add3A_836 = arith.constant 1 : i32
      %add3A_837 = arith.addi %scan3A_757, %add3A_836 : i32
      %lt3A_838 = arith.constant 5 : i32
      %lt3A_839 = arith.cmpi slt, %add3A_837, %lt3A_838 : i32
      %convert_element_type3A_840 = arith.extui %lt3A_839 : i1 to i32
      %cond3A_841 = arith.constant 0 : i32
      %cond3A_842 = arith.cmpi ne, %convert_element_type3A_840, %cond3A_841 : i32
      scf.if %cond3A_842 {
        %mul3A_887 = arith.constant 2000 : i32
        %mul3A_888 = arith.muli %sub3A_759, %mul3A_887 : i32
        %add3A_889 = arith.constant 80 : i32
        %add3A_890 = arith.addi %mul3A_888, %add3A_889 : i32
        %dma_start3A_891 = arith.constant 80 : i32
        %dma_start3A_892 = arith.constant 0 : i32
        %dma_start3A_893 = tpu.memref_slice %arg8[%dma_start3A_891, %dma_start3A_892] : memref<200x128xf32, #tpu.memory_space<vmem>> -> memref<40x128xf32, #tpu.memory_space<vmem>>
        %dma_start3A_894 = tpu.memref_slice %arg6[%add3A_890] : memref<4000xi32, #tpu.memory_space<vmem>> -> memref<40xi32, #tpu.memory_space<vmem>>
        %dma_start3A_895 = arith.constant 0 : i32
        %dma_start3A_896 = arith.constant 0 : i32
        %dma_start3A_897 = tpu.memref_slice %arg2[%dma_start3A_895, %dma_start3A_896] : memref<10000x128xf32, #tpu.memory_space<hbm>> -> memref<10000x128xf32, #tpu.memory_space<hbm>>
        tpu.enqueue_indirect_dma source(%dma_start3A_897 : memref<10000x128xf32, #tpu.memory_space<hbm>>) target(%dma_start3A_893 : memref<40x128xf32, #tpu.memory_space<vmem>>) offsets(%dma_start3A_894 : memref<40xi32, #tpu.memory_space<vmem>>) semaphore(%arg12 : memref<!tpu.dma_semaphore, #tpu.memory_space<semaphore_mem>>)
      } else {
      }
      %mul3A_843 = arith.constant 2000 : i32
      %mul3A_844 = arith.muli %rem3A_758, %mul3A_843 : i32
      %add3A_845 = arith.constant 1920 : i32
      %add3A_846 = arith.addi %mul3A_844, %add3A_845 : i32
      %dma_wait3A_847 = arith.constant 120 : i32
      %dma_wait3A_848 = arith.constant 0 : i32
      %dma_wait3A_849 = tpu.memref_slice %arg8[%dma_wait3A_847, %dma_wait3A_848] : memref<200x128xf32, #tpu.memory_space<vmem>> -> memref<40x128xf32, #tpu.memory_space<vmem>>
      %dma_wait3A_850 = tpu.memref_slice %arg6[%add3A_846] : memref<4000xi32, #tpu.memory_space<vmem>> -> memref<40xi32, #tpu.memory_space<vmem>>
      %dma_wait3A_851 = arith.constant 0 : i32
      %dma_wait3A_852 = arith.constant 0 : i32
      %dma_wait3A_853 = tpu.memref_slice %arg2[%dma_wait3A_851, %dma_wait3A_852] : memref<10000x128xf32, #tpu.memory_space<hbm>> -> memref<10000x128xf32, #tpu.memory_space<hbm>>
      tpu.wait_indirect_dma semaphore(%arg13 : memref<!tpu.dma_semaphore, #tpu.memory_space<semaphore_mem>>) src(%dma_wait3A_853 : memref<10000x128xf32, #tpu.memory_space<hbm>>) dst(%dma_wait3A_849 : memref<40x128xf32, #tpu.memory_space<vmem>>)
      %mul3A_854 = arith.constant 2000 : i32
      %mul3A_855 = arith.muli %rem3A_758, %mul3A_854 : i32
      %add3A_856 = arith.constant 1920 : i32
      %add3A_857 = arith.addi %mul3A_855, %add3A_856 : i32
      "tpu.region"() ({
        %run_scoped3A = tpu.sem_alloc : memref<!tpu.dma_semaphore, #tpu.memory_space<semaphore_mem>>
        %dma_start3A_887 = arith.constant 120 : i32
        %dma_start3A_888 = arith.constant 0 : i32
        %dma_start3A_889 = tpu.memref_slice %arg8[%dma_start3A_887, %dma_start3A_888] : memref<200x128xf32, #tpu.memory_space<vmem>> -> memref<40x128xf32, #tpu.memory_space<vmem>>
        %dma_start3A_890 = tpu.memref_slice %arg7[%add3A_857] : memref<4000xi32, #tpu.memory_space<vmem>> -> memref<40xi32, #tpu.memory_space<vmem>>
        %dma_start3A_891 = arith.constant 0 : i32
        %dma_start3A_892 = arith.constant 0 : i32
        %dma_start3A_893 = tpu.memref_slice %arg9[%dma_start3A_891, %dma_start3A_892] : memref<10240x128xf32, #tpu.memory_space<vmem_shared>> -> memref<10240x128xf32, #tpu.memory_space<vmem_shared>>
        tpu.enqueue_indirect_dma source(%dma_start3A_889 : memref<40x128xf32, #tpu.memory_space<vmem>>) target(%dma_start3A_893 : memref<10240x128xf32, #tpu.memory_space<vmem_shared>>) offsets(%dma_start3A_890 : memref<40xi32, #tpu.memory_space<vmem>>) semaphore(%run_scoped3A : memref<!tpu.dma_semaphore, #tpu.memory_space<semaphore_mem>>) {add = true}
        %dma_wait3A_894 = arith.constant 120 : i32
        %dma_wait3A_895 = arith.constant 0 : i32
        %dma_wait3A_896 = tpu.memref_slice %arg8[%dma_wait3A_894, %dma_wait3A_895] : memref<200x128xf32, #tpu.memory_space<vmem>> -> memref<40x128xf32, #tpu.memory_space<vmem>>
        %dma_wait3A_897 = tpu.memref_slice %arg7[%add3A_857] : memref<4000xi32, #tpu.memory_space<vmem>> -> memref<40xi32, #tpu.memory_space<vmem>>
        %dma_wait3A_898 = arith.constant 0 : i32
        %dma_wait3A_899 = arith.constant 0 : i32
        %dma_wait3A_900 = tpu.memref_slice %arg9[%dma_wait3A_898, %dma_wait3A_899] : memref<10240x128xf32, #tpu.memory_space<vmem_shared>> -> memref<10240x128xf32, #tpu.memory_space<vmem_shared>>
        tpu.wait_indirect_dma semaphore(%run_scoped3A : memref<!tpu.dma_semaphore, #tpu.memory_space<semaphore_mem>>) src(%dma_wait3A_896 : memref<40x128xf32, #tpu.memory_space<vmem>>) dst(%dma_wait3A_900 : memref<10240x128xf32, #tpu.memory_space<vmem_shared>>)
        tpu.yield
      }) : () -> ()
      %add3A_858 = arith.constant 1 : i32
      %add3A_859 = arith.addi %scan3A_757, %add3A_858 : i32
      %lt3A_860 = arith.constant 5 : i32
      %lt3A_861 = arith.cmpi slt, %add3A_859, %lt3A_860 : i32
      %convert_element_type3A_862 = arith.extui %lt3A_861 : i1 to i32
      %cond3A_863 = arith.constant 0 : i32
      %cond3A_864 = arith.cmpi ne, %convert_element_type3A_862, %cond3A_863 : i32
      scf.if %cond3A_864 {
        %mul3A_887 = arith.constant 2000 : i32
        %mul3A_888 = arith.muli %sub3A_759, %mul3A_887 : i32
        %add3A_889 = arith.constant 120 : i32
        %add3A_890 = arith.addi %mul3A_888, %add3A_889 : i32
        %dma_start3A_891 = arith.constant 120 : i32
        %dma_start3A_892 = arith.constant 0 : i32
        %dma_start3A_893 = tpu.memref_slice %arg8[%dma_start3A_891, %dma_start3A_892] : memref<200x128xf32, #tpu.memory_space<vmem>> -> memref<40x128xf32, #tpu.memory_space<vmem>>
        %dma_start3A_894 = tpu.memref_slice %arg6[%add3A_890] : memref<4000xi32, #tpu.memory_space<vmem>> -> memref<40xi32, #tpu.memory_space<vmem>>
        %dma_start3A_895 = arith.constant 0 : i32
        %dma_start3A_896 = arith.constant 0 : i32
        %dma_start3A_897 = tpu.memref_slice %arg2[%dma_start3A_895, %dma_start3A_896] : memref<10000x128xf32, #tpu.memory_space<hbm>> -> memref<10000x128xf32, #tpu.memory_space<hbm>>
        tpu.enqueue_indirect_dma source(%dma_start3A_897 : memref<10000x128xf32, #tpu.memory_space<hbm>>) target(%dma_start3A_893 : memref<40x128xf32, #tpu.memory_space<vmem>>) offsets(%dma_start3A_894 : memref<40xi32, #tpu.memory_space<vmem>>) semaphore(%arg13 : memref<!tpu.dma_semaphore, #tpu.memory_space<semaphore_mem>>)
      } else {
      }
      %mul3A_865 = arith.constant 2000 : i32
      %mul3A_866 = arith.muli %rem3A_758, %mul3A_865 : i32
      %add3A_867 = arith.constant 1960 : i32
      %add3A_868 = arith.addi %mul3A_866, %add3A_867 : i32
      %dma_wait3A_869 = arith.constant 160 : i32
      %dma_wait3A_870 = arith.constant 0 : i32
      %dma_wait3A_871 = tpu.memref_slice %arg8[%dma_wait3A_869, %dma_wait3A_870] : memref<200x128xf32, #tpu.memory_space<vmem>> -> memref<40x128xf32, #tpu.memory_space<vmem>>
      %dma_wait3A_872 = tpu.memref_slice %arg6[%add3A_868] : memref<4000xi32, #tpu.memory_space<vmem>> -> memref<40xi32, #tpu.memory_space<vmem>>
      %dma_wait3A_873 = arith.constant 0 : i32
      %dma_wait3A_874 = arith.constant 0 : i32
      %dma_wait3A_875 = tpu.memref_slice %arg2[%dma_wait3A_873, %dma_wait3A_874] : memref<10000x128xf32, #tpu.memory_space<hbm>> -> memref<10000x128xf32, #tpu.memory_space<hbm>>
      tpu.wait_indirect_dma semaphore(%arg14 : memref<!tpu.dma_semaphore, #tpu.memory_space<semaphore_mem>>) src(%dma_wait3A_875 : memref<10000x128xf32, #tpu.memory_space<hbm>>) dst(%dma_wait3A_871 : memref<40x128xf32, #tpu.memory_space<vmem>>)
      %mul3A_876 = arith.constant 2000 : i32
      %mul3A_877 = arith.muli %rem3A_758, %mul3A_876 : i32
      %add3A_878 = arith.constant 1960 : i32
      %add3A_879 = arith.addi %mul3A_877, %add3A_878 : i32
      "tpu.region"() ({
        %run_scoped3A = tpu.sem_alloc : memref<!tpu.dma_semaphore, #tpu.memory_space<semaphore_mem>>
        %dma_start3A_887 = arith.constant 160 : i32
        %dma_start3A_888 = arith.constant 0 : i32
        %dma_start3A_889 = tpu.memref_slice %arg8[%dma_start3A_887, %dma_start3A_888] : memref<200x128xf32, #tpu.memory_space<vmem>> -> memref<40x128xf32, #tpu.memory_space<vmem>>
        %dma_start3A_890 = tpu.memref_slice %arg7[%add3A_879] : memref<4000xi32, #tpu.memory_space<vmem>> -> memref<40xi32, #tpu.memory_space<vmem>>
        %dma_start3A_891 = arith.constant 0 : i32
        %dma_start3A_892 = arith.constant 0 : i32
        %dma_start3A_893 = tpu.memref_slice %arg9[%dma_start3A_891, %dma_start3A_892] : memref<10240x128xf32, #tpu.memory_space<vmem_shared>> -> memref<10240x128xf32, #tpu.memory_space<vmem_shared>>
        tpu.enqueue_indirect_dma source(%dma_start3A_889 : memref<40x128xf32, #tpu.memory_space<vmem>>) target(%dma_start3A_893 : memref<10240x128xf32, #tpu.memory_space<vmem_shared>>) offsets(%dma_start3A_890 : memref<40xi32, #tpu.memory_space<vmem>>) semaphore(%run_scoped3A : memref<!tpu.dma_semaphore, #tpu.memory_space<semaphore_mem>>) {add = true}
        %dma_wait3A_894 = arith.constant 160 : i32
        %dma_wait3A_895 = arith.constant 0 : i32
        %dma_wait3A_896 = tpu.memref_slice %arg8[%dma_wait3A_894, %dma_wait3A_895] : memref<200x128xf32, #tpu.memory_space<vmem>> -> memref<40x128xf32, #tpu.memory_space<vmem>>
        %dma_wait3A_897 = tpu.memref_slice %arg7[%add3A_879] : memref<4000xi32, #tpu.memory_space<vmem>> -> memref<40xi32, #tpu.memory_space<vmem>>
        %dma_wait3A_898 = arith.constant 0 : i32
        %dma_wait3A_899 = arith.constant 0 : i32
        %dma_wait3A_900 = tpu.memref_slice %arg9[%dma_wait3A_898, %dma_wait3A_899] : memref<10240x128xf32, #tpu.memory_space<vmem_shared>> -> memref<10240x128xf32, #tpu.memory_space<vmem_shared>>
        tpu.wait_indirect_dma semaphore(%run_scoped3A : memref<!tpu.dma_semaphore, #tpu.memory_space<semaphore_mem>>) src(%dma_wait3A_896 : memref<40x128xf32, #tpu.memory_space<vmem>>) dst(%dma_wait3A_900 : memref<10240x128xf32, #tpu.memory_space<vmem_shared>>)
        tpu.yield
      }) : () -> ()
      %add3A_880 = arith.constant 1 : i32
      %add3A_881 = arith.addi %scan3A_757, %add3A_880 : i32
      %lt3A_882 = arith.constant 5 : i32
      %lt3A_883 = arith.cmpi slt, %add3A_881, %lt3A_882 : i32
      %convert_element_type3A_884 = arith.extui %lt3A_883 : i1 to i32
      %cond3A_885 = arith.constant 0 : i32
      %cond3A_886 = arith.cmpi ne, %convert_element_type3A_884, %cond3A_885 : i32
      scf.if %cond3A_886 {
        %mul3A_887 = arith.constant 2000 : i32
        %mul3A_888 = arith.muli %sub3A_759, %mul3A_887 : i32
        %add3A_889 = arith.constant 160 : i32
        %add3A_890 = arith.addi %mul3A_888, %add3A_889 : i32
        %dma_start3A_891 = arith.constant 160 : i32
        %dma_start3A_892 = arith.constant 0 : i32
        %dma_start3A_893 = tpu.memref_slice %arg8[%dma_start3A_891, %dma_start3A_892] : memref<200x128xf32, #tpu.memory_space<vmem>> -> memref<40x128xf32, #tpu.memory_space<vmem>>
        %dma_start3A_894 = tpu.memref_slice %arg6[%add3A_890] : memref<4000xi32, #tpu.memory_space<vmem>> -> memref<40xi32, #tpu.memory_space<vmem>>
        %dma_start3A_895 = arith.constant 0 : i32
        %dma_start3A_896 = arith.constant 0 : i32
        %dma_start3A_897 = tpu.memref_slice %arg2[%dma_start3A_895, %dma_start3A_896] : memref<10000x128xf32, #tpu.memory_space<hbm>> -> memref<10000x128xf32, #tpu.memory_space<hbm>>
        tpu.enqueue_indirect_dma source(%dma_start3A_897 : memref<10000x128xf32, #tpu.memory_space<hbm>>) target(%dma_start3A_893 : memref<40x128xf32, #tpu.memory_space<vmem>>) offsets(%dma_start3A_894 : memref<40xi32, #tpu.memory_space<vmem>>) semaphore(%arg14 : memref<!tpu.dma_semaphore, #tpu.memory_space<semaphore_mem>>)
      } else {
      }
    }
    %scan3A_499 = arith.constant 5 : i32
    %barrier3A_500 = arith.constant 0 : index
    tpu.barrier barrier_id(%barrier3A_500)
    %mul3A_501 = arith.constant 640 : i32
    %mul3A_502 = arith.muli %arg1, %mul3A_501 : i32
    %add3A_503 = arith.constant 0 : i32
    %add3A_504 = arith.addi %mul3A_502, %add3A_503 : i32
    "tpu.region"() ({
      %run_scoped3A = tpu.sem_alloc : memref<!tpu.dma_semaphore, #tpu.memory_space<semaphore_mem>>
      %dma_start3A_757 = arith.constant 0 : i32
      %dma_start3A_758 = arith.constant 0 : i32
      %dma_start3A_759 = tpu.memref_slice %arg8[%dma_start3A_757, %dma_start3A_758] : memref<200x128xf32, #tpu.memory_space<vmem>> -> memref<80x128xf32, #tpu.memory_space<vmem>>
      %dma_start3A_760 = arith.constant 0 : i32
      %dma_start3A_761 = tpu.memref_slice %arg9[%add3A_504, %dma_start3A_760] : memref<10240x128xf32, #tpu.memory_space<vmem_shared>> -> memref<80x128xf32, #tpu.memory_space<vmem_shared>>
      %dma_start3A_762 = arith.constant 0 : i32
      %dma_start3A_763 = arith.constant 0 : i32
      %dma_start3A_764 = tpu.memref_slice %arg8[%dma_start3A_762, %dma_start3A_763] : memref<200x128xf32, #tpu.memory_space<vmem>> -> memref<80x128xf32, #tpu.memory_space<vmem>>
      %dma_start3A_765 = arith.constant 0 : i32
      %dma_start3A_766 = tpu.memref_slice %arg9[%add3A_504, %dma_start3A_765] : memref<10240x128xf32, #tpu.memory_space<vmem_shared>> -> memref<80x128xf32, #tpu.memory_space<vmem_shared>>
      tpu.enqueue_dma source(%dma_start3A_766 : memref<80x128xf32, #tpu.memory_space<vmem_shared>>) target(%dma_start3A_764 : memref<80x128xf32, #tpu.memory_space<vmem>>) target_semaphore(%run_scoped3A : memref<!tpu.dma_semaphore, #tpu.memory_space<semaphore_mem>>)
      %dma_wait3A_767 = arith.constant 0 : i32
      %dma_wait3A_768 = arith.constant 0 : i32
      %dma_wait3A_769 = tpu.memref_slice %arg8[%dma_wait3A_767, %dma_wait3A_768] : memref<200x128xf32, #tpu.memory_space<vmem>> -> memref<80x128xf32, #tpu.memory_space<vmem>>
      %dma_wait3A_770 = arith.constant 0 : i32
      %dma_wait3A_771 = tpu.memref_slice %arg9[%add3A_504, %dma_wait3A_770] : memref<10240x128xf32, #tpu.memory_space<vmem_shared>> -> memref<80x128xf32, #tpu.memory_space<vmem_shared>>
      %dma_wait3A_772 = arith.constant 0 : i32
      %dma_wait3A_773 = arith.constant 0 : i32
      %dma_wait3A_774 = tpu.memref_slice %arg8[%dma_wait3A_772, %dma_wait3A_773] : memref<200x128xf32, #tpu.memory_space<vmem>> -> memref<80x128xf32, #tpu.memory_space<vmem>>
      %dma_wait3A_775 = arith.constant 0 : i32
      %dma_wait3A_776 = tpu.memref_slice %arg9[%add3A_504, %dma_wait3A_775] : memref<10240x128xf32, #tpu.memory_space<vmem_shared>> -> memref<80x128xf32, #tpu.memory_space<vmem_shared>>
      tpu.wait_dma2 semaphore(%run_scoped3A : memref<!tpu.dma_semaphore, #tpu.memory_space<semaphore_mem>>) src(%dma_wait3A_776 : memref<80x128xf32, #tpu.memory_space<vmem_shared>>) dst(%dma_wait3A_774 : memref<80x128xf32, #tpu.memory_space<vmem>>)
      tpu.yield
    }) : () -> ()
    %dma_start3A_505 = arith.constant 0 : i32
    %dma_start3A_506 = arith.constant 0 : i32
    %dma_start3A_507 = tpu.memref_slice %arg8[%dma_start3A_505, %dma_start3A_506] : memref<200x128xf32, #tpu.memory_space<vmem>> -> memref<80x128xf32, #tpu.memory_space<vmem>>
    %dma_start3A_508 = arith.constant 0 : i32
    %dma_start3A_509 = tpu.memref_slice %arg5[%arg0, %add3A_504, %dma_start3A_508] : memref<2x10240x128xf32, #tpu.memory_space<hbm>> -> memref<1x80x128xf32, #tpu.memory_space<hbm>>
    %dma_start3A_510 = tpu.memref_squeeze %dma_start3A_509 : memref<1x80x128xf32, #tpu.memory_space<hbm>> -> memref<80x128xf32, #tpu.memory_space<hbm>>
    %dma_start3A_511 = arith.constant 0 : i32
    %dma_start3A_512 = tpu.memref_slice %arg5[%arg0, %add3A_504, %dma_start3A_511] : memref<2x10240x128xf32, #tpu.memory_space<hbm>> -> memref<1x80x128xf32, #tpu.memory_space<hbm>>
    %dma_start3A_513 = tpu.memref_squeeze %dma_start3A_512 : memref<1x80x128xf32, #tpu.memory_space<hbm>> -> memref<80x128xf32, #tpu.memory_space<hbm>>
    %dma_start3A_514 = arith.constant 0 : i32
    %dma_start3A_515 = arith.constant 0 : i32
    %dma_start3A_516 = tpu.memref_slice %arg8[%dma_start3A_514, %dma_start3A_515] : memref<200x128xf32, #tpu.memory_space<vmem>> -> memref<80x128xf32, #tpu.memory_space<vmem>>
    tpu.enqueue_dma source(%dma_start3A_516 : memref<80x128xf32, #tpu.memory_space<vmem>>) target(%dma_start3A_513 : memref<80x128xf32, #tpu.memory_space<hbm>>) target_semaphore(%arg10 : memref<!tpu.dma_semaphore, #tpu.memory_space<semaphore_mem>>)
    %mul3A_517 = arith.constant 640 : i32
    %mul3A_518 = arith.muli %arg1, %mul3A_517 : i32
    %add3A_519 = arith.constant 80 : i32
    %add3A_520 = arith.addi %mul3A_518, %add3A_519 : i32
    "tpu.region"() ({
      %run_scoped3A = tpu.sem_alloc : memref<!tpu.dma_semaphore, #tpu.memory_space<semaphore_mem>>
      %dma_start3A_757 = arith.constant 80 : i32
      %dma_start3A_758 = arith.constant 0 : i32
      %dma_start3A_759 = tpu.memref_slice %arg8[%dma_start3A_757, %dma_start3A_758] : memref<200x128xf32, #tpu.memory_space<vmem>> -> memref<80x128xf32, #tpu.memory_space<vmem>>
      %dma_start3A_760 = arith.constant 0 : i32
      %dma_start3A_761 = tpu.memref_slice %arg9[%add3A_520, %dma_start3A_760] : memref<10240x128xf32, #tpu.memory_space<vmem_shared>> -> memref<80x128xf32, #tpu.memory_space<vmem_shared>>
      %dma_start3A_762 = arith.constant 80 : i32
      %dma_start3A_763 = arith.constant 0 : i32
      %dma_start3A_764 = tpu.memref_slice %arg8[%dma_start3A_762, %dma_start3A_763] : memref<200x128xf32, #tpu.memory_space<vmem>> -> memref<80x128xf32, #tpu.memory_space<vmem>>
      %dma_start3A_765 = arith.constant 0 : i32
      %dma_start3A_766 = tpu.memref_slice %arg9[%add3A_520, %dma_start3A_765] : memref<10240x128xf32, #tpu.memory_space<vmem_shared>> -> memref<80x128xf32, #tpu.memory_space<vmem_shared>>
      tpu.enqueue_dma source(%dma_start3A_766 : memref<80x128xf32, #tpu.memory_space<vmem_shared>>) target(%dma_start3A_764 : memref<80x128xf32, #tpu.memory_space<vmem>>) target_semaphore(%run_scoped3A : memref<!tpu.dma_semaphore, #tpu.memory_space<semaphore_mem>>)
      %dma_wait3A_767 = arith.constant 80 : i32
      %dma_wait3A_768 = arith.constant 0 : i32
      %dma_wait3A_769 = tpu.memref_slice %arg8[%dma_wait3A_767, %dma_wait3A_768] : memref<200x128xf32, #tpu.memory_space<vmem>> -> memref<80x128xf32, #tpu.memory_space<vmem>>
      %dma_wait3A_770 = arith.constant 0 : i32
      %dma_wait3A_771 = tpu.memref_slice %arg9[%add3A_520, %dma_wait3A_770] : memref<10240x128xf32, #tpu.memory_space<vmem_shared>> -> memref<80x128xf32, #tpu.memory_space<vmem_shared>>
      %dma_wait3A_772 = arith.constant 80 : i32
      %dma_wait3A_773 = arith.constant 0 : i32
      %dma_wait3A_774 = tpu.memref_slice %arg8[%dma_wait3A_772, %dma_wait3A_773] : memref<200x128xf32, #tpu.memory_space<vmem>> -> memref<80x128xf32, #tpu.memory_space<vmem>>
      %dma_wait3A_775 = arith.constant 0 : i32
      %dma_wait3A_776 = tpu.memref_slice %arg9[%add3A_520, %dma_wait3A_775] : memref<10240x128xf32, #tpu.memory_space<vmem_shared>> -> memref<80x128xf32, #tpu.memory_space<vmem_shared>>
      tpu.wait_dma2 semaphore(%run_scoped3A : memref<!tpu.dma_semaphore, #tpu.memory_space<semaphore_mem>>) src(%dma_wait3A_776 : memref<80x128xf32, #tpu.memory_space<vmem_shared>>) dst(%dma_wait3A_774 : memref<80x128xf32, #tpu.memory_space<vmem>>)
      tpu.yield
    }) : () -> ()
    %dma_start3A_521 = arith.constant 80 : i32
    %dma_start3A_522 = arith.constant 0 : i32
    %dma_start3A_523 = tpu.memref_slice %arg8[%dma_start3A_521, %dma_start3A_522] : memref<200x128xf32, #tpu.memory_space<vmem>> -> memref<80x128xf32, #tpu.memory_space<vmem>>
    %dma_start3A_524 = arith.constant 0 : i32
    %dma_start3A_525 = tpu.memref_slice %arg5[%arg0, %add3A_520, %dma_start3A_524] : memref<2x10240x128xf32, #tpu.memory_space<hbm>> -> memref<1x80x128xf32, #tpu.memory_space<hbm>>
    %dma_start3A_526 = tpu.memref_squeeze %dma_start3A_525 : memref<1x80x128xf32, #tpu.memory_space<hbm>> -> memref<80x128xf32, #tpu.memory_space<hbm>>
    %dma_start3A_527 = arith.constant 0 : i32
    %dma_start3A_528 = tpu.memref_slice %arg5[%arg0, %add3A_520, %dma_start3A_527] : memref<2x10240x128xf32, #tpu.memory_space<hbm>> -> memref<1x80x128xf32, #tpu.memory_space<hbm>>
    %dma_start3A_529 = tpu.memref_squeeze %dma_start3A_528 : memref<1x80x128xf32, #tpu.memory_space<hbm>> -> memref<80x128xf32, #tpu.memory_space<hbm>>
    %dma_start3A_530 = arith.constant 80 : i32
    %dma_start3A_531 = arith.constant 0 : i32
    %dma_start3A_532 = tpu.memref_slice %arg8[%dma_start3A_530, %dma_start3A_531] : memref<200x128xf32, #tpu.memory_space<vmem>> -> memref<80x128xf32, #tpu.memory_space<vmem>>
    tpu.enqueue_dma source(%dma_start3A_532 : memref<80x128xf32, #tpu.memory_space<vmem>>) target(%dma_start3A_529 : memref<80x128xf32, #tpu.memory_space<hbm>>) target_semaphore(%arg11 : memref<!tpu.dma_semaphore, #tpu.memory_space<semaphore_mem>>)
    %mul3A_533 = arith.constant 640 : i32
    %mul3A_534 = arith.muli %arg1, %mul3A_533 : i32
    %add3A_535 = arith.constant 160 : i32
    %add3A_536 = arith.addi %mul3A_534, %add3A_535 : i32
    %mul3A_537 = arith.constant 640 : i32
    %mul3A_538 = arith.muli %arg1, %mul3A_537 : i32
    %add3A_539 = arith.constant 0 : i32
    %add3A_540 = arith.addi %mul3A_538, %add3A_539 : i32
    %dma_wait3A_541 = arith.constant 0 : i32
    %dma_wait3A_542 = arith.constant 0 : i32
    %dma_wait3A_543 = tpu.memref_slice %arg8[%dma_wait3A_541, %dma_wait3A_542] : memref<200x128xf32, #tpu.memory_space<vmem>> -> memref<80x128xf32, #tpu.memory_space<vmem>>
    %dma_wait3A_544 = arith.constant 0 : i32
    %dma_wait3A_545 = tpu.memref_slice %arg5[%arg0, %add3A_540, %dma_wait3A_544] : memref<2x10240x128xf32, #tpu.memory_space<hbm>> -> memref<1x80x128xf32, #tpu.memory_space<hbm>>
    %dma_wait3A_546 = tpu.memref_squeeze %dma_wait3A_545 : memref<1x80x128xf32, #tpu.memory_space<hbm>> -> memref<80x128xf32, #tpu.memory_space<hbm>>
    %dma_wait3A_547 = arith.constant 0 : i32
    %dma_wait3A_548 = tpu.memref_slice %arg5[%arg0, %add3A_540, %dma_wait3A_547] : memref<2x10240x128xf32, #tpu.memory_space<hbm>> -> memref<1x80x128xf32, #tpu.memory_space<hbm>>
    %dma_wait3A_549 = tpu.memref_squeeze %dma_wait3A_548 : memref<1x80x128xf32, #tpu.memory_space<hbm>> -> memref<80x128xf32, #tpu.memory_space<hbm>>
    %dma_wait3A_550 = arith.constant 0 : i32
    %dma_wait3A_551 = arith.constant 0 : i32
    %dma_wait3A_552 = tpu.memref_slice %arg8[%dma_wait3A_550, %dma_wait3A_551] : memref<200x128xf32, #tpu.memory_space<vmem>> -> memref<80x128xf32, #tpu.memory_space<vmem>>
    tpu.wait_dma2 semaphore(%arg10 : memref<!tpu.dma_semaphore, #tpu.memory_space<semaphore_mem>>) src(%dma_wait3A_552 : memref<80x128xf32, #tpu.memory_space<vmem>>) dst(%dma_wait3A_549 : memref<80x128xf32, #tpu.memory_space<hbm>>)
    "tpu.region"() ({
      %run_scoped3A = tpu.sem_alloc : memref<!tpu.dma_semaphore, #tpu.memory_space<semaphore_mem>>
      %dma_start3A_757 = arith.constant 0 : i32
      %dma_start3A_758 = arith.constant 0 : i32
      %dma_start3A_759 = tpu.memref_slice %arg8[%dma_start3A_757, %dma_start3A_758] : memref<200x128xf32, #tpu.memory_space<vmem>> -> memref<80x128xf32, #tpu.memory_space<vmem>>
      %dma_start3A_760 = arith.constant 0 : i32
      %dma_start3A_761 = tpu.memref_slice %arg9[%add3A_536, %dma_start3A_760] : memref<10240x128xf32, #tpu.memory_space<vmem_shared>> -> memref<80x128xf32, #tpu.memory_space<vmem_shared>>
      %dma_start3A_762 = arith.constant 0 : i32
      %dma_start3A_763 = arith.constant 0 : i32
      %dma_start3A_764 = tpu.memref_slice %arg8[%dma_start3A_762, %dma_start3A_763] : memref<200x128xf32, #tpu.memory_space<vmem>> -> memref<80x128xf32, #tpu.memory_space<vmem>>
      %dma_start3A_765 = arith.constant 0 : i32
      %dma_start3A_766 = tpu.memref_slice %arg9[%add3A_536, %dma_start3A_765] : memref<10240x128xf32, #tpu.memory_space<vmem_shared>> -> memref<80x128xf32, #tpu.memory_space<vmem_shared>>
      tpu.enqueue_dma source(%dma_start3A_766 : memref<80x128xf32, #tpu.memory_space<vmem_shared>>) target(%dma_start3A_764 : memref<80x128xf32, #tpu.memory_space<vmem>>) target_semaphore(%run_scoped3A : memref<!tpu.dma_semaphore, #tpu.memory_space<semaphore_mem>>)
      %dma_wait3A_767 = arith.constant 0 : i32
      %dma_wait3A_768 = arith.constant 0 : i32
      %dma_wait3A_769 = tpu.memref_slice %arg8[%dma_wait3A_767, %dma_wait3A_768] : memref<200x128xf32, #tpu.memory_space<vmem>> -> memref<80x128xf32, #tpu.memory_space<vmem>>
      %dma_wait3A_770 = arith.constant 0 : i32
      %dma_wait3A_771 = tpu.memref_slice %arg9[%add3A_536, %dma_wait3A_770] : memref<10240x128xf32, #tpu.memory_space<vmem_shared>> -> memref<80x128xf32, #tpu.memory_space<vmem_shared>>
      %dma_wait3A_772 = arith.constant 0 : i32
      %dma_wait3A_773 = arith.constant 0 : i32
      %dma_wait3A_774 = tpu.memref_slice %arg8[%dma_wait3A_772, %dma_wait3A_773] : memref<200x128xf32, #tpu.memory_space<vmem>> -> memref<80x128xf32, #tpu.memory_space<vmem>>
      %dma_wait3A_775 = arith.constant 0 : i32
      %dma_wait3A_776 = tpu.memref_slice %arg9[%add3A_536, %dma_wait3A_775] : memref<10240x128xf32, #tpu.memory_space<vmem_shared>> -> memref<80x128xf32, #tpu.memory_space<vmem_shared>>
      tpu.wait_dma2 semaphore(%run_scoped3A : memref<!tpu.dma_semaphore, #tpu.memory_space<semaphore_mem>>) src(%dma_wait3A_776 : memref<80x128xf32, #tpu.memory_space<vmem_shared>>) dst(%dma_wait3A_774 : memref<80x128xf32, #tpu.memory_space<vmem>>)
      tpu.yield
    }) : () -> ()
    %dma_start3A_553 = arith.constant 0 : i32
    %dma_start3A_554 = arith.constant 0 : i32
    %dma_start3A_555 = tpu.memref_slice %arg8[%dma_start3A_553, %dma_start3A_554] : memref<200x128xf32, #tpu.memory_space<vmem>> -> memref<80x128xf32, #tpu.memory_space<vmem>>
    %dma_start3A_556 = arith.constant 0 : i32
    %dma_start3A_557 = tpu.memref_slice %arg5[%arg0, %add3A_536, %dma_start3A_556] : memref<2x10240x128xf32, #tpu.memory_space<hbm>> -> memref<1x80x128xf32, #tpu.memory_space<hbm>>
    %dma_start3A_558 = tpu.memref_squeeze %dma_start3A_557 : memref<1x80x128xf32, #tpu.memory_space<hbm>> -> memref<80x128xf32, #tpu.memory_space<hbm>>
    %dma_start3A_559 = arith.constant 0 : i32
    %dma_start3A_560 = tpu.memref_slice %arg5[%arg0, %add3A_536, %dma_start3A_559] : memref<2x10240x128xf32, #tpu.memory_space<hbm>> -> memref<1x80x128xf32, #tpu.memory_space<hbm>>
    %dma_start3A_561 = tpu.memref_squeeze %dma_start3A_560 : memref<1x80x128xf32, #tpu.memory_space<hbm>> -> memref<80x128xf32, #tpu.memory_space<hbm>>
    %dma_start3A_562 = arith.constant 0 : i32
    %dma_start3A_563 = arith.constant 0 : i32
    %dma_start3A_564 = tpu.memref_slice %arg8[%dma_start3A_562, %dma_start3A_563] : memref<200x128xf32, #tpu.memory_space<vmem>> -> memref<80x128xf32, #tpu.memory_space<vmem>>
    tpu.enqueue_dma source(%dma_start3A_564 : memref<80x128xf32, #tpu.memory_space<vmem>>) target(%dma_start3A_561 : memref<80x128xf32, #tpu.memory_space<hbm>>) target_semaphore(%arg10 : memref<!tpu.dma_semaphore, #tpu.memory_space<semaphore_mem>>)
    %mul3A_565 = arith.constant 640 : i32
    %mul3A_566 = arith.muli %arg1, %mul3A_565 : i32
    %add3A_567 = arith.constant 240 : i32
    %add3A_568 = arith.addi %mul3A_566, %add3A_567 : i32
    %mul3A_569 = arith.constant 640 : i32
    %mul3A_570 = arith.muli %arg1, %mul3A_569 : i32
    %add3A_571 = arith.constant 80 : i32
    %add3A_572 = arith.addi %mul3A_570, %add3A_571 : i32
    %dma_wait3A_573 = arith.constant 80 : i32
    %dma_wait3A_574 = arith.constant 0 : i32
    %dma_wait3A_575 = tpu.memref_slice %arg8[%dma_wait3A_573, %dma_wait3A_574] : memref<200x128xf32, #tpu.memory_space<vmem>> -> memref<80x128xf32, #tpu.memory_space<vmem>>
    %dma_wait3A_576 = arith.constant 0 : i32
    %dma_wait3A_577 = tpu.memref_slice %arg5[%arg0, %add3A_572, %dma_wait3A_576] : memref<2x10240x128xf32, #tpu.memory_space<hbm>> -> memref<1x80x128xf32, #tpu.memory_space<hbm>>
    %dma_wait3A_578 = tpu.memref_squeeze %dma_wait3A_577 : memref<1x80x128xf32, #tpu.memory_space<hbm>> -> memref<80x128xf32, #tpu.memory_space<hbm>>
    %dma_wait3A_579 = arith.constant 0 : i32
    %dma_wait3A_580 = tpu.memref_slice %arg5[%arg0, %add3A_572, %dma_wait3A_579] : memref<2x10240x128xf32, #tpu.memory_space<hbm>> -> memref<1x80x128xf32, #tpu.memory_space<hbm>>
    %dma_wait3A_581 = tpu.memref_squeeze %dma_wait3A_580 : memref<1x80x128xf32, #tpu.memory_space<hbm>> -> memref<80x128xf32, #tpu.memory_space<hbm>>
    %dma_wait3A_582 = arith.constant 80 : i32
    %dma_wait3A_583 = arith.constant 0 : i32
    %dma_wait3A_584 = tpu.memref_slice %arg8[%dma_wait3A_582, %dma_wait3A_583] : memref<200x128xf32, #tpu.memory_space<vmem>> -> memref<80x128xf32, #tpu.memory_space<vmem>>
    tpu.wait_dma2 semaphore(%arg11 : memref<!tpu.dma_semaphore, #tpu.memory_space<semaphore_mem>>) src(%dma_wait3A_584 : memref<80x128xf32, #tpu.memory_space<vmem>>) dst(%dma_wait3A_581 : memref<80x128xf32, #tpu.memory_space<hbm>>)
    "tpu.region"() ({
      %run_scoped3A = tpu.sem_alloc : memref<!tpu.dma_semaphore, #tpu.memory_space<semaphore_mem>>
      %dma_start3A_757 = arith.constant 80 : i32
      %dma_start3A_758 = arith.constant 0 : i32
      %dma_start3A_759 = tpu.memref_slice %arg8[%dma_start3A_757, %dma_start3A_758] : memref<200x128xf32, #tpu.memory_space<vmem>> -> memref<80x128xf32, #tpu.memory_space<vmem>>
      %dma_start3A_760 = arith.constant 0 : i32
      %dma_start3A_761 = tpu.memref_slice %arg9[%add3A_568, %dma_start3A_760] : memref<10240x128xf32, #tpu.memory_space<vmem_shared>> -> memref<80x128xf32, #tpu.memory_space<vmem_shared>>
      %dma_start3A_762 = arith.constant 80 : i32
      %dma_start3A_763 = arith.constant 0 : i32
      %dma_start3A_764 = tpu.memref_slice %arg8[%dma_start3A_762, %dma_start3A_763] : memref<200x128xf32, #tpu.memory_space<vmem>> -> memref<80x128xf32, #tpu.memory_space<vmem>>
      %dma_start3A_765 = arith.constant 0 : i32
      %dma_start3A_766 = tpu.memref_slice %arg9[%add3A_568, %dma_start3A_765] : memref<10240x128xf32, #tpu.memory_space<vmem_shared>> -> memref<80x128xf32, #tpu.memory_space<vmem_shared>>
      tpu.enqueue_dma source(%dma_start3A_766 : memref<80x128xf32, #tpu.memory_space<vmem_shared>>) target(%dma_start3A_764 : memref<80x128xf32, #tpu.memory_space<vmem>>) target_semaphore(%run_scoped3A : memref<!tpu.dma_semaphore, #tpu.memory_space<semaphore_mem>>)
      %dma_wait3A_767 = arith.constant 80 : i32
      %dma_wait3A_768 = arith.constant 0 : i32
      %dma_wait3A_769 = tpu.memref_slice %arg8[%dma_wait3A_767, %dma_wait3A_768] : memref<200x128xf32, #tpu.memory_space<vmem>> -> memref<80x128xf32, #tpu.memory_space<vmem>>
      %dma_wait3A_770 = arith.constant 0 : i32
      %dma_wait3A_771 = tpu.memref_slice %arg9[%add3A_568, %dma_wait3A_770] : memref<10240x128xf32, #tpu.memory_space<vmem_shared>> -> memref<80x128xf32, #tpu.memory_space<vmem_shared>>
      %dma_wait3A_772 = arith.constant 80 : i32
      %dma_wait3A_773 = arith.constant 0 : i32
      %dma_wait3A_774 = tpu.memref_slice %arg8[%dma_wait3A_772, %dma_wait3A_773] : memref<200x128xf32, #tpu.memory_space<vmem>> -> memref<80x128xf32, #tpu.memory_space<vmem>>
      %dma_wait3A_775 = arith.constant 0 : i32
      %dma_wait3A_776 = tpu.memref_slice %arg9[%add3A_568, %dma_wait3A_775] : memref<10240x128xf32, #tpu.memory_space<vmem_shared>> -> memref<80x128xf32, #tpu.memory_space<vmem_shared>>
      tpu.wait_dma2 semaphore(%run_scoped3A : memref<!tpu.dma_semaphore, #tpu.memory_space<semaphore_mem>>) src(%dma_wait3A_776 : memref<80x128xf32, #tpu.memory_space<vmem_shared>>) dst(%dma_wait3A_774 : memref<80x128xf32, #tpu.memory_space<vmem>>)
      tpu.yield
    }) : () -> ()
    %dma_start3A_585 = arith.constant 80 : i32
    %dma_start3A_586 = arith.constant 0 : i32
    %dma_start3A_587 = tpu.memref_slice %arg8[%dma_start3A_585, %dma_start3A_586] : memref<200x128xf32, #tpu.memory_space<vmem>> -> memref<80x128xf32, #tpu.memory_space<vmem>>
    %dma_start3A_588 = arith.constant 0 : i32
    %dma_start3A_589 = tpu.memref_slice %arg5[%arg0, %add3A_568, %dma_start3A_588] : memref<2x10240x128xf32, #tpu.memory_space<hbm>> -> memref<1x80x128xf32, #tpu.memory_space<hbm>>
    %dma_start3A_590 = tpu.memref_squeeze %dma_start3A_589 : memref<1x80x128xf32, #tpu.memory_space<hbm>> -> memref<80x128xf32, #tpu.memory_space<hbm>>
    %dma_start3A_591 = arith.constant 0 : i32
    %dma_start3A_592 = tpu.memref_slice %arg5[%arg0, %add3A_568, %dma_start3A_591] : memref<2x10240x128xf32, #tpu.memory_space<hbm>> -> memref<1x80x128xf32, #tpu.memory_space<hbm>>
    %dma_start3A_593 = tpu.memref_squeeze %dma_start3A_592 : memref<1x80x128xf32, #tpu.memory_space<hbm>> -> memref<80x128xf32, #tpu.memory_space<hbm>>
    %dma_start3A_594 = arith.constant 80 : i32
    %dma_start3A_595 = arith.constant 0 : i32
    %dma_start3A_596 = tpu.memref_slice %arg8[%dma_start3A_594, %dma_start3A_595] : memref<200x128xf32, #tpu.memory_space<vmem>> -> memref<80x128xf32, #tpu.memory_space<vmem>>
    tpu.enqueue_dma source(%dma_start3A_596 : memref<80x128xf32, #tpu.memory_space<vmem>>) target(%dma_start3A_593 : memref<80x128xf32, #tpu.memory_space<hbm>>) target_semaphore(%arg11 : memref<!tpu.dma_semaphore, #tpu.memory_space<semaphore_mem>>)
    %mul3A_597 = arith.constant 640 : i32
    %mul3A_598 = arith.muli %arg1, %mul3A_597 : i32
    %add3A_599 = arith.constant 320 : i32
    %add3A_600 = arith.addi %mul3A_598, %add3A_599 : i32
    %mul3A_601 = arith.constant 640 : i32
    %mul3A_602 = arith.muli %arg1, %mul3A_601 : i32
    %add3A_603 = arith.constant 160 : i32
    %add3A_604 = arith.addi %mul3A_602, %add3A_603 : i32
    %dma_wait3A_605 = arith.constant 0 : i32
    %dma_wait3A_606 = arith.constant 0 : i32
    %dma_wait3A_607 = tpu.memref_slice %arg8[%dma_wait3A_605, %dma_wait3A_606] : memref<200x128xf32, #tpu.memory_space<vmem>> -> memref<80x128xf32, #tpu.memory_space<vmem>>
    %dma_wait3A_608 = arith.constant 0 : i32
    %dma_wait3A_609 = tpu.memref_slice %arg5[%arg0, %add3A_604, %dma_wait3A_608] : memref<2x10240x128xf32, #tpu.memory_space<hbm>> -> memref<1x80x128xf32, #tpu.memory_space<hbm>>
    %dma_wait3A_610 = tpu.memref_squeeze %dma_wait3A_609 : memref<1x80x128xf32, #tpu.memory_space<hbm>> -> memref<80x128xf32, #tpu.memory_space<hbm>>
    %dma_wait3A_611 = arith.constant 0 : i32
    %dma_wait3A_612 = tpu.memref_slice %arg5[%arg0, %add3A_604, %dma_wait3A_611] : memref<2x10240x128xf32, #tpu.memory_space<hbm>> -> memref<1x80x128xf32, #tpu.memory_space<hbm>>
    %dma_wait3A_613 = tpu.memref_squeeze %dma_wait3A_612 : memref<1x80x128xf32, #tpu.memory_space<hbm>> -> memref<80x128xf32, #tpu.memory_space<hbm>>
    %dma_wait3A_614 = arith.constant 0 : i32
    %dma_wait3A_615 = arith.constant 0 : i32
    %dma_wait3A_616 = tpu.memref_slice %arg8[%dma_wait3A_614, %dma_wait3A_615] : memref<200x128xf32, #tpu.memory_space<vmem>> -> memref<80x128xf32, #tpu.memory_space<vmem>>
    tpu.wait_dma2 semaphore(%arg10 : memref<!tpu.dma_semaphore, #tpu.memory_space<semaphore_mem>>) src(%dma_wait3A_616 : memref<80x128xf32, #tpu.memory_space<vmem>>) dst(%dma_wait3A_613 : memref<80x128xf32, #tpu.memory_space<hbm>>)
    "tpu.region"() ({
      %run_scoped3A = tpu.sem_alloc : memref<!tpu.dma_semaphore, #tpu.memory_space<semaphore_mem>>
      %dma_start3A_757 = arith.constant 0 : i32
      %dma_start3A_758 = arith.constant 0 : i32
      %dma_start3A_759 = tpu.memref_slice %arg8[%dma_start3A_757, %dma_start3A_758] : memref<200x128xf32, #tpu.memory_space<vmem>> -> memref<80x128xf32, #tpu.memory_space<vmem>>
      %dma_start3A_760 = arith.constant 0 : i32
      %dma_start3A_761 = tpu.memref_slice %arg9[%add3A_600, %dma_start3A_760] : memref<10240x128xf32, #tpu.memory_space<vmem_shared>> -> memref<80x128xf32, #tpu.memory_space<vmem_shared>>
      %dma_start3A_762 = arith.constant 0 : i32
      %dma_start3A_763 = arith.constant 0 : i32
      %dma_start3A_764 = tpu.memref_slice %arg8[%dma_start3A_762, %dma_start3A_763] : memref<200x128xf32, #tpu.memory_space<vmem>> -> memref<80x128xf32, #tpu.memory_space<vmem>>
      %dma_start3A_765 = arith.constant 0 : i32
      %dma_start3A_766 = tpu.memref_slice %arg9[%add3A_600, %dma_start3A_765] : memref<10240x128xf32, #tpu.memory_space<vmem_shared>> -> memref<80x128xf32, #tpu.memory_space<vmem_shared>>
      tpu.enqueue_dma source(%dma_start3A_766 : memref<80x128xf32, #tpu.memory_space<vmem_shared>>) target(%dma_start3A_764 : memref<80x128xf32, #tpu.memory_space<vmem>>) target_semaphore(%run_scoped3A : memref<!tpu.dma_semaphore, #tpu.memory_space<semaphore_mem>>)
      %dma_wait3A_767 = arith.constant 0 : i32
      %dma_wait3A_768 = arith.constant 0 : i32
      %dma_wait3A_769 = tpu.memref_slice %arg8[%dma_wait3A_767, %dma_wait3A_768] : memref<200x128xf32, #tpu.memory_space<vmem>> -> memref<80x128xf32, #tpu.memory_space<vmem>>
      %dma_wait3A_770 = arith.constant 0 : i32
      %dma_wait3A_771 = tpu.memref_slice %arg9[%add3A_600, %dma_wait3A_770] : memref<10240x128xf32, #tpu.memory_space<vmem_shared>> -> memref<80x128xf32, #tpu.memory_space<vmem_shared>>
      %dma_wait3A_772 = arith.constant 0 : i32
      %dma_wait3A_773 = arith.constant 0 : i32
      %dma_wait3A_774 = tpu.memref_slice %arg8[%dma_wait3A_772, %dma_wait3A_773] : memref<200x128xf32, #tpu.memory_space<vmem>> -> memref<80x128xf32, #tpu.memory_space<vmem>>
      %dma_wait3A_775 = arith.constant 0 : i32
      %dma_wait3A_776 = tpu.memref_slice %arg9[%add3A_600, %dma_wait3A_775] : memref<10240x128xf32, #tpu.memory_space<vmem_shared>> -> memref<80x128xf32, #tpu.memory_space<vmem_shared>>
      tpu.wait_dma2 semaphore(%run_scoped3A : memref<!tpu.dma_semaphore, #tpu.memory_space<semaphore_mem>>) src(%dma_wait3A_776 : memref<80x128xf32, #tpu.memory_space<vmem_shared>>) dst(%dma_wait3A_774 : memref<80x128xf32, #tpu.memory_space<vmem>>)
      tpu.yield
    }) : () -> ()
    %dma_start3A_617 = arith.constant 0 : i32
    %dma_start3A_618 = arith.constant 0 : i32
    %dma_start3A_619 = tpu.memref_slice %arg8[%dma_start3A_617, %dma_start3A_618] : memref<200x128xf32, #tpu.memory_space<vmem>> -> memref<80x128xf32, #tpu.memory_space<vmem>>
    %dma_start3A_620 = arith.constant 0 : i32
    %dma_start3A_621 = tpu.memref_slice %arg5[%arg0, %add3A_600, %dma_start3A_620] : memref<2x10240x128xf32, #tpu.memory_space<hbm>> -> memref<1x80x128xf32, #tpu.memory_space<hbm>>
    %dma_start3A_622 = tpu.memref_squeeze %dma_start3A_621 : memref<1x80x128xf32, #tpu.memory_space<hbm>> -> memref<80x128xf32, #tpu.memory_space<hbm>>
    %dma_start3A_623 = arith.constant 0 : i32
    %dma_start3A_624 = tpu.memref_slice %arg5[%arg0, %add3A_600, %dma_start3A_623] : memref<2x10240x128xf32, #tpu.memory_space<hbm>> -> memref<1x80x128xf32, #tpu.memory_space<hbm>>
    %dma_start3A_625 = tpu.memref_squeeze %dma_start3A_624 : memref<1x80x128xf32, #tpu.memory_space<hbm>> -> memref<80x128xf32, #tpu.memory_space<hbm>>
    %dma_start3A_626 = arith.constant 0 : i32
    %dma_start3A_627 = arith.constant 0 : i32
    %dma_start3A_628 = tpu.memref_slice %arg8[%dma_start3A_626, %dma_start3A_627] : memref<200x128xf32, #tpu.memory_space<vmem>> -> memref<80x128xf32, #tpu.memory_space<vmem>>
    tpu.enqueue_dma source(%dma_start3A_628 : memref<80x128xf32, #tpu.memory_space<vmem>>) target(%dma_start3A_625 : memref<80x128xf32, #tpu.memory_space<hbm>>) target_semaphore(%arg10 : memref<!tpu.dma_semaphore, #tpu.memory_space<semaphore_mem>>)
    %mul3A_629 = arith.constant 640 : i32
    %mul3A_630 = arith.muli %arg1, %mul3A_629 : i32
    %add3A_631 = arith.constant 400 : i32
    %add3A_632 = arith.addi %mul3A_630, %add3A_631 : i32
    %mul3A_633 = arith.constant 640 : i32
    %mul3A_634 = arith.muli %arg1, %mul3A_633 : i32
    %add3A_635 = arith.constant 240 : i32
    %add3A_636 = arith.addi %mul3A_634, %add3A_635 : i32
    %dma_wait3A_637 = arith.constant 80 : i32
    %dma_wait3A_638 = arith.constant 0 : i32
    %dma_wait3A_639 = tpu.memref_slice %arg8[%dma_wait3A_637, %dma_wait3A_638] : memref<200x128xf32, #tpu.memory_space<vmem>> -> memref<80x128xf32, #tpu.memory_space<vmem>>
    %dma_wait3A_640 = arith.constant 0 : i32
    %dma_wait3A_641 = tpu.memref_slice %arg5[%arg0, %add3A_636, %dma_wait3A_640] : memref<2x10240x128xf32, #tpu.memory_space<hbm>> -> memref<1x80x128xf32, #tpu.memory_space<hbm>>
    %dma_wait3A_642 = tpu.memref_squeeze %dma_wait3A_641 : memref<1x80x128xf32, #tpu.memory_space<hbm>> -> memref<80x128xf32, #tpu.memory_space<hbm>>
    %dma_wait3A_643 = arith.constant 0 : i32
    %dma_wait3A_644 = tpu.memref_slice %arg5[%arg0, %add3A_636, %dma_wait3A_643] : memref<2x10240x128xf32, #tpu.memory_space<hbm>> -> memref<1x80x128xf32, #tpu.memory_space<hbm>>
    %dma_wait3A_645 = tpu.memref_squeeze %dma_wait3A_644 : memref<1x80x128xf32, #tpu.memory_space<hbm>> -> memref<80x128xf32, #tpu.memory_space<hbm>>
    %dma_wait3A_646 = arith.constant 80 : i32
    %dma_wait3A_647 = arith.constant 0 : i32
    %dma_wait3A_648 = tpu.memref_slice %arg8[%dma_wait3A_646, %dma_wait3A_647] : memref<200x128xf32, #tpu.memory_space<vmem>> -> memref<80x128xf32, #tpu.memory_space<vmem>>
    tpu.wait_dma2 semaphore(%arg11 : memref<!tpu.dma_semaphore, #tpu.memory_space<semaphore_mem>>) src(%dma_wait3A_648 : memref<80x128xf32, #tpu.memory_space<vmem>>) dst(%dma_wait3A_645 : memref<80x128xf32, #tpu.memory_space<hbm>>)
    "tpu.region"() ({
      %run_scoped3A = tpu.sem_alloc : memref<!tpu.dma_semaphore, #tpu.memory_space<semaphore_mem>>
      %dma_start3A_757 = arith.constant 80 : i32
      %dma_start3A_758 = arith.constant 0 : i32
      %dma_start3A_759 = tpu.memref_slice %arg8[%dma_start3A_757, %dma_start3A_758] : memref<200x128xf32, #tpu.memory_space<vmem>> -> memref<80x128xf32, #tpu.memory_space<vmem>>
      %dma_start3A_760 = arith.constant 0 : i32
      %dma_start3A_761 = tpu.memref_slice %arg9[%add3A_632, %dma_start3A_760] : memref<10240x128xf32, #tpu.memory_space<vmem_shared>> -> memref<80x128xf32, #tpu.memory_space<vmem_shared>>
      %dma_start3A_762 = arith.constant 80 : i32
      %dma_start3A_763 = arith.constant 0 : i32
      %dma_start3A_764 = tpu.memref_slice %arg8[%dma_start3A_762, %dma_start3A_763] : memref<200x128xf32, #tpu.memory_space<vmem>> -> memref<80x128xf32, #tpu.memory_space<vmem>>
      %dma_start3A_765 = arith.constant 0 : i32
      %dma_start3A_766 = tpu.memref_slice %arg9[%add3A_632, %dma_start3A_765] : memref<10240x128xf32, #tpu.memory_space<vmem_shared>> -> memref<80x128xf32, #tpu.memory_space<vmem_shared>>
      tpu.enqueue_dma source(%dma_start3A_766 : memref<80x128xf32, #tpu.memory_space<vmem_shared>>) target(%dma_start3A_764 : memref<80x128xf32, #tpu.memory_space<vmem>>) target_semaphore(%run_scoped3A : memref<!tpu.dma_semaphore, #tpu.memory_space<semaphore_mem>>)
      %dma_wait3A_767 = arith.constant 80 : i32
      %dma_wait3A_768 = arith.constant 0 : i32
      %dma_wait3A_769 = tpu.memref_slice %arg8[%dma_wait3A_767, %dma_wait3A_768] : memref<200x128xf32, #tpu.memory_space<vmem>> -> memref<80x128xf32, #tpu.memory_space<vmem>>
      %dma_wait3A_770 = arith.constant 0 : i32
      %dma_wait3A_771 = tpu.memref_slice %arg9[%add3A_632, %dma_wait3A_770] : memref<10240x128xf32, #tpu.memory_space<vmem_shared>> -> memref<80x128xf32, #tpu.memory_space<vmem_shared>>
      %dma_wait3A_772 = arith.constant 80 : i32
      %dma_wait3A_773 = arith.constant 0 : i32
      %dma_wait3A_774 = tpu.memref_slice %arg8[%dma_wait3A_772, %dma_wait3A_773] : memref<200x128xf32, #tpu.memory_space<vmem>> -> memref<80x128xf32, #tpu.memory_space<vmem>>
      %dma_wait3A_775 = arith.constant 0 : i32
      %dma_wait3A_776 = tpu.memref_slice %arg9[%add3A_632, %dma_wait3A_775] : memref<10240x128xf32, #tpu.memory_space<vmem_shared>> -> memref<80x128xf32, #tpu.memory_space<vmem_shared>>
      tpu.wait_dma2 semaphore(%run_scoped3A : memref<!tpu.dma_semaphore, #tpu.memory_space<semaphore_mem>>) src(%dma_wait3A_776 : memref<80x128xf32, #tpu.memory_space<vmem_shared>>) dst(%dma_wait3A_774 : memref<80x128xf32, #tpu.memory_space<vmem>>)
      tpu.yield
    }) : () -> ()
    %dma_start3A_649 = arith.constant 80 : i32
    %dma_start3A_650 = arith.constant 0 : i32
    %dma_start3A_651 = tpu.memref_slice %arg8[%dma_start3A_649, %dma_start3A_650] : memref<200x128xf32, #tpu.memory_space<vmem>> -> memref<80x128xf32, #tpu.memory_space<vmem>>
    %dma_start3A_652 = arith.constant 0 : i32
    %dma_start3A_653 = tpu.memref_slice %arg5[%arg0, %add3A_632, %dma_start3A_652] : memref<2x10240x128xf32, #tpu.memory_space<hbm>> -> memref<1x80x128xf32, #tpu.memory_space<hbm>>
    %dma_start3A_654 = tpu.memref_squeeze %dma_start3A_653 : memref<1x80x128xf32, #tpu.memory_space<hbm>> -> memref<80x128xf32, #tpu.memory_space<hbm>>
    %dma_start3A_655 = arith.constant 0 : i32
    %dma_start3A_656 = tpu.memref_slice %arg5[%arg0, %add3A_632, %dma_start3A_655] : memref<2x10240x128xf32, #tpu.memory_space<hbm>> -> memref<1x80x128xf32, #tpu.memory_space<hbm>>
    %dma_start3A_657 = tpu.memref_squeeze %dma_start3A_656 : memref<1x80x128xf32, #tpu.memory_space<hbm>> -> memref<80x128xf32, #tpu.memory_space<hbm>>
    %dma_start3A_658 = arith.constant 80 : i32
    %dma_start3A_659 = arith.constant 0 : i32
    %dma_start3A_660 = tpu.memref_slice %arg8[%dma_start3A_658, %dma_start3A_659] : memref<200x128xf32, #tpu.memory_space<vmem>> -> memref<80x128xf32, #tpu.memory_space<vmem>>
    tpu.enqueue_dma source(%dma_start3A_660 : memref<80x128xf32, #tpu.memory_space<vmem>>) target(%dma_start3A_657 : memref<80x128xf32, #tpu.memory_space<hbm>>) target_semaphore(%arg11 : memref<!tpu.dma_semaphore, #tpu.memory_space<semaphore_mem>>)
    %mul3A_661 = arith.constant 640 : i32
    %mul3A_662 = arith.muli %arg1, %mul3A_661 : i32
    %add3A_663 = arith.constant 480 : i32
    %add3A_664 = arith.addi %mul3A_662, %add3A_663 : i32
    %mul3A_665 = arith.constant 640 : i32
    %mul3A_666 = arith.muli %arg1, %mul3A_665 : i32
    %add3A_667 = arith.constant 320 : i32
    %add3A_668 = arith.addi %mul3A_666, %add3A_667 : i32
    %dma_wait3A_669 = arith.constant 0 : i32
    %dma_wait3A_670 = arith.constant 0 : i32
    %dma_wait3A_671 = tpu.memref_slice %arg8[%dma_wait3A_669, %dma_wait3A_670] : memref<200x128xf32, #tpu.memory_space<vmem>> -> memref<80x128xf32, #tpu.memory_space<vmem>>
    %dma_wait3A_672 = arith.constant 0 : i32
    %dma_wait3A_673 = tpu.memref_slice %arg5[%arg0, %add3A_668, %dma_wait3A_672] : memref<2x10240x128xf32, #tpu.memory_space<hbm>> -> memref<1x80x128xf32, #tpu.memory_space<hbm>>
    %dma_wait3A_674 = tpu.memref_squeeze %dma_wait3A_673 : memref<1x80x128xf32, #tpu.memory_space<hbm>> -> memref<80x128xf32, #tpu.memory_space<hbm>>
    %dma_wait3A_675 = arith.constant 0 : i32
    %dma_wait3A_676 = tpu.memref_slice %arg5[%arg0, %add3A_668, %dma_wait3A_675] : memref<2x10240x128xf32, #tpu.memory_space<hbm>> -> memref<1x80x128xf32, #tpu.memory_space<hbm>>
    %dma_wait3A_677 = tpu.memref_squeeze %dma_wait3A_676 : memref<1x80x128xf32, #tpu.memory_space<hbm>> -> memref<80x128xf32, #tpu.memory_space<hbm>>
    %dma_wait3A_678 = arith.constant 0 : i32
    %dma_wait3A_679 = arith.constant 0 : i32
    %dma_wait3A_680 = tpu.memref_slice %arg8[%dma_wait3A_678, %dma_wait3A_679] : memref<200x128xf32, #tpu.memory_space<vmem>> -> memref<80x128xf32, #tpu.memory_space<vmem>>
    tpu.wait_dma2 semaphore(%arg10 : memref<!tpu.dma_semaphore, #tpu.memory_space<semaphore_mem>>) src(%dma_wait3A_680 : memref<80x128xf32, #tpu.memory_space<vmem>>) dst(%dma_wait3A_677 : memref<80x128xf32, #tpu.memory_space<hbm>>)
    "tpu.region"() ({
      %run_scoped3A = tpu.sem_alloc : memref<!tpu.dma_semaphore, #tpu.memory_space<semaphore_mem>>
      %dma_start3A_757 = arith.constant 0 : i32
      %dma_start3A_758 = arith.constant 0 : i32
      %dma_start3A_759 = tpu.memref_slice %arg8[%dma_start3A_757, %dma_start3A_758] : memref<200x128xf32, #tpu.memory_space<vmem>> -> memref<80x128xf32, #tpu.memory_space<vmem>>
      %dma_start3A_760 = arith.constant 0 : i32
      %dma_start3A_761 = tpu.memref_slice %arg9[%add3A_664, %dma_start3A_760] : memref<10240x128xf32, #tpu.memory_space<vmem_shared>> -> memref<80x128xf32, #tpu.memory_space<vmem_shared>>
      %dma_start3A_762 = arith.constant 0 : i32
      %dma_start3A_763 = arith.constant 0 : i32
      %dma_start3A_764 = tpu.memref_slice %arg8[%dma_start3A_762, %dma_start3A_763] : memref<200x128xf32, #tpu.memory_space<vmem>> -> memref<80x128xf32, #tpu.memory_space<vmem>>
      %dma_start3A_765 = arith.constant 0 : i32
      %dma_start3A_766 = tpu.memref_slice %arg9[%add3A_664, %dma_start3A_765] : memref<10240x128xf32, #tpu.memory_space<vmem_shared>> -> memref<80x128xf32, #tpu.memory_space<vmem_shared>>
      tpu.enqueue_dma source(%dma_start3A_766 : memref<80x128xf32, #tpu.memory_space<vmem_shared>>) target(%dma_start3A_764 : memref<80x128xf32, #tpu.memory_space<vmem>>) target_semaphore(%run_scoped3A : memref<!tpu.dma_semaphore, #tpu.memory_space<semaphore_mem>>)
      %dma_wait3A_767 = arith.constant 0 : i32
      %dma_wait3A_768 = arith.constant 0 : i32
      %dma_wait3A_769 = tpu.memref_slice %arg8[%dma_wait3A_767, %dma_wait3A_768] : memref<200x128xf32, #tpu.memory_space<vmem>> -> memref<80x128xf32, #tpu.memory_space<vmem>>
      %dma_wait3A_770 = arith.constant 0 : i32
      %dma_wait3A_771 = tpu.memref_slice %arg9[%add3A_664, %dma_wait3A_770] : memref<10240x128xf32, #tpu.memory_space<vmem_shared>> -> memref<80x128xf32, #tpu.memory_space<vmem_shared>>
      %dma_wait3A_772 = arith.constant 0 : i32
      %dma_wait3A_773 = arith.constant 0 : i32
      %dma_wait3A_774 = tpu.memref_slice %arg8[%dma_wait3A_772, %dma_wait3A_773] : memref<200x128xf32, #tpu.memory_space<vmem>> -> memref<80x128xf32, #tpu.memory_space<vmem>>
      %dma_wait3A_775 = arith.constant 0 : i32
      %dma_wait3A_776 = tpu.memref_slice %arg9[%add3A_664, %dma_wait3A_775] : memref<10240x128xf32, #tpu.memory_space<vmem_shared>> -> memref<80x128xf32, #tpu.memory_space<vmem_shared>>
      tpu.wait_dma2 semaphore(%run_scoped3A : memref<!tpu.dma_semaphore, #tpu.memory_space<semaphore_mem>>) src(%dma_wait3A_776 : memref<80x128xf32, #tpu.memory_space<vmem_shared>>) dst(%dma_wait3A_774 : memref<80x128xf32, #tpu.memory_space<vmem>>)
      tpu.yield
    }) : () -> ()
    %dma_start3A_681 = arith.constant 0 : i32
    %dma_start3A_682 = arith.constant 0 : i32
    %dma_start3A_683 = tpu.memref_slice %arg8[%dma_start3A_681, %dma_start3A_682] : memref<200x128xf32, #tpu.memory_space<vmem>> -> memref<80x128xf32, #tpu.memory_space<vmem>>
    %dma_start3A_684 = arith.constant 0 : i32
    %dma_start3A_685 = tpu.memref_slice %arg5[%arg0, %add3A_664, %dma_start3A_684] : memref<2x10240x128xf32, #tpu.memory_space<hbm>> -> memref<1x80x128xf32, #tpu.memory_space<hbm>>
    %dma_start3A_686 = tpu.memref_squeeze %dma_start3A_685 : memref<1x80x128xf32, #tpu.memory_space<hbm>> -> memref<80x128xf32, #tpu.memory_space<hbm>>
    %dma_start3A_687 = arith.constant 0 : i32
    %dma_start3A_688 = tpu.memref_slice %arg5[%arg0, %add3A_664, %dma_start3A_687] : memref<2x10240x128xf32, #tpu.memory_space<hbm>> -> memref<1x80x128xf32, #tpu.memory_space<hbm>>
    %dma_start3A_689 = tpu.memref_squeeze %dma_start3A_688 : memref<1x80x128xf32, #tpu.memory_space<hbm>> -> memref<80x128xf32, #tpu.memory_space<hbm>>
    %dma_start3A_690 = arith.constant 0 : i32
    %dma_start3A_691 = arith.constant 0 : i32
    %dma_start3A_692 = tpu.memref_slice %arg8[%dma_start3A_690, %dma_start3A_691] : memref<200x128xf32, #tpu.memory_space<vmem>> -> memref<80x128xf32, #tpu.memory_space<vmem>>
    tpu.enqueue_dma source(%dma_start3A_692 : memref<80x128xf32, #tpu.memory_space<vmem>>) target(%dma_start3A_689 : memref<80x128xf32, #tpu.memory_space<hbm>>) target_semaphore(%arg10 : memref<!tpu.dma_semaphore, #tpu.memory_space<semaphore_mem>>)
    %mul3A_693 = arith.constant 640 : i32
    %mul3A_694 = arith.muli %arg1, %mul3A_693 : i32
    %add3A_695 = arith.constant 560 : i32
    %add3A_696 = arith.addi %mul3A_694, %add3A_695 : i32
    %mul3A_697 = arith.constant 640 : i32
    %mul3A_698 = arith.muli %arg1, %mul3A_697 : i32
    %add3A_699 = arith.constant 400 : i32
    %add3A_700 = arith.addi %mul3A_698, %add3A_699 : i32
    %dma_wait3A_701 = arith.constant 80 : i32
    %dma_wait3A_702 = arith.constant 0 : i32
    %dma_wait3A_703 = tpu.memref_slice %arg8[%dma_wait3A_701, %dma_wait3A_702] : memref<200x128xf32, #tpu.memory_space<vmem>> -> memref<80x128xf32, #tpu.memory_space<vmem>>
    %dma_wait3A_704 = arith.constant 0 : i32
    %dma_wait3A_705 = tpu.memref_slice %arg5[%arg0, %add3A_700, %dma_wait3A_704] : memref<2x10240x128xf32, #tpu.memory_space<hbm>> -> memref<1x80x128xf32, #tpu.memory_space<hbm>>
    %dma_wait3A_706 = tpu.memref_squeeze %dma_wait3A_705 : memref<1x80x128xf32, #tpu.memory_space<hbm>> -> memref<80x128xf32, #tpu.memory_space<hbm>>
    %dma_wait3A_707 = arith.constant 0 : i32
    %dma_wait3A_708 = tpu.memref_slice %arg5[%arg0, %add3A_700, %dma_wait3A_707] : memref<2x10240x128xf32, #tpu.memory_space<hbm>> -> memref<1x80x128xf32, #tpu.memory_space<hbm>>
    %dma_wait3A_709 = tpu.memref_squeeze %dma_wait3A_708 : memref<1x80x128xf32, #tpu.memory_space<hbm>> -> memref<80x128xf32, #tpu.memory_space<hbm>>
    %dma_wait3A_710 = arith.constant 80 : i32
    %dma_wait3A_711 = arith.constant 0 : i32
    %dma_wait3A_712 = tpu.memref_slice %arg8[%dma_wait3A_710, %dma_wait3A_711] : memref<200x128xf32, #tpu.memory_space<vmem>> -> memref<80x128xf32, #tpu.memory_space<vmem>>
    tpu.wait_dma2 semaphore(%arg11 : memref<!tpu.dma_semaphore, #tpu.memory_space<semaphore_mem>>) src(%dma_wait3A_712 : memref<80x128xf32, #tpu.memory_space<vmem>>) dst(%dma_wait3A_709 : memref<80x128xf32, #tpu.memory_space<hbm>>)
    "tpu.region"() ({
      %run_scoped3A = tpu.sem_alloc : memref<!tpu.dma_semaphore, #tpu.memory_space<semaphore_mem>>
      %dma_start3A_757 = arith.constant 80 : i32
      %dma_start3A_758 = arith.constant 0 : i32
      %dma_start3A_759 = tpu.memref_slice %arg8[%dma_start3A_757, %dma_start3A_758] : memref<200x128xf32, #tpu.memory_space<vmem>> -> memref<80x128xf32, #tpu.memory_space<vmem>>
      %dma_start3A_760 = arith.constant 0 : i32
      %dma_start3A_761 = tpu.memref_slice %arg9[%add3A_696, %dma_start3A_760] : memref<10240x128xf32, #tpu.memory_space<vmem_shared>> -> memref<80x128xf32, #tpu.memory_space<vmem_shared>>
      %dma_start3A_762 = arith.constant 80 : i32
      %dma_start3A_763 = arith.constant 0 : i32
      %dma_start3A_764 = tpu.memref_slice %arg8[%dma_start3A_762, %dma_start3A_763] : memref<200x128xf32, #tpu.memory_space<vmem>> -> memref<80x128xf32, #tpu.memory_space<vmem>>
      %dma_start3A_765 = arith.constant 0 : i32
      %dma_start3A_766 = tpu.memref_slice %arg9[%add3A_696, %dma_start3A_765] : memref<10240x128xf32, #tpu.memory_space<vmem_shared>> -> memref<80x128xf32, #tpu.memory_space<vmem_shared>>
      tpu.enqueue_dma source(%dma_start3A_766 : memref<80x128xf32, #tpu.memory_space<vmem_shared>>) target(%dma_start3A_764 : memref<80x128xf32, #tpu.memory_space<vmem>>) target_semaphore(%run_scoped3A : memref<!tpu.dma_semaphore, #tpu.memory_space<semaphore_mem>>)
      %dma_wait3A_767 = arith.constant 80 : i32
      %dma_wait3A_768 = arith.constant 0 : i32
      %dma_wait3A_769 = tpu.memref_slice %arg8[%dma_wait3A_767, %dma_wait3A_768] : memref<200x128xf32, #tpu.memory_space<vmem>> -> memref<80x128xf32, #tpu.memory_space<vmem>>
      %dma_wait3A_770 = arith.constant 0 : i32
      %dma_wait3A_771 = tpu.memref_slice %arg9[%add3A_696, %dma_wait3A_770] : memref<10240x128xf32, #tpu.memory_space<vmem_shared>> -> memref<80x128xf32, #tpu.memory_space<vmem_shared>>
      %dma_wait3A_772 = arith.constant 80 : i32
      %dma_wait3A_773 = arith.constant 0 : i32
      %dma_wait3A_774 = tpu.memref_slice %arg8[%dma_wait3A_772, %dma_wait3A_773] : memref<200x128xf32, #tpu.memory_space<vmem>> -> memref<80x128xf32, #tpu.memory_space<vmem>>
      %dma_wait3A_775 = arith.constant 0 : i32
      %dma_wait3A_776 = tpu.memref_slice %arg9[%add3A_696, %dma_wait3A_775] : memref<10240x128xf32, #tpu.memory_space<vmem_shared>> -> memref<80x128xf32, #tpu.memory_space<vmem_shared>>
      tpu.wait_dma2 semaphore(%run_scoped3A : memref<!tpu.dma_semaphore, #tpu.memory_space<semaphore_mem>>) src(%dma_wait3A_776 : memref<80x128xf32, #tpu.memory_space<vmem_shared>>) dst(%dma_wait3A_774 : memref<80x128xf32, #tpu.memory_space<vmem>>)
      tpu.yield
    }) : () -> ()
    %dma_start3A_713 = arith.constant 80 : i32
    %dma_start3A_714 = arith.constant 0 : i32
    %dma_start3A_715 = tpu.memref_slice %arg8[%dma_start3A_713, %dma_start3A_714] : memref<200x128xf32, #tpu.memory_space<vmem>> -> memref<80x128xf32, #tpu.memory_space<vmem>>
    %dma_start3A_716 = arith.constant 0 : i32
    %dma_start3A_717 = tpu.memref_slice %arg5[%arg0, %add3A_696, %dma_start3A_716] : memref<2x10240x128xf32, #tpu.memory_space<hbm>> -> memref<1x80x128xf32, #tpu.memory_space<hbm>>
    %dma_start3A_718 = tpu.memref_squeeze %dma_start3A_717 : memref<1x80x128xf32, #tpu.memory_space<hbm>> -> memref<80x128xf32, #tpu.memory_space<hbm>>
    %dma_start3A_719 = arith.constant 0 : i32
    %dma_start3A_720 = tpu.memref_slice %arg5[%arg0, %add3A_696, %dma_start3A_719] : memref<2x10240x128xf32, #tpu.memory_space<hbm>> -> memref<1x80x128xf32, #tpu.memory_space<hbm>>
    %dma_start3A_721 = tpu.memref_squeeze %dma_start3A_720 : memref<1x80x128xf32, #tpu.memory_space<hbm>> -> memref<80x128xf32, #tpu.memory_space<hbm>>
    %dma_start3A_722 = arith.constant 80 : i32
    %dma_start3A_723 = arith.constant 0 : i32
    %dma_start3A_724 = tpu.memref_slice %arg8[%dma_start3A_722, %dma_start3A_723] : memref<200x128xf32, #tpu.memory_space<vmem>> -> memref<80x128xf32, #tpu.memory_space<vmem>>
    tpu.enqueue_dma source(%dma_start3A_724 : memref<80x128xf32, #tpu.memory_space<vmem>>) target(%dma_start3A_721 : memref<80x128xf32, #tpu.memory_space<hbm>>) target_semaphore(%arg11 : memref<!tpu.dma_semaphore, #tpu.memory_space<semaphore_mem>>)
    %mul3A_725 = arith.constant 640 : i32
    %mul3A_726 = arith.muli %arg1, %mul3A_725 : i32
    %add3A_727 = arith.constant 480 : i32
    %add3A_728 = arith.addi %mul3A_726, %add3A_727 : i32
    %dma_wait3A_729 = arith.constant 0 : i32
    %dma_wait3A_730 = arith.constant 0 : i32
    %dma_wait3A_731 = tpu.memref_slice %arg8[%dma_wait3A_729, %dma_wait3A_730] : memref<200x128xf32, #tpu.memory_space<vmem>> -> memref<80x128xf32, #tpu.memory_space<vmem>>
    %dma_wait3A_732 = arith.constant 0 : i32
    %dma_wait3A_733 = tpu.memref_slice %arg5[%arg0, %add3A_728, %dma_wait3A_732] : memref<2x10240x128xf32, #tpu.memory_space<hbm>> -> memref<1x80x128xf32, #tpu.memory_space<hbm>>
    %dma_wait3A_734 = tpu.memref_squeeze %dma_wait3A_733 : memref<1x80x128xf32, #tpu.memory_space<hbm>> -> memref<80x128xf32, #tpu.memory_space<hbm>>
    %dma_wait3A_735 = arith.constant 0 : i32
    %dma_wait3A_736 = tpu.memref_slice %arg5[%arg0, %add3A_728, %dma_wait3A_735] : memref<2x10240x128xf32, #tpu.memory_space<hbm>> -> memref<1x80x128xf32, #tpu.memory_space<hbm>>
    %dma_wait3A_737 = tpu.memref_squeeze %dma_wait3A_736 : memref<1x80x128xf32, #tpu.memory_space<hbm>> -> memref<80x128xf32, #tpu.memory_space<hbm>>
    %dma_wait3A_738 = arith.constant 0 : i32
    %dma_wait3A_739 = arith.constant 0 : i32
    %dma_wait3A_740 = tpu.memref_slice %arg8[%dma_wait3A_738, %dma_wait3A_739] : memref<200x128xf32, #tpu.memory_space<vmem>> -> memref<80x128xf32, #tpu.memory_space<vmem>>
    tpu.wait_dma2 semaphore(%arg10 : memref<!tpu.dma_semaphore, #tpu.memory_space<semaphore_mem>>) src(%dma_wait3A_740 : memref<80x128xf32, #tpu.memory_space<vmem>>) dst(%dma_wait3A_737 : memref<80x128xf32, #tpu.memory_space<hbm>>)
    %mul3A_741 = arith.constant 640 : i32
    %mul3A_742 = arith.muli %arg1, %mul3A_741 : i32
    %add3A_743 = arith.constant 560 : i32
    %add3A_744 = arith.addi %mul3A_742, %add3A_743 : i32
    %dma_wait3A_745 = arith.constant 80 : i32
    %dma_wait3A_746 = arith.constant 0 : i32
    %dma_wait3A_747 = tpu.memref_slice %arg8[%dma_wait3A_745, %dma_wait3A_746] : memref<200x128xf32, #tpu.memory_space<vmem>> -> memref<80x128xf32, #tpu.memory_space<vmem>>
    %dma_wait3A_748 = arith.constant 0 : i32
    %dma_wait3A_749 = tpu.memref_slice %arg5[%arg0, %add3A_744, %dma_wait3A_748] : memref<2x10240x128xf32, #tpu.memory_space<hbm>> -> memref<1x80x128xf32, #tpu.memory_space<hbm>>
    %dma_wait3A_750 = tpu.memref_squeeze %dma_wait3A_749 : memref<1x80x128xf32, #tpu.memory_space<hbm>> -> memref<80x128xf32, #tpu.memory_space<hbm>>
    %dma_wait3A_751 = arith.constant 0 : i32
    %dma_wait3A_752 = tpu.memref_slice %arg5[%arg0, %add3A_744, %dma_wait3A_751] : memref<2x10240x128xf32, #tpu.memory_space<hbm>> -> memref<1x80x128xf32, #tpu.memory_space<hbm>>
    %dma_wait3A_753 = tpu.memref_squeeze %dma_wait3A_752 : memref<1x80x128xf32, #tpu.memory_space<hbm>> -> memref<80x128xf32, #tpu.memory_space<hbm>>
    %dma_wait3A_754 = arith.constant 80 : i32
    %dma_wait3A_755 = arith.constant 0 : i32
    %dma_wait3A_756 = tpu.memref_slice %arg8[%dma_wait3A_754, %dma_wait3A_755] : memref<200x128xf32, #tpu.memory_space<vmem>> -> memref<80x128xf32, #tpu.memory_space<vmem>>
    tpu.wait_dma2 semaphore(%arg11 : memref<!tpu.dma_semaphore, #tpu.memory_space<semaphore_mem>>) src(%dma_wait3A_756 : memref<80x128xf32, #tpu.memory_space<vmem>>) dst(%dma_wait3A_753 : memref<80x128xf32, #tpu.memory_space<hbm>>)
    return
  }
}

module attributes {stable_mosaic.version = 14 : i64} {
  func.func @body(%arg0: i32, %arg1: memref<5000x128xf32, #tpu.memory_space<vmem>>, %arg2: memref<128x128xf32, #tpu.memory_space<vmem>>, %arg3: memref<1x128xf32, #tpu.memory_space<vmem>>, %arg4: memref<5000x128xf32, #tpu.memory_space<vmem>>) attributes {dimension_semantics = [#tpu.dimension_semantics<arbitrary>], iteration_bounds = array<i64: 2>, scalar_prefetch = 0 : i64, scratch_operands = 0 : i64, tpu.core_type = #tpu.core_type<tc>, window_params = [{transform_indices = @transform_0, window_bounds = array<i64: 5000, 128>}, {pipeline_mode = #tpu.pipeline_mode<synchronous>, transform_indices = @transform_1, window_bounds = array<i64: 128, 128>}, {pipeline_mode = #tpu.pipeline_mode<synchronous>, transform_indices = @transform_2, window_bounds = array<i64: 1, 128>}, {transform_indices = @transform_3, window_bounds = array<i64: 5000, 128>}]} {
    %get3A = arith.constant 0 : index
    %get3A_0 = arith.constant 0 : index
    %get3A_1 = vector.load %arg1[%get3A, %get3A_0] : memref<5000x128xf32, #tpu.memory_space<vmem>>, vector<5000x128xf32>
    %get3A_2 = arith.constant 0 : index
    %get3A_3 = arith.constant 0 : index
    %get3A_4 = vector.load %arg2[%get3A_2, %get3A_3] : memref<128x128xf32, #tpu.memory_space<vmem>>, vector<128x128xf32>
    %dot_general3A = arith.constant dense<0.000000e+00> : vector<5000x128xf32>
    %dot_general3A_5 = tpu.matmul %get3A_1, %get3A_4, %dot_general3A {dimension_numbers = #tpu.dot_dimension_numbers<[1], [0], [0], [1], [0, 0, 1, 1], [], []>, transpose_lhs_hint = false} : vector<5000x128xf32>, vector<128x128xf32>, vector<5000x128xf32> -> vector<5000x128xf32>
    %get3A_6 = arith.constant 0 : index
    %get3A_7 = arith.constant 0 : index
    %get3A_8 = vector.load %arg3[%get3A_6, %get3A_7] : memref<1x128xf32, #tpu.memory_space<vmem>>, vector<1x128xf32>
    %add3A = vector.broadcast %get3A_8 : vector<1x128xf32> to vector<5000x128xf32>
    %add3A_9 = arith.addf %dot_general3A_5, %add3A : vector<5000x128xf32>
    %swap3A = arith.constant 0 : index
    %swap3A_10 = arith.constant 0 : index
    %swap3A_11 = vector.load %arg4[%swap3A, %swap3A_10] : memref<5000x128xf32, #tpu.memory_space<vmem>>, vector<5000x128xf32>
    tpu.vector_store %arg4[%swap3A, %swap3A_10], %add3A_9 {strides = array<i32>} : memref<5000x128xf32, #tpu.memory_space<vmem>>, vector<5000x128xf32>,
    return
  }
  func.func @transform_0(%arg0: i32) -> (i32, i32) {
    %c0_i32 = arith.constant 0 : i32
    %c0_i32_0 = arith.constant 0 : i32
    return %arg0, %c0_i32 : i32, i32
  }
  func.func @transform_1(%arg0: i32) -> (i32, i32) {
    %c0_i32 = arith.constant 0 : i32
    %c0_i32_0 = arith.constant 0 : i32
    %c0_i32_1 = arith.constant 0 : i32
    return %c0_i32, %c0_i32_0 : i32, i32
  }
  func.func @transform_2(%arg0: i32) -> (i32, i32) {
    %c0_i32 = arith.constant 0 : i32
    %c0_i32_0 = arith.constant 0 : i32
    %c0_i32_1 = arith.constant 0 : i32
    return %c0_i32, %c0_i32_0 : i32, i32
  }
  func.func @transform_3(%arg0: i32) -> (i32, i32) {
    %c0_i32 = arith.constant 0 : i32
    %c0_i32_0 = arith.constant 0 : i32
    return %arg0, %c0_i32 : i32, i32
  }
}

module attributes {stable_mosaic.version = 14 : i64} {
  func.func @body(%arg0: i32, %arg1: memref<2x5000x128xf32, #tpu.memory_space<vmem>>, %arg2: memref<5000x128xf32, #tpu.memory_space<vmem>>, %arg3: memref<128x128xf32, #tpu.memory_space<vmem>>, %arg4: memref<5000x128xf32, #tpu.memory_space<vmem>>) attributes {dimension_semantics = [#tpu.dimension_semantics<arbitrary>], iteration_bounds = array<i64: 2>, scalar_prefetch = 0 : i64, scratch_operands = 0 : i64, tpu.core_type = #tpu.core_type<tc>, window_params = [{transform_indices = @transform_0, window_bounds = array<i64: 2, 5000, 128>}, {transform_indices = @transform_1, window_bounds = array<i64: 5000, 128>}, {pipeline_mode = #tpu.pipeline_mode<synchronous>, transform_indices = @transform_2, window_bounds = array<i64: 128, 128>}, {transform_indices = @transform_3, window_bounds = array<i64: 5000, 128>}]} {
    %get3A = arith.constant 0 : index
    %get3A_0 = arith.constant 0 : index
    %get3A_1 = arith.constant 0 : index
    %get3A_2 = vector.load %arg1[%get3A, %get3A_0, %get3A_1] : memref<2x5000x128xf32, #tpu.memory_space<vmem>>, vector<1x5000x128xf32>
    %get3A_3 = vector.shape_cast %get3A_2 : vector<1x5000x128xf32> to vector<5000x128xf32>
    %get3A_4 = arith.constant 1 : index
    %get3A_5 = arith.constant 0 : index
    %get3A_6 = arith.constant 0 : index
    %get3A_7 = vector.load %arg1[%get3A_4, %get3A_5, %get3A_6] : memref<2x5000x128xf32, #tpu.memory_space<vmem>>, vector<1x5000x128xf32>
    %get3A_8 = vector.shape_cast %get3A_7 : vector<1x5000x128xf32> to vector<5000x128xf32>
    %add3A = arith.addf %get3A_3, %get3A_8 : vector<5000x128xf32>
    %get3A_9 = arith.constant 0 : index
    %get3A_10 = arith.constant 0 : index
    %get3A_11 = vector.load %arg3[%get3A_9, %get3A_10] : memref<128x128xf32, #tpu.memory_space<vmem>>, vector<128x128xf32>
    %dot_general3A = arith.constant dense<0.000000e+00> : vector<5000x128xf32>
    %dot_general3A_12 = tpu.matmul %add3A, %get3A_11, %dot_general3A {dimension_numbers = #tpu.dot_dimension_numbers<[1], [0], [0], [1], [0, 0, 1, 1], [], []>, transpose_lhs_hint = false} : vector<5000x128xf32>, vector<128x128xf32>, vector<5000x128xf32> -> vector<5000x128xf32>
    %get3A_13 = arith.constant 0 : index
    %get3A_14 = arith.constant 0 : index
    %get3A_15 = vector.load %arg2[%get3A_13, %get3A_14] : memref<5000x128xf32, #tpu.memory_space<vmem>>, vector<5000x128xf32>
    %add3A_16 = arith.addf %dot_general3A_12, %get3A_15 : vector<5000x128xf32>
    %tanh3A = math.tanh %add3A_16 : vector<5000x128xf32>
    %swap3A = arith.constant 0 : index
    %swap3A_17 = arith.constant 0 : index
    %swap3A_18 = vector.load %arg4[%swap3A, %swap3A_17] : memref<5000x128xf32, #tpu.memory_space<vmem>>, vector<5000x128xf32>
    tpu.vector_store %arg4[%swap3A, %swap3A_17], %tanh3A {strides = array<i32>} : memref<5000x128xf32, #tpu.memory_space<vmem>>, vector<5000x128xf32>,
    return
  }
  func.func @transform_0(%arg0: i32) -> (i32, i32, i32) {
    %c0_i32 = arith.constant 0 : i32
    %c0_i32_0 = arith.constant 0 : i32
    %c0_i32_1 = arith.constant 0 : i32
    return %c0_i32, %arg0, %c0_i32_0 : i32, i32, i32
  }
  func.func @transform_1(%arg0: i32) -> (i32, i32) {
    %c0_i32 = arith.constant 0 : i32
    %c0_i32_0 = arith.constant 0 : i32
    return %arg0, %c0_i32 : i32, i32
  }
  func.func @transform_2(%arg0: i32) -> (i32, i32) {
    %c0_i32 = arith.constant 0 : i32
    %c0_i32_0 = arith.constant 0 : i32
    %c0_i32_1 = arith.constant 0 : i32
    return %c0_i32, %c0_i32_0 : i32, i32
  }
  func.func @transform_3(%arg0: i32) -> (i32, i32) {
    %c0_i32 = arith.constant 0 : i32
    %c0_i32_0 = arith.constant 0 : i32
    return %arg0, %c0_i32 : i32, i32
  }
}

module attributes {stable_mosaic.version = 14 : i64} {
  func.func @body(%arg0: i32, %arg1: memref<2x5000x128xf32, #tpu.memory_space<vmem>>, %arg2: memref<5000x128xf32, #tpu.memory_space<vmem>>, %arg3: memref<128x128xf32, #tpu.memory_space<vmem>>, %arg4: memref<128x64xf32, #tpu.memory_space<vmem>>, %arg5: memref<1x64xf32, #tpu.memory_space<vmem>>, %arg6: memref<5000x64xf32, #tpu.memory_space<vmem>>) attributes {dimension_semantics = [#tpu.dimension_semantics<arbitrary>], iteration_bounds = array<i64: 2>, scalar_prefetch = 0 : i64, scratch_operands = 0 : i64, tpu.core_type = #tpu.core_type<tc>, window_params = [{transform_indices = @transform_0, window_bounds = array<i64: 2, 5000, 128>}, {transform_indices = @transform_1, window_bounds = array<i64: 5000, 128>}, {pipeline_mode = #tpu.pipeline_mode<synchronous>, transform_indices = @transform_2, window_bounds = array<i64: 128, 128>}, {pipeline_mode = #tpu.pipeline_mode<synchronous>, transform_indices = @transform_3, window_bounds = array<i64: 128, 64>}, {pipeline_mode = #tpu.pipeline_mode<synchronous>, transform_indices = @transform_4, window_bounds = array<i64: 1, 64>}, {transform_indices = @transform_5, window_bounds = array<i64: 5000, 64>}]} {
    %get3A = arith.constant 0 : index
    %get3A_0 = arith.constant 0 : index
    %get3A_1 = arith.constant 0 : index
    %get3A_2 = vector.load %arg1[%get3A, %get3A_0, %get3A_1] : memref<2x5000x128xf32, #tpu.memory_space<vmem>>, vector<1x5000x128xf32>
    %get3A_3 = vector.shape_cast %get3A_2 : vector<1x5000x128xf32> to vector<5000x128xf32>
    %get3A_4 = arith.constant 1 : index
    %get3A_5 = arith.constant 0 : index
    %get3A_6 = arith.constant 0 : index
    %get3A_7 = vector.load %arg1[%get3A_4, %get3A_5, %get3A_6] : memref<2x5000x128xf32, #tpu.memory_space<vmem>>, vector<1x5000x128xf32>
    %get3A_8 = vector.shape_cast %get3A_7 : vector<1x5000x128xf32> to vector<5000x128xf32>
    %add3A = arith.addf %get3A_3, %get3A_8 : vector<5000x128xf32>
    %get3A_9 = arith.constant 0 : index
    %get3A_10 = arith.constant 0 : index
    %get3A_11 = vector.load %arg3[%get3A_9, %get3A_10] : memref<128x128xf32, #tpu.memory_space<vmem>>, vector<128x128xf32>
    %dot_general3A = arith.constant dense<0.000000e+00> : vector<5000x128xf32>
    %dot_general3A_12 = tpu.matmul %add3A, %get3A_11, %dot_general3A {dimension_numbers = #tpu.dot_dimension_numbers<[1], [0], [0], [1], [0, 0, 1, 1], [], []>, transpose_lhs_hint = false} : vector<5000x128xf32>, vector<128x128xf32>, vector<5000x128xf32> -> vector<5000x128xf32>
    %get3A_13 = arith.constant 0 : index
    %get3A_14 = arith.constant 0 : index
    %get3A_15 = vector.load %arg2[%get3A_13, %get3A_14] : memref<5000x128xf32, #tpu.memory_space<vmem>>, vector<5000x128xf32>
    %add3A_16 = arith.addf %dot_general3A_12, %get3A_15 : vector<5000x128xf32>
    %tanh3A = math.tanh %add3A_16 : vector<5000x128xf32>
    %get3A_17 = arith.constant 0 : index
    %get3A_18 = arith.constant 0 : index
    %get3A_19 = vector.load %arg4[%get3A_17, %get3A_18] : memref<128x64xf32, #tpu.memory_space<vmem>>, vector<128x64xf32>
    %dot_general3A_20 = arith.constant dense<0.000000e+00> : vector<5000x64xf32>
    %dot_general3A_21 = tpu.matmul %tanh3A, %get3A_19, %dot_general3A_20 {dimension_numbers = #tpu.dot_dimension_numbers<[1], [0], [0], [1], [0, 0, 1, 1], [], []>, transpose_lhs_hint = false} : vector<5000x128xf32>, vector<128x64xf32>, vector<5000x64xf32> -> vector<5000x64xf32>
    %get3A_22 = arith.constant 0 : index
    %get3A_23 = arith.constant 0 : index
    %get3A_24 = vector.load %arg5[%get3A_22, %get3A_23] : memref<1x64xf32, #tpu.memory_space<vmem>>, vector<1x64xf32>
    %add3A_25 = vector.broadcast %get3A_24 : vector<1x64xf32> to vector<5000x64xf32>
    %add3A_26 = arith.addf %dot_general3A_21, %add3A_25 : vector<5000x64xf32>
    %swap3A = arith.constant 0 : index
    %swap3A_27 = arith.constant 0 : index
    %swap3A_28 = vector.load %arg6[%swap3A, %swap3A_27] : memref<5000x64xf32, #tpu.memory_space<vmem>>, vector<5000x64xf32>
    tpu.vector_store %arg6[%swap3A, %swap3A_27], %add3A_26 {strides = array<i32>} : memref<5000x64xf32, #tpu.memory_space<vmem>>, vector<5000x64xf32>,
    return
  }
  func.func @transform_0(%arg0: i32) -> (i32, i32, i32) {
    %c0_i32 = arith.constant 0 : i32
    %c0_i32_0 = arith.constant 0 : i32
    %c0_i32_1 = arith.constant 0 : i32
    return %c0_i32, %arg0, %c0_i32_0 : i32, i32, i32
  }
  func.func @transform_1(%arg0: i32) -> (i32, i32) {
    %c0_i32 = arith.constant 0 : i32
    %c0_i32_0 = arith.constant 0 : i32
    return %arg0, %c0_i32 : i32, i32
  }
  func.func @transform_2(%arg0: i32) -> (i32, i32) {
    %c0_i32 = arith.constant 0 : i32
    %c0_i32_0 = arith.constant 0 : i32
    %c0_i32_1 = arith.constant 0 : i32
    return %c0_i32, %c0_i32_0 : i32, i32
  }
  func.func @transform_3(%arg0: i32) -> (i32, i32) {
    %c0_i32 = arith.constant 0 : i32
    %c0_i32_0 = arith.constant 0 : i32
    %c0_i32_1 = arith.constant 0 : i32
    return %c0_i32, %c0_i32_0 : i32, i32
  }
  func.func @transform_4(%arg0: i32) -> (i32, i32) {
    %c0_i32 = arith.constant 0 : i32
    %c0_i32_0 = arith.constant 0 : i32
    %c0_i32_1 = arith.constant 0 : i32
    return %c0_i32, %c0_i32_0 : i32, i32
  }
  func.func @transform_5(%arg0: i32) -> (i32, i32) {
    %c0_i32 = arith.constant 0 : i32
    %c0_i32_0 = arith.constant 0 : i32
    return %arg0, %c0_i32 : i32, i32
  }
}

</mosaic_0001>

<sc_bundles>
// kernel: kernel.11.cloned.1.call-start
scs
__scs_entry_jumppad:
0x0: {  	(pc) =	sbr.rel $0x88, $3  }
0x1: {  	(tag) =	ssettag $0x0;
	lr =	simm.s32 $0x1  }
0x2: {  	[smem:$0x3F97] =	sst lr;
	_ =	strace $0xD0000000  }
0x3: {  	_ = 	snop  }
0x4: {  	_ = 	snop  }
0x5: {  	_ = 	snop  }
0x6: {  	_ = 	snop  }
0x7: {  	_ = 	snop  }
__scs_overlays_trampoline_lowered:
0x8: {  	[smem:$0x3FA6] =	sst s0  }
0x9: {  	[smem:$0x3FA7] =	sst s1  }
0xa: {  	[smem:$0x3FA8] =	sst s2  }
0xb: {  	[smem:$0x3FA9] =	sst s3  }
0xc: {  	[smem:$0x3FAA] =	sst s4  }
0xd: {  	[smem:$0x3FAB] =	sst s5  }
0xe: {  	[smem:$0x3FAC] =	sst s6  }
0xf: {  	[smem:$0x3FAD] =	sst s7  }
0x10: {  	[smem:$0x3FAE] =	sst s8  }
0x11: {  	[smem:$0x3FAF] =	sst s9;
	s0 =	simm.s32 @!p0 $0x0  }
0x12: {  	s1 =	sld [smem:$0x3F95];
	s0 =	simm.s32 @p0 $0x1  }
0x13: {  	[smem:$0x3FB0] =	sst s0;
	s0 =	simm.s32 @!p1 $0x0  }
0x14: {  	s2 =	sld [smem:$0x3F94];
	s0 =	simm.s32 @p1 $0x1  }
0x15: {  	[smem:$0x3FB1] =	sst s0;
	s0 =	simm.s32 @!p2 $0x0  }
0x16: {  	s3 =	sld [smem:$0x3FDB];
	s0 =	simm.s32 @p2 $0x1  }
0x17: {  	s4 =	simm.s32 $0x1BF5;
	[smem:$0x3FB3] =	sst s0  }
0x18: {  	s0 =	sld [smem:$0x3F96];
	_ =	swait.ge [sflag:s4], $0x0  }
0x19: {  	s7 =	sld [smem:$0x3F97]  }
0x1a: {  	s8 =	sadd.s32 $0xFFFFE003, lr  }
0x1b: {  	s9 =	sadd.s32 $0xFFFFFEF7, lr;
	s5 =	simm.s32 $0xFFFFFFFF;
	p2 =	slt.u32 s8, $0xFFFFF086  }
0x1c: {  	p1 =	slt.u32 s9, $0xF7A;
	s5 =	simm.s32 @!p2 $0x0  }
0x1d: {  	s5 =	simm.s32 @p1 $0x1;
	p0 =	seq.s32 s7, s2  }
0x1e: {  	s7 =	smul.u32 @!p0 $0xF7A, s2;
	p2 =	seq.s32 @!p0 s5, $0x0  }
0x1f: {  	s9 =	smul.u32 $0xF7A, s1;
	s8 =	simm.s32 @!p0 $0x1BF5;
	p2 =	por !p2, p0  }
0x20: {  	[sflag:s8] =	ssyncset.s32 @!p0 $0xFFFFF086;
	s6 =	sadd.s32 @!p0 s3, s7;
	s7 =	simm.s32 @!p0 $0x108  }
0x21: {  	s3 =	sadd.s32 s3, s9;
	s6 =	sadd.s32 @!p0 $0x88, s6;
	s7 =	simm.s32 @p2 $0x1082  }
0x22: {  	[simem:s7], [sflag:s8] =	dma.local @!p0 [hbm:s6], $0xF7A  }
0x23: {  	s9 =	sor.u32 $0xD0000000, s2;
	s6 =	simm.s32 $0x108;
	_ =	swait.ge @!p0 [sflag:s8], $0x0  }
0x24: {  	s3 =	sadd.s32 $0x88, s3;
	s6 =	simm.s32 @!p1 $0x1082;
	[sflag:s4] =	ssyncset.s32 $0xFFFFF086  }
0x25: {  	[simem:s6], [sflag:s4] =	dma.local [hbm:s3], $0xF7A  }
0x26: {  	[smem:$0x3F97] =	sst s1;
	(tag) =	ssettag s2;
	_ =	strace s9  }
0x27: {  	s1 =	sld [smem:$0x3FA7]  }
0x28: {  	s2 =	sld [smem:$0x3FA8]  }
0x29: {  	s4 =	sld [smem:$0x3FAA]  }
0x2a: {  	p0 =	seq.s32 s5, $0x0;
	s5 =	sld [smem:$0x3FAB]  }
0x2b: {  	s6 =	sld [smem:$0x3FAC]  }
0x2c: {  	s7 =	sld [smem:$0x3FAD]  }
0x2d: {  	s3 =	simm.s32 $0x108;
	s8 =	sld [smem:$0x3FAE]  }
0x2e: {  	s3 =	simm.s32 @!p0 $0x1082;
	s9 =	sld [smem:$0x3FAF]  }
0x2f: {  	lr =	sadd.s32 s0, s3;
	s0 =	sld [smem:$0x3FA6]  }
0x30: {  	s3 =	sld [smem:$0x3FA9]  }
0x31: {  	[smem:$0x3FB2] =	sst s10  }
0x32: {  	s10 =	sld [smem:$0x3FB0];
	_ =	sdelay $0x3  }
0x33: {  	p0 =	seq.s32 s10, $0x1;
	s10 =	sld [smem:$0x3FB2];
	_ =	sdelay $0x3  }
0x34: {  	[smem:$0x3FB2] =	sst s10  }
0x35: {  	s10 =	sld [smem:$0x3FB1];
	_ =	sdelay $0x3  }
0x36: {  	p1 =	seq.s32 s10, $0x1;
	s10 =	sld [smem:$0x3FB2];
	_ =	sdelay $0x3  }
0x37: {  	[smem:$0x3FB2] =	sst s10  }
0x38: {  	s10 =	sld [smem:$0x3FB3]  }
0x39: {  	_ = 	snop;
	(pc) =	sbr.ind lr, $3  }
0x3a: {  	_ = 	snop  }
0x3b: {  	_ = 	snop  }
0x3c: {  	p2 =	seq.s32 s10, $0x1;
	s10 =	sld [smem:$0x3FB2]  }
0x3d: {  	_ =	shalt  }
0x3e: {  	_ =	shalt  }
0x3f: {  	_ =	shalt  }
0x40: {  	_ =	shalt  }
0x41: {  	_ =	shalt  }
0x42: {  	_ =	shalt  }
0x43: {  	_ =	shalt  }
0x44: {  	_ =	shalt  }
0x45: {  	_ =	shalt  }
0x46: {  	_ =	shalt  }
0x47: {  	_ =	shalt  }
0x48: {  	_ =	shalt  }
0x49: {  	_ =	shalt  }
0x4a: {  	_ =	shalt  }
0x4b: {  	_ =	shalt  }
0x4c: {  	_ =	shalt  }
0x4d: {  	_ =	shalt  }
0x4e: {  	_ =	shalt  }
0x4f: {  	_ =	shalt  }
0x50: {  	_ =	shalt  }
0x51: {  	_ =	shalt  }
0x52: {  	_ =	shalt  }
0x53: {  	_ =	shalt  }
0x54: {  	_ =	shalt  }
0x55: {  	_ =	shalt  }
0x56: {  	_ =	shalt  }
0x57: {  	_ =	shalt  }
0x58: {  	_ =	shalt  }
0x59: {  	_ =	shalt  }
0x5a: {  	_ =	shalt  }
0x5b: {  	_ =	shalt  }
0x5c: {  	_ =	shalt  }
0x5d: {  	_ =	shalt  }
0x5e: {  	_ =	shalt  }
0x5f: {  	_ =	shalt  }
0x60: {  	_ =	shalt  }
0x61: {  	_ =	shalt  }
0x62: {  	_ =	shalt  }
0x63: {  	_ =	shalt  }
0x64: {  	_ =	shalt  }
0x65: {  	_ =	shalt  }
0x66: {  	_ =	shalt  }
0x67: {  	_ =	shalt  }
0x68: {  	_ =	shalt  }
0x69: {  	_ =	shalt  }
0x6a: {  	_ =	shalt  }
0x6b: {  	_ =	shalt  }
0x6c: {  	_ =	shalt  }
0x6d: {  	_ =	shalt  }
0x6e: {  	_ =	shalt  }
0x6f: {  	_ =	shalt  }
0x70: {  	_ =	shalt  }
0x71: {  	_ =	shalt  }
0x72: {  	_ =	shalt  }
0x73: {  	_ =	shalt  }
0x74: {  	_ =	shalt  }
0x75: {  	_ =	shalt  }
0x76: {  	_ =	shalt  }
0x77: {  	_ =	shalt  }
0x78: {  	_ =	shalt  }
0x79: {  	_ =	shalt  }
0x7a: {  	_ =	shalt  }
0x7b: {  	_ =	shalt  }
0x7c: {  	_ =	shalt  }
0x7d: {  	_ =	shalt  }
0x7e: {  	_ =	shalt  }
0x7f: {  	_ =	shalt  }
0x80: {  	_ =	shalt  }
0x81: {  	_ =	shalt  }
0x82: {  	_ =	shalt  }
0x83: {  	_ =	shalt  }
0x84: {  	_ =	shalt  }
0x85: {  	_ =	shalt  }
0x86: {  	_ =	shalt  }
0x87: {  	_ =	shalt  }
.Lfunc_end0:
.L_simem_size_0:
called_computation.1_lowered:
.L_overlay_start_0:
0x88: {  	s2 =	sld [smem:$0x3FD9]  }
0x89: {  	s3 =	sld [smem:$0x3FFE];
	_ =	sdelay $0x1  }
0x8a: {  	s1 =	srdreg.scid  }
0x8b: {  	s0 =	sand.u32 $0x1, s1  }
0x8c: {  	s17 =	sshll.u32 s0, $0xA;
	s2 =	sadd.s32 s3, s2  }
0x8d: {  	s2 =	sadd.s32 s2, s17  }
0x8e: {  	[smem:$0x3FBE] =	sst s2  }
0x8f: {  	_ = 	snop  }
0x90: {  	s2 =	sld [smem:$0x3FD0];
	(tm) =	ssettm $0x1  }
0x91: {  	s18 =	sld [smem:$0x3FFB];
	_ =	sdelay $0x3  }
0x92: {  	_ =	strace s18  }
0x93: {  	s3 =	sld [smem:$0x3FFC];
	_ =	sdelay $0x3  }
0x94: {  	_ =	strace s3  }
0x95: {  	s3 =	sld [smem:$0x3FFD];
	_ =	sdelay $0x3  }
0x96: {  	_ =	strace s3  }
0x97: {  	_ =	strace $0x8FFFFFFF  }
0x98: {  	s19 =	sld [smem:$0x3FDB];
	_ =	sdelay $0x1  }
0x99: {  	s4 =	simm.s32 $_scs_section_size  }
0x9a: {  	s5 =	simm.s32 $_size__tile_overlayer_lowered;
	s6 =	simm.s32 $_tile_overlayer_lowered  }
0x9b: {  	s22 =	simm.s32 $0x1BFF;
	s21 =	sshll.u32 s6, $0x1;
	s3 =	sadd.s32 s4, s19  }
0x9c: {  	s7 =	simm.s32 $0x0;
	s20 =	sshll.u32 s5, $0x1;
	s5 =	sadd.s32 s21, s3  }
0x9d: {  	[timem:s7], [sflag:s22] =	dma.local [hbm:s5], s20  }
0x9e: {  	_ =	swait.ge [sflag:s22], s20  }
0x9f: {  	s4 =	ssub.s32 $0x0, s20;
	[sflag:s22] =	ssyncset.done $0x0  }
0xa0: {  	[sflag:s22] =	ssyncadd.s32 s4;
	_ =	sdelay $0x1  }
0xa1: {  	s23 =	simm.s32 $0x1B8B  }
0xa2: {  	_ =	swait.ge [sflag:s23], $0x1  }
0xa3: {  	[sflag:s23] =	ssyncset.done $0x0  }
0xa4: {  	s25 =	simm.s32 $0x1B8E;
	s24 =	sld [smem:$0x3FFE];
	[sflag:s23] =	ssyncadd.s32 $0xFFFFFFFF  }
0xa5: {  	s26 =	simm.s32 $execute0_lowered;
	[smem:$0x3FD2] =	sst s25  }
0xa6: {  	s5 =	sshll.u32 s26, $0x1;
	_ =	strace $0x80000049;
	[dreg:$0x1] =	wrdreg $0xFFFFFFFF  }
0xa7: {  	s28 =	simm.s32 $_size_execute0_lowered;
	s3 =	sadd.s32 s3, s5;
	[dreg:$0x0] =	wrdreg $0x0  }
0xa8: {  	s5 =	sshll.u32 s28, $0x1;
	[dreg:$0x2] =	wrdreg s3  }
0xa9: {  	[dreg:$0x3] =	wrdreg s5  }
0xaa: {  	[dreg:$0x4] =	wrdreg $0xC0  }
0xab: {  	_ =	task [dreg:s7], $0x5FFFF  }
0xac: {  	[dreg:$0x1] =	wrdreg $0xFFFFFFFF  }
0xad: {  	[dreg:$0x0] =	wrdreg $0x60  }
0xae: {  	[dreg:$0x2] =	wrdreg s24  }
0xaf: {  	[dreg:$0x3] =	wrdreg s2  }
0xb0: {  	[dreg:$0x4] =	wrdreg $0x84000  }
0xb1: {  	[dreg:$0x5] =	wrdreg $0x9  }
0xb2: {  	_ =	task.clear_ibuf [dreg:s7], $0x6FFFF;
	_ =	strace $0x90000049  }
0xb3: {  	s29 =	simm.s32 $0x9;
	_ =	strace $0x8000004B  }
0xb4: {  	_ =	swait.ge [sflag:s29], $0x1  }
0xb5: {  	[sflag:s29] =	ssyncadd.s32 $0xFFFFFFFF  }
0xb6: {  	_ =	strace $0x9000004B  }
0xb7: {  	_ =	sfence  }
0xb8: {  	s30 =	sld [smem:$0x0];
	_ =	sdelay $0x2  }
0xb9: {  	s31 =	sshll.u32 s1, $0xD;
	s1 =	sshrl.u32 s1, $0x2  }
0xba: {  	s3 =	sand.u32 $0x4000, s31;
	s1 =	sadd.s32 s1, s30  }
0xbb: {  	s0 =	sor.u32 s3, s0;
	s1 =	sshll.u32 s1, $0x11  }
0xbc: {  	s0 =	sor.u32 s1, s0  }
0xbd: {  	s0 =	sadd.s32 $0x8F2B, s0  }
0xbe: {  	[sflag:s0] =	ssyncadd.remote.s32 $0x1  }
0xbf: {  	_ =	sfence.sel $0xFFFF  }
0xc0: {  	[dreg:$0x0] =	wrdreg $0xFFFFFFFF;
	(pc) =	sbr.abs _section_cstart, $3  }
0xc1: {  	[dreg:$0x1] =	wrdreg $0xFFFFFFFF  }
0xc2: {  	_ =	task.clear_ibuf [dreg:s7], $0x2FFFF;
	_ =	strace $0x9FFFFFFF  }
0xc3: {  	(tm) =	ssettm $0x7FFFFFFF  }
tec
execute0_lowered:
.L_overlay_start_1:
0x0: {  	(tag) =	ssettag $0x1  }
0x1: {  	s0 =	rddreg [dreg:$0x0]  }
0x2: {  	s1 =	rddreg [dreg:$0x1]  }
0x3: {  	s2 =	rddreg [dreg:$0x2]  }
0x4: {  	s3 =	srdreg.scid;
	s4 =	simm.s32 $0x0;
	s11 =	stileid.u32  }
0x5: {  	s3 =	sand.u32 $0x1, s3;
	[smem:$0x7FF] =	sst s4;
	s6 =	sadd.s32 $0xBE00, s0  }
0x6: {  	s9 =	smul.u32 $0x50000, s11;
	s7 =	sadd.s32 $0x2000, s0;
	s0 =	sadd.s32 $0x33000, s0  }
0x7: {  	s5 =	sshll.u32 s3, $0x4;
	s8 =	ssub.s32 $0x2, s3;
	s3 =	smul.u32 $0x140000, s3  }
0x8: {  	s5 =	sor.u32 s11, s5;
	s10 =	sshrl.u32 s8, $0x1;
	s11 =	smul.u32 $0x14000, s11  }
0x9: {  	_ =	strace $0x8000004A;
	s5 =	smul.u32 $0x2710, s5;
	s8 =	ssub.s32 s8, s10  }
0xa: {  	s10 =	sor.u32 $0x2800, s11;
	s12 =	sadd.s32 $0x5000, s11;
	s13 =	sadd.s32 $0x7800, s11  }
0xb: {  	s14 =	sadd.s32 $0xA000, s11;
	s15 =	sadd.s32 $0xC800, s11;
	s16 =	sadd.s32 s11, s3  }
0xc: {  	s17 =	sadd.s32 $0xF000, s11;
	s11 =	sadd.s32 $0x11800, s11;
	s16 =	sshrl.u32 s16, $0x3  }
0xd: {  	s18 =	sadd.s32 s3, s10;
	s25 =	sadd.s32 s3, s12;
	s26 =	sadd.s32 s3, s13  }
0xe: {  	s19 =	sadd.s32 s3, s14;
	s22 =	sadd.s32 s3, s17;
	s16 =	sadd.s32 s0, s16  }
0xf: {  	s24 =	sshrl.u32 s18, $0x3;
	s18 =	sshrl.u32 s26, $0x3;
	s20 =	sshrl.u32 s19, $0x3  }
0x10: {  	s19 =	sadd.s32 s12, s2;
	s12 =	sadd.s32 s11, s2;
	[dreg:$0x4] =	wrdreg s16  }
0x11: {  	s16 =	sadd.s32 s0, s24;
	s18 =	sadd.s32 s0, s18;
	[dreg:$0x12] =	wrdreg s12  }
0x12: {  	s24 =	sshrl.u32 s5, $0x3;
	[dreg:$0x5] =	wrdreg s16;
	s16 =	sshrl.u32 s25, $0x3  }
0x13: {  	[dreg:$0x7] =	wrdreg s18;
	s25 =	sshrl.u32 s9, $0x2;
	s26 =	sadd.s32 s7, s24  }
0x14: {  	s9 =	sadd.s32 s10, s2;
	s10 =	sadd.s32 s17, s2;
	[dreg:$0xc] =	wrdreg s26  }
0x15: {  	s18 =	sshrl.u32 s22, $0x3;
	s22 =	sadd.s32 s14, s2;
	[dreg:$0x11] =	wrdreg s10  }
0x16: {  	s16 =	sadd.s32 s0, s16;
	[dreg:$0xf] =	wrdreg s22  }
0x17: {  	s28 =	simm.s32 $0x2;
	s23 =	sadd.s32 s0, s18;
	[dreg:$0x6] =	wrdreg s16  }
0x18: {  	s29 =	simm.s32 $0x3;
	s16 =	sadd.s32 s0, s20;
	[dreg:$0xa] =	wrdreg s23  }
0x19: {  	s20 =	sadd.s32 s13, s2;
	s13 =	smax.u32 s8, $0x1;
	[dreg:$0x8] =	wrdreg s16  }
0x1a: {  	s21 =	sadd.s32 s3, s15;
	s3 =	sadd.s32 s3, s11;
	[dreg:$0x13] =	wrdreg s13  }
0x1b: {  	s23 =	sadd.s32 s15, s2;
	s16 =	sshrl.u32 s21, $0x3;
	[dreg:$0xe] =	wrdreg s20  }
0x1c: {  	s3 =	sshrl.u32 s3, $0x3;
	[dreg:$0x10] =	wrdreg s23;
	s16 =	sadd.s32 s0, s16  }
0x1d: {  	s21 =	sadd.s32 s25, s2;
	s0 =	sadd.s32 s0, s3;
	[dreg:$0x9] =	wrdreg s16  }
0x1e: {  	s30 =	simm.s32 $0x4;
	s14 =	sadd.s32 $0x1400, s21;
	[dreg:$0xb] =	wrdreg s0  }
0x1f: {  	s31 =	simm.s32 $0x0;
	s15 =	sadd.s32 $0x3C00, s21;
	[dreg:$0x14] =	wrdreg s14  }
0x20: {  	s11 =	simm.s32 $0x28;
	s17 =	sadd.s32 $0x8C00, s21;
	[dreg:$0x15] =	wrdreg s15  }
0x21: {  	s12 =	simm.s32 $0x2000;
	s18 =	sadd.s32 $0xB400, s21;
	[dreg:$0x17] =	wrdreg s17  }
0x22: {  	s10 =	simm.s32 $0x8;
	s25 =	sadd.s32 $0x10400, s21;
	[dreg:$0x18] =	wrdreg s18  }
0x23: {  	s13 =	simm.s32 $0x3400;
	s26 =	sadd.s32 $0x12C00, s21;
	[dreg:$0x1a] =	wrdreg s25  }
0x24: {  	s0 =	sadd.s32 s1, s24;
	s16 =	sadd.s32 $0x6400, s21;
	[dreg:$0x1b] =	wrdreg s26  }
0x25: {  	s24 =	sadd.s32 $0xDC00, s21;
	s14 =	simm.s32 $0x4800;
	[dreg:$0xd] =	wrdreg s0  }
0x26: {  	s15 =	simm.s32 $0x5C00;
	s17 =	simm.s32 $0x5;
	[dreg:$0x16] =	wrdreg s16  }
0x27: {  	v0 =	vimm.f32 $0.0e+00;
	s26 =	simm.s32 $0x1;
	[dreg:$0x19] =	wrdreg s24;
	s16 =	simm.s32 $0x7000  }
.LBB2_1:
0x28: {  	s0 =	rddreg [dreg:$0xc]  }
0x29: {  	[tilespmem:s4], [sflag:$0x8] =	stream.linear.gather [hbm4b:s0+s4], $0x7D0, $0x38;
	[tilespmem:$0x1C400] =	vst v63  }
0x2a: {  	_ =	swait.ge [sflag:s10], $0x7D0  }
0x2b: {  	[sflag:s10] =	ssyncset.done $0x0  }
0x2c: {  	s3 =	simm.s32 $0x1000;
	s18 =	rddreg [dreg:$0xd];
	[sflag:s10] =	ssyncadd.s32 $0xFFFFF830  }
0x2d: {  	[tilespmem:s3], [sflag:$0x8] =	stream.linear.gather [hbm4b:s18+s4], $0x7D0, $0x38;
	[tilespmem:$0x1C400] =	vst v63  }
0x2e: {  	_ =	swait.ge [sflag:s10], $0x7D0  }
0x2f: {  	[sflag:s10] =	ssyncset.done $0x0  }
0x30: {  	[sflag:s10] =	ssyncadd.s32 $0xFFFFF830  }
0x31: {  	[tilespmem:s12], [sflag:$0x1] =	stream.indirect.gather [hbm4b:s6+s11], $0x80, s4, s11, $0xb8;
	[tilespmem:$0x1C400] =	vst v63  }
0x32: {  	_ = 	snop  }
0x33: {  	[tilespmem:s13], [sflag:$0x2] =	stream.indirect.gather [hbm4b:s6+s11], $0x80, s11, s11, $0xb8;
	[tilespmem:$0x1C400] =	vst v63  }
0x34: {  	s24 =	simm.s32 $0x50  }
0x35: {  	[tilespmem:s14], [sflag:$0x3] =	stream.indirect.gather [hbm4b:s6+s11], $0x80, s24, s11, $0xb8;
	[tilespmem:$0x1C400] =	vst v63  }
0x36: {  	s25 =	simm.s32 $0x78;
	s0 =	simm.s32 $0x0;
	s3 =	simm.s32 $0x200  }
0x37: {  	[tilespmem:s15], [sflag:$0x4] =	stream.indirect.gather [hbm4b:s6+s11], $0x80, s25, s11, $0xb8;
	[tilespmem:$0x1C400] =	vst v63  }
.LBB2_2:
0x38: {  	p0 =	sne.s32 s3, $0x4E00;
	[tilespmem:s0+$0x7070] =	vst v0  }
0x39: {  	[tilespmem:s0+$0x7000] =	vst v0  }
0x3a: {  	[tilespmem:s0+$0x7010] =	vst v0  }
.Ltmp0:
0x3b: {  	[tilespmem:s0+$0x7020] =	vst v0;
	(pc) =	sbr.rel @p0 .LBB2_2-.Ltmp0, $4  }
0x3c: {  	[tilespmem:s0+$0x7030] =	vst v0  }
0x3d: {  	[tilespmem:s0+$0x7040] =	vst v0  }
0x3e: {  	[tilespmem:s0+$0x7050] =	vst v0  }
0x3f: {  	[tilespmem:s0+$0x7060] =	vst v0;
	s0 =	sshra.s32 s3, $0x2;
	s3 =	sadd.s32 $0x200, s3  }
0x40: {  	[tilespmem:s0+$0x7070] =	vst v0  }
0x41: {  	[tilespmem:s0+$0x7000] =	vst v0  }
0x42: {  	[tilespmem:s0+$0x7010] =	vst v0  }
0x43: {  	[tilespmem:s0+$0x7020] =	vst v0  }
0x44: {  	[tilespmem:s0+$0x7030] =	vst v0  }
0x45: {  	[tilespmem:s0+$0x7040] =	vst v0  }
0x46: {  	[tilespmem:s0+$0x7050] =	vst v0  }
0x47: {  	[tilespmem:s0+$0x7060] =	vst v0  }
0x48: {  	[spmem:s21] =	stream.linear.scatter [tilespmem:s16], [sflag:$0x5], $0x1400, $0x38;
	[tilespmem:$0x1C400] =	vst v63  }
0x49: {  	s8 =	rddreg [dreg:$0x14]  }
0x4a: {  	[spmem:s8] =	stream.linear.scatter [tilespmem:s16], [sflag:$0x5], $0x1400, $0x38;
	[tilespmem:$0x1C400] =	vst v63  }
0x4b: {  	_ = 	snop  }
0x4c: {  	[spmem:s9] =	stream.linear.scatter [tilespmem:s16], [sflag:$0x5], $0x1400, $0x38;
	[tilespmem:$0x1C400] =	vst v63  }
0x4d: {  	s24 =	smov.u32 s9;
	s9 =	rddreg [dreg:$0x15]  }
0x4e: {  	[spmem:s9] =	stream.linear.scatter [tilespmem:s16], [sflag:$0x5], $0x1400, $0x38;
	[tilespmem:$0x1C400] =	vst v63  }
0x4f: {  	_ = 	snop  }
0x50: {  	[spmem:s19] =	stream.linear.scatter [tilespmem:s16], [sflag:$0x5], $0x1400, $0x38;
	[tilespmem:$0x1C400] =	vst v63  }
0x51: {  	s18 =	smov.u32 s21;
	s21 =	rddreg [dreg:$0x16]  }
0x52: {  	[spmem:s21] =	stream.linear.scatter [tilespmem:s16], [sflag:$0x5], $0x1400, $0x38;
	[tilespmem:$0x1C400] =	vst v63  }
0x53: {  	_ = 	snop  }
0x54: {  	[spmem:s20] =	stream.linear.scatter [tilespmem:s16], [sflag:$0x5], $0x1400, $0x38;
	[tilespmem:$0x1C400] =	vst v63  }
0x55: {  	s3 =	rddreg [dreg:$0x17]  }
0x56: {  	[spmem:s3] =	stream.linear.scatter [tilespmem:s16], [sflag:$0x5], $0x1400, $0x38;
	[tilespmem:$0x1C400] =	vst v63  }
0x57: {  	_ = 	snop  }
0x58: {  	[spmem:s22] =	stream.linear.scatter [tilespmem:s16], [sflag:$0x5], $0x1400, $0x38;
	[tilespmem:$0x1C400] =	vst v63  }
0x59: {  	s8 =	rddreg [dreg:$0x18]  }
0x5a: {  	[spmem:s8] =	stream.linear.scatter [tilespmem:s16], [sflag:$0x5], $0x1400, $0x38;
	[tilespmem:$0x1C400] =	vst v63  }
0x5b: {  	_ = 	snop  }
0x5c: {  	[spmem:s23] =	stream.linear.scatter [tilespmem:s16], [sflag:$0x5], $0x1400, $0x38;
	[tilespmem:$0x1C400] =	vst v63  }
0x5d: {  	s9 =	rddreg [dreg:$0x19]  }
0x5e: {  	[spmem:s9] =	stream.linear.scatter [tilespmem:s16], [sflag:$0x5], $0x1400, $0x38;
	[tilespmem:$0x1C400] =	vst v63  }
0x5f: {  	s25 =	smov.u32 s19;
	s19 =	rddreg [dreg:$0x11]  }
0x60: {  	[spmem:s19] =	stream.linear.scatter [tilespmem:s16], [sflag:$0x5], $0x1400, $0x38;
	[tilespmem:$0x1C400] =	vst v63  }
0x61: {  	s20 =	rddreg [dreg:$0x1a]  }
0x62: {  	[spmem:s20] =	stream.linear.scatter [tilespmem:s16], [sflag:$0x5], $0x1400, $0x38;
	[tilespmem:$0x1C400] =	vst v63  }
0x63: {  	s21 =	rddreg [dreg:$0x12]  }
0x64: {  	[spmem:s21] =	stream.linear.scatter [tilespmem:s16], [sflag:$0x5], $0x1400, $0x38;
	[tilespmem:$0x1C400] =	vst v63  }
0x65: {  	s22 =	rddreg [dreg:$0x1b]  }
0x66: {  	[spmem:s22] =	stream.linear.scatter [tilespmem:s16], [sflag:$0x5], $0x1400, $0x38;
	[tilespmem:$0x1C400] =	vst v63  }
0x67: {  	_ =	swait.ge [sflag:s17], $0x1400  }
0x68: {  	[sflag:s17] =	ssyncset.done $0x0  }
0x69: {  	[sflag:s17] =	ssyncadd.s32 $0xFFFFEC00  }
0x6a: {  	_ =	swait.ge [sflag:s17], $0x1400  }
0x6b: {  	[sflag:s17] =	ssyncset.done $0x0  }
0x6c: {  	[sflag:s17] =	ssyncadd.s32 $0xFFFFEC00  }
0x6d: {  	_ =	swait.ge [sflag:s17], $0x1400  }
0x6e: {  	[sflag:s17] =	ssyncset.done $0x0  }
0x6f: {  	[sflag:s17] =	ssyncadd.s32 $0xFFFFEC00  }
0x70: {  	_ =	swait.ge [sflag:s17], $0x1400  }
0x71: {  	[sflag:s17] =	ssyncset.done $0x0  }
0x72: {  	[sflag:s17] =	ssyncadd.s32 $0xFFFFEC00  }
0x73: {  	_ =	swait.ge [sflag:s17], $0x1400  }
0x74: {  	[sflag:s17] =	ssyncset.done $0x0  }
0x75: {  	[sflag:s17] =	ssyncadd.s32 $0xFFFFEC00  }
0x76: {  	_ =	swait.ge [sflag:s17], $0x1400  }
0x77: {  	[sflag:s17] =	ssyncset.done $0x0  }
0x78: {  	[sflag:s17] =	ssyncadd.s32 $0xFFFFEC00  }
0x79: {  	_ =	swait.ge [sflag:s17], $0x1400  }
0x7a: {  	[sflag:s17] =	ssyncset.done $0x0  }
0x7b: {  	[sflag:s17] =	ssyncadd.s32 $0xFFFFEC00  }
0x7c: {  	_ =	swait.ge [sflag:s17], $0x1400  }
0x7d: {  	[sflag:s17] =	ssyncset.done $0x0  }
0x7e: {  	[sflag:s17] =	ssyncadd.s32 $0xFFFFEC00  }
0x7f: {  	_ =	swait.ge [sflag:s17], $0x1400  }
0x80: {  	[sflag:s17] =	ssyncset.done $0x0  }
0x81: {  	[sflag:s17] =	ssyncadd.s32 $0xFFFFEC00  }
0x82: {  	_ =	swait.ge [sflag:s17], $0x1400  }
0x83: {  	[sflag:s17] =	ssyncset.done $0x0  }
0x84: {  	[sflag:s17] =	ssyncadd.s32 $0xFFFFEC00  }
0x85: {  	_ =	swait.ge [sflag:s17], $0x1400  }
0x86: {  	[sflag:s17] =	ssyncset.done $0x0  }
0x87: {  	[sflag:s17] =	ssyncadd.s32 $0xFFFFEC00  }
0x88: {  	_ =	swait.ge [sflag:s17], $0x1400  }
0x89: {  	[sflag:s17] =	ssyncset.done $0x0  }
0x8a: {  	[sflag:s17] =	ssyncadd.s32 $0xFFFFEC00  }
0x8b: {  	_ =	swait.ge [sflag:s17], $0x1400  }
0x8c: {  	[sflag:s17] =	ssyncset.done $0x0  }
0x8d: {  	[sflag:s17] =	ssyncadd.s32 $0xFFFFEC00  }
0x8e: {  	_ =	swait.ge [sflag:s17], $0x1400  }
0x8f: {  	[sflag:s17] =	ssyncset.done $0x0  }
0x90: {  	[sflag:s17] =	ssyncadd.s32 $0xFFFFEC00  }
0x91: {  	_ =	swait.ge [sflag:s17], $0x1400  }
0x92: {  	[sflag:s17] =	ssyncset.done $0x0  }
0x93: {  	[sflag:s17] =	ssyncadd.s32 $0xFFFFEC00  }
0x94: {  	_ =	swait.ge [sflag:s17], $0x1400  }
0x95: {  	[sflag:s17] =	ssyncset.done $0x0  }
0x96: {  	s23 =	simm.s32 $0xA0;
	[sflag:s17] =	ssyncadd.s32 $0xFFFFEC00  }
0x97: {  	[tilespmem:s16], [sflag:$0x5] =	stream.indirect.gather [hbm4b:s6+s11], $0x80, s23, s11, $0xb8;
	[tilespmem:$0x1C400] =	vst v63  }
0x98: {  	s0 =	simm.s32 $0x0;
	p0 =	por $0x0, $0x0;
	[bflag:$0x0] =	sbarrier.arrive $0xFFFF  }
.LBB2_4:
0x99: {  	s3 =	smov.u32 s0  }
0x9a: {  	s0 =	sadd.s32 $0x1, s0;
	p1 =	seq.s32 s3, $0x4  }
0x9b: {  	s9 =	smul.u32 @!p1 $0x7D0, s0  }
0x9c: {  	s8 =	sand.u32 $0x1, s3  }
0x9d: {  	s3 =	sxor.u32 $0x1, s8;
	s9 =	sadd.s32 @!p1 s5, s9  }
0x9e: {  	s19 =	simm.s32 $0x1;
	s20 =	smul.u32 @!p1 $0x7D0, s3;
	s9 =	sshrl.u32 @!p1 s9, $0x3  }
0x9f: {  	s19 =	simm.s32 @!p0 $0x0;
	s22 =	simm.s32 @!p1 $0x0;
	s21 =	sadd.s32 @!p1 s7, s9  }
0xa0: {  	[tilespmem:s20], [sflag:$0x6] =	stream.linear.gather @!p1 [hbm4b:s21+s22], $0x7D0, $0x38;
	[tilespmem:$0x1C400] =	vst v63  }
0xa1: {  	s19 =	smul.u32 $0x1F40, s19;
	s9 =	sadd.s32 @!p1 s1, s9;
	s20 =	sor.u32 @!p1 $0x1000, s20  }
0xa2: {  	[tilespmem:s20], [sflag:$0x7] =	stream.linear.gather @!p1 [hbm4b:s9+s22], $0x7D0, $0x38;
	[tilespmem:$0x1C400] =	vst v63  }
0xa3: {  	s9 =	sshrl.u32 s19, $0x2;
	_ =	swait.ge [sflag:s26], $0x1400  }
0xa4: {  	s19 =	sor.u32 $0x1000, s9;
	[sflag:s26] =	ssyncset.done $0x0  }
0xa5: {  	s20 =	sadd.s32 $0x0, s19;
	[sflag:s26] =	ssyncadd.s32 $0xFFFFEC00  }
0xa6: {  	[spmem:s2] =	stream.indirect.scatter.add.f32 [tilespmem:s12], [sflag:$0x8], $0x80, s20, s11, $0xb8;
	[tilespmem:$0x1C400] =	vst v63  }
0xa7: {  	_ =	swait.ge [sflag:s10], $0x1400  }
0xa8: {  	s21 =	sadd.s32 $0x0, s9;
	[sflag:s10] =	ssyncset.done $0x0  }
0xa9: {  	s23 =	sadd.s32 $0xC8, s21;
	[sflag:s10] =	ssyncadd.s32 $0xFFFFEC00  }
0xaa: {  	[tilespmem:s12], [sflag:$0x1] =	stream.indirect.gather [hbm4b:s6+s11], $0x80, s23, s11, $0xb8;
	[tilespmem:$0x1C400] =	vst v63  }
0xab: {  	_ =	swait.ge [sflag:s28], $0x1400  }
0xac: {  	[sflag:s28] =	ssyncset.done $0x0  }
0xad: {  	s23 =	sadd.s32 $0x28, s20;
	[sflag:s28] =	ssyncadd.s32 $0xFFFFEC00  }
0xae: {  	[spmem:s2] =	stream.indirect.scatter.add.f32 [tilespmem:s13], [sflag:$0x8], $0x80, s23, s11, $0xb8;
	[tilespmem:$0x1C400] =	vst v63  }
0xaf: {  	_ =	swait.ge [sflag:s10], $0x1400  }
0xb0: {  	[sflag:s10] =	ssyncset.done $0x0  }
0xb1: {  	s23 =	sadd.s32 $0xF0, s21;
	[sflag:s10] =	ssyncadd.s32 $0xFFFFEC00  }
0xb2: {  	[tilespmem:s13], [sflag:$0x2] =	stream.indirect.gather [hbm4b:s6+s11], $0x80, s23, s11, $0xb8;
	[tilespmem:$0x1C400] =	vst v63  }
0xb3: {  	_ =	swait.ge [sflag:s29], $0x1400  }
0xb4: {  	[sflag:s29] =	ssyncset.done $0x0  }
0xb5: {  	s23 =	sadd.s32 $0x50, s20;
	[sflag:s29] =	ssyncadd.s32 $0xFFFFEC00  }
0xb6: {  	[spmem:s2] =	stream.indirect.scatter.add.f32 [tilespmem:s14], [sflag:$0x8], $0x80, s23, s11, $0xb8;
	[tilespmem:$0x1C400] =	vst v63  }
0xb7: {  	_ =	swait.ge [sflag:s10], $0x1400  }
0xb8: {  	[sflag:s10] =	ssyncset.done $0x0  }
0xb9: {  	s23 =	sadd.s32 $0x118, s21;
	[sflag:s10] =	ssyncadd.s32 $0xFFFFEC00  }
0xba: {  	[tilespmem:s14], [sflag:$0x3] =	stream.indirect.gather [hbm4b:s6+s11], $0x80, s23, s11, $0xb8;
	[tilespmem:$0x1C400] =	vst v63  }
0xbb: {  	_ =	swait.ge [sflag:s30], $0x1400  }
0xbc: {  	[sflag:s30] =	ssyncset.done $0x0  }
0xbd: {  	s23 =	sadd.s32 $0x78, s20;
	[sflag:s30] =	ssyncadd.s32 $0xFFFFEC00  }
0xbe: {  	[spmem:s2] =	stream.indirect.scatter.add.f32 [tilespmem:s15], [sflag:$0x8], $0x80, s23, s11, $0xb8;
	[tilespmem:$0x1C400] =	vst v63  }
0xbf: {  	_ =	swait.ge [sflag:s10], $0x1400  }
0xc0: {  	[sflag:s10] =	ssyncset.done $0x0  }
0xc1: {  	s23 =	sadd.s32 $0x140, s21;
	[sflag:s10] =	ssyncadd.s32 $0xFFFFEC00  }
0xc2: {  	[tilespmem:s15], [sflag:$0x4] =	stream.indirect.gather [hbm4b:s6+s11], $0x80, s23, s11, $0xb8;
	[tilespmem:$0x1C400] =	vst v63  }
0xc3: {  	_ =	swait.ge [sflag:s17], $0x1400  }
0xc4: {  	[sflag:s17] =	ssyncset.done $0x0  }
0xc5: {  	s20 =	sadd.s32 $0xA0, s20;
	[sflag:s17] =	ssyncadd.s32 $0xFFFFEC00  }
0xc6: {  	[spmem:s2] =	stream.indirect.scatter.add.f32 [tilespmem:s16], [sflag:$0x8], $0x80, s20, s11, $0xb8;
	[tilespmem:$0x1C400] =	vst v63  }
0xc7: {  	_ =	swait.ge [sflag:s10], $0x1400  }
0xc8: {  	[sflag:s10] =	ssyncset.done $0x0  }
0xc9: {  	s21 =	sadd.s32 $0x168, s21;
	s20 =	simm.s32 $0x320;
	[sflag:s10] =	ssyncadd.s32 $0xFFFFEC00  }
.LBB2_5:
0xca: {  	[tilespmem:s16], [sflag:$0x5] =	stream.indirect.gather [hbm4b:s6+s11], $0x80, s21, s11, $0xb8;
	[tilespmem:$0x1C400] =	vst v63  }
0xcb: {  	s21 =	smov.u32 s20  }
0xcc: {  	p2 =	sne.s32 s20, $0x1900;
	s20 =	sadd.s32 $0x320, s20;
	_ =	swait.ge [sflag:s26], $0x1400  }
0xcd: {  	s21 =	sshra.s32 s21, $0x2;
	[sflag:s26] =	ssyncset.done $0x0  }
0xce: {  	s22 =	sadd.s32 s21, s19;
	s21 =	sadd.s32 s21, s9;
	[sflag:s26] =	ssyncadd.s32 $0xFFFFEC00  }
0xcf: {  	[spmem:s2] =	stream.indirect.scatter.add.f32 [tilespmem:s12], [sflag:$0x8], $0x80, s22, s11, $0xb8;
	[tilespmem:$0x1C400] =	vst v63  }
0xd0: {  	_ =	swait.ge [sflag:s10], $0x1400  }
0xd1: {  	[sflag:s10] =	ssyncset.done $0x0  }
0xd2: {  	s23 =	sadd.s32 $0xC8, s21;
	[sflag:s10] =	ssyncadd.s32 $0xFFFFEC00  }
0xd3: {  	[tilespmem:s12], [sflag:$0x1] =	stream.indirect.gather [hbm4b:s6+s11], $0x80, s23, s11, $0xb8;
	[tilespmem:$0x1C400] =	vst v63  }
0xd4: {  	_ =	swait.ge [sflag:s28], $0x1400  }
0xd5: {  	[sflag:s28] =	ssyncset.done $0x0  }
0xd6: {  	s23 =	sadd.s32 $0x28, s22;
	[sflag:s28] =	ssyncadd.s32 $0xFFFFEC00  }
0xd7: {  	[spmem:s2] =	stream.indirect.scatter.add.f32 [tilespmem:s13], [sflag:$0x8], $0x80, s23, s11, $0xb8;
	[tilespmem:$0x1C400] =	vst v63  }
0xd8: {  	_ =	swait.ge [sflag:s10], $0x1400  }
0xd9: {  	[sflag:s10] =	ssyncset.done $0x0  }
0xda: {  	s23 =	sadd.s32 $0xF0, s21;
	[sflag:s10] =	ssyncadd.s32 $0xFFFFEC00  }
0xdb: {  	[tilespmem:s13], [sflag:$0x2] =	stream.indirect.gather [hbm4b:s6+s11], $0x80, s23, s11, $0xb8;
	[tilespmem:$0x1C400] =	vst v63  }
0xdc: {  	_ =	swait.ge [sflag:s29], $0x1400  }
0xdd: {  	[sflag:s29] =	ssyncset.done $0x0  }
0xde: {  	s23 =	sadd.s32 $0x50, s22;
	[sflag:s29] =	ssyncadd.s32 $0xFFFFEC00  }
0xdf: {  	[spmem:s2] =	stream.indirect.scatter.add.f32 [tilespmem:s14], [sflag:$0x8], $0x80, s23, s11, $0xb8;
	[tilespmem:$0x1C400] =	vst v63  }
0xe0: {  	_ =	swait.ge [sflag:s10], $0x1400  }
0xe1: {  	[sflag:s10] =	ssyncset.done $0x0  }
0xe2: {  	s23 =	sadd.s32 $0x118, s21;
	[sflag:s10] =	ssyncadd.s32 $0xFFFFEC00  }
0xe3: {  	[tilespmem:s14], [sflag:$0x3] =	stream.indirect.gather [hbm4b:s6+s11], $0x80, s23, s11, $0xb8;
	[tilespmem:$0x1C400] =	vst v63  }
0xe4: {  	_ =	swait.ge [sflag:s30], $0x1400  }
0xe5: {  	[sflag:s30] =	ssyncset.done $0x0  }
0xe6: {  	s23 =	sadd.s32 $0x78, s22;
	[sflag:s30] =	ssyncadd.s32 $0xFFFFEC00  }
0xe7: {  	[spmem:s2] =	stream.indirect.scatter.add.f32 [tilespmem:s15], [sflag:$0x8], $0x80, s23, s11, $0xb8;
	[tilespmem:$0x1C400] =	vst v63  }
0xe8: {  	_ =	swait.ge [sflag:s10], $0x1400  }
0xe9: {  	[sflag:s10] =	ssyncset.done $0x0  }
0xea: {  	s23 =	sadd.s32 $0x140, s21;
	[sflag:s10] =	ssyncadd.s32 $0xFFFFEC00  }
0xeb: {  	[tilespmem:s15], [sflag:$0x4] =	stream.indirect.gather [hbm4b:s6+s11], $0x80, s23, s11, $0xb8;
	[tilespmem:$0x1C400] =	vst v63  }
0xec: {  	_ =	swait.ge [sflag:s17], $0x1400  }
0xed: {  	[sflag:s17] =	ssyncset.done $0x0  }
.Ltmp1:
0xee: {  	s22 =	sadd.s32 $0xA0, s22;
	[sflag:s17] =	ssyncadd.s32 $0xFFFFEC00;
	(pc) =	sbr.rel @p2 .LBB2_5-.Ltmp1, $4  }
0xef: {  	[spmem:s2] =	stream.indirect.scatter.add.f32 [tilespmem:s16], [sflag:$0x8], $0x80, s22, s11, $0xb8;
	[tilespmem:$0x1C400] =	vst v63  }
0xf0: {  	_ =	swait.ge [sflag:s10], $0x1400  }
0xf1: {  	[sflag:s10] =	ssyncset.done $0x0  }
0xf2: {  	s21 =	sadd.s32 $0x168, s21;
	[sflag:s10] =	ssyncadd.s32 $0xFFFFEC00  }
0xf3: {  	[tilespmem:s16], [sflag:$0x5] =	stream.indirect.gather [hbm4b:s6+s11], $0x80, s21, s11, $0xb8;
	[tilespmem:$0x1C400] =	vst v63  }
0xf4: {  	s8 =	smul.u32 $0x1F40, s8  }
0xf5: {  	_ =	swait.ge [sflag:s26], $0x1400  }
0xf6: {  	[sflag:s26] =	ssyncset.done $0x0;
	s8 =	sshrl.u32 s8, $0x2  }
0xf7: {  	[sflag:s26] =	ssyncadd.s32 $0xFFFFEC00;
	s9 =	sadd.s32 $0x1708, s8  }
0xf8: {  	[spmem:s2] =	stream.indirect.scatter.add.f32 [tilespmem:s12], [sflag:$0x8], $0x80, s9, s11, $0xb8;
	[tilespmem:$0x1C400] =	vst v63  }
0xf9: {  	_ =	swait.ge [sflag:s10], $0x1400  }
0xfa: {  	[sflag:s10] =	ssyncset.done $0x0  }
0xfb: {  	s9 =	simm.s32 @p1 $0x2;
	[sflag:s10] =	ssyncadd.s32 $0xFFFFEC00  }
0xfc: {  	_ =	swait.ge @p1 [sflag:s9], $0x1400  }
0xfd: {  	s19 =	simm.s32 @p1 $0x28;
	[sflag:s9] =	ssyncset.done @p1 $0x0  }
0xfe: {  	s20 =	simm.s32 @p1 $0x3400;
	[sflag:s9] =	ssyncadd.s32 @p1 $0xFFFFEC00;
	s9 =	sadd.s32 @p1 $0x1730, s8  }
0xff: {  	[spmem:s2] =	stream.indirect.scatter.add.f32 @p1 [tilespmem:s20], [sflag:$0x8], $0x80, s9, s19, $0xb8;
	[tilespmem:$0x1C400] =	vst v63  }
0x100: {  	s9 =	simm.s32 @p1 $0x8  }
0x101: {  	_ =	swait.ge @p1 [sflag:s9], $0x1400  }
0x102: {  	[sflag:s9] =	ssyncset.done @p1 $0x0  }
0x103: {  	s20 =	simm.s32 @!p1 $0x6;
	[sflag:s9] =	ssyncadd.s32 @p1 $0xFFFFEC00  }
0x104: {  	_ =	swait.ge @!p1 [sflag:s20], $0x7D0  }
0x105: {  	[sflag:s20] =	ssyncset.done @!p1 $0x0  }
0x106: {  	[sflag:s20] =	ssyncadd.s32 @!p1 $0xFFFFF830;
	s20 =	simm.s32 @!p1 $0x7  }
0x107: {  	s3 =	smul.u32 @!p1 $0x1F40, s3;
	_ =	swait.ge @!p1 [sflag:s20], $0x7D0  }
0x108: {  	s21 =	simm.s32 @!p1 $0x2000;
	[sflag:s20] =	ssyncset.done @!p1 $0x0  }
0x109: {  	s3 =	sshrl.u32 @!p1 s3, $0x2;
	[sflag:s20] =	ssyncadd.s32 @!p1 $0xFFFFF830;
	s20 =	simm.s32 @!p1 $0x28  }
0x10a: {  	[tilespmem:s21], [sflag:$0x1] =	stream.indirect.gather @!p1 [hbm4b:s6+s20], $0x80, s3, s20, $0xb8;
	[tilespmem:$0x1C400] =	vst v63  }
0x10b: {  	s21 =	simm.s32 @!p1 $0x2  }
0x10c: {  	_ =	swait.ge @!p1 [sflag:s21], $0x1400  }
0x10d: {  	[sflag:s21] =	ssyncset.done @!p1 $0x0  }
0x10e: {  	s22 =	simm.s32 @!p1 $0x3400;
	[sflag:s21] =	ssyncadd.s32 @!p1 $0xFFFFEC00;
	s21 =	sadd.s32 @!p1 $0x1730, s8  }
0x10f: {  	[spmem:s2] =	stream.indirect.scatter.add.f32 @!p1 [tilespmem:s22], [sflag:$0x8], $0x80, s21, s20, $0xb8;
	[tilespmem:$0x1C400] =	vst v63  }
0x110: {  	s21 =	simm.s32 @!p1 $0x8  }
0x111: {  	_ =	swait.ge @!p1 [sflag:s21], $0x1400  }
0x112: {  	[sflag:s21] =	ssyncset.done @!p1 $0x0  }
0x113: {  	s23 =	sadd.s32 @!p1 $0x28, s3;
	[sflag:s21] =	ssyncadd.s32 @!p1 $0xFFFFEC00  }
0x114: {  	[tilespmem:s22], [sflag:$0x2] =	stream.indirect.gather @!p1 [hbm4b:s6+s20], $0x80, s23, s20, $0xb8;
	[tilespmem:$0x1C400] =	vst v63  }
0x115: {  	_ =	swait.ge [sflag:s29], $0x1400  }
0x116: {  	[sflag:s29] =	ssyncset.done $0x0  }
0x117: {  	s23 =	sadd.s32 $0x1758, s8;
	[sflag:s29] =	ssyncadd.s32 $0xFFFFEC00  }
0x118: {  	[spmem:s2] =	stream.indirect.scatter.add.f32 [tilespmem:s14], [sflag:$0x8], $0x80, s23, s11, $0xb8;
	[tilespmem:$0x1C400] =	vst v63  }
0x119: {  	_ =	swait.ge [sflag:s10], $0x1400  }
0x11a: {  	[sflag:s10] =	ssyncset.done $0x0  }
0x11b: {  	s22 =	simm.s32 @p1 $0x4;
	[sflag:s10] =	ssyncadd.s32 $0xFFFFEC00  }
0x11c: {  	_ =	swait.ge @p1 [sflag:s22], $0x1400  }
0x11d: {  	[sflag:s22] =	ssyncset.done @p1 $0x0  }
0x11e: {  	s23 =	simm.s32 @p1 $0x5C00;
	[sflag:s22] =	ssyncadd.s32 @p1 $0xFFFFEC00;
	s22 =	sadd.s32 @p1 $0x1780, s8  }
0x11f: {  	[spmem:s2] =	stream.indirect.scatter.add.f32 @p1 [tilespmem:s23], [sflag:$0x8], $0x80, s22, s19, $0xb8;
	[tilespmem:$0x1C400] =	vst v63  }
0x120: {  	_ =	swait.ge @p1 [sflag:s9], $0x1400  }
0x121: {  	[sflag:s9] =	ssyncset.done @p1 $0x0  }
0x122: {  	s19 =	simm.s32 @!p1 $0x4800;
	[sflag:s9] =	ssyncadd.s32 @p1 $0xFFFFEC00;
	s9 =	sadd.s32 @!p1 $0x50, s3  }
0x123: {  	[tilespmem:s19], [sflag:$0x3] =	stream.indirect.gather @!p1 [hbm4b:s6+s20], $0x80, s9, s20, $0xb8;
	[tilespmem:$0x1C400] =	vst v63  }
0x124: {  	s9 =	simm.s32 @!p1 $0x4  }
0x125: {  	_ =	swait.ge @!p1 [sflag:s9], $0x1400  }
0x126: {  	[sflag:s9] =	ssyncset.done @!p1 $0x0  }
0x127: {  	s19 =	simm.s32 @!p1 $0x5C00;
	[sflag:s9] =	ssyncadd.s32 @!p1 $0xFFFFEC00;
	s9 =	sadd.s32 @!p1 $0x1780, s8  }
0x128: {  	[spmem:s2] =	stream.indirect.scatter.add.f32 @!p1 [tilespmem:s19], [sflag:$0x8], $0x80, s9, s20, $0xb8;
	[tilespmem:$0x1C400] =	vst v63  }
0x129: {  	_ =	swait.ge @!p1 [sflag:s21], $0x1400  }
0x12a: {  	[sflag:s21] =	ssyncset.done @!p1 $0x0  }
0x12b: {  	s9 =	sadd.s32 @!p1 $0x78, s3;
	[sflag:s21] =	ssyncadd.s32 @!p1 $0xFFFFEC00  }
0x12c: {  	[tilespmem:s19], [sflag:$0x4] =	stream.indirect.gather @!p1 [hbm4b:s6+s20], $0x80, s9, s20, $0xb8;
	[tilespmem:$0x1C400] =	vst v63  }
0x12d: {  	_ =	swait.ge [sflag:s17], $0x1400  }
0x12e: {  	p2 =	sne.s32 @!p1 s0, $0x5;
	[sflag:s17] =	ssyncset.done $0x0  }
0x12f: {  	p2 =	por p1, !p2;
	s8 =	sadd.s32 $0x17A8, s8;
	[sflag:s17] =	ssyncadd.s32 $0xFFFFEC00  }
0x130: {  	[spmem:s2] =	stream.indirect.scatter.add.f32 [tilespmem:s16], [sflag:$0x8], $0x80, s8, s11, $0xb8;
	[tilespmem:$0x1C400] =	vst v63  }
.Ltmp2:
0x131: {  	_ = 	snop;
	(pc) =	sbr.rel @!p2 .LBB2_4-.Ltmp2, $4  }
0x132: {  	_ =	swait.ge [sflag:s10], $0x1400  }
0x133: {  	p0 =	por @!p1 !p0, !p0;
	[sflag:s10] =	ssyncset.done $0x0  }
0x134: {  	s3 =	sadd.s32 @!p1 $0xA0, s3;
	s8 =	simm.s32 @!p1 $0x7000;
	[sflag:s10] =	ssyncadd.s32 $0xFFFFEC00  }
0x135: {  	[tilespmem:s8], [sflag:$0x5] =	stream.indirect.gather @!p1 [hbm4b:s6+s20], $0x80, s3, s20, $0xb8;
	[tilespmem:$0x1C400] =	vst v63  }
0x136: {  	[bflag:$0x0] =	sbarrier.arrive $0xFFFF  }
0x137: {  	[tilespmem:s12], [sflag:$0x8] =	stream.linear.gather [spmem:s18], $0x2800, $0x38;
	[tilespmem:$0x1C400] =	vst v63  }
0x138: {  	_ =	swait.ge [sflag:s10], $0x2800  }
0x139: {  	[sflag:s10] =	ssyncset.done $0x0  }
0x13a: {  	s0 =	rddreg [dreg:$0x4];
	[sflag:s10] =	ssyncadd.s32 $0xFFFFD800  }
0x13b: {  	[hbm4b:s0+s4] =	stream.linear.scatter [tilespmem:s12], [sflag:$0x1], $0x2800, $0x38;
	[tilespmem:$0x1C400] =	vst v63  }
0x13c: {  	_ = 	snop  }
0x13d: {  	[tilespmem:s14], [sflag:$0x8] =	stream.linear.gather [spmem:s24], $0x2800, $0x38;
	[tilespmem:$0x1C400] =	vst v63  }
0x13e: {  	_ =	swait.ge [sflag:s10], $0x2800  }
0x13f: {  	[sflag:s10] =	ssyncset.done $0x0  }
0x140: {  	s20 =	rddreg [dreg:$0x5];
	[sflag:s10] =	ssyncadd.s32 $0xFFFFD800  }
0x141: {  	[hbm4b:s20+s4] =	stream.linear.scatter [tilespmem:s14], [sflag:$0x2], $0x2800, $0x38;
	[tilespmem:$0x1C400] =	vst v63  }
0x142: {  	_ =	swait.ge [sflag:s26], $0x2800  }
0x143: {  	[sflag:s26] =	ssyncset.done $0x0  }
0x144: {  	[sflag:s26] =	ssyncadd.s32 $0xFFFFD800  }
0x145: {  	[tilespmem:s12], [sflag:$0x8] =	stream.linear.gather [spmem:s25], $0x2800, $0x38;
	[tilespmem:$0x1C400] =	vst v63  }
0x146: {  	_ =	swait.ge [sflag:s10], $0x2800  }
0x147: {  	[sflag:s10] =	ssyncset.done $0x0  }
0x148: {  	s22 =	rddreg [dreg:$0x6];
	[sflag:s10] =	ssyncadd.s32 $0xFFFFD800  }
0x149: {  	[hbm4b:s22+s4] =	stream.linear.scatter [tilespmem:s12], [sflag:$0x1], $0x2800, $0x38;
	[tilespmem:$0x1C400] =	vst v63  }
0x14a: {  	_ =	swait.ge [sflag:s28], $0x2800  }
0x14b: {  	[sflag:s28] =	ssyncset.done $0x0  }
0x14c: {  	s20 =	rddreg [dreg:$0xe];
	[sflag:s28] =	ssyncadd.s32 $0xFFFFD800  }
0x14d: {  	[tilespmem:s14], [sflag:$0x8] =	stream.linear.gather [spmem:s20], $0x2800, $0x38;
	[tilespmem:$0x1C400] =	vst v63  }
0x14e: {  	_ =	swait.ge [sflag:s10], $0x2800  }
0x14f: {  	[sflag:s10] =	ssyncset.done $0x0  }
0x150: {  	s23 =	rddreg [dreg:$0x7];
	[sflag:s10] =	ssyncadd.s32 $0xFFFFD800  }
0x151: {  	[hbm4b:s23+s4] =	stream.linear.scatter [tilespmem:s14], [sflag:$0x2], $0x2800, $0x38;
	[tilespmem:$0x1C400] =	vst v63  }
0x152: {  	_ =	swait.ge [sflag:s26], $0x2800  }
0x153: {  	[sflag:s26] =	ssyncset.done $0x0  }
0x154: {  	s22 =	rddreg [dreg:$0xf];
	[sflag:s26] =	ssyncadd.s32 $0xFFFFD800  }
0x155: {  	[tilespmem:s12], [sflag:$0x8] =	stream.linear.gather [spmem:s22], $0x2800, $0x38;
	[tilespmem:$0x1C400] =	vst v63  }
0x156: {  	_ =	swait.ge [sflag:s10], $0x2800  }
0x157: {  	[sflag:s10] =	ssyncset.done $0x0  }
0x158: {  	s9 =	smov.u32 s24;
	s24 =	rddreg [dreg:$0x8];
	[sflag:s10] =	ssyncadd.s32 $0xFFFFD800  }
0x159: {  	[hbm4b:s24+s4] =	stream.linear.scatter [tilespmem:s12], [sflag:$0x1], $0x2800, $0x38;
	[tilespmem:$0x1C400] =	vst v63  }
0x15a: {  	_ =	swait.ge [sflag:s28], $0x2800  }
0x15b: {  	[sflag:s28] =	ssyncset.done $0x0  }
0x15c: {  	s23 =	rddreg [dreg:$0x10];
	[sflag:s28] =	ssyncadd.s32 $0xFFFFD800  }
0x15d: {  	[tilespmem:s14], [sflag:$0x8] =	stream.linear.gather [spmem:s23], $0x2800, $0x38;
	[tilespmem:$0x1C400] =	vst v63  }
0x15e: {  	_ =	swait.ge [sflag:s10], $0x2800  }
0x15f: {  	[sflag:s10] =	ssyncset.done $0x0  }
0x160: {  	s19 =	smov.u32 s25;
	s25 =	rddreg [dreg:$0x9];
	[sflag:s10] =	ssyncadd.s32 $0xFFFFD800  }
0x161: {  	[hbm4b:s25+s4] =	stream.linear.scatter [tilespmem:s14], [sflag:$0x2], $0x2800, $0x38;
	[tilespmem:$0x1C400] =	vst v63  }
0x162: {  	_ =	swait.ge [sflag:s26], $0x2800  }
0x163: {  	[sflag:s26] =	ssyncset.done $0x0  }
0x164: {  	s3 =	rddreg [dreg:$0x11];
	[sflag:s26] =	ssyncadd.s32 $0xFFFFD800  }
0x165: {  	[tilespmem:s12], [sflag:$0x8] =	stream.linear.gather [spmem:s3], $0x2800, $0x38;
	[tilespmem:$0x1C400] =	vst v63  }
0x166: {  	_ =	swait.ge [sflag:s10], $0x2800  }
0x167: {  	[sflag:s10] =	ssyncset.done $0x0  }
0x168: {  	s8 =	rddreg [dreg:$0xa];
	[sflag:s10] =	ssyncadd.s32 $0xFFFFD800  }
0x169: {  	[hbm4b:s8+s4] =	stream.linear.scatter [tilespmem:s12], [sflag:$0x1], $0x2800, $0x38;
	[tilespmem:$0x1C400] =	vst v63  }
0x16a: {  	_ =	swait.ge [sflag:s28], $0x2800  }
0x16b: {  	[sflag:s28] =	ssyncset.done $0x0  }
0x16c: {  	s21 =	smov.u32 s18;
	s18 =	rddreg [dreg:$0x12];
	[sflag:s28] =	ssyncadd.s32 $0xFFFFD800  }
0x16d: {  	[tilespmem:s14], [sflag:$0x8] =	stream.linear.gather [spmem:s18], $0x2800, $0x38;
	[tilespmem:$0x1C400] =	vst v63  }
0x16e: {  	_ =	swait.ge [sflag:s10], $0x2800  }
0x16f: {  	[sflag:s10] =	ssyncset.done $0x0  }
0x170: {  	s24 =	rddreg [dreg:$0xb];
	[sflag:s10] =	ssyncadd.s32 $0xFFFFD800  }
0x171: {  	[hbm4b:s24+s4] =	stream.linear.scatter [tilespmem:s14], [sflag:$0x2], $0x2800, $0x38;
	[tilespmem:$0x1C400] =	vst v63  }
0x172: {  	_ =	swait.ge [sflag:s26], $0x2800  }
0x173: {  	[sflag:s26] =	ssyncset.done $0x0  }
0x174: {  	[sflag:s26] =	ssyncadd.s32 $0xFFFFD800  }
0x175: {  	_ =	swait.ge [sflag:s28], $0x2800  }
0x176: {  	s31 =	sadd.s32 $0x1, s31;
	s25 =	rddreg [dreg:$0x13]  }
0x177: {  	p0 =	sne.s32 s31, s25  }
.Ltmp3:
0x178: {  	_ = 	snop;
	(pc) =	sbr.rel @p0 .LBB2_1-.Ltmp3, $3  }
0x179: {  	_ =	sdelay $0x1  }
0x17a: {  	[sflag:s28] =	ssyncset.done $0x0  }
0x17b: {  	[sflag:s28] =	ssyncadd.s32 $0xFFFFD800  }
0x17c: {  	_ =	sfence.sel $0x180000  }
0x17d: {  	[bflag:$0x0] =	sbarrier.arrive $0xFFFF  }
0x17e: {  	_ =	strace $0x9000004A  }
0x17f: {  	s0 =	stileid.u32;
	[bflag:$0x2] =	sbarrier.arrive $0xFFFF  }
0x180: {  	p0 =	sne.s32 s0, $0x0;
	s0 =	rddreg [dreg:$0x3]  }
0x181: {  	s0 =	sadd.s32 @!p0 $0x100000, s0  }
0x182: {  	[sflag:s0] =	ssyncadd.tile.s32 @!p0 $0x1;
	_ =	shalt  }
.Lfunc_end2:
_tile_overlayer_lowered:
.L_overlay_start_2:
0x183: {  	(tag) =	ssettag $0x2  }
0x184: {  	s0 =	rddreg [dreg:$0x0];
	s2 =	stileid.u32  }
0x185: {  	s1 =	rddreg [dreg:$0x1];
	p0 =	sne.s32 s2, $0x0  }
0x186: {  	s3 =	rddreg [dreg:$0x2];
	[bflag:$0x3] =	sbarrier.arrive $0xFFFF;
	s2 =	simm.s32 @!p0 $0x1C08  }
0x187: {  	[timem:s3], [sflag:s2] =	dma.local @!p0 [hbm:s0], s1  }
0x188: {  	s0 =	simm.s32 @!p0 $0x8  }
0x189: {  	_ =	swait.ge @!p0 [sflag:s0], s1  }
0x18a: {  	s1 =	ssub.s32 @!p0 $0x0, s1;
	[sflag:s0] =	ssyncset.done @!p0 $0x0  }
0x18b: {  	[sflag:s0] =	ssyncadd.s32 @!p0 s1  }
0x18c: {  	[bflag:$0x3] =	sbarrier.arrive $0xFFFF  }
0x18d: {  	_ =	shalt  }

// kernel: kernel.8.cloned.1.call-start
scs
__scs_entry_jumppad:
0x0: {  	(pc) =	sbr.rel $0x88, $3  }
0x1: {  	(tag) =	ssettag $0x0;
	lr =	simm.s32 $0x1  }
0x2: {  	[smem:$0x3F97] =	sst lr;
	_ =	strace $0xD0000000  }
0x3: {  	_ = 	snop  }
0x4: {  	_ = 	snop  }
0x5: {  	_ = 	snop  }
0x6: {  	_ = 	snop  }
0x7: {  	_ = 	snop  }
__scs_overlays_trampoline_lowered:
0x8: {  	[smem:$0x3FA6] =	sst s0  }
0x9: {  	[smem:$0x3FA7] =	sst s1  }
0xa: {  	[smem:$0x3FA8] =	sst s2  }
0xb: {  	[smem:$0x3FA9] =	sst s3  }
0xc: {  	[smem:$0x3FAA] =	sst s4  }
0xd: {  	[smem:$0x3FAB] =	sst s5  }
0xe: {  	[smem:$0x3FAC] =	sst s6  }
0xf: {  	[smem:$0x3FAD] =	sst s7  }
0x10: {  	[smem:$0x3FAE] =	sst s8  }
0x11: {  	[smem:$0x3FAF] =	sst s9;
	s0 =	simm.s32 @!p0 $0x0  }
0x12: {  	s1 =	sld [smem:$0x3F95];
	s0 =	simm.s32 @p0 $0x1  }
0x13: {  	[smem:$0x3FB0] =	sst s0;
	s0 =	simm.s32 @!p1 $0x0  }
0x14: {  	s2 =	sld [smem:$0x3F94];
	s0 =	simm.s32 @p1 $0x1  }
0x15: {  	[smem:$0x3FB1] =	sst s0;
	s0 =	simm.s32 @!p2 $0x0  }
0x16: {  	s3 =	sld [smem:$0x3FDB];
	s0 =	simm.s32 @p2 $0x1  }
0x17: {  	s4 =	simm.s32 $0x1BF5;
	[smem:$0x3FB3] =	sst s0  }
0x18: {  	s0 =	sld [smem:$0x3F96];
	_ =	swait.ge [sflag:s4], $0x0  }
0x19: {  	s7 =	sld [smem:$0x3F97]  }
0x1a: {  	s8 =	sadd.s32 $0xFFFFE003, lr  }
0x1b: {  	s9 =	sadd.s32 $0xFFFFFEF7, lr;
	s5 =	simm.s32 $0xFFFFFFFF;
	p2 =	slt.u32 s8, $0xFFFFF086  }
0x1c: {  	p1 =	slt.u32 s9, $0xF7A;
	s5 =	simm.s32 @!p2 $0x0  }
0x1d: {  	s5 =	simm.s32 @p1 $0x1;
	p0 =	seq.s32 s7, s2  }
0x1e: {  	s7 =	smul.u32 @!p0 $0xF7A, s2;
	p2 =	seq.s32 @!p0 s5, $0x0  }
0x1f: {  	s9 =	smul.u32 $0xF7A, s1;
	s8 =	simm.s32 @!p0 $0x1BF5;
	p2 =	por !p2, p0  }
0x20: {  	[sflag:s8] =	ssyncset.s32 @!p0 $0xFFFFF086;
	s6 =	sadd.s32 @!p0 s3, s7;
	s7 =	simm.s32 @!p0 $0x108  }
0x21: {  	s3 =	sadd.s32 s3, s9;
	s6 =	sadd.s32 @!p0 $0x88, s6;
	s7 =	simm.s32 @p2 $0x1082  }
0x22: {  	[simem:s7], [sflag:s8] =	dma.local @!p0 [hbm:s6], $0xF7A  }
0x23: {  	s9 =	sor.u32 $0xD0000000, s2;
	s6 =	simm.s32 $0x108;
	_ =	swait.ge @!p0 [sflag:s8], $0x0  }
0x24: {  	s3 =	sadd.s32 $0x88, s3;
	s6 =	simm.s32 @!p1 $0x1082;
	[sflag:s4] =	ssyncset.s32 $0xFFFFF086  }
0x25: {  	[simem:s6], [sflag:s4] =	dma.local [hbm:s3], $0xF7A  }
0x26: {  	[smem:$0x3F97] =	sst s1;
	(tag) =	ssettag s2;
	_ =	strace s9  }
0x27: {  	s1 =	sld [smem:$0x3FA7]  }
0x28: {  	s2 =	sld [smem:$0x3FA8]  }
0x29: {  	s4 =	sld [smem:$0x3FAA]  }
0x2a: {  	p0 =	seq.s32 s5, $0x0;
	s5 =	sld [smem:$0x3FAB]  }
0x2b: {  	s6 =	sld [smem:$0x3FAC]  }
0x2c: {  	s7 =	sld [smem:$0x3FAD]  }
0x2d: {  	s3 =	simm.s32 $0x108;
	s8 =	sld [smem:$0x3FAE]  }
0x2e: {  	s3 =	simm.s32 @!p0 $0x1082;
	s9 =	sld [smem:$0x3FAF]  }
0x2f: {  	lr =	sadd.s32 s0, s3;
	s0 =	sld [smem:$0x3FA6]  }
0x30: {  	s3 =	sld [smem:$0x3FA9]  }
0x31: {  	[smem:$0x3FB2] =	sst s10  }
0x32: {  	s10 =	sld [smem:$0x3FB0];
	_ =	sdelay $0x3  }
0x33: {  	p0 =	seq.s32 s10, $0x1;
	s10 =	sld [smem:$0x3FB2];
	_ =	sdelay $0x3  }
0x34: {  	[smem:$0x3FB2] =	sst s10  }
0x35: {  	s10 =	sld [smem:$0x3FB1];
	_ =	sdelay $0x3  }
0x36: {  	p1 =	seq.s32 s10, $0x1;
	s10 =	sld [smem:$0x3FB2];
	_ =	sdelay $0x3  }
0x37: {  	[smem:$0x3FB2] =	sst s10  }
0x38: {  	s10 =	sld [smem:$0x3FB3]  }
0x39: {  	_ = 	snop;
	(pc) =	sbr.ind lr, $3  }
0x3a: {  	_ = 	snop  }
0x3b: {  	_ = 	snop  }
0x3c: {  	p2 =	seq.s32 s10, $0x1;
	s10 =	sld [smem:$0x3FB2]  }
0x3d: {  	_ =	shalt  }
0x3e: {  	_ =	shalt  }
0x3f: {  	_ =	shalt  }
0x40: {  	_ =	shalt  }
0x41: {  	_ =	shalt  }
0x42: {  	_ =	shalt  }
0x43: {  	_ =	shalt  }
0x44: {  	_ =	shalt  }
0x45: {  	_ =	shalt  }
0x46: {  	_ =	shalt  }
0x47: {  	_ =	shalt  }
0x48: {  	_ =	shalt  }
0x49: {  	_ =	shalt  }
0x4a: {  	_ =	shalt  }
0x4b: {  	_ =	shalt  }
0x4c: {  	_ =	shalt  }
0x4d: {  	_ =	shalt  }
0x4e: {  	_ =	shalt  }
0x4f: {  	_ =	shalt  }
0x50: {  	_ =	shalt  }
0x51: {  	_ =	shalt  }
0x52: {  	_ =	shalt  }
0x53: {  	_ =	shalt  }
0x54: {  	_ =	shalt  }
0x55: {  	_ =	shalt  }
0x56: {  	_ =	shalt  }
0x57: {  	_ =	shalt  }
0x58: {  	_ =	shalt  }
0x59: {  	_ =	shalt  }
0x5a: {  	_ =	shalt  }
0x5b: {  	_ =	shalt  }
0x5c: {  	_ =	shalt  }
0x5d: {  	_ =	shalt  }
0x5e: {  	_ =	shalt  }
0x5f: {  	_ =	shalt  }
0x60: {  	_ =	shalt  }
0x61: {  	_ =	shalt  }
0x62: {  	_ =	shalt  }
0x63: {  	_ =	shalt  }
0x64: {  	_ =	shalt  }
0x65: {  	_ =	shalt  }
0x66: {  	_ =	shalt  }
0x67: {  	_ =	shalt  }
0x68: {  	_ =	shalt  }
0x69: {  	_ =	shalt  }
0x6a: {  	_ =	shalt  }
0x6b: {  	_ =	shalt  }
0x6c: {  	_ =	shalt  }
0x6d: {  	_ =	shalt  }
0x6e: {  	_ =	shalt  }
0x6f: {  	_ =	shalt  }
0x70: {  	_ =	shalt  }
0x71: {  	_ =	shalt  }
0x72: {  	_ =	shalt  }
0x73: {  	_ =	shalt  }
0x74: {  	_ =	shalt  }
0x75: {  	_ =	shalt  }
0x76: {  	_ =	shalt  }
0x77: {  	_ =	shalt  }
0x78: {  	_ =	shalt  }
0x79: {  	_ =	shalt  }
0x7a: {  	_ =	shalt  }
0x7b: {  	_ =	shalt  }
0x7c: {  	_ =	shalt  }
0x7d: {  	_ =	shalt  }
0x7e: {  	_ =	shalt  }
0x7f: {  	_ =	shalt  }
0x80: {  	_ =	shalt  }
0x81: {  	_ =	shalt  }
0x82: {  	_ =	shalt  }
0x83: {  	_ =	shalt  }
0x84: {  	_ =	shalt  }
0x85: {  	_ =	shalt  }
0x86: {  	_ =	shalt  }
0x87: {  	_ =	shalt  }
.Lfunc_end0:
.L_simem_size_0:
called_computation_lowered:
.L_overlay_start_0:
0x88: {  	s2 =	sld [smem:$0x3FD9]  }
0x89: {  	s3 =	sld [smem:$0x3FFE];
	_ =	sdelay $0x1  }
0x8a: {  	s1 =	srdreg.scid  }
0x8b: {  	s0 =	sand.u32 $0x1, s1  }
0x8c: {  	s17 =	sshll.u32 s0, $0xA;
	s2 =	sadd.s32 s3, s2  }
0x8d: {  	s2 =	sadd.s32 s2, s17  }
0x8e: {  	[smem:$0x3FBE] =	sst s2  }
0x8f: {  	_ = 	snop  }
0x90: {  	s2 =	sld [smem:$0x3FC9]  }
0x91: {  	s18 =	sld [smem:$0x3FD0];
	(tm) =	ssettm $0x1  }
0x92: {  	s4 =	sld [smem:$0x3FFB];
	_ =	sdelay $0x3  }
0x93: {  	_ =	strace s4  }
0x94: {  	s4 =	sld [smem:$0x3FFC];
	_ =	sdelay $0x3  }
0x95: {  	_ =	strace s4  }
0x96: {  	s4 =	sld [smem:$0x3FFD];
	_ =	sdelay $0x3  }
0x97: {  	_ =	strace s4  }
0x98: {  	_ =	strace $0x8FFFFFFF  }
0x99: {  	s19 =	sld [smem:$0x3FDB];
	_ =	sdelay $0x1  }
0x9a: {  	s5 =	simm.s32 $_scs_section_size  }
0x9b: {  	s6 =	simm.s32 $_size__tile_overlayer_lowered;
	s7 =	simm.s32 $_tile_overlayer_lowered  }
0x9c: {  	s22 =	simm.s32 $0x1BFF;
	s21 =	sshll.u32 s7, $0x1;
	s4 =	sadd.s32 s5, s19  }
0x9d: {  	s8 =	simm.s32 $0x0;
	s20 =	sshll.u32 s6, $0x1;
	s6 =	sadd.s32 s21, s4  }
0x9e: {  	[timem:s8], [sflag:s22] =	dma.local [hbm:s6], s20  }
0x9f: {  	_ =	swait.ge [sflag:s22], s20  }
0xa0: {  	s5 =	ssub.s32 $0x0, s20;
	[sflag:s22] =	ssyncset.done $0x0  }
0xa1: {  	[sflag:s22] =	ssyncadd.s32 s5;
	_ =	sdelay $0x1  }
0xa2: {  	s23 =	simm.s32 $0x1B8B  }
0xa3: {  	_ =	swait.ge [sflag:s23], $0x1  }
0xa4: {  	[sflag:s23] =	ssyncset.done $0x0  }
0xa5: {  	s25 =	simm.s32 $0x1B8E;
	s24 =	sld [smem:$0x3FFE];
	[sflag:s23] =	ssyncadd.s32 $0xFFFFFFFF  }
0xa6: {  	s26 =	simm.s32 $execute0_lowered;
	[smem:$0x3FD2] =	sst s25  }
0xa7: {  	s6 =	sshll.u32 s26, $0x1;
	_ =	strace $0x80000046;
	[dreg:$0x1] =	wrdreg $0xFFFFFFFF  }
0xa8: {  	s28 =	simm.s32 $_size_execute0_lowered;
	s4 =	sadd.s32 s4, s6;
	[dreg:$0x0] =	wrdreg $0x0  }
0xa9: {  	s6 =	sshll.u32 s28, $0x1;
	[dreg:$0x2] =	wrdreg s4  }
0xaa: {  	[dreg:$0x3] =	wrdreg s6  }
0xab: {  	[dreg:$0x4] =	wrdreg $0xC0  }
0xac: {  	_ =	task [dreg:s8], $0x5FFFF  }
0xad: {  	[dreg:$0x1] =	wrdreg $0xFFFFFFFF  }
0xae: {  	[dreg:$0x0] =	wrdreg $0x60  }
0xaf: {  	[dreg:$0x2] =	wrdreg s2  }
0xb0: {  	[dreg:$0x3] =	wrdreg s24  }
0xb1: {  	[dreg:$0x4] =	wrdreg s18  }
0xb2: {  	[dreg:$0x5] =	wrdreg $0x84000  }
0xb3: {  	[dreg:$0x6] =	wrdreg $0x9  }
0xb4: {  	_ =	task.clear_ibuf [dreg:s8], $0x7FFFF;
	_ =	strace $0x90000046  }
0xb5: {  	s29 =	simm.s32 $0x9;
	_ =	strace $0x80000048  }
0xb6: {  	_ =	swait.ge [sflag:s29], $0x1  }
0xb7: {  	[sflag:s29] =	ssyncadd.s32 $0xFFFFFFFF  }
0xb8: {  	_ =	strace $0x90000048  }
0xb9: {  	_ =	sfence  }
0xba: {  	s30 =	sld [smem:$0x0];
	_ =	sdelay $0x2  }
0xbb: {  	s31 =	sshll.u32 s1, $0xD;
	s1 =	sshrl.u32 s1, $0x2  }
0xbc: {  	s3 =	sand.u32 $0x4000, s31;
	s1 =	sadd.s32 s1, s30  }
0xbd: {  	s0 =	sor.u32 s3, s0;
	s1 =	sshll.u32 s1, $0x11  }
0xbe: {  	s0 =	sor.u32 s1, s0  }
0xbf: {  	s0 =	sadd.s32 $0x8F2B, s0  }
0xc0: {  	[sflag:s0] =	ssyncadd.remote.s32 $0x1  }
0xc1: {  	_ =	sfence.sel $0xFFFF  }
0xc2: {  	[dreg:$0x0] =	wrdreg $0xFFFFFFFF;
	(pc) =	sbr.abs _section_cstart, $3  }
0xc3: {  	[dreg:$0x1] =	wrdreg $0xFFFFFFFF  }
0xc4: {  	_ =	task.clear_ibuf [dreg:s8], $0x2FFFF;
	_ =	strace $0x9FFFFFFF  }
0xc5: {  	(tm) =	ssettm $0x7FFFFFFF  }
tec
execute0_lowered:
.L_overlay_start_1:
0x0: {  	(tag) =	ssettag $0x1  }
0x1: {  	s0 =	rddreg [dreg:$0x0]  }
0x2: {  	s1 =	rddreg [dreg:$0x1]  }
0x3: {  	s3 =	rddreg [dreg:$0x2]  }
0x4: {  	s2 =	srdreg.scid;
	s4 =	rddreg [dreg:$0x3];
	s5 =	simm.s32 $0x0  }
0x5: {  	s11 =	stileid.u32;
	s2 =	sand.u32 $0x1, s2;
	[smem:$0x7FF] =	sst s5  }
0x6: {  	s9 =	smul.u32 $0x50000, s11;
	s7 =	sadd.s32 $0x2000, s1;
	s1 =	sadd.s32 $0xBE00, s1  }
0x7: {  	s6 =	sshll.u32 s2, $0x4;
	s8 =	ssub.s32 $0x2, s2;
	s2 =	smul.u32 $0x140000, s2  }
0x8: {  	s6 =	sor.u32 s11, s6;
	s10 =	sshrl.u32 s8, $0x1;
	s11 =	smul.u32 $0x14000, s11  }
0x9: {  	_ =	strace $0x80000047;
	s6 =	smul.u32 $0x2710, s6;
	s8 =	ssub.s32 s8, s10  }
0xa: {  	s10 =	sor.u32 $0x2800, s11;
	s12 =	sadd.s32 $0x5000, s11;
	s13 =	sadd.s32 $0x7800, s11  }
0xb: {  	s14 =	sadd.s32 $0xA000, s11;
	s15 =	sadd.s32 $0xC800, s11;
	s16 =	sadd.s32 s11, s2  }
0xc: {  	s17 =	sadd.s32 $0xF000, s11;
	s11 =	sadd.s32 $0x11800, s11;
	s16 =	sshrl.u32 s16, $0x3  }
0xd: {  	s18 =	sadd.s32 s2, s10;
	s25 =	sadd.s32 s2, s12;
	s26 =	sadd.s32 s2, s13  }
0xe: {  	s19 =	sadd.s32 s2, s14;
	s22 =	sadd.s32 s2, s17;
	s16 =	sadd.s32 s1, s16  }
0xf: {  	s24 =	sshrl.u32 s18, $0x3;
	s18 =	sshrl.u32 s26, $0x3;
	s20 =	sshrl.u32 s19, $0x3  }
0x10: {  	s19 =	sadd.s32 s12, s4;
	s12 =	sadd.s32 s11, s4;
	[dreg:$0x5] =	wrdreg s16  }
0x11: {  	s16 =	sadd.s32 s1, s24;
	s18 =	sadd.s32 s1, s18;
	[dreg:$0x13] =	wrdreg s12  }
0x12: {  	s24 =	sshrl.u32 s6, $0x3;
	[dreg:$0x6] =	wrdreg s16;
	s16 =	sshrl.u32 s25, $0x3  }
0x13: {  	[dreg:$0x8] =	wrdreg s18;
	s25 =	sshrl.u32 s9, $0x2;
	s26 =	sadd.s32 s7, s24  }
0x14: {  	s9 =	sadd.s32 s10, s4;
	s10 =	sadd.s32 s17, s4;
	[dreg:$0xd] =	wrdreg s26  }
0x15: {  	s18 =	sshrl.u32 s22, $0x3;
	s22 =	sadd.s32 s14, s4;
	[dreg:$0x12] =	wrdreg s10  }
0x16: {  	s16 =	sadd.s32 s1, s16;
	[dreg:$0x10] =	wrdreg s22  }
0x17: {  	s28 =	simm.s32 $0x2;
	s23 =	sadd.s32 s1, s18;
	[dreg:$0x7] =	wrdreg s16  }
0x18: {  	s29 =	simm.s32 $0x3;
	s16 =	sadd.s32 s1, s20;
	[dreg:$0xb] =	wrdreg s23  }
0x19: {  	s20 =	sadd.s32 s13, s4;
	s13 =	smax.u32 s8, $0x1;
	[dreg:$0x9] =	wrdreg s16  }
0x1a: {  	s21 =	sadd.s32 s2, s15;
	s2 =	sadd.s32 s2, s11;
	[dreg:$0x14] =	wrdreg s13  }
0x1b: {  	s23 =	sadd.s32 s15, s4;
	s16 =	sshrl.u32 s21, $0x3;
	[dreg:$0xf] =	wrdreg s20  }
0x1c: {  	s2 =	sshrl.u32 s2, $0x3;
	[dreg:$0x11] =	wrdreg s23;
	s16 =	sadd.s32 s1, s16  }
0x1d: {  	s21 =	sadd.s32 s25, s4;
	s1 =	sadd.s32 s1, s2;
	[dreg:$0xa] =	wrdreg s16  }
0x1e: {  	s30 =	simm.s32 $0x4;
	s14 =	sadd.s32 $0x1400, s21;
	[dreg:$0xc] =	wrdreg s1  }
0x1f: {  	s31 =	simm.s32 $0x0;
	s15 =	sadd.s32 $0x3C00, s21;
	[dreg:$0x15] =	wrdreg s14  }
0x20: {  	s11 =	simm.s32 $0x28;
	s17 =	sadd.s32 $0x8C00, s21;
	[dreg:$0x16] =	wrdreg s15  }
0x21: {  	s12 =	simm.s32 $0x2000;
	s18 =	sadd.s32 $0xB400, s21;
	[dreg:$0x18] =	wrdreg s17  }
0x22: {  	s10 =	simm.s32 $0x8;
	s25 =	sadd.s32 $0x10400, s21;
	[dreg:$0x19] =	wrdreg s18  }
0x23: {  	s13 =	simm.s32 $0x3400;
	s26 =	sadd.s32 $0x12C00, s21;
	[dreg:$0x1b] =	wrdreg s25  }
0x24: {  	s1 =	sadd.s32 s3, s24;
	s16 =	sadd.s32 $0x6400, s21;
	[dreg:$0x1c] =	wrdreg s26  }
0x25: {  	s24 =	sadd.s32 $0xDC00, s21;
	s14 =	simm.s32 $0x4800;
	[dreg:$0xe] =	wrdreg s1  }
0x26: {  	s15 =	simm.s32 $0x5C00;
	s17 =	simm.s32 $0x5;
	[dreg:$0x17] =	wrdreg s16  }
0x27: {  	v0 =	vimm.f32 $0.0e+00;
	s26 =	simm.s32 $0x1;
	[dreg:$0x1a] =	wrdreg s24;
	s16 =	simm.s32 $0x7000  }
.LBB2_1:
0x28: {  	s1 =	rddreg [dreg:$0xd]  }
0x29: {  	[tilespmem:s5], [sflag:$0x8] =	stream.linear.gather [hbm4b:s1+s5], $0x7D0, $0x38;
	[tilespmem:$0x1C400] =	vst v63  }
0x2a: {  	_ =	swait.ge [sflag:s10], $0x7D0  }
0x2b: {  	[sflag:s10] =	ssyncset.done $0x0  }
0x2c: {  	s2 =	simm.s32 $0x1000;
	s18 =	rddreg [dreg:$0xe];
	[sflag:s10] =	ssyncadd.s32 $0xFFFFF830  }
0x2d: {  	[tilespmem:s2], [sflag:$0x8] =	stream.linear.gather [hbm4b:s18+s5], $0x7D0, $0x38;
	[tilespmem:$0x1C400] =	vst v63  }
0x2e: {  	_ =	swait.ge [sflag:s10], $0x7D0  }
0x2f: {  	[sflag:s10] =	ssyncset.done $0x0  }
0x30: {  	[sflag:s10] =	ssyncadd.s32 $0xFFFFF830  }
0x31: {  	[tilespmem:s12], [sflag:$0x1] =	stream.indirect.gather [hbm4b:s0+s11], $0x80, s5, s11, $0xb8;
	[tilespmem:$0x1C400] =	vst v63  }
0x32: {  	_ = 	snop  }
0x33: {  	[tilespmem:s13], [sflag:$0x2] =	stream.indirect.gather [hbm4b:s0+s11], $0x80, s11, s11, $0xb8;
	[tilespmem:$0x1C400] =	vst v63  }
0x34: {  	s24 =	simm.s32 $0x50  }
0x35: {  	[tilespmem:s14], [sflag:$0x3] =	stream.indirect.gather [hbm4b:s0+s11], $0x80, s24, s11, $0xb8;
	[tilespmem:$0x1C400] =	vst v63  }
0x36: {  	s25 =	simm.s32 $0x78;
	s1 =	simm.s32 $0x0;
	s2 =	simm.s32 $0x200  }
0x37: {  	[tilespmem:s15], [sflag:$0x4] =	stream.indirect.gather [hbm4b:s0+s11], $0x80, s25, s11, $0xb8;
	[tilespmem:$0x1C400] =	vst v63  }
.LBB2_2:
0x38: {  	p0 =	sne.s32 s2, $0x4E00;
	[tilespmem:s1+$0x7070] =	vst v0  }
0x39: {  	[tilespmem:s1+$0x7000] =	vst v0  }
0x3a: {  	[tilespmem:s1+$0x7010] =	vst v0  }
.Ltmp0:
0x3b: {  	[tilespmem:s1+$0x7020] =	vst v0;
	(pc) =	sbr.rel @p0 .LBB2_2-.Ltmp0, $4  }
0x3c: {  	[tilespmem:s1+$0x7030] =	vst v0  }
0x3d: {  	[tilespmem:s1+$0x7040] =	vst v0  }
0x3e: {  	[tilespmem:s1+$0x7050] =	vst v0  }
0x3f: {  	[tilespmem:s1+$0x7060] =	vst v0;
	s1 =	sshra.s32 s2, $0x2;
	s2 =	sadd.s32 $0x200, s2  }
0x40: {  	[tilespmem:s1+$0x7070] =	vst v0  }
0x41: {  	[tilespmem:s1+$0x7000] =	vst v0  }
0x42: {  	[tilespmem:s1+$0x7010] =	vst v0  }
0x43: {  	[tilespmem:s1+$0x7020] =	vst v0  }
0x44: {  	[tilespmem:s1+$0x7030] =	vst v0  }
0x45: {  	[tilespmem:s1+$0x7040] =	vst v0  }
0x46: {  	[tilespmem:s1+$0x7050] =	vst v0  }
0x47: {  	[tilespmem:s1+$0x7060] =	vst v0  }
0x48: {  	[spmem:s21] =	stream.linear.scatter [tilespmem:s16], [sflag:$0x5], $0x1400, $0x38;
	[tilespmem:$0x1C400] =	vst v63  }
0x49: {  	s8 =	rddreg [dreg:$0x15]  }
0x4a: {  	[spmem:s8] =	stream.linear.scatter [tilespmem:s16], [sflag:$0x5], $0x1400, $0x38;
	[tilespmem:$0x1C400] =	vst v63  }
0x4b: {  	_ = 	snop  }
0x4c: {  	[spmem:s9] =	stream.linear.scatter [tilespmem:s16], [sflag:$0x5], $0x1400, $0x38;
	[tilespmem:$0x1C400] =	vst v63  }
0x4d: {  	s24 =	smov.u32 s9;
	s9 =	rddreg [dreg:$0x16]  }
0x4e: {  	[spmem:s9] =	stream.linear.scatter [tilespmem:s16], [sflag:$0x5], $0x1400, $0x38;
	[tilespmem:$0x1C400] =	vst v63  }
0x4f: {  	_ = 	snop  }
0x50: {  	[spmem:s19] =	stream.linear.scatter [tilespmem:s16], [sflag:$0x5], $0x1400, $0x38;
	[tilespmem:$0x1C400] =	vst v63  }
0x51: {  	s18 =	smov.u32 s21;
	s21 =	rddreg [dreg:$0x17]  }
0x52: {  	[spmem:s21] =	stream.linear.scatter [tilespmem:s16], [sflag:$0x5], $0x1400, $0x38;
	[tilespmem:$0x1C400] =	vst v63  }
0x53: {  	_ = 	snop  }
0x54: {  	[spmem:s20] =	stream.linear.scatter [tilespmem:s16], [sflag:$0x5], $0x1400, $0x38;
	[tilespmem:$0x1C400] =	vst v63  }
0x55: {  	s2 =	rddreg [dreg:$0x18]  }
0x56: {  	[spmem:s2] =	stream.linear.scatter [tilespmem:s16], [sflag:$0x5], $0x1400, $0x38;
	[tilespmem:$0x1C400] =	vst v63  }
0x57: {  	_ = 	snop  }
0x58: {  	[spmem:s22] =	stream.linear.scatter [tilespmem:s16], [sflag:$0x5], $0x1400, $0x38;
	[tilespmem:$0x1C400] =	vst v63  }
0x59: {  	s8 =	rddreg [dreg:$0x19]  }
0x5a: {  	[spmem:s8] =	stream.linear.scatter [tilespmem:s16], [sflag:$0x5], $0x1400, $0x38;
	[tilespmem:$0x1C400] =	vst v63  }
0x5b: {  	_ = 	snop  }
0x5c: {  	[spmem:s23] =	stream.linear.scatter [tilespmem:s16], [sflag:$0x5], $0x1400, $0x38;
	[tilespmem:$0x1C400] =	vst v63  }
0x5d: {  	s9 =	rddreg [dreg:$0x1a]  }
0x5e: {  	[spmem:s9] =	stream.linear.scatter [tilespmem:s16], [sflag:$0x5], $0x1400, $0x38;
	[tilespmem:$0x1C400] =	vst v63  }
0x5f: {  	s25 =	smov.u32 s19;
	s19 =	rddreg [dreg:$0x12]  }
0x60: {  	[spmem:s19] =	stream.linear.scatter [tilespmem:s16], [sflag:$0x5], $0x1400, $0x38;
	[tilespmem:$0x1C400] =	vst v63  }
0x61: {  	s20 =	rddreg [dreg:$0x1b]  }
0x62: {  	[spmem:s20] =	stream.linear.scatter [tilespmem:s16], [sflag:$0x5], $0x1400, $0x38;
	[tilespmem:$0x1C400] =	vst v63  }
0x63: {  	s21 =	rddreg [dreg:$0x13]  }
0x64: {  	[spmem:s21] =	stream.linear.scatter [tilespmem:s16], [sflag:$0x5], $0x1400, $0x38;
	[tilespmem:$0x1C400] =	vst v63  }
0x65: {  	s22 =	rddreg [dreg:$0x1c]  }
0x66: {  	[spmem:s22] =	stream.linear.scatter [tilespmem:s16], [sflag:$0x5], $0x1400, $0x38;
	[tilespmem:$0x1C400] =	vst v63  }
0x67: {  	_ =	swait.ge [sflag:s17], $0x1400  }
0x68: {  	[sflag:s17] =	ssyncset.done $0x0  }
0x69: {  	[sflag:s17] =	ssyncadd.s32 $0xFFFFEC00  }
0x6a: {  	_ =	swait.ge [sflag:s17], $0x1400  }
0x6b: {  	[sflag:s17] =	ssyncset.done $0x0  }
0x6c: {  	[sflag:s17] =	ssyncadd.s32 $0xFFFFEC00  }
0x6d: {  	_ =	swait.ge [sflag:s17], $0x1400  }
0x6e: {  	[sflag:s17] =	ssyncset.done $0x0  }
0x6f: {  	[sflag:s17] =	ssyncadd.s32 $0xFFFFEC00  }
0x70: {  	_ =	swait.ge [sflag:s17], $0x1400  }
0x71: {  	[sflag:s17] =	ssyncset.done $0x0  }
0x72: {  	[sflag:s17] =	ssyncadd.s32 $0xFFFFEC00  }
0x73: {  	_ =	swait.ge [sflag:s17], $0x1400  }
0x74: {  	[sflag:s17] =	ssyncset.done $0x0  }
0x75: {  	[sflag:s17] =	ssyncadd.s32 $0xFFFFEC00  }
0x76: {  	_ =	swait.ge [sflag:s17], $0x1400  }
0x77: {  	[sflag:s17] =	ssyncset.done $0x0  }
0x78: {  	[sflag:s17] =	ssyncadd.s32 $0xFFFFEC00  }
0x79: {  	_ =	swait.ge [sflag:s17], $0x1400  }
0x7a: {  	[sflag:s17] =	ssyncset.done $0x0  }
0x7b: {  	[sflag:s17] =	ssyncadd.s32 $0xFFFFEC00  }
0x7c: {  	_ =	swait.ge [sflag:s17], $0x1400  }
0x7d: {  	[sflag:s17] =	ssyncset.done $0x0  }
0x7e: {  	[sflag:s17] =	ssyncadd.s32 $0xFFFFEC00  }
0x7f: {  	_ =	swait.ge [sflag:s17], $0x1400  }
0x80: {  	[sflag:s17] =	ssyncset.done $0x0  }
0x81: {  	[sflag:s17] =	ssyncadd.s32 $0xFFFFEC00  }
0x82: {  	_ =	swait.ge [sflag:s17], $0x1400  }
0x83: {  	[sflag:s17] =	ssyncset.done $0x0  }
0x84: {  	[sflag:s17] =	ssyncadd.s32 $0xFFFFEC00  }
0x85: {  	_ =	swait.ge [sflag:s17], $0x1400  }
0x86: {  	[sflag:s17] =	ssyncset.done $0x0  }
0x87: {  	[sflag:s17] =	ssyncadd.s32 $0xFFFFEC00  }
0x88: {  	_ =	swait.ge [sflag:s17], $0x1400  }
0x89: {  	[sflag:s17] =	ssyncset.done $0x0  }
0x8a: {  	[sflag:s17] =	ssyncadd.s32 $0xFFFFEC00  }
0x8b: {  	_ =	swait.ge [sflag:s17], $0x1400  }
0x8c: {  	[sflag:s17] =	ssyncset.done $0x0  }
0x8d: {  	[sflag:s17] =	ssyncadd.s32 $0xFFFFEC00  }
0x8e: {  	_ =	swait.ge [sflag:s17], $0x1400  }
0x8f: {  	[sflag:s17] =	ssyncset.done $0x0  }
0x90: {  	[sflag:s17] =	ssyncadd.s32 $0xFFFFEC00  }
0x91: {  	_ =	swait.ge [sflag:s17], $0x1400  }
0x92: {  	[sflag:s17] =	ssyncset.done $0x0  }
0x93: {  	[sflag:s17] =	ssyncadd.s32 $0xFFFFEC00  }
0x94: {  	_ =	swait.ge [sflag:s17], $0x1400  }
0x95: {  	[sflag:s17] =	ssyncset.done $0x0  }
0x96: {  	s23 =	simm.s32 $0xA0;
	[sflag:s17] =	ssyncadd.s32 $0xFFFFEC00  }
0x97: {  	[tilespmem:s16], [sflag:$0x5] =	stream.indirect.gather [hbm4b:s0+s11], $0x80, s23, s11, $0xb8;
	[tilespmem:$0x1C400] =	vst v63  }
0x98: {  	s1 =	simm.s32 $0x0;
	p0 =	por $0x0, $0x0;
	[bflag:$0x0] =	sbarrier.arrive $0xFFFF  }
.LBB2_4:
0x99: {  	s2 =	smov.u32 s1  }
0x9a: {  	s1 =	sadd.s32 $0x1, s1;
	p1 =	seq.s32 s2, $0x4  }
0x9b: {  	s9 =	smul.u32 @!p1 $0x7D0, s1  }
0x9c: {  	s8 =	sand.u32 $0x1, s2  }
0x9d: {  	s2 =	sxor.u32 $0x1, s8;
	s9 =	sadd.s32 @!p1 s6, s9  }
0x9e: {  	s19 =	simm.s32 $0x1;
	s20 =	smul.u32 @!p1 $0x7D0, s2;
	s9 =	sshrl.u32 @!p1 s9, $0x3  }
0x9f: {  	s19 =	simm.s32 @!p0 $0x0;
	s22 =	simm.s32 @!p1 $0x0;
	s21 =	sadd.s32 @!p1 s7, s9  }
0xa0: {  	[tilespmem:s20], [sflag:$0x6] =	stream.linear.gather @!p1 [hbm4b:s21+s22], $0x7D0, $0x38;
	[tilespmem:$0x1C400] =	vst v63  }
0xa1: {  	s19 =	smul.u32 $0x1F40, s19;
	s9 =	sadd.s32 @!p1 s3, s9;
	s20 =	sor.u32 @!p1 $0x1000, s20  }
0xa2: {  	[tilespmem:s20], [sflag:$0x7] =	stream.linear.gather @!p1 [hbm4b:s9+s22], $0x7D0, $0x38;
	[tilespmem:$0x1C400] =	vst v63  }
0xa3: {  	s9 =	sshrl.u32 s19, $0x2;
	_ =	swait.ge [sflag:s26], $0x1400  }
0xa4: {  	s19 =	sor.u32 $0x1000, s9;
	[sflag:s26] =	ssyncset.done $0x0  }
0xa5: {  	s20 =	sadd.s32 $0x0, s19;
	[sflag:s26] =	ssyncadd.s32 $0xFFFFEC00  }
0xa6: {  	[spmem:s4] =	stream.indirect.scatter.add.f32 [tilespmem:s12], [sflag:$0x8], $0x80, s20, s11, $0xb8;
	[tilespmem:$0x1C400] =	vst v63  }
0xa7: {  	_ =	swait.ge [sflag:s10], $0x1400  }
0xa8: {  	s21 =	sadd.s32 $0x0, s9;
	[sflag:s10] =	ssyncset.done $0x0  }
0xa9: {  	s23 =	sadd.s32 $0xC8, s21;
	[sflag:s10] =	ssyncadd.s32 $0xFFFFEC00  }
0xaa: {  	[tilespmem:s12], [sflag:$0x1] =	stream.indirect.gather [hbm4b:s0+s11], $0x80, s23, s11, $0xb8;
	[tilespmem:$0x1C400] =	vst v63  }
0xab: {  	_ =	swait.ge [sflag:s28], $0x1400  }
0xac: {  	[sflag:s28] =	ssyncset.done $0x0  }
0xad: {  	s23 =	sadd.s32 $0x28, s20;
	[sflag:s28] =	ssyncadd.s32 $0xFFFFEC00  }
0xae: {  	[spmem:s4] =	stream.indirect.scatter.add.f32 [tilespmem:s13], [sflag:$0x8], $0x80, s23, s11, $0xb8;
	[tilespmem:$0x1C400] =	vst v63  }
0xaf: {  	_ =	swait.ge [sflag:s10], $0x1400  }
0xb0: {  	[sflag:s10] =	ssyncset.done $0x0  }
0xb1: {  	s23 =	sadd.s32 $0xF0, s21;
	[sflag:s10] =	ssyncadd.s32 $0xFFFFEC00  }
0xb2: {  	[tilespmem:s13], [sflag:$0x2] =	stream.indirect.gather [hbm4b:s0+s11], $0x80, s23, s11, $0xb8;
	[tilespmem:$0x1C400] =	vst v63  }
0xb3: {  	_ =	swait.ge [sflag:s29], $0x1400  }
0xb4: {  	[sflag:s29] =	ssyncset.done $0x0  }
0xb5: {  	s23 =	sadd.s32 $0x50, s20;
	[sflag:s29] =	ssyncadd.s32 $0xFFFFEC00  }
0xb6: {  	[spmem:s4] =	stream.indirect.scatter.add.f32 [tilespmem:s14], [sflag:$0x8], $0x80, s23, s11, $0xb8;
	[tilespmem:$0x1C400] =	vst v63  }
0xb7: {  	_ =	swait.ge [sflag:s10], $0x1400  }
0xb8: {  	[sflag:s10] =	ssyncset.done $0x0  }
0xb9: {  	s23 =	sadd.s32 $0x118, s21;
	[sflag:s10] =	ssyncadd.s32 $0xFFFFEC00  }
0xba: {  	[tilespmem:s14], [sflag:$0x3] =	stream.indirect.gather [hbm4b:s0+s11], $0x80, s23, s11, $0xb8;
	[tilespmem:$0x1C400] =	vst v63  }
0xbb: {  	_ =	swait.ge [sflag:s30], $0x1400  }
0xbc: {  	[sflag:s30] =	ssyncset.done $0x0  }
0xbd: {  	s23 =	sadd.s32 $0x78, s20;
	[sflag:s30] =	ssyncadd.s32 $0xFFFFEC00  }
0xbe: {  	[spmem:s4] =	stream.indirect.scatter.add.f32 [tilespmem:s15], [sflag:$0x8], $0x80, s23, s11, $0xb8;
	[tilespmem:$0x1C400] =	vst v63  }
0xbf: {  	_ =	swait.ge [sflag:s10], $0x1400  }
0xc0: {  	[sflag:s10] =	ssyncset.done $0x0  }
0xc1: {  	s23 =	sadd.s32 $0x140, s21;
	[sflag:s10] =	ssyncadd.s32 $0xFFFFEC00  }
0xc2: {  	[tilespmem:s15], [sflag:$0x4] =	stream.indirect.gather [hbm4b:s0+s11], $0x80, s23, s11, $0xb8;
	[tilespmem:$0x1C400] =	vst v63  }
0xc3: {  	_ =	swait.ge [sflag:s17], $0x1400  }
0xc4: {  	[sflag:s17] =	ssyncset.done $0x0  }
0xc5: {  	s20 =	sadd.s32 $0xA0, s20;
	[sflag:s17] =	ssyncadd.s32 $0xFFFFEC00  }
0xc6: {  	[spmem:s4] =	stream.indirect.scatter.add.f32 [tilespmem:s16], [sflag:$0x8], $0x80, s20, s11, $0xb8;
	[tilespmem:$0x1C400] =	vst v63  }
0xc7: {  	_ =	swait.ge [sflag:s10], $0x1400  }
0xc8: {  	[sflag:s10] =	ssyncset.done $0x0  }
0xc9: {  	s21 =	sadd.s32 $0x168, s21;
	s20 =	simm.s32 $0x320;
	[sflag:s10] =	ssyncadd.s32 $0xFFFFEC00  }
.LBB2_5:
0xca: {  	[tilespmem:s16], [sflag:$0x5] =	stream.indirect.gather [hbm4b:s0+s11], $0x80, s21, s11, $0xb8;
	[tilespmem:$0x1C400] =	vst v63  }
0xcb: {  	s21 =	smov.u32 s20  }
0xcc: {  	p2 =	sne.s32 s20, $0x1900;
	s20 =	sadd.s32 $0x320, s20;
	_ =	swait.ge [sflag:s26], $0x1400  }
0xcd: {  	s21 =	sshra.s32 s21, $0x2;
	[sflag:s26] =	ssyncset.done $0x0  }
0xce: {  	s22 =	sadd.s32 s21, s19;
	s21 =	sadd.s32 s21, s9;
	[sflag:s26] =	ssyncadd.s32 $0xFFFFEC00  }
0xcf: {  	[spmem:s4] =	stream.indirect.scatter.add.f32 [tilespmem:s12], [sflag:$0x8], $0x80, s22, s11, $0xb8;
	[tilespmem:$0x1C400] =	vst v63  }
0xd0: {  	_ =	swait.ge [sflag:s10], $0x1400  }
0xd1: {  	[sflag:s10] =	ssyncset.done $0x0  }
0xd2: {  	s23 =	sadd.s32 $0xC8, s21;
	[sflag:s10] =	ssyncadd.s32 $0xFFFFEC00  }
0xd3: {  	[tilespmem:s12], [sflag:$0x1] =	stream.indirect.gather [hbm4b:s0+s11], $0x80, s23, s11, $0xb8;
	[tilespmem:$0x1C400] =	vst v63  }
0xd4: {  	_ =	swait.ge [sflag:s28], $0x1400  }
0xd5: {  	[sflag:s28] =	ssyncset.done $0x0  }
0xd6: {  	s23 =	sadd.s32 $0x28, s22;
	[sflag:s28] =	ssyncadd.s32 $0xFFFFEC00  }
0xd7: {  	[spmem:s4] =	stream.indirect.scatter.add.f32 [tilespmem:s13], [sflag:$0x8], $0x80, s23, s11, $0xb8;
	[tilespmem:$0x1C400] =	vst v63  }
0xd8: {  	_ =	swait.ge [sflag:s10], $0x1400  }
0xd9: {  	[sflag:s10] =	ssyncset.done $0x0  }
0xda: {  	s23 =	sadd.s32 $0xF0, s21;
	[sflag:s10] =	ssyncadd.s32 $0xFFFFEC00  }
0xdb: {  	[tilespmem:s13], [sflag:$0x2] =	stream.indirect.gather [hbm4b:s0+s11], $0x80, s23, s11, $0xb8;
	[tilespmem:$0x1C400] =	vst v63  }
0xdc: {  	_ =	swait.ge [sflag:s29], $0x1400  }
0xdd: {  	[sflag:s29] =	ssyncset.done $0x0  }
0xde: {  	s23 =	sadd.s32 $0x50, s22;
	[sflag:s29] =	ssyncadd.s32 $0xFFFFEC00  }
0xdf: {  	[spmem:s4] =	stream.indirect.scatter.add.f32 [tilespmem:s14], [sflag:$0x8], $0x80, s23, s11, $0xb8;
	[tilespmem:$0x1C400] =	vst v63  }
0xe0: {  	_ =	swait.ge [sflag:s10], $0x1400  }
0xe1: {  	[sflag:s10] =	ssyncset.done $0x0  }
0xe2: {  	s23 =	sadd.s32 $0x118, s21;
	[sflag:s10] =	ssyncadd.s32 $0xFFFFEC00  }
0xe3: {  	[tilespmem:s14], [sflag:$0x3] =	stream.indirect.gather [hbm4b:s0+s11], $0x80, s23, s11, $0xb8;
	[tilespmem:$0x1C400] =	vst v63  }
0xe4: {  	_ =	swait.ge [sflag:s30], $0x1400  }
0xe5: {  	[sflag:s30] =	ssyncset.done $0x0  }
0xe6: {  	s23 =	sadd.s32 $0x78, s22;
	[sflag:s30] =	ssyncadd.s32 $0xFFFFEC00  }
0xe7: {  	[spmem:s4] =	stream.indirect.scatter.add.f32 [tilespmem:s15], [sflag:$0x8], $0x80, s23, s11, $0xb8;
	[tilespmem:$0x1C400] =	vst v63  }
0xe8: {  	_ =	swait.ge [sflag:s10], $0x1400  }
0xe9: {  	[sflag:s10] =	ssyncset.done $0x0  }
0xea: {  	s23 =	sadd.s32 $0x140, s21;
	[sflag:s10] =	ssyncadd.s32 $0xFFFFEC00  }
0xeb: {  	[tilespmem:s15], [sflag:$0x4] =	stream.indirect.gather [hbm4b:s0+s11], $0x80, s23, s11, $0xb8;
	[tilespmem:$0x1C400] =	vst v63  }
0xec: {  	_ =	swait.ge [sflag:s17], $0x1400  }
0xed: {  	[sflag:s17] =	ssyncset.done $0x0  }
.Ltmp1:
0xee: {  	s22 =	sadd.s32 $0xA0, s22;
	[sflag:s17] =	ssyncadd.s32 $0xFFFFEC00;
	(pc) =	sbr.rel @p2 .LBB2_5-.Ltmp1, $4  }
0xef: {  	[spmem:s4] =	stream.indirect.scatter.add.f32 [tilespmem:s16], [sflag:$0x8], $0x80, s22, s11, $0xb8;
	[tilespmem:$0x1C400] =	vst v63  }
0xf0: {  	_ =	swait.ge [sflag:s10], $0x1400  }
0xf1: {  	[sflag:s10] =	ssyncset.done $0x0  }
0xf2: {  	s21 =	sadd.s32 $0x168, s21;
	[sflag:s10] =	ssyncadd.s32 $0xFFFFEC00  }
0xf3: {  	[tilespmem:s16], [sflag:$0x5] =	stream.indirect.gather [hbm4b:s0+s11], $0x80, s21, s11, $0xb8;
	[tilespmem:$0x1C400] =	vst v63  }
0xf4: {  	s8 =	smul.u32 $0x1F40, s8  }
0xf5: {  	_ =	swait.ge [sflag:s26], $0x1400  }
0xf6: {  	[sflag:s26] =	ssyncset.done $0x0;
	s8 =	sshrl.u32 s8, $0x2  }
0xf7: {  	[sflag:s26] =	ssyncadd.s32 $0xFFFFEC00;
	s9 =	sadd.s32 $0x1708, s8  }
0xf8: {  	[spmem:s4] =	stream.indirect.scatter.add.f32 [tilespmem:s12], [sflag:$0x8], $0x80, s9, s11, $0xb8;
	[tilespmem:$0x1C400] =	vst v63  }
0xf9: {  	_ =	swait.ge [sflag:s10], $0x1400  }
0xfa: {  	[sflag:s10] =	ssyncset.done $0x0  }
0xfb: {  	s9 =	simm.s32 @p1 $0x2;
	[sflag:s10] =	ssyncadd.s32 $0xFFFFEC00  }
0xfc: {  	_ =	swait.ge @p1 [sflag:s9], $0x1400  }
0xfd: {  	s19 =	simm.s32 @p1 $0x28;
	[sflag:s9] =	ssyncset.done @p1 $0x0  }
0xfe: {  	s20 =	simm.s32 @p1 $0x3400;
	[sflag:s9] =	ssyncadd.s32 @p1 $0xFFFFEC00;
	s9 =	sadd.s32 @p1 $0x1730, s8  }
0xff: {  	[spmem:s4] =	stream.indirect.scatter.add.f32 @p1 [tilespmem:s20], [sflag:$0x8], $0x80, s9, s19, $0xb8;
	[tilespmem:$0x1C400] =	vst v63  }
0x100: {  	s9 =	simm.s32 @p1 $0x8  }
0x101: {  	_ =	swait.ge @p1 [sflag:s9], $0x1400  }
0x102: {  	[sflag:s9] =	ssyncset.done @p1 $0x0  }
0x103: {  	s20 =	simm.s32 @!p1 $0x6;
	[sflag:s9] =	ssyncadd.s32 @p1 $0xFFFFEC00  }
0x104: {  	_ =	swait.ge @!p1 [sflag:s20], $0x7D0  }
0x105: {  	[sflag:s20] =	ssyncset.done @!p1 $0x0  }
0x106: {  	[sflag:s20] =	ssyncadd.s32 @!p1 $0xFFFFF830;
	s20 =	simm.s32 @!p1 $0x7  }
0x107: {  	s2 =	smul.u32 @!p1 $0x1F40, s2;
	_ =	swait.ge @!p1 [sflag:s20], $0x7D0  }
0x108: {  	s21 =	simm.s32 @!p1 $0x2000;
	[sflag:s20] =	ssyncset.done @!p1 $0x0  }
0x109: {  	s2 =	sshrl.u32 @!p1 s2, $0x2;
	[sflag:s20] =	ssyncadd.s32 @!p1 $0xFFFFF830;
	s20 =	simm.s32 @!p1 $0x28  }
0x10a: {  	[tilespmem:s21], [sflag:$0x1] =	stream.indirect.gather @!p1 [hbm4b:s0+s20], $0x80, s2, s20, $0xb8;
	[tilespmem:$0x1C400] =	vst v63  }
0x10b: {  	s21 =	simm.s32 @!p1 $0x2  }
0x10c: {  	_ =	swait.ge @!p1 [sflag:s21], $0x1400  }
0x10d: {  	[sflag:s21] =	ssyncset.done @!p1 $0x0  }
0x10e: {  	s22 =	simm.s32 @!p1 $0x3400;
	[sflag:s21] =	ssyncadd.s32 @!p1 $0xFFFFEC00;
	s21 =	sadd.s32 @!p1 $0x1730, s8  }
0x10f: {  	[spmem:s4] =	stream.indirect.scatter.add.f32 @!p1 [tilespmem:s22], [sflag:$0x8], $0x80, s21, s20, $0xb8;
	[tilespmem:$0x1C400] =	vst v63  }
0x110: {  	s21 =	simm.s32 @!p1 $0x8  }
0x111: {  	_ =	swait.ge @!p1 [sflag:s21], $0x1400  }
0x112: {  	[sflag:s21] =	ssyncset.done @!p1 $0x0  }
0x113: {  	s23 =	sadd.s32 @!p1 $0x28, s2;
	[sflag:s21] =	ssyncadd.s32 @!p1 $0xFFFFEC00  }
0x114: {  	[tilespmem:s22], [sflag:$0x2] =	stream.indirect.gather @!p1 [hbm4b:s0+s20], $0x80, s23, s20, $0xb8;
	[tilespmem:$0x1C400] =	vst v63  }
0x115: {  	_ =	swait.ge [sflag:s29], $0x1400  }
0x116: {  	[sflag:s29] =	ssyncset.done $0x0  }
0x117: {  	s23 =	sadd.s32 $0x1758, s8;
	[sflag:s29] =	ssyncadd.s32 $0xFFFFEC00  }
0x118: {  	[spmem:s4] =	stream.indirect.scatter.add.f32 [tilespmem:s14], [sflag:$0x8], $0x80, s23, s11, $0xb8;
	[tilespmem:$0x1C400] =	vst v63  }
0x119: {  	_ =	swait.ge [sflag:s10], $0x1400  }
0x11a: {  	[sflag:s10] =	ssyncset.done $0x0  }
0x11b: {  	s22 =	simm.s32 @p1 $0x4;
	[sflag:s10] =	ssyncadd.s32 $0xFFFFEC00  }
0x11c: {  	_ =	swait.ge @p1 [sflag:s22], $0x1400  }
0x11d: {  	[sflag:s22] =	ssyncset.done @p1 $0x0  }
0x11e: {  	s23 =	simm.s32 @p1 $0x5C00;
	[sflag:s22] =	ssyncadd.s32 @p1 $0xFFFFEC00;
	s22 =	sadd.s32 @p1 $0x1780, s8  }
0x11f: {  	[spmem:s4] =	stream.indirect.scatter.add.f32 @p1 [tilespmem:s23], [sflag:$0x8], $0x80, s22, s19, $0xb8;
	[tilespmem:$0x1C400] =	vst v63  }
0x120: {  	_ =	swait.ge @p1 [sflag:s9], $0x1400  }
0x121: {  	[sflag:s9] =	ssyncset.done @p1 $0x0  }
0x122: {  	s19 =	simm.s32 @!p1 $0x4800;
	[sflag:s9] =	ssyncadd.s32 @p1 $0xFFFFEC00;
	s9 =	sadd.s32 @!p1 $0x50, s2  }
0x123: {  	[tilespmem:s19], [sflag:$0x3] =	stream.indirect.gather @!p1 [hbm4b:s0+s20], $0x80, s9, s20, $0xb8;
	[tilespmem:$0x1C400] =	vst v63  }
0x124: {  	s9 =	simm.s32 @!p1 $0x4  }
0x125: {  	_ =	swait.ge @!p1 [sflag:s9], $0x1400  }
0x126: {  	[sflag:s9] =	ssyncset.done @!p1 $0x0  }
0x127: {  	s19 =	simm.s32 @!p1 $0x5C00;
	[sflag:s9] =	ssyncadd.s32 @!p1 $0xFFFFEC00;
	s9 =	sadd.s32 @!p1 $0x1780, s8  }
0x128: {  	[spmem:s4] =	stream.indirect.scatter.add.f32 @!p1 [tilespmem:s19], [sflag:$0x8], $0x80, s9, s20, $0xb8;
	[tilespmem:$0x1C400] =	vst v63  }
0x129: {  	_ =	swait.ge @!p1 [sflag:s21], $0x1400  }
0x12a: {  	[sflag:s21] =	ssyncset.done @!p1 $0x0  }
0x12b: {  	s9 =	sadd.s32 @!p1 $0x78, s2;
	[sflag:s21] =	ssyncadd.s32 @!p1 $0xFFFFEC00  }
0x12c: {  	[tilespmem:s19], [sflag:$0x4] =	stream.indirect.gather @!p1 [hbm4b:s0+s20], $0x80, s9, s20, $0xb8;
	[tilespmem:$0x1C400] =	vst v63  }
0x12d: {  	_ =	swait.ge [sflag:s17], $0x1400  }
0x12e: {  	p2 =	sne.s32 @!p1 s1, $0x5;
	[sflag:s17] =	ssyncset.done $0x0  }
0x12f: {  	p2 =	por p1, !p2;
	s8 =	sadd.s32 $0x17A8, s8;
	[sflag:s17] =	ssyncadd.s32 $0xFFFFEC00  }
0x130: {  	[spmem:s4] =	stream.indirect.scatter.add.f32 [tilespmem:s16], [sflag:$0x8], $0x80, s8, s11, $0xb8;
	[tilespmem:$0x1C400] =	vst v63  }
.Ltmp2:
0x131: {  	_ = 	snop;
	(pc) =	sbr.rel @!p2 .LBB2_4-.Ltmp2, $4  }
0x132: {  	_ =	swait.ge [sflag:s10], $0x1400  }
0x133: {  	p0 =	por @!p1 !p0, !p0;
	[sflag:s10] =	ssyncset.done $0x0  }
0x134: {  	s2 =	sadd.s32 @!p1 $0xA0, s2;
	s8 =	simm.s32 @!p1 $0x7000;
	[sflag:s10] =	ssyncadd.s32 $0xFFFFEC00  }
0x135: {  	[tilespmem:s8], [sflag:$0x5] =	stream.indirect.gather @!p1 [hbm4b:s0+s20], $0x80, s2, s20, $0xb8;
	[tilespmem:$0x1C400] =	vst v63  }
0x136: {  	[bflag:$0x0] =	sbarrier.arrive $0xFFFF  }
0x137: {  	[tilespmem:s12], [sflag:$0x8] =	stream.linear.gather [spmem:s18], $0x2800, $0x38;
	[tilespmem:$0x1C400] =	vst v63  }
0x138: {  	_ =	swait.ge [sflag:s10], $0x2800  }
0x139: {  	[sflag:s10] =	ssyncset.done $0x0  }
0x13a: {  	s1 =	rddreg [dreg:$0x5];
	[sflag:s10] =	ssyncadd.s32 $0xFFFFD800  }
0x13b: {  	[hbm4b:s1+s5] =	stream.linear.scatter [tilespmem:s12], [sflag:$0x1], $0x2800, $0x38;
	[tilespmem:$0x1C400] =	vst v63  }
0x13c: {  	_ = 	snop  }
0x13d: {  	[tilespmem:s14], [sflag:$0x8] =	stream.linear.gather [spmem:s24], $0x2800, $0x38;
	[tilespmem:$0x1C400] =	vst v63  }
0x13e: {  	_ =	swait.ge [sflag:s10], $0x2800  }
0x13f: {  	[sflag:s10] =	ssyncset.done $0x0  }
0x140: {  	s20 =	rddreg [dreg:$0x6];
	[sflag:s10] =	ssyncadd.s32 $0xFFFFD800  }
0x141: {  	[hbm4b:s20+s5] =	stream.linear.scatter [tilespmem:s14], [sflag:$0x2], $0x2800, $0x38;
	[tilespmem:$0x1C400] =	vst v63  }
0x142: {  	_ =	swait.ge [sflag:s26], $0x2800  }
0x143: {  	[sflag:s26] =	ssyncset.done $0x0  }
0x144: {  	[sflag:s26] =	ssyncadd.s32 $0xFFFFD800  }
0x145: {  	[tilespmem:s12], [sflag:$0x8] =	stream.linear.gather [spmem:s25], $0x2800, $0x38;
	[tilespmem:$0x1C400] =	vst v63  }
0x146: {  	_ =	swait.ge [sflag:s10], $0x2800  }
0x147: {  	[sflag:s10] =	ssyncset.done $0x0  }
0x148: {  	s22 =	rddreg [dreg:$0x7];
	[sflag:s10] =	ssyncadd.s32 $0xFFFFD800  }
0x149: {  	[hbm4b:s22+s5] =	stream.linear.scatter [tilespmem:s12], [sflag:$0x1], $0x2800, $0x38;
	[tilespmem:$0x1C400] =	vst v63  }
0x14a: {  	_ =	swait.ge [sflag:s28], $0x2800  }
0x14b: {  	[sflag:s28] =	ssyncset.done $0x0  }
0x14c: {  	s20 =	rddreg [dreg:$0xf];
	[sflag:s28] =	ssyncadd.s32 $0xFFFFD800  }
0x14d: {  	[tilespmem:s14], [sflag:$0x8] =	stream.linear.gather [spmem:s20], $0x2800, $0x38;
	[tilespmem:$0x1C400] =	vst v63  }
0x14e: {  	_ =	swait.ge [sflag:s10], $0x2800  }
0x14f: {  	[sflag:s10] =	ssyncset.done $0x0  }
0x150: {  	s23 =	rddreg [dreg:$0x8];
	[sflag:s10] =	ssyncadd.s32 $0xFFFFD800  }
0x151: {  	[hbm4b:s23+s5] =	stream.linear.scatter [tilespmem:s14], [sflag:$0x2], $0x2800, $0x38;
	[tilespmem:$0x1C400] =	vst v63  }
0x152: {  	_ =	swait.ge [sflag:s26], $0x2800  }
0x153: {  	[sflag:s26] =	ssyncset.done $0x0  }
0x154: {  	s22 =	rddreg [dreg:$0x10];
	[sflag:s26] =	ssyncadd.s32 $0xFFFFD800  }
0x155: {  	[tilespmem:s12], [sflag:$0x8] =	stream.linear.gather [spmem:s22], $0x2800, $0x38;
	[tilespmem:$0x1C400] =	vst v63  }
0x156: {  	_ =	swait.ge [sflag:s10], $0x2800  }
0x157: {  	[sflag:s10] =	ssyncset.done $0x0  }
0x158: {  	s9 =	smov.u32 s24;
	s24 =	rddreg [dreg:$0x9];
	[sflag:s10] =	ssyncadd.s32 $0xFFFFD800  }
0x159: {  	[hbm4b:s24+s5] =	stream.linear.scatter [tilespmem:s12], [sflag:$0x1], $0x2800, $0x38;
	[tilespmem:$0x1C400] =	vst v63  }
0x15a: {  	_ =	swait.ge [sflag:s28], $0x2800  }
0x15b: {  	[sflag:s28] =	ssyncset.done $0x0  }
0x15c: {  	s23 =	rddreg [dreg:$0x11];
	[sflag:s28] =	ssyncadd.s32 $0xFFFFD800  }
0x15d: {  	[tilespmem:s14], [sflag:$0x8] =	stream.linear.gather [spmem:s23], $0x2800, $0x38;
	[tilespmem:$0x1C400] =	vst v63  }
0x15e: {  	_ =	swait.ge [sflag:s10], $0x2800  }
0x15f: {  	[sflag:s10] =	ssyncset.done $0x0  }
0x160: {  	s19 =	smov.u32 s25;
	s25 =	rddreg [dreg:$0xa];
	[sflag:s10] =	ssyncadd.s32 $0xFFFFD800  }
0x161: {  	[hbm4b:s25+s5] =	stream.linear.scatter [tilespmem:s14], [sflag:$0x2], $0x2800, $0x38;
	[tilespmem:$0x1C400] =	vst v63  }
0x162: {  	_ =	swait.ge [sflag:s26], $0x2800  }
0x163: {  	[sflag:s26] =	ssyncset.done $0x0  }
0x164: {  	s2 =	rddreg [dreg:$0x12];
	[sflag:s26] =	ssyncadd.s32 $0xFFFFD800  }
0x165: {  	[tilespmem:s12], [sflag:$0x8] =	stream.linear.gather [spmem:s2], $0x2800, $0x38;
	[tilespmem:$0x1C400] =	vst v63  }
0x166: {  	_ =	swait.ge [sflag:s10], $0x2800  }
0x167: {  	[sflag:s10] =	ssyncset.done $0x0  }
0x168: {  	s8 =	rddreg [dreg:$0xb];
	[sflag:s10] =	ssyncadd.s32 $0xFFFFD800  }
0x169: {  	[hbm4b:s8+s5] =	stream.linear.scatter [tilespmem:s12], [sflag:$0x1], $0x2800, $0x38;
	[tilespmem:$0x1C400] =	vst v63  }
0x16a: {  	_ =	swait.ge [sflag:s28], $0x2800  }
0x16b: {  	[sflag:s28] =	ssyncset.done $0x0  }
0x16c: {  	s21 =	smov.u32 s18;
	s18 =	rddreg [dreg:$0x13];
	[sflag:s28] =	ssyncadd.s32 $0xFFFFD800  }
0x16d: {  	[tilespmem:s14], [sflag:$0x8] =	stream.linear.gather [spmem:s18], $0x2800, $0x38;
	[tilespmem:$0x1C400] =	vst v63  }
0x16e: {  	_ =	swait.ge [sflag:s10], $0x2800  }
0x16f: {  	[sflag:s10] =	ssyncset.done $0x0  }
0x170: {  	s24 =	rddreg [dreg:$0xc];
	[sflag:s10] =	ssyncadd.s32 $0xFFFFD800  }
0x171: {  	[hbm4b:s24+s5] =	stream.linear.scatter [tilespmem:s14], [sflag:$0x2], $0x2800, $0x38;
	[tilespmem:$0x1C400] =	vst v63  }
0x172: {  	_ =	swait.ge [sflag:s26], $0x2800  }
0x173: {  	[sflag:s26] =	ssyncset.done $0x0  }
0x174: {  	[sflag:s26] =	ssyncadd.s32 $0xFFFFD800  }
0x175: {  	_ =	swait.ge [sflag:s28], $0x2800  }
0x176: {  	s31 =	sadd.s32 $0x1, s31;
	s25 =	rddreg [dreg:$0x14]  }
0x177: {  	p0 =	sne.s32 s31, s25  }
.Ltmp3:
0x178: {  	_ = 	snop;
	(pc) =	sbr.rel @p0 .LBB2_1-.Ltmp3, $3  }
0x179: {  	_ =	sdelay $0x1  }
0x17a: {  	[sflag:s28] =	ssyncset.done $0x0  }
0x17b: {  	[sflag:s28] =	ssyncadd.s32 $0xFFFFD800  }
0x17c: {  	_ =	sfence.sel $0x180000  }
0x17d: {  	[bflag:$0x0] =	sbarrier.arrive $0xFFFF  }
0x17e: {  	_ =	strace $0x90000047  }
0x17f: {  	s0 =	stileid.u32;
	[bflag:$0x2] =	sbarrier.arrive $0xFFFF  }
0x180: {  	p0 =	sne.s32 s0, $0x0;
	s0 =	rddreg [dreg:$0x4]  }
0x181: {  	s0 =	sadd.s32 @!p0 $0x100000, s0  }
0x182: {  	[sflag:s0] =	ssyncadd.tile.s32 @!p0 $0x1;
	_ =	shalt  }
.Lfunc_end2:
_tile_overlayer_lowered:
.L_overlay_start_2:
0x183: {  	(tag) =	ssettag $0x2  }
0x184: {  	s0 =	rddreg [dreg:$0x0];
	s2 =	stileid.u32  }
0x185: {  	s1 =	rddreg [dreg:$0x1];
	p0 =	sne.s32 s2, $0x0  }
0x186: {  	s3 =	rddreg [dreg:$0x2];
	[bflag:$0x3] =	sbarrier.arrive $0xFFFF;
	s2 =	simm.s32 @!p0 $0x1C08  }
0x187: {  	[timem:s3], [sflag:s2] =	dma.local @!p0 [hbm:s0], s1  }
0x188: {  	s0 =	simm.s32 @!p0 $0x8  }
0x189: {  	_ =	swait.ge @!p0 [sflag:s0], s1  }
0x18a: {  	s1 =	ssub.s32 @!p0 $0x0, s1;
	[sflag:s0] =	ssyncset.done @!p0 $0x0  }
0x18b: {  	[sflag:s0] =	ssyncadd.s32 @!p0 s1  }
0x18c: {  	[bflag:$0x3] =	sbarrier.arrive $0xFFFF  }
0x18d: {  	_ =	shalt  }

</sc_bundles>
